<compile_context>
chip_gen: v7x
topology: tpu7x:2x2x1
jax: 0.10.2.dev20260603
libtpu: 0.0.44.dev20260713+nightly
codegen_flags: <defaults>
</compile_context>

<pallas_src>
import functools

import jax
import jax.numpy as jnp
from jax import lax
from jax.experimental import pallas as pl
from jax.experimental.pallas import tpu as pltpu
from jax.experimental.pallas import tpu_sc as plsc

N = 10000
E = 160000
DF = 256
DC = 64

NC = 2
NT = 16
CHUNK = 128
EPT = 10240
EPAD = NT * EPT
NCH = EPT // CHUNK
EPT2 = EPAD // (NC * NT)
NCH2 = EPT2 // CHUNK

RACC = 10112
RPT = RACC // NT
OPT = 624

NB = 2

_MESH = plsc.VectorSubcoreMesh(core_axis_name="c", subcore_axis_name="s")


def _copy_out(accum, out_hbm, cid, tid):
    pltpu.sync_copy(accum.at[pl.ds(tid * OPT, OPT)],
                    out_hbm.at[pl.ds(cid * N + tid * OPT, OPT)])

    @pl.when(tid == NT - 1)
    def _tail():
        pltpu.sync_copy(accum.at[pl.ds(NT * OPT, N - NT * OPT)],
                        out_hbm.at[pl.ds(cid * N + NT * OPT, N - NT * OPT)])


BANK = 40


GSPLIT = 4
SUB = CHUNK // GSPLIT


def _make_seg_sum(nch, src_rows_fn, dst_rows_fn, col_fn=None):
    nbanks = nch // BANK

    @functools.partial(
        pl.kernel,
        out_type=jax.ShapeDtypeStruct((2 * N, 128), jnp.float32),
        mesh=_MESH,
        scratch_types=[
            pltpu.VMEM_SHARED((RACC, 128), jnp.float32),
            pltpu.VMEM((BANK, CHUNK), jnp.int32),
            pltpu.VMEM((BANK, CHUNK), jnp.int32),
            pltpu.VMEM((NB, CHUNK, 128), jnp.float32),
            [[pltpu.SemaphoreType.DMA] * GSPLIT] * NB,
            [pltpu.SemaphoreType.DMA] * NB,
        ],
    )
    def seg(rows_hbm, src_hbm, dst_hbm, stail_hbm, dtail_hbm, init_hbm,
            out_hbm, accum, sbank, dbank, rows_v, gsems, ssems):
        cid = lax.axis_index("c")
        tid = lax.axis_index("s")
        pltpu.sync_copy(init_hbm.at[pl.ds(cid * RPT, RPT)],
                        accum.at[pl.ds(tid * RPT, RPT)])
        plsc.subcore_barrier()

        def g_copy(c, b, h):
            idx = sbank.at[c, pl.ds(h * SUB, SUB)]
            src = (rows_hbm.at[idx] if col_fn is None
                   else rows_hbm.at[idx, pl.ds(col_fn(cid), 128)])
            return pltpu.make_async_copy(
                src, rows_v.at[b, pl.ds(h * SUB, SUB)], gsems[b][h])

        def g_start(c, b):
            for h in range(GSPLIT):
                g_copy(c, b, h).start()

        def g_wait(c, b):
            for h in range(GSPLIT):
                g_copy(c, b, h).wait()

        def s_copy(c, b):
            return pltpu.make_async_copy(
                rows_v.at[b], accum.at[dbank.at[c]], ssems[b])

        for k in range(nbanks):
            row0 = src_rows_fn(cid, tid) + k * BANK

            @pl.when(row0 + BANK <= E // CHUNK)
            def _real():
                pltpu.sync_copy(src_hbm.at[pl.ds(row0, BANK)], sbank)
                pltpu.sync_copy(dst_hbm.at[pl.ds(row0, BANK)], dbank)

            @pl.when(row0 + BANK > E // CHUNK)
            def _tail_bank():
                pltpu.sync_copy(stail_hbm, sbank)
                pltpu.sync_copy(dtail_hbm, dbank)

            g_start(0, 0)

            def pair(p, carry):
                for b in range(NB):
                    c = p * NB + b

                    @pl.when(c + 1 < BANK)
                    def _prefetch():
                        @pl.when(c >= 1)
                        def _drain():
                            s_copy(c - 1, 1 - b).wait()

                        g_start(c + 1, 1 - b)

                    g_wait(c, b)
                    s_copy(c, b).start(add=True)
                return carry

            lax.fori_loop(0, BANK // NB, pair, 0)
            s_copy(BANK - 2, 0).wait()
            s_copy(BANK - 1, 1).wait()

        plsc.subcore_barrier()
        _copy_out(accum, out_hbm, cid, tid)

    return seg


_seg_sum_l1 = _make_seg_sum(
    NCH,
    lambda cid, tid: tid * NCH,
    lambda cid, tid: tid * NCH,
    col_fn=lambda cid: cid * 128,
)


def _edge_rows(cid, tid):
    return cid * (EPAD // (2 * CHUNK)) + tid * NCH2


_seg_sum_l2 = _make_seg_sum(NCH2, _edge_rows, _edge_rows)


def _tc_mm_body(a_ref, b_ref, w1a_ref, w1b_ref, b1_ref, w2_ref, p_ref):
    h = jnp.dot(a_ref[...], w1a_ref[...], preferred_element_type=jnp.float32)
    h = h + jnp.dot(b_ref[...], w1b_ref[...],
                    preferred_element_type=jnp.float32)
    h = jnp.maximum(h + b1_ref[...], 0.0)
    p = jnp.dot(h, w2_ref[...], preferred_element_type=jnp.float32)
    p_ref[...] = jnp.pad(p, ((0, 0), (0, 128 - DC)))


def _tc_dense(agg, W1a, W1b, b1, W2):
    BM = 2000
    return pl.pallas_call(
        _tc_mm_body,
        grid=(N // BM,),
        in_specs=[
            pl.BlockSpec((BM, 128), lambda i: (i, 0)),
            pl.BlockSpec((BM, 128), lambda i: (N // BM + i, 0)),
            pl.BlockSpec((128, DF), lambda i: (0, 0)),
            pl.BlockSpec((128, DF), lambda i: (0, 0)),
            pl.BlockSpec((1, DF), lambda i: (0, 0)),
            pl.BlockSpec((DF, DC), lambda i: (0, 0)),
        ],
        out_specs=pl.BlockSpec((BM, 128), lambda i: (i, 0)),
        out_shape=jax.ShapeDtypeStruct((N, 128), jnp.float32),
        compiler_params=pltpu.CompilerParams(
            dimension_semantics=("arbitrary",)),
    )(agg, agg, W1a, W1b, b1, W2)


def _tc_comb_body(a_ref, b_ref, o_ref):
    o_ref[...] = a_ref[:, :DC] + b_ref[:, :DC]


def _tc_combine(out2):
    BM = 2000
    return pl.pallas_call(
        _tc_comb_body,
        grid=(N // BM,),
        in_specs=[
            pl.BlockSpec((BM, 128), lambda i: (i, 0)),
            pl.BlockSpec((BM, 128), lambda i: (N // BM + i, 0)),
        ],
        out_specs=pl.BlockSpec((BM, DC), lambda i: (i, 0)),
        out_shape=jax.ShapeDtypeStruct((N, DC), jnp.float32),
        compiler_params=pltpu.CompilerParams(
            dimension_semantics=("arbitrary",)),
    )(out2, out2)


def kernel(x, adj, W1, b1, W2, b2):
    src = adj[0].astype(jnp.int32)
    dst = adj[1].astype(jnp.int32)
    pad = EPAD - E
    pad_i = jnp.arange(pad, dtype=jnp.int32)
    src2d = src.reshape(-1, CHUNK)
    dst2d = dst.reshape(-1, CHUNK)
    ntail = BANK * CHUNK - pad
    stail = jnp.concatenate([src[-ntail:], pad_i % N]).reshape(BANK, CHUNK)
    dtail = jnp.concatenate([dst[-ntail:],
                             N + pad_i % (RACC - N)]).reshape(BANK, CHUNK)

    zinit = jnp.zeros((2 * RPT, 128), jnp.float32)
    agg = _seg_sum_l1(x, src2d, dst2d, stail, dtail, zinit)

    p128 = _tc_dense(agg, W1[:128], W1[128:], b1.reshape(1, DF), W2)

    binit = jnp.concatenate([
        jnp.broadcast_to(jnp.pad(b2, (0, 128 - DC)), (RPT, 128)),
        jnp.zeros((RPT, 128), jnp.float32),
    ])
    out2 = _seg_sum_l2(p128, src2d, dst2d, stail, dtail, binit)
    return _tc_combine(out2)

# --- scband reference (transcript-rebuilt; emitter-appended) ---
"""Pipeline reference for scband-stand-graph2-50371376447882 (READ-ONLY COPY).

The authoritative reference and input builder live on the scoring server;
editing this copy changes nothing except your own understanding.
"""

import jax, jax.numpy as jnp
import numpy as np

N_NODES = 10000
N_EDGES = 160000
NFEAT = 256
NHID = 256
NCLASS = 64


def setup_inputs(seed: int = 0) -> dict:
    key = jax.random.key(seed)
    k_x, k_e, k_w1, k_b1, k_w2, k_b2 = jax.random.split(key, 6)
    x = jax.random.normal(k_x, (N_NODES, NFEAT), dtype=jnp.float32)
    adj = jax.random.randint(k_e, (2, N_EDGES), 0, N_NODES, dtype=jnp.int64)
    # Learned parameters for the two GraphConv layers (Glorot-ish scale)
    W1 = jax.random.normal(k_w1, (NFEAT, NHID), dtype=jnp.float32) * (1.0 / np.sqrt(NFEAT))
    b1 = jnp.zeros((NHID,), dtype=jnp.float32)
    W2 = jax.random.normal(k_w2, (NHID, NCLASS), dtype=jnp.float32) * (1.0 / np.sqrt(NHID))
    b2 = jnp.zeros((NCLASS,), dtype=jnp.float32)
    return {"x": x, "adj": adj, "W1": W1, "b1": b1, "W2": W2, "b2": b2}


def _graph_conv(x, src, dst, W, b, num_nodes):
    # GraphConv: linear transform then sum-aggregate messages from src to dst
    msg = (x @ W)[src]  # gather transformed features along edges
    out = jax.ops.segment_sum(msg, dst, num_segments=num_nodes)
    return out + b


def reference(x, adj, W1, b1, W2, b2):
    src = adj[0]
    dst = adj[1]
    n = x.shape[0]
    h = _graph_conv(x, src, dst, W1, b1, n)
    h = jax.nn.relu(h)
    # dropout is identity in eval mode (training=False)
    out = _graph_conv(h, src, dst, W2, b2, n)
    return out

if __name__ == "__main__":
    import jax
    _d = setup_inputs()
    print(jax.jit(kernel)(*tuple(_d.values())))

</pallas_src>

<mosaic_0001>
#map = affine_map<(d0, d1) -> (0, 0)>
module attributes {stable_mosaic.version = 14 : i64} {
  func.func @seg(%arg0: i32, %arg1: i32, %arg2: memref<10000x128xf32, #tpu.memory_space<hbm>>, %arg3: memref<1250x128xi32, #tpu.memory_space<hbm>>, %arg4: memref<1250x128xi32, #tpu.memory_space<hbm>>, %arg5: memref<40x128xi32, #tpu.memory_space<hbm>>, %arg6: memref<40x128xi32, #tpu.memory_space<hbm>>, %arg7: memref<1264x128xf32, #tpu.memory_space<hbm>>, %arg8: memref<20000x128xf32, #tpu.memory_space<hbm>>, %arg9: memref<10112x128xf32, #tpu.memory_space<vmem_shared>>, %arg10: memref<40x128xi32, #tpu.memory_space<vmem>>, %arg11: memref<40x128xi32, #tpu.memory_space<vmem>>, %arg12: memref<2x128x128xf32, #tpu.memory_space<vmem>>, %arg13: memref<!tpu.dma_semaphore, #tpu.memory_space<semaphore_mem>>, %arg14: memref<!tpu.dma_semaphore, #tpu.memory_space<semaphore_mem>>, %arg15: memref<!tpu.dma_semaphore, #tpu.memory_space<semaphore_mem>>, %arg16: memref<!tpu.dma_semaphore, #tpu.memory_space<semaphore_mem>>, %arg17: memref<!tpu.dma_semaphore, #tpu.memory_space<semaphore_mem>>, %arg18: memref<!tpu.dma_semaphore, #tpu.memory_space<semaphore_mem>>, %arg19: memref<!tpu.dma_semaphore, #tpu.memory_space<semaphore_mem>>, %arg20: memref<!tpu.dma_semaphore, #tpu.memory_space<semaphore_mem>>, %arg21: memref<!tpu.dma_semaphore, #tpu.memory_space<semaphore_mem>>, %arg22: memref<!tpu.dma_semaphore, #tpu.memory_space<semaphore_mem>>) attributes {dimension_semantics = [#tpu.dimension_semantics<core_parallel>, #tpu.dimension_semantics<subcore_parallel>], iteration_bounds = array<i64: 2, 16>, scalar_prefetch = 0 : i64, scratch_operands = 14 : i64, tpu.core_type = #tpu.core_type<sc_vector_subcore>, window_params = [{transform_indices = #map}, {transform_indices = #map}, {transform_indices = #map}, {transform_indices = #map}, {transform_indices = #map}, {transform_indices = #map}, {transform_indices = #map}]} {
    %mul3A = arith.constant 632 : i32
    %mul3A_0 = arith.muli %arg0, %mul3A : i32
    %mul3A_1 = arith.constant 632 : i32
    %mul3A_2 = arith.muli %arg1, %mul3A_1 : i32
    "tpu.region"() ({
      %run_scoped3A = tpu.sem_alloc : memref<!tpu.dma_semaphore, #tpu.memory_space<semaphore_mem>>
      %dma_start3A_106 = arith.constant 0 : i32
      %dma_start3A_107 = tpu.memref_slice %arg9[%mul3A_2, %dma_start3A_106] : memref<10112x128xf32, #tpu.memory_space<vmem_shared>> -> memref<632x128xf32, #tpu.memory_space<vmem_shared>>
      %dma_start3A_108 = arith.constant 0 : i32
      %dma_start3A_109 = tpu.memref_slice %arg7[%mul3A_0, %dma_start3A_108] : memref<1264x128xf32, #tpu.memory_space<hbm>> -> memref<632x128xf32, #tpu.memory_space<hbm>>
      tpu.enqueue_dma source(%dma_start3A_109 : memref<632x128xf32, #tpu.memory_space<hbm>>) target(%dma_start3A_107 : memref<632x128xf32, #tpu.memory_space<vmem_shared>>) target_semaphore(%run_scoped3A : memref<!tpu.dma_semaphore, #tpu.memory_space<semaphore_mem>>)
      %dma_wait3A_110 = arith.constant 0 : i32
      %dma_wait3A_111 = tpu.memref_slice %arg9[%mul3A_2, %dma_wait3A_110] : memref<10112x128xf32, #tpu.memory_space<vmem_shared>> -> memref<632x128xf32, #tpu.memory_space<vmem_shared>>
      %dma_wait3A_112 = arith.constant 0 : i32
      %dma_wait3A_113 = tpu.memref_slice %arg7[%mul3A_0, %dma_wait3A_112] : memref<1264x128xf32, #tpu.memory_space<hbm>> -> memref<632x128xf32, #tpu.memory_space<hbm>>
      tpu.wait_dma2 semaphore(%run_scoped3A : memref<!tpu.dma_semaphore, #tpu.memory_space<semaphore_mem>>) src(%dma_wait3A_113 : memref<632x128xf32, #tpu.memory_space<hbm>>) dst(%dma_wait3A_111 : memref<632x128xf32, #tpu.memory_space<vmem_shared>>)
      tpu.yield
    }) : () -> ()
    %barrier3A = arith.constant 0 : index
    tpu.barrier barrier_id(%barrier3A)
    %mul3A_3 = arith.constant 640 : i32
    %mul3A_4 = arith.muli %arg0, %mul3A_3 : i32
    %mul3A_5 = arith.constant 40 : i32
    %mul3A_6 = arith.muli %arg1, %mul3A_5 : i32
    %add3A = arith.addi %mul3A_4, %mul3A_6 : i32
    %add3A_7 = arith.constant 0 : i32
    %add3A_8 = arith.addi %add3A, %add3A_7 : i32
    %add3A_9 = arith.constant 40 : i32
    %add3A_10 = arith.addi %add3A_8, %add3A_9 : i32
    %le3A = arith.constant 1250 : i32
    %le3A_11 = arith.cmpi sle, %add3A_10, %le3A : i32
    %convert_element_type3A = arith.extui %le3A_11 : i1 to i32
    %cond3A = arith.constant 0 : i32
    %cond3A_12 = arith.cmpi ne, %convert_element_type3A, %cond3A : i32
    scf.if %cond3A_12 {
      "tpu.region"() ({
        %run_scoped3A = tpu.sem_alloc : memref<!tpu.dma_semaphore, #tpu.memory_space<semaphore_mem>>
        %dma_start3A_106 = arith.constant 0 : i32
        %dma_start3A_107 = tpu.memref_slice %arg3[%add3A_8, %dma_start3A_106] : memref<1250x128xi32, #tpu.memory_space<hbm>> -> memref<40x128xi32, #tpu.memory_space<hbm>>
        %dma_start3A_108 = arith.constant 0 : i32
        %dma_start3A_109 = tpu.memref_slice %arg3[%add3A_8, %dma_start3A_108] : memref<1250x128xi32, #tpu.memory_space<hbm>> -> memref<40x128xi32, #tpu.memory_space<hbm>>
        tpu.enqueue_dma source(%dma_start3A_109 : memref<40x128xi32, #tpu.memory_space<hbm>>) target(%arg10 : memref<40x128xi32, #tpu.memory_space<vmem>>) target_semaphore(%run_scoped3A : memref<!tpu.dma_semaphore, #tpu.memory_space<semaphore_mem>>)
        %dma_wait3A_110 = arith.constant 0 : i32
        %dma_wait3A_111 = tpu.memref_slice %arg3[%add3A_8, %dma_wait3A_110] : memref<1250x128xi32, #tpu.memory_space<hbm>> -> memref<40x128xi32, #tpu.memory_space<hbm>>
        %dma_wait3A_112 = arith.constant 0 : i32
        %dma_wait3A_113 = tpu.memref_slice %arg3[%add3A_8, %dma_wait3A_112] : memref<1250x128xi32, #tpu.memory_space<hbm>> -> memref<40x128xi32, #tpu.memory_space<hbm>>
        tpu.wait_dma2 semaphore(%run_scoped3A : memref<!tpu.dma_semaphore, #tpu.memory_space<semaphore_mem>>) src(%dma_wait3A_113 : memref<40x128xi32, #tpu.memory_space<hbm>>) dst(%arg10 : memref<40x128xi32, #tpu.memory_space<vmem>>)
        tpu.yield
      }) : () -> ()
      "tpu.region"() ({
        %run_scoped3A = tpu.sem_alloc : memref<!tpu.dma_semaphore, #tpu.memory_space<semaphore_mem>>
        %dma_start3A_106 = arith.constant 0 : i32
        %dma_start3A_107 = tpu.memref_slice %arg4[%add3A_8, %dma_start3A_106] : memref<1250x128xi32, #tpu.memory_space<hbm>> -> memref<40x128xi32, #tpu.memory_space<hbm>>
        %dma_start3A_108 = arith.constant 0 : i32
        %dma_start3A_109 = tpu.memref_slice %arg4[%add3A_8, %dma_start3A_108] : memref<1250x128xi32, #tpu.memory_space<hbm>> -> memref<40x128xi32, #tpu.memory_space<hbm>>
        tpu.enqueue_dma source(%dma_start3A_109 : memref<40x128xi32, #tpu.memory_space<hbm>>) target(%arg11 : memref<40x128xi32, #tpu.memory_space<vmem>>) target_semaphore(%run_scoped3A : memref<!tpu.dma_semaphore, #tpu.memory_space<semaphore_mem>>)
        %dma_wait3A_110 = arith.constant 0 : i32
        %dma_wait3A_111 = tpu.memref_slice %arg4[%add3A_8, %dma_wait3A_110] : memref<1250x128xi32, #tpu.memory_space<hbm>> -> memref<40x128xi32, #tpu.memory_space<hbm>>
        %dma_wait3A_112 = arith.constant 0 : i32
        %dma_wait3A_113 = tpu.memref_slice %arg4[%add3A_8, %dma_wait3A_112] : memref<1250x128xi32, #tpu.memory_space<hbm>> -> memref<40x128xi32, #tpu.memory_space<hbm>>
        tpu.wait_dma2 semaphore(%run_scoped3A : memref<!tpu.dma_semaphore, #tpu.memory_space<semaphore_mem>>) src(%dma_wait3A_113 : memref<40x128xi32, #tpu.memory_space<hbm>>) dst(%arg11 : memref<40x128xi32, #tpu.memory_space<vmem>>)
        tpu.yield
      }) : () -> ()
    } else {
    }
    %add3A_13 = arith.constant 40 : i32
    %add3A_14 = arith.addi %add3A_8, %add3A_13 : i32
    %gt3A = arith.constant 1250 : i32
    %gt3A_15 = arith.cmpi sgt, %add3A_14, %gt3A : i32
    %convert_element_type3A_16 = arith.extui %gt3A_15 : i1 to i32
    %cond3A_17 = arith.constant 0 : i32
    %cond3A_18 = arith.cmpi ne, %convert_element_type3A_16, %cond3A_17 : i32
    scf.if %cond3A_18 {
      "tpu.region"() ({
        %run_scoped3A = tpu.sem_alloc : memref<!tpu.dma_semaphore, #tpu.memory_space<semaphore_mem>>
        tpu.enqueue_dma source(%arg5 : memref<40x128xi32, #tpu.memory_space<hbm>>) target(%arg10 : memref<40x128xi32, #tpu.memory_space<vmem>>) target_semaphore(%run_scoped3A : memref<!tpu.dma_semaphore, #tpu.memory_space<semaphore_mem>>)
        tpu.wait_dma2 semaphore(%run_scoped3A : memref<!tpu.dma_semaphore, #tpu.memory_space<semaphore_mem>>) src(%arg5 : memref<40x128xi32, #tpu.memory_space<hbm>>) dst(%arg10 : memref<40x128xi32, #tpu.memory_space<vmem>>)
        tpu.yield
      }) : () -> ()
      "tpu.region"() ({
        %run_scoped3A = tpu.sem_alloc : memref<!tpu.dma_semaphore, #tpu.memory_space<semaphore_mem>>
        tpu.enqueue_dma source(%arg6 : memref<40x128xi32, #tpu.memory_space<hbm>>) target(%arg11 : memref<40x128xi32, #tpu.memory_space<vmem>>) target_semaphore(%run_scoped3A : memref<!tpu.dma_semaphore, #tpu.memory_space<semaphore_mem>>)
        tpu.wait_dma2 semaphore(%run_scoped3A : memref<!tpu.dma_semaphore, #tpu.memory_space<semaphore_mem>>) src(%arg6 : memref<40x128xi32, #tpu.memory_space<hbm>>) dst(%arg11 : memref<40x128xi32, #tpu.memory_space<vmem>>)
        tpu.yield
      }) : () -> ()
    } else {
    }
    %dma_start3A = arith.constant 0 : i32
    %dma_start3A_19 = arith.constant 0 : i32
    %dma_start3A_20 = arith.constant 0 : i32
    %dma_start3A_21 = arith.constant 0 : i32
    %dma_start3A_22 = tpu.memref_slice %arg12[%dma_start3A_19, %dma_start3A_20, %dma_start3A_21] : memref<2x128x128xf32, #tpu.memory_space<vmem>> -> memref<1x32x128xf32, #tpu.memory_space<vmem>>
    %dma_start3A_23 = tpu.memref_squeeze %dma_start3A_22 : memref<1x32x128xf32, #tpu.memory_space<vmem>> -> memref<32x128xf32, #tpu.memory_space<vmem>>
    %dma_start3A_24 = arith.constant 0 : i32
    %dma_start3A_25 = tpu.memref_slice %arg10[%dma_start3A, %dma_start3A_24] : memref<40x128xi32, #tpu.memory_space<vmem>> -> memref<1x32xi32, #tpu.memory_space<vmem>>
    %dma_start3A_26 = tpu.memref_squeeze %dma_start3A_25 : memref<1x32xi32, #tpu.memory_space<vmem>> -> memref<32xi32, #tpu.memory_space<vmem>>
    %dma_start3A_27 = arith.constant 0 : i32
    %dma_start3A_28 = arith.constant 0 : i32
    %dma_start3A_29 = tpu.memref_slice %arg2[%dma_start3A_27, %dma_start3A_28] : memref<10000x128xf32, #tpu.memory_space<hbm>> -> memref<10000x128xf32, #tpu.memory_space<hbm>>
    tpu.enqueue_indirect_dma source(%dma_start3A_29 : memref<10000x128xf32, #tpu.memory_space<hbm>>) target(%dma_start3A_23 : memref<32x128xf32, #tpu.memory_space<vmem>>) offsets(%dma_start3A_26 : memref<32xi32, #tpu.memory_space<vmem>>) semaphore(%arg13 : memref<!tpu.dma_semaphore, #tpu.memory_space<semaphore_mem>>)
    %dma_start3A_30 = arith.constant 0 : i32
    %dma_start3A_31 = arith.constant 0 : i32
    %dma_start3A_32 = arith.constant 32 : i32
    %dma_start3A_33 = arith.constant 0 : i32
    %dma_start3A_34 = tpu.memref_slice %arg12[%dma_start3A_31, %dma_start3A_32, %dma_start3A_33] : memref<2x128x128xf32, #tpu.memory_space<vmem>> -> memref<1x32x128xf32, #tpu.memory_space<vmem>>
    %dma_start3A_35 = tpu.memref_squeeze %dma_start3A_34 : memref<1x32x128xf32, #tpu.memory_space<vmem>> -> memref<32x128xf32, #tpu.memory_space<vmem>>
    %dma_start3A_36 = arith.constant 32 : i32
    %dma_start3A_37 = tpu.memref_slice %arg10[%dma_start3A_30, %dma_start3A_36] : memref<40x128xi32, #tpu.memory_space<vmem>> -> memref<1x32xi32, #tpu.memory_space<vmem>>
    %dma_start3A_38 = tpu.memref_squeeze %dma_start3A_37 : memref<1x32xi32, #tpu.memory_space<vmem>> -> memref<32xi32, #tpu.memory_space<vmem>>
    %dma_start3A_39 = arith.constant 0 : i32
    %dma_start3A_40 = arith.constant 0 : i32
    %dma_start3A_41 = tpu.memref_slice %arg2[%dma_start3A_39, %dma_start3A_40] : memref<10000x128xf32, #tpu.memory_space<hbm>> -> memref<10000x128xf32, #tpu.memory_space<hbm>>
    tpu.enqueue_indirect_dma source(%dma_start3A_41 : memref<10000x128xf32, #tpu.memory_space<hbm>>) target(%dma_start3A_35 : memref<32x128xf32, #tpu.memory_space<vmem>>) offsets(%dma_start3A_38 : memref<32xi32, #tpu.memory_space<vmem>>) semaphore(%arg14 : memref<!tpu.dma_semaphore, #tpu.memory_space<semaphore_mem>>)
    %dma_start3A_42 = arith.constant 0 : i32
    %dma_start3A_43 = arith.constant 0 : i32
    %dma_start3A_44 = arith.constant 64 : i32
    %dma_start3A_45 = arith.constant 0 : i32
    %dma_start3A_46 = tpu.memref_slice %arg12[%dma_start3A_43, %dma_start3A_44, %dma_start3A_45] : memref<2x128x128xf32, #tpu.memory_space<vmem>> -> memref<1x32x128xf32, #tpu.memory_space<vmem>>
    %dma_start3A_47 = tpu.memref_squeeze %dma_start3A_46 : memref<1x32x128xf32, #tpu.memory_space<vmem>> -> memref<32x128xf32, #tpu.memory_space<vmem>>
    %dma_start3A_48 = arith.constant 64 : i32
    %dma_start3A_49 = tpu.memref_slice %arg10[%dma_start3A_42, %dma_start3A_48] : memref<40x128xi32, #tpu.memory_space<vmem>> -> memref<1x32xi32, #tpu.memory_space<vmem>>
    %dma_start3A_50 = tpu.memref_squeeze %dma_start3A_49 : memref<1x32xi32, #tpu.memory_space<vmem>> -> memref<32xi32, #tpu.memory_space<vmem>>
    %dma_start3A_51 = arith.constant 0 : i32
    %dma_start3A_52 = arith.constant 0 : i32
    %dma_start3A_53 = tpu.memref_slice %arg2[%dma_start3A_51, %dma_start3A_52] : memref<10000x128xf32, #tpu.memory_space<hbm>> -> memref<10000x128xf32, #tpu.memory_space<hbm>>
    tpu.enqueue_indirect_dma source(%dma_start3A_53 : memref<10000x128xf32, #tpu.memory_space<hbm>>) target(%dma_start3A_47 : memref<32x128xf32, #tpu.memory_space<vmem>>) offsets(%dma_start3A_50 : memref<32xi32, #tpu.memory_space<vmem>>) semaphore(%arg15 : memref<!tpu.dma_semaphore, #tpu.memory_space<semaphore_mem>>)
    %dma_start3A_54 = arith.constant 0 : i32
    %dma_start3A_55 = arith.constant 0 : i32
    %dma_start3A_56 = arith.constant 96 : i32
    %dma_start3A_57 = arith.constant 0 : i32
    %dma_start3A_58 = tpu.memref_slice %arg12[%dma_start3A_55, %dma_start3A_56, %dma_start3A_57] : memref<2x128x128xf32, #tpu.memory_space<vmem>> -> memref<1x32x128xf32, #tpu.memory_space<vmem>>
    %dma_start3A_59 = tpu.memref_squeeze %dma_start3A_58 : memref<1x32x128xf32, #tpu.memory_space<vmem>> -> memref<32x128xf32, #tpu.memory_space<vmem>>
    %dma_start3A_60 = arith.constant 96 : i32
    %dma_start3A_61 = tpu.memref_slice %arg10[%dma_start3A_54, %dma_start3A_60] : memref<40x128xi32, #tpu.memory_space<vmem>> -> memref<1x32xi32, #tpu.memory_space<vmem>>
    %dma_start3A_62 = tpu.memref_squeeze %dma_start3A_61 : memref<1x32xi32, #tpu.memory_space<vmem>> -> memref<32xi32, #tpu.memory_space<vmem>>
    %dma_start3A_63 = arith.constant 0 : i32
    %dma_start3A_64 = arith.constant 0 : i32
    %dma_start3A_65 = tpu.memref_slice %arg2[%dma_start3A_63, %dma_start3A_64] : memref<10000x128xf32, #tpu.memory_space<hbm>> -> memref<10000x128xf32, #tpu.memory_space<hbm>>
    tpu.enqueue_indirect_dma source(%dma_start3A_65 : memref<10000x128xf32, #tpu.memory_space<hbm>>) target(%dma_start3A_59 : memref<32x128xf32, #tpu.memory_space<vmem>>) offsets(%dma_start3A_62 : memref<32xi32, #tpu.memory_space<vmem>>) semaphore(%arg16 : memref<!tpu.dma_semaphore, #tpu.memory_space<semaphore_mem>>)
    %scan3A = arith.constant 0 : i32
    %scan3A_66 = arith.constant 0 : i32
    %scan3A_67 = arith.constant 20 : i32
    %scan3A_68 = arith.addi %scan3A_66, %scan3A_67 : i32
    %scan3A_69 = arith.constant 1 : i32
    scf.for %scan3A_106 = %scan3A_66 to %scan3A_68 step %scan3A_69  : i32 {
      %mul3A_107 = arith.constant 2 : i32
      %mul3A_108 = arith.muli %scan3A_106, %mul3A_107 : i32
      %add3A_109 = arith.constant 0 : i32
      %add3A_110 = arith.addi %mul3A_108, %add3A_109 : i32
      %add3A_111 = arith.constant 1 : i32
      %add3A_112 = arith.addi %add3A_110, %add3A_111 : i32
      %lt3A = arith.constant 40 : i32
      %lt3A_113 = arith.cmpi slt, %add3A_112, %lt3A : i32
      %convert_element_type3A_114 = arith.extui %lt3A_113 : i1 to i32
      %cond3A_115 = arith.constant 0 : i32
      %cond3A_116 = arith.cmpi ne, %convert_element_type3A_114, %cond3A_115 : i32
      scf.if %cond3A_116 {
        %ge3A = arith.constant 1 : i32
        %ge3A_238 = arith.cmpi sge, %add3A_110, %ge3A : i32
        %convert_element_type3A_239 = arith.extui %ge3A_238 : i1 to i32
        %cond3A_240 = arith.constant 0 : i32
        %cond3A_241 = arith.cmpi ne, %convert_element_type3A_239, %cond3A_240 : i32
        scf.if %cond3A_241 {
          %sub3A = arith.constant 1 : i32
          %sub3A_288 = arith.subi %add3A_110, %sub3A : i32
          %dma_wait3A_289 = arith.constant 1 : i32
          %dma_wait3A_290 = arith.constant 0 : i32
          %dma_wait3A_291 = arith.constant 0 : i32
          %dma_wait3A_292 = tpu.memref_slice %arg12[%dma_wait3A_289, %dma_wait3A_290, %dma_wait3A_291] : memref<2x128x128xf32, #tpu.memory_space<vmem>> -> memref<1x128x128xf32, #tpu.memory_space<vmem>>
          %dma_wait3A_293 = tpu.memref_squeeze %dma_wait3A_292 : memref<1x128x128xf32, #tpu.memory_space<vmem>> -> memref<128x128xf32, #tpu.memory_space<vmem>>
          %dma_wait3A_294 = arith.constant 0 : i32
          %dma_wait3A_295 = tpu.memref_slice %arg11[%sub3A_288, %dma_wait3A_294] : memref<40x128xi32, #tpu.memory_space<vmem>> -> memref<1x128xi32, #tpu.memory_space<vmem>>
          %dma_wait3A_296 = tpu.memref_squeeze %dma_wait3A_295 : memref<1x128xi32, #tpu.memory_space<vmem>> -> memref<128xi32, #tpu.memory_space<vmem>>
          %dma_wait3A_297 = arith.constant 0 : i32
          %dma_wait3A_298 = arith.constant 0 : i32
          %dma_wait3A_299 = tpu.memref_slice %arg9[%dma_wait3A_297, %dma_wait3A_298] : memref<10112x128xf32, #tpu.memory_space<vmem_shared>> -> memref<10112x128xf32, #tpu.memory_space<vmem_shared>>
          tpu.wait_indirect_dma semaphore(%arg22 : memref<!tpu.dma_semaphore, #tpu.memory_space<semaphore_mem>>) src(%dma_wait3A_293 : memref<128x128xf32, #tpu.memory_space<vmem>>) dst(%dma_wait3A_299 : memref<10112x128xf32, #tpu.memory_space<vmem_shared>>)
        } else {
        }
        %add3A_242 = arith.constant 1 : i32
        %add3A_243 = arith.addi %add3A_110, %add3A_242 : i32
        %dma_start3A_244 = arith.constant 1 : i32
        %dma_start3A_245 = arith.constant 0 : i32
        %dma_start3A_246 = arith.constant 0 : i32
        %dma_start3A_247 = tpu.memref_slice %arg12[%dma_start3A_244, %dma_start3A_245, %dma_start3A_246] : memref<2x128x128xf32, #tpu.memory_space<vmem>> -> memref<1x32x128xf32, #tpu.memory_space<vmem>>
        %dma_start3A_248 = tpu.memref_squeeze %dma_start3A_247 : memref<1x32x128xf32, #tpu.memory_space<vmem>> -> memref<32x128xf32, #tpu.memory_space<vmem>>
        %dma_start3A_249 = arith.constant 0 : i32
        %dma_start3A_250 = tpu.memref_slice %arg10[%add3A_243, %dma_start3A_249] : memref<40x128xi32, #tpu.memory_space<vmem>> -> memref<1x32xi32, #tpu.memory_space<vmem>>
        %dma_start3A_251 = tpu.memref_squeeze %dma_start3A_250 : memref<1x32xi32, #tpu.memory_space<vmem>> -> memref<32xi32, #tpu.memory_space<vmem>>
        %dma_start3A_252 = arith.constant 0 : i32
        %dma_start3A_253 = arith.constant 0 : i32
        %dma_start3A_254 = tpu.memref_slice %arg2[%dma_start3A_252, %dma_start3A_253] : memref<10000x128xf32, #tpu.memory_space<hbm>> -> memref<10000x128xf32, #tpu.memory_space<hbm>>
        tpu.enqueue_indirect_dma source(%dma_start3A_254 : memref<10000x128xf32, #tpu.memory_space<hbm>>) target(%dma_start3A_248 : memref<32x128xf32, #tpu.memory_space<vmem>>) offsets(%dma_start3A_251 : memref<32xi32, #tpu.memory_space<vmem>>) semaphore(%arg17 : memref<!tpu.dma_semaphore, #tpu.memory_space<semaphore_mem>>)
        %dma_start3A_255 = arith.constant 1 : i32
        %dma_start3A_256 = arith.constant 32 : i32
        %dma_start3A_257 = arith.constant 0 : i32
        %dma_start3A_258 = tpu.memref_slice %arg12[%dma_start3A_255, %dma_start3A_256, %dma_start3A_257] : memref<2x128x128xf32, #tpu.memory_space<vmem>> -> memref<1x32x128xf32, #tpu.memory_space<vmem>>
        %dma_start3A_259 = tpu.memref_squeeze %dma_start3A_258 : memref<1x32x128xf32, #tpu.memory_space<vmem>> -> memref<32x128xf32, #tpu.memory_space<vmem>>
        %dma_start3A_260 = arith.constant 32 : i32
        %dma_start3A_261 = tpu.memref_slice %arg10[%add3A_243, %dma_start3A_260] : memref<40x128xi32, #tpu.memory_space<vmem>> -> memref<1x32xi32, #tpu.memory_space<vmem>>
        %dma_start3A_262 = tpu.memref_squeeze %dma_start3A_261 : memref<1x32xi32, #tpu.memory_space<vmem>> -> memref<32xi32, #tpu.memory_space<vmem>>
        %dma_start3A_263 = arith.constant 0 : i32
        %dma_start3A_264 = arith.constant 0 : i32
        %dma_start3A_265 = tpu.memref_slice %arg2[%dma_start3A_263, %dma_start3A_264] : memref<10000x128xf32, #tpu.memory_space<hbm>> -> memref<10000x128xf32, #tpu.memory_space<hbm>>
        tpu.enqueue_indirect_dma source(%dma_start3A_265 : memref<10000x128xf32, #tpu.memory_space<hbm>>) target(%dma_start3A_259 : memref<32x128xf32, #tpu.memory_space<vmem>>) offsets(%dma_start3A_262 : memref<32xi32, #tpu.memory_space<vmem>>) semaphore(%arg18 : memref<!tpu.dma_semaphore, #tpu.memory_space<semaphore_mem>>)
        %dma_start3A_266 = arith.constant 1 : i32
        %dma_start3A_267 = arith.constant 64 : i32
        %dma_start3A_268 = arith.constant 0 : i32
        %dma_start3A_269 = tpu.memref_slice %arg12[%dma_start3A_266, %dma_start3A_267, %dma_start3A_268] : memref<2x128x128xf32, #tpu.memory_space<vmem>> -> memref<1x32x128xf32, #tpu.memory_space<vmem>>
        %dma_start3A_270 = tpu.memref_squeeze %dma_start3A_269 : memref<1x32x128xf32, #tpu.memory_space<vmem>> -> memref<32x128xf32, #tpu.memory_space<vmem>>
        %dma_start3A_271 = arith.constant 64 : i32
        %dma_start3A_272 = tpu.memref_slice %arg10[%add3A_243, %dma_start3A_271] : memref<40x128xi32, #tpu.memory_space<vmem>> -> memref<1x32xi32, #tpu.memory_space<vmem>>
        %dma_start3A_273 = tpu.memref_squeeze %dma_start3A_272 : memref<1x32xi32, #tpu.memory_space<vmem>> -> memref<32xi32, #tpu.memory_space<vmem>>
        %dma_start3A_274 = arith.constant 0 : i32
        %dma_start3A_275 = arith.constant 0 : i32
        %dma_start3A_276 = tpu.memref_slice %arg2[%dma_start3A_274, %dma_start3A_275] : memref<10000x128xf32, #tpu.memory_space<hbm>> -> memref<10000x128xf32, #tpu.memory_space<hbm>>
        tpu.enqueue_indirect_dma source(%dma_start3A_276 : memref<10000x128xf32, #tpu.memory_space<hbm>>) target(%dma_start3A_270 : memref<32x128xf32, #tpu.memory_space<vmem>>) offsets(%dma_start3A_273 : memref<32xi32, #tpu.memory_space<vmem>>) semaphore(%arg19 : memref<!tpu.dma_semaphore, #tpu.memory_space<semaphore_mem>>)
        %dma_start3A_277 = arith.constant 1 : i32
        %dma_start3A_278 = arith.constant 96 : i32
        %dma_start3A_279 = arith.constant 0 : i32
        %dma_start3A_280 = tpu.memref_slice %arg12[%dma_start3A_277, %dma_start3A_278, %dma_start3A_279] : memref<2x128x128xf32, #tpu.memory_space<vmem>> -> memref<1x32x128xf32, #tpu.memory_space<vmem>>
        %dma_start3A_281 = tpu.memref_squeeze %dma_start3A_280 : memref<1x32x128xf32, #tpu.memory_space<vmem>> -> memref<32x128xf32, #tpu.memory_space<vmem>>
        %dma_start3A_282 = arith.constant 96 : i32
        %dma_start3A_283 = tpu.memref_slice %arg10[%add3A_243, %dma_start3A_282] : memref<40x128xi32, #tpu.memory_space<vmem>> -> memref<1x32xi32, #tpu.memory_space<vmem>>
        %dma_start3A_284 = tpu.memref_squeeze %dma_start3A_283 : memref<1x32xi32, #tpu.memory_space<vmem>> -> memref<32xi32, #tpu.memory_space<vmem>>
        %dma_start3A_285 = arith.constant 0 : i32
        %dma_start3A_286 = arith.constant 0 : i32
        %dma_start3A_287 = tpu.memref_slice %arg2[%dma_start3A_285, %dma_start3A_286] : memref<10000x128xf32, #tpu.memory_space<hbm>> -> memref<10000x128xf32, #tpu.memory_space<hbm>>
        tpu.enqueue_indirect_dma source(%dma_start3A_287 : memref<10000x128xf32, #tpu.memory_space<hbm>>) target(%dma_start3A_281 : memref<32x128xf32, #tpu.memory_space<vmem>>) offsets(%dma_start3A_284 : memref<32xi32, #tpu.memory_space<vmem>>) semaphore(%arg20 : memref<!tpu.dma_semaphore, #tpu.memory_space<semaphore_mem>>)
      } else {
      }
      %dma_wait3A_117 = arith.constant 0 : i32
      %dma_wait3A_118 = arith.constant 0 : i32
      %dma_wait3A_119 = arith.constant 0 : i32
      %dma_wait3A_120 = tpu.memref_slice %arg12[%dma_wait3A_117, %dma_wait3A_118, %dma_wait3A_119] : memref<2x128x128xf32, #tpu.memory_space<vmem>> -> memref<1x32x128xf32, #tpu.memory_space<vmem>>
      %dma_wait3A_121 = tpu.memref_squeeze %dma_wait3A_120 : memref<1x32x128xf32, #tpu.memory_space<vmem>> -> memref<32x128xf32, #tpu.memory_space<vmem>>
      %dma_wait3A_122 = arith.constant 0 : i32
      %dma_wait3A_123 = tpu.memref_slice %arg10[%add3A_110, %dma_wait3A_122] : memref<40x128xi32, #tpu.memory_space<vmem>> -> memref<1x32xi32, #tpu.memory_space<vmem>>
      %dma_wait3A_124 = tpu.memref_squeeze %dma_wait3A_123 : memref<1x32xi32, #tpu.memory_space<vmem>> -> memref<32xi32, #tpu.memory_space<vmem>>
      %dma_wait3A_125 = arith.constant 0 : i32
      %dma_wait3A_126 = arith.constant 0 : i32
      %dma_wait3A_127 = tpu.memref_slice %arg2[%dma_wait3A_125, %dma_wait3A_126] : memref<10000x128xf32, #tpu.memory_space<hbm>> -> memref<10000x128xf32, #tpu.memory_space<hbm>>
      tpu.wait_indirect_dma semaphore(%arg13 : memref<!tpu.dma_semaphore, #tpu.memory_space<semaphore_mem>>) src(%dma_wait3A_127 : memref<10000x128xf32, #tpu.memory_space<hbm>>) dst(%dma_wait3A_121 : memref<32x128xf32, #tpu.memory_space<vmem>>)
      %dma_wait3A_128 = arith.constant 0 : i32
      %dma_wait3A_129 = arith.constant 32 : i32
      %dma_wait3A_130 = arith.constant 0 : i32
      %dma_wait3A_131 = tpu.memref_slice %arg12[%dma_wait3A_128, %dma_wait3A_129, %dma_wait3A_130] : memref<2x128x128xf32, #tpu.memory_space<vmem>> -> memref<1x32x128xf32, #tpu.memory_space<vmem>>
      %dma_wait3A_132 = tpu.memref_squeeze %dma_wait3A_131 : memref<1x32x128xf32, #tpu.memory_space<vmem>> -> memref<32x128xf32, #tpu.memory_space<vmem>>
      %dma_wait3A_133 = arith.constant 32 : i32
      %dma_wait3A_134 = tpu.memref_slice %arg10[%add3A_110, %dma_wait3A_133] : memref<40x128xi32, #tpu.memory_space<vmem>> -> memref<1x32xi32, #tpu.memory_space<vmem>>
      %dma_wait3A_135 = tpu.memref_squeeze %dma_wait3A_134 : memref<1x32xi32, #tpu.memory_space<vmem>> -> memref<32xi32, #tpu.memory_space<vmem>>
      %dma_wait3A_136 = arith.constant 0 : i32
      %dma_wait3A_137 = arith.constant 0 : i32
      %dma_wait3A_138 = tpu.memref_slice %arg2[%dma_wait3A_136, %dma_wait3A_137] : memref<10000x128xf32, #tpu.memory_space<hbm>> -> memref<10000x128xf32, #tpu.memory_space<hbm>>
      tpu.wait_indirect_dma semaphore(%arg14 : memref<!tpu.dma_semaphore, #tpu.memory_space<semaphore_mem>>) src(%dma_wait3A_138 : memref<10000x128xf32, #tpu.memory_space<hbm>>) dst(%dma_wait3A_132 : memref<32x128xf32, #tpu.memory_space<vmem>>)
      %dma_wait3A_139 = arith.constant 0 : i32
      %dma_wait3A_140 = arith.constant 64 : i32
      %dma_wait3A_141 = arith.constant 0 : i32
      %dma_wait3A_142 = tpu.memref_slice %arg12[%dma_wait3A_139, %dma_wait3A_140, %dma_wait3A_141] : memref<2x128x128xf32, #tpu.memory_space<vmem>> -> memref<1x32x128xf32, #tpu.memory_space<vmem>>
      %dma_wait3A_143 = tpu.memref_squeeze %dma_wait3A_142 : memref<1x32x128xf32, #tpu.memory_space<vmem>> -> memref<32x128xf32, #tpu.memory_space<vmem>>
      %dma_wait3A_144 = arith.constant 64 : i32
      %dma_wait3A_145 = tpu.memref_slice %arg10[%add3A_110, %dma_wait3A_144] : memref<40x128xi32, #tpu.memory_space<vmem>> -> memref<1x32xi32, #tpu.memory_space<vmem>>
      %dma_wait3A_146 = tpu.memref_squeeze %dma_wait3A_145 : memref<1x32xi32, #tpu.memory_space<vmem>> -> memref<32xi32, #tpu.memory_space<vmem>>
      %dma_wait3A_147 = arith.constant 0 : i32
      %dma_wait3A_148 = arith.constant 0 : i32
      %dma_wait3A_149 = tpu.memref_slice %arg2[%dma_wait3A_147, %dma_wait3A_148] : memref<10000x128xf32, #tpu.memory_space<hbm>> -> memref<10000x128xf32, #tpu.memory_space<hbm>>
      tpu.wait_indirect_dma semaphore(%arg15 : memref<!tpu.dma_semaphore, #tpu.memory_space<semaphore_mem>>) src(%dma_wait3A_149 : memref<10000x128xf32, #tpu.memory_space<hbm>>) dst(%dma_wait3A_143 : memref<32x128xf32, #tpu.memory_space<vmem>>)
      %dma_wait3A_150 = arith.constant 0 : i32
      %dma_wait3A_151 = arith.constant 96 : i32
      %dma_wait3A_152 = arith.constant 0 : i32
      %dma_wait3A_153 = tpu.memref_slice %arg12[%dma_wait3A_150, %dma_wait3A_151, %dma_wait3A_152] : memref<2x128x128xf32, #tpu.memory_space<vmem>> -> memref<1x32x128xf32, #tpu.memory_space<vmem>>
      %dma_wait3A_154 = tpu.memref_squeeze %dma_wait3A_153 : memref<1x32x128xf32, #tpu.memory_space<vmem>> -> memref<32x128xf32, #tpu.memory_space<vmem>>
      %dma_wait3A_155 = arith.constant 96 : i32
      %dma_wait3A_156 = tpu.memref_slice %arg10[%add3A_110, %dma_wait3A_155] : memref<40x128xi32, #tpu.memory_space<vmem>> -> memref<1x32xi32, #tpu.memory_space<vmem>>
      %dma_wait3A_157 = tpu.memref_squeeze %dma_wait3A_156 : memref<1x32xi32, #tpu.memory_space<vmem>> -> memref<32xi32, #tpu.memory_space<vmem>>
      %dma_wait3A_158 = arith.constant 0 : i32
      %dma_wait3A_159 = arith.constant 0 : i32
      %dma_wait3A_160 = tpu.memref_slice %arg2[%dma_wait3A_158, %dma_wait3A_159] : memref<10000x128xf32, #tpu.memory_space<hbm>> -> memref<10000x128xf32, #tpu.memory_space<hbm>>
      tpu.wait_indirect_dma semaphore(%arg16 : memref<!tpu.dma_semaphore, #tpu.memory_space<semaphore_mem>>) src(%dma_wait3A_160 : memref<10000x128xf32, #tpu.memory_space<hbm>>) dst(%dma_wait3A_154 : memref<32x128xf32, #tpu.memory_space<vmem>>)
      %dma_start3A_161 = arith.constant 0 : i32
      %dma_start3A_162 = arith.constant 0 : i32
      %dma_start3A_163 = arith.constant 0 : i32
      %dma_start3A_164 = tpu.memref_slice %arg12[%dma_start3A_161, %dma_start3A_162, %dma_start3A_163] : memref<2x128x128xf32, #tpu.memory_space<vmem>> -> memref<1x128x128xf32, #tpu.memory_space<vmem>>
      %dma_start3A_165 = tpu.memref_squeeze %dma_start3A_164 : memref<1x128x128xf32, #tpu.memory_space<vmem>> -> memref<128x128xf32, #tpu.memory_space<vmem>>
      %dma_start3A_166 = arith.constant 0 : i32
      %dma_start3A_167 = tpu.memref_slice %arg11[%add3A_110, %dma_start3A_166] : memref<40x128xi32, #tpu.memory_space<vmem>> -> memref<1x128xi32, #tpu.memory_space<vmem>>
      %dma_start3A_168 = tpu.memref_squeeze %dma_start3A_167 : memref<1x128xi32, #tpu.memory_space<vmem>> -> memref<128xi32, #tpu.memory_space<vmem>>
      %dma_start3A_169 = arith.constant 0 : i32
      %dma_start3A_170 = arith.constant 0 : i32
      %dma_start3A_171 = tpu.memref_slice %arg9[%dma_start3A_169, %dma_start3A_170] : memref<10112x128xf32, #tpu.memory_space<vmem_shared>> -> memref<10112x128xf32, #tpu.memory_space<vmem_shared>>
      tpu.enqueue_indirect_dma source(%dma_start3A_165 : memref<128x128xf32, #tpu.memory_space<vmem>>) target(%dma_start3A_171 : memref<10112x128xf32, #tpu.memory_space<vmem_shared>>) offsets(%dma_start3A_168 : memref<128xi32, #tpu.memory_space<vmem>>) semaphore(%arg21 : memref<!tpu.dma_semaphore, #tpu.memory_space<semaphore_mem>>) {add = true}
      %mul3A_172 = arith.constant 2 : i32
      %mul3A_173 = arith.muli %scan3A_106, %mul3A_172 : i32
      %add3A_174 = arith.constant 1 : i32
      %add3A_175 = arith.addi %mul3A_173, %add3A_174 : i32
      %add3A_176 = arith.constant 1 : i32
      %add3A_177 = arith.addi %add3A_175, %add3A_176 : i32
      %lt3A_178 = arith.constant 40 : i32
      %lt3A_179 = arith.cmpi slt, %add3A_177, %lt3A_178 : i32
      %convert_element_type3A_180 = arith.extui %lt3A_179 : i1 to i32
      %cond3A_181 = arith.constant 0 : i32
      %cond3A_182 = arith.cmpi ne, %convert_element_type3A_180, %cond3A_181 : i32
      scf.if %cond3A_182 {
        %ge3A = arith.constant 1 : i32
        %ge3A_238 = arith.cmpi sge, %add3A_175, %ge3A : i32
        %convert_element_type3A_239 = arith.extui %ge3A_238 : i1 to i32
        %cond3A_240 = arith.constant 0 : i32
        %cond3A_241 = arith.cmpi ne, %convert_element_type3A_239, %cond3A_240 : i32
        scf.if %cond3A_241 {
          %sub3A = arith.constant 1 : i32
          %sub3A_288 = arith.subi %add3A_175, %sub3A : i32
          %dma_wait3A_289 = arith.constant 0 : i32
          %dma_wait3A_290 = arith.constant 0 : i32
          %dma_wait3A_291 = arith.constant 0 : i32
          %dma_wait3A_292 = tpu.memref_slice %arg12[%dma_wait3A_289, %dma_wait3A_290, %dma_wait3A_291] : memref<2x128x128xf32, #tpu.memory_space<vmem>> -> memref<1x128x128xf32, #tpu.memory_space<vmem>>
          %dma_wait3A_293 = tpu.memref_squeeze %dma_wait3A_292 : memref<1x128x128xf32, #tpu.memory_space<vmem>> -> memref<128x128xf32, #tpu.memory_space<vmem>>
          %dma_wait3A_294 = arith.constant 0 : i32
          %dma_wait3A_295 = tpu.memref_slice %arg11[%sub3A_288, %dma_wait3A_294] : memref<40x128xi32, #tpu.memory_space<vmem>> -> memref<1x128xi32, #tpu.memory_space<vmem>>
          %dma_wait3A_296 = tpu.memref_squeeze %dma_wait3A_295 : memref<1x128xi32, #tpu.memory_space<vmem>> -> memref<128xi32, #tpu.memory_space<vmem>>
          %dma_wait3A_297 = arith.constant 0 : i32
          %dma_wait3A_298 = arith.constant 0 : i32
          %dma_wait3A_299 = tpu.memref_slice %arg9[%dma_wait3A_297, %dma_wait3A_298] : memref<10112x128xf32, #tpu.memory_space<vmem_shared>> -> memref<10112x128xf32, #tpu.memory_space<vmem_shared>>
          tpu.wait_indirect_dma semaphore(%arg21 : memref<!tpu.dma_semaphore, #tpu.memory_space<semaphore_mem>>) src(%dma_wait3A_293 : memref<128x128xf32, #tpu.memory_space<vmem>>) dst(%dma_wait3A_299 : memref<10112x128xf32, #tpu.memory_space<vmem_shared>>)
        } else {
        }
        %add3A_242 = arith.constant 1 : i32
        %add3A_243 = arith.addi %add3A_175, %add3A_242 : i32
        %dma_start3A_244 = arith.constant 0 : i32
        %dma_start3A_245 = arith.constant 0 : i32
        %dma_start3A_246 = arith.constant 0 : i32
        %dma_start3A_247 = tpu.memref_slice %arg12[%dma_start3A_244, %dma_start3A_245, %dma_start3A_246] : memref<2x128x128xf32, #tpu.memory_space<vmem>> -> memref<1x32x128xf32, #tpu.memory_space<vmem>>
        %dma_start3A_248 = tpu.memref_squeeze %dma_start3A_247 : memref<1x32x128xf32, #tpu.memory_space<vmem>> -> memref<32x128xf32, #tpu.memory_space<vmem>>
        %dma_start3A_249 = arith.constant 0 : i32
        %dma_start3A_250 = tpu.memref_slice %arg10[%add3A_243, %dma_start3A_249] : memref<40x128xi32, #tpu.memory_space<vmem>> -> memref<1x32xi32, #tpu.memory_space<vmem>>
        %dma_start3A_251 = tpu.memref_squeeze %dma_start3A_250 : memref<1x32xi32, #tpu.memory_space<vmem>> -> memref<32xi32, #tpu.memory_space<vmem>>
        %dma_start3A_252 = arith.constant 0 : i32
        %dma_start3A_253 = arith.constant 0 : i32
        %dma_start3A_254 = tpu.memref_slice %arg2[%dma_start3A_252, %dma_start3A_253] : memref<10000x128xf32, #tpu.memory_space<hbm>> -> memref<10000x128xf32, #tpu.memory_space<hbm>>
        tpu.enqueue_indirect_dma source(%dma_start3A_254 : memref<10000x128xf32, #tpu.memory_space<hbm>>) target(%dma_start3A_248 : memref<32x128xf32, #tpu.memory_space<vmem>>) offsets(%dma_start3A_251 : memref<32xi32, #tpu.memory_space<vmem>>) semaphore(%arg13 : memref<!tpu.dma_semaphore, #tpu.memory_space<semaphore_mem>>)
        %dma_start3A_255 = arith.constant 0 : i32
        %dma_start3A_256 = arith.constant 32 : i32
        %dma_start3A_257 = arith.constant 0 : i32
        %dma_start3A_258 = tpu.memref_slice %arg12[%dma_start3A_255, %dma_start3A_256, %dma_start3A_257] : memref<2x128x128xf32, #tpu.memory_space<vmem>> -> memref<1x32x128xf32, #tpu.memory_space<vmem>>
        %dma_start3A_259 = tpu.memref_squeeze %dma_start3A_258 : memref<1x32x128xf32, #tpu.memory_space<vmem>> -> memref<32x128xf32, #tpu.memory_space<vmem>>
        %dma_start3A_260 = arith.constant 32 : i32
        %dma_start3A_261 = tpu.memref_slice %arg10[%add3A_243, %dma_start3A_260] : memref<40x128xi32, #tpu.memory_space<vmem>> -> memref<1x32xi32, #tpu.memory_space<vmem>>
        %dma_start3A_262 = tpu.memref_squeeze %dma_start3A_261 : memref<1x32xi32, #tpu.memory_space<vmem>> -> memref<32xi32, #tpu.memory_space<vmem>>
        %dma_start3A_263 = arith.constant 0 : i32
        %dma_start3A_264 = arith.constant 0 : i32
        %dma_start3A_265 = tpu.memref_slice %arg2[%dma_start3A_263, %dma_start3A_264] : memref<10000x128xf32, #tpu.memory_space<hbm>> -> memref<10000x128xf32, #tpu.memory_space<hbm>>
        tpu.enqueue_indirect_dma source(%dma_start3A_265 : memref<10000x128xf32, #tpu.memory_space<hbm>>) target(%dma_start3A_259 : memref<32x128xf32, #tpu.memory_space<vmem>>) offsets(%dma_start3A_262 : memref<32xi32, #tpu.memory_space<vmem>>) semaphore(%arg14 : memref<!tpu.dma_semaphore, #tpu.memory_space<semaphore_mem>>)
        %dma_start3A_266 = arith.constant 0 : i32
        %dma_start3A_267 = arith.constant 64 : i32
        %dma_start3A_268 = arith.constant 0 : i32
        %dma_start3A_269 = tpu.memref_slice %arg12[%dma_start3A_266, %dma_start3A_267, %dma_start3A_268] : memref<2x128x128xf32, #tpu.memory_space<vmem>> -> memref<1x32x128xf32, #tpu.memory_space<vmem>>
        %dma_start3A_270 = tpu.memref_squeeze %dma_start3A_269 : memref<1x32x128xf32, #tpu.memory_space<vmem>> -> memref<32x128xf32, #tpu.memory_space<vmem>>
        %dma_start3A_271 = arith.constant 64 : i32
        %dma_start3A_272 = tpu.memref_slice %arg10[%add3A_243, %dma_start3A_271] : memref<40x128xi32, #tpu.memory_space<vmem>> -> memref<1x32xi32, #tpu.memory_space<vmem>>
        %dma_start3A_273 = tpu.memref_squeeze %dma_start3A_272 : memref<1x32xi32, #tpu.memory_space<vmem>> -> memref<32xi32, #tpu.memory_space<vmem>>
        %dma_start3A_274 = arith.constant 0 : i32
        %dma_start3A_275 = arith.constant 0 : i32
        %dma_start3A_276 = tpu.memref_slice %arg2[%dma_start3A_274, %dma_start3A_275] : memref<10000x128xf32, #tpu.memory_space<hbm>> -> memref<10000x128xf32, #tpu.memory_space<hbm>>
        tpu.enqueue_indirect_dma source(%dma_start3A_276 : memref<10000x128xf32, #tpu.memory_space<hbm>>) target(%dma_start3A_270 : memref<32x128xf32, #tpu.memory_space<vmem>>) offsets(%dma_start3A_273 : memref<32xi32, #tpu.memory_space<vmem>>) semaphore(%arg15 : memref<!tpu.dma_semaphore, #tpu.memory_space<semaphore_mem>>)
        %dma_start3A_277 = arith.constant 0 : i32
        %dma_start3A_278 = arith.constant 96 : i32
        %dma_start3A_279 = arith.constant 0 : i32
        %dma_start3A_280 = tpu.memref_slice %arg12[%dma_start3A_277, %dma_start3A_278, %dma_start3A_279] : memref<2x128x128xf32, #tpu.memory_space<vmem>> -> memref<1x32x128xf32, #tpu.memory_space<vmem>>
        %dma_start3A_281 = tpu.memref_squeeze %dma_start3A_280 : memref<1x32x128xf32, #tpu.memory_space<vmem>> -> memref<32x128xf32, #tpu.memory_space<vmem>>
        %dma_start3A_282 = arith.constant 96 : i32
        %dma_start3A_283 = tpu.memref_slice %arg10[%add3A_243, %dma_start3A_282] : memref<40x128xi32, #tpu.memory_space<vmem>> -> memref<1x32xi32, #tpu.memory_space<vmem>>
        %dma_start3A_284 = tpu.memref_squeeze %dma_start3A_283 : memref<1x32xi32, #tpu.memory_space<vmem>> -> memref<32xi32, #tpu.memory_space<vmem>>
        %dma_start3A_285 = arith.constant 0 : i32
        %dma_start3A_286 = arith.constant 0 : i32
        %dma_start3A_287 = tpu.memref_slice %arg2[%dma_start3A_285, %dma_start3A_286] : memref<10000x128xf32, #tpu.memory_space<hbm>> -> memref<10000x128xf32, #tpu.memory_space<hbm>>
        tpu.enqueue_indirect_dma source(%dma_start3A_287 : memref<10000x128xf32, #tpu.memory_space<hbm>>) target(%dma_start3A_281 : memref<32x128xf32, #tpu.memory_space<vmem>>) offsets(%dma_start3A_284 : memref<32xi32, #tpu.memory_space<vmem>>) semaphore(%arg16 : memref<!tpu.dma_semaphore, #tpu.memory_space<semaphore_mem>>)
      } else {
      }
      %dma_wait3A_183 = arith.constant 1 : i32
      %dma_wait3A_184 = arith.constant 0 : i32
      %dma_wait3A_185 = arith.constant 0 : i32
      %dma_wait3A_186 = tpu.memref_slice %arg12[%dma_wait3A_183, %dma_wait3A_184, %dma_wait3A_185] : memref<2x128x128xf32, #tpu.memory_space<vmem>> -> memref<1x32x128xf32, #tpu.memory_space<vmem>>
      %dma_wait3A_187 = tpu.memref_squeeze %dma_wait3A_186 : memref<1x32x128xf32, #tpu.memory_space<vmem>> -> memref<32x128xf32, #tpu.memory_space<vmem>>
      %dma_wait3A_188 = arith.constant 0 : i32
      %dma_wait3A_189 = tpu.memref_slice %arg10[%add3A_175, %dma_wait3A_188] : memref<40x128xi32, #tpu.memory_space<vmem>> -> memref<1x32xi32, #tpu.memory_space<vmem>>
      %dma_wait3A_190 = tpu.memref_squeeze %dma_wait3A_189 : memref<1x32xi32, #tpu.memory_space<vmem>> -> memref<32xi32, #tpu.memory_space<vmem>>
      %dma_wait3A_191 = arith.constant 0 : i32
      %dma_wait3A_192 = arith.constant 0 : i32
      %dma_wait3A_193 = tpu.memref_slice %arg2[%dma_wait3A_191, %dma_wait3A_192] : memref<10000x128xf32, #tpu.memory_space<hbm>> -> memref<10000x128xf32, #tpu.memory_space<hbm>>
      tpu.wait_indirect_dma semaphore(%arg17 : memref<!tpu.dma_semaphore, #tpu.memory_space<semaphore_mem>>) src(%dma_wait3A_193 : memref<10000x128xf32, #tpu.memory_space<hbm>>) dst(%dma_wait3A_187 : memref<32x128xf32, #tpu.memory_space<vmem>>)
      %dma_wait3A_194 = arith.constant 1 : i32
      %dma_wait3A_195 = arith.constant 32 : i32
      %dma_wait3A_196 = arith.constant 0 : i32
      %dma_wait3A_197 = tpu.memref_slice %arg12[%dma_wait3A_194, %dma_wait3A_195, %dma_wait3A_196] : memref<2x128x128xf32, #tpu.memory_space<vmem>> -> memref<1x32x128xf32, #tpu.memory_space<vmem>>
      %dma_wait3A_198 = tpu.memref_squeeze %dma_wait3A_197 : memref<1x32x128xf32, #tpu.memory_space<vmem>> -> memref<32x128xf32, #tpu.memory_space<vmem>>
      %dma_wait3A_199 = arith.constant 32 : i32
      %dma_wait3A_200 = tpu.memref_slice %arg10[%add3A_175, %dma_wait3A_199] : memref<40x128xi32, #tpu.memory_space<vmem>> -> memref<1x32xi32, #tpu.memory_space<vmem>>
      %dma_wait3A_201 = tpu.memref_squeeze %dma_wait3A_200 : memref<1x32xi32, #tpu.memory_space<vmem>> -> memref<32xi32, #tpu.memory_space<vmem>>
      %dma_wait3A_202 = arith.constant 0 : i32
      %dma_wait3A_203 = arith.constant 0 : i32
      %dma_wait3A_204 = tpu.memref_slice %arg2[%dma_wait3A_202, %dma_wait3A_203] : memref<10000x128xf32, #tpu.memory_space<hbm>> -> memref<10000x128xf32, #tpu.memory_space<hbm>>
      tpu.wait_indirect_dma semaphore(%arg18 : memref<!tpu.dma_semaphore, #tpu.memory_space<semaphore_mem>>) src(%dma_wait3A_204 : memref<10000x128xf32, #tpu.memory_space<hbm>>) dst(%dma_wait3A_198 : memref<32x128xf32, #tpu.memory_space<vmem>>)
      %dma_wait3A_205 = arith.constant 1 : i32
      %dma_wait3A_206 = arith.constant 64 : i32
      %dma_wait3A_207 = arith.constant 0 : i32
      %dma_wait3A_208 = tpu.memref_slice %arg12[%dma_wait3A_205, %dma_wait3A_206, %dma_wait3A_207] : memref<2x128x128xf32, #tpu.memory_space<vmem>> -> memref<1x32x128xf32, #tpu.memory_space<vmem>>
      %dma_wait3A_209 = tpu.memref_squeeze %dma_wait3A_208 : memref<1x32x128xf32, #tpu.memory_space<vmem>> -> memref<32x128xf32, #tpu.memory_space<vmem>>
      %dma_wait3A_210 = arith.constant 64 : i32
      %dma_wait3A_211 = tpu.memref_slice %arg10[%add3A_175, %dma_wait3A_210] : memref<40x128xi32, #tpu.memory_space<vmem>> -> memref<1x32xi32, #tpu.memory_space<vmem>>
      %dma_wait3A_212 = tpu.memref_squeeze %dma_wait3A_211 : memref<1x32xi32, #tpu.memory_space<vmem>> -> memref<32xi32, #tpu.memory_space<vmem>>
      %dma_wait3A_213 = arith.constant 0 : i32
      %dma_wait3A_214 = arith.constant 0 : i32
      %dma_wait3A_215 = tpu.memref_slice %arg2[%dma_wait3A_213, %dma_wait3A_214] : memref<10000x128xf32, #tpu.memory_space<hbm>> -> memref<10000x128xf32, #tpu.memory_space<hbm>>
      tpu.wait_indirect_dma semaphore(%arg19 : memref<!tpu.dma_semaphore, #tpu.memory_space<semaphore_mem>>) src(%dma_wait3A_215 : memref<10000x128xf32, #tpu.memory_space<hbm>>) dst(%dma_wait3A_209 : memref<32x128xf32, #tpu.memory_space<vmem>>)
      %dma_wait3A_216 = arith.constant 1 : i32
      %dma_wait3A_217 = arith.constant 96 : i32
      %dma_wait3A_218 = arith.constant 0 : i32
      %dma_wait3A_219 = tpu.memref_slice %arg12[%dma_wait3A_216, %dma_wait3A_217, %dma_wait3A_218] : memref<2x128x128xf32, #tpu.memory_space<vmem>> -> memref<1x32x128xf32, #tpu.memory_space<vmem>>
      %dma_wait3A_220 = tpu.memref_squeeze %dma_wait3A_219 : memref<1x32x128xf32, #tpu.memory_space<vmem>> -> memref<32x128xf32, #tpu.memory_space<vmem>>
      %dma_wait3A_221 = arith.constant 96 : i32
      %dma_wait3A_222 = tpu.memref_slice %arg10[%add3A_175, %dma_wait3A_221] : memref<40x128xi32, #tpu.memory_space<vmem>> -> memref<1x32xi32, #tpu.memory_space<vmem>>
      %dma_wait3A_223 = tpu.memref_squeeze %dma_wait3A_222 : memref<1x32xi32, #tpu.memory_space<vmem>> -> memref<32xi32, #tpu.memory_space<vmem>>
      %dma_wait3A_224 = arith.constant 0 : i32
      %dma_wait3A_225 = arith.constant 0 : i32
      %dma_wait3A_226 = tpu.memref_slice %arg2[%dma_wait3A_224, %dma_wait3A_225] : memref<10000x128xf32, #tpu.memory_space<hbm>> -> memref<10000x128xf32, #tpu.memory_space<hbm>>
      tpu.wait_indirect_dma semaphore(%arg20 : memref<!tpu.dma_semaphore, #tpu.memory_space<semaphore_mem>>) src(%dma_wait3A_226 : memref<10000x128xf32, #tpu.memory_space<hbm>>) dst(%dma_wait3A_220 : memref<32x128xf32, #tpu.memory_space<vmem>>)
      %dma_start3A_227 = arith.constant 1 : i32
      %dma_start3A_228 = arith.constant 0 : i32
      %dma_start3A_229 = arith.constant 0 : i32
      %dma_start3A_230 = tpu.memref_slice %arg12[%dma_start3A_227, %dma_start3A_228, %dma_start3A_229] : memref<2x128x128xf32, #tpu.memory_space<vmem>> -> memref<1x128x128xf32, #tpu.memory_space<vmem>>
      %dma_start3A_231 = tpu.memref_squeeze %dma_start3A_230 : memref<1x128x128xf32, #tpu.memory_space<vmem>> -> memref<128x128xf32, #tpu.memory_space<vmem>>
      %dma_start3A_232 = arith.constant 0 : i32
      %dma_start3A_233 = tpu.memref_slice %arg11[%add3A_175, %dma_start3A_232] : memref<40x128xi32, #tpu.memory_space<vmem>> -> memref<1x128xi32, #tpu.memory_space<vmem>>
      %dma_start3A_234 = tpu.memref_squeeze %dma_start3A_233 : memref<1x128xi32, #tpu.memory_space<vmem>> -> memref<128xi32, #tpu.memory_space<vmem>>
      %dma_start3A_235 = arith.constant 0 : i32
      %dma_start3A_236 = arith.constant 0 : i32
      %dma_start3A_237 = tpu.memref_slice %arg9[%dma_start3A_235, %dma_start3A_236] : memref<10112x128xf32, #tpu.memory_space<vmem_shared>> -> memref<10112x128xf32, #tpu.memory_space<vmem_shared>>
      tpu.enqueue_indirect_dma source(%dma_start3A_231 : memref<128x128xf32, #tpu.memory_space<vmem>>) target(%dma_start3A_237 : memref<10112x128xf32, #tpu.memory_space<vmem_shared>>) offsets(%dma_start3A_234 : memref<128xi32, #tpu.memory_space<vmem>>) semaphore(%arg22 : memref<!tpu.dma_semaphore, #tpu.memory_space<semaphore_mem>>) {add = true}
    }
    %scan3A_70 = arith.constant 20 : i32
    %dma_wait3A = arith.constant 0 : i32
    %dma_wait3A_71 = arith.constant 38 : i32
    %dma_wait3A_72 = arith.constant 0 : i32
    %dma_wait3A_73 = arith.constant 0 : i32
    %dma_wait3A_74 = tpu.memref_slice %arg12[%dma_wait3A, %dma_wait3A_72, %dma_wait3A_73] : memref<2x128x128xf32, #tpu.memory_space<vmem>> -> memref<1x128x128xf32, #tpu.memory_space<vmem>>
    %dma_wait3A_75 = tpu.memref_squeeze %dma_wait3A_74 : memref<1x128x128xf32, #tpu.memory_space<vmem>> -> memref<128x128xf32, #tpu.memory_space<vmem>>
    %dma_wait3A_76 = arith.constant 0 : i32
    %dma_wait3A_77 = tpu.memref_slice %arg11[%dma_wait3A_71, %dma_wait3A_76] : memref<40x128xi32, #tpu.memory_space<vmem>> -> memref<1x128xi32, #tpu.memory_space<vmem>>
    %dma_wait3A_78 = tpu.memref_squeeze %dma_wait3A_77 : memref<1x128xi32, #tpu.memory_space<vmem>> -> memref<128xi32, #tpu.memory_space<vmem>>
    %dma_wait3A_79 = arith.constant 0 : i32
    %dma_wait3A_80 = arith.constant 0 : i32
    %dma_wait3A_81 = tpu.memref_slice %arg9[%dma_wait3A_79, %dma_wait3A_80] : memref<10112x128xf32, #tpu.memory_space<vmem_shared>> -> memref<10112x128xf32, #tpu.memory_space<vmem_shared>>
    tpu.wait_indirect_dma semaphore(%arg21 : memref<!tpu.dma_semaphore, #tpu.memory_space<semaphore_mem>>) src(%dma_wait3A_75 : memref<128x128xf32, #tpu.memory_space<vmem>>) dst(%dma_wait3A_81 : memref<10112x128xf32, #tpu.memory_space<vmem_shared>>)
    %dma_wait3A_82 = arith.constant 1 : i32
    %dma_wait3A_83 = arith.constant 39 : i32
    %dma_wait3A_84 = arith.constant 0 : i32
    %dma_wait3A_85 = arith.constant 0 : i32
    %dma_wait3A_86 = tpu.memref_slice %arg12[%dma_wait3A_82, %dma_wait3A_84, %dma_wait3A_85] : memref<2x128x128xf32, #tpu.memory_space<vmem>> -> memref<1x128x128xf32, #tpu.memory_space<vmem>>
    %dma_wait3A_87 = tpu.memref_squeeze %dma_wait3A_86 : memref<1x128x128xf32, #tpu.memory_space<vmem>> -> memref<128x128xf32, #tpu.memory_space<vmem>>
    %dma_wait3A_88 = arith.constant 0 : i32
    %dma_wait3A_89 = tpu.memref_slice %arg11[%dma_wait3A_83, %dma_wait3A_88] : memref<40x128xi32, #tpu.memory_space<vmem>> -> memref<1x128xi32, #tpu.memory_space<vmem>>
    %dma_wait3A_90 = tpu.memref_squeeze %dma_wait3A_89 : memref<1x128xi32, #tpu.memory_space<vmem>> -> memref<128xi32, #tpu.memory_space<vmem>>
    %dma_wait3A_91 = arith.constant 0 : i32
    %dma_wait3A_92 = arith.constant 0 : i32
    %dma_wait3A_93 = tpu.memref_slice %arg9[%dma_wait3A_91, %dma_wait3A_92] : memref<10112x128xf32, #tpu.memory_space<vmem_shared>> -> memref<10112x128xf32, #tpu.memory_space<vmem_shared>>
    tpu.wait_indirect_dma semaphore(%arg22 : memref<!tpu.dma_semaphore, #tpu.memory_space<semaphore_mem>>) src(%dma_wait3A_87 : memref<128x128xf32, #tpu.memory_space<vmem>>) dst(%dma_wait3A_93 : memref<10112x128xf32, #tpu.memory_space<vmem_shared>>)
    %barrier3A_94 = arith.constant 0 : index
    tpu.barrier barrier_id(%barrier3A_94)
    %mul3A_95 = arith.constant 624 : i32
    %mul3A_96 = arith.muli %arg1, %mul3A_95 : i32
    %mul3A_97 = arith.constant 10000 : i32
    %mul3A_98 = arith.muli %arg0, %mul3A_97 : i32
    %mul3A_99 = arith.constant 624 : i32
    %mul3A_100 = arith.muli %arg1, %mul3A_99 : i32
    %add3A_101 = arith.addi %mul3A_98, %mul3A_100 : i32
    "tpu.region"() ({
      %run_scoped3A = tpu.sem_alloc : memref<!tpu.dma_semaphore, #tpu.memory_space<semaphore_mem>>
      %dma_start3A_106 = arith.constant 0 : i32
      %dma_start3A_107 = tpu.memref_slice %arg8[%add3A_101, %dma_start3A_106] : memref<20000x128xf32, #tpu.memory_space<hbm>> -> memref<624x128xf32, #tpu.memory_space<hbm>>
      %dma_start3A_108 = arith.constant 0 : i32
      %dma_start3A_109 = tpu.memref_slice %arg9[%mul3A_96, %dma_start3A_108] : memref<10112x128xf32, #tpu.memory_space<vmem_shared>> -> memref<624x128xf32, #tpu.memory_space<vmem_shared>>
      tpu.enqueue_dma source(%dma_start3A_109 : memref<624x128xf32, #tpu.memory_space<vmem_shared>>) target(%dma_start3A_107 : memref<624x128xf32, #tpu.memory_space<hbm>>) target_semaphore(%run_scoped3A : memref<!tpu.dma_semaphore, #tpu.memory_space<semaphore_mem>>)
      %dma_wait3A_110 = arith.constant 0 : i32
      %dma_wait3A_111 = tpu.memref_slice %arg8[%add3A_101, %dma_wait3A_110] : memref<20000x128xf32, #tpu.memory_space<hbm>> -> memref<624x128xf32, #tpu.memory_space<hbm>>
      %dma_wait3A_112 = arith.constant 0 : i32
      %dma_wait3A_113 = tpu.memref_slice %arg9[%mul3A_96, %dma_wait3A_112] : memref<10112x128xf32, #tpu.memory_space<vmem_shared>> -> memref<624x128xf32, #tpu.memory_space<vmem_shared>>
      tpu.wait_dma2 semaphore(%run_scoped3A : memref<!tpu.dma_semaphore, #tpu.memory_space<semaphore_mem>>) src(%dma_wait3A_113 : memref<624x128xf32, #tpu.memory_space<vmem_shared>>) dst(%dma_wait3A_111 : memref<624x128xf32, #tpu.memory_space<hbm>>)
      tpu.yield
    }) : () -> ()
    %eq3A = arith.constant 15 : i32
    %eq3A_102 = arith.cmpi eq, %arg1, %eq3A : i32
    %convert_element_type3A_103 = arith.extui %eq3A_102 : i1 to i32
    %cond3A_104 = arith.constant 0 : i32
    %cond3A_105 = arith.cmpi ne, %convert_element_type3A_103, %cond3A_104 : i32
    scf.if %cond3A_105 {
      %mul3A_106 = arith.constant 10000 : i32
      %mul3A_107 = arith.muli %arg0, %mul3A_106 : i32
      %add3A_108 = arith.constant 9984 : i32
      %add3A_109 = arith.addi %mul3A_107, %add3A_108 : i32
      "tpu.region"() ({
        %run_scoped3A = tpu.sem_alloc : memref<!tpu.dma_semaphore, #tpu.memory_space<semaphore_mem>>
        %dma_start3A_110 = arith.constant 0 : i32
        %dma_start3A_111 = tpu.memref_slice %arg8[%add3A_109, %dma_start3A_110] : memref<20000x128xf32, #tpu.memory_space<hbm>> -> memref<16x128xf32, #tpu.memory_space<hbm>>
        %dma_start3A_112 = arith.constant 9984 : i32
        %dma_start3A_113 = arith.constant 0 : i32
        %dma_start3A_114 = tpu.memref_slice %arg9[%dma_start3A_112, %dma_start3A_113] : memref<10112x128xf32, #tpu.memory_space<vmem_shared>> -> memref<16x128xf32, #tpu.memory_space<vmem_shared>>
        tpu.enqueue_dma source(%dma_start3A_114 : memref<16x128xf32, #tpu.memory_space<vmem_shared>>) target(%dma_start3A_111 : memref<16x128xf32, #tpu.memory_space<hbm>>) target_semaphore(%run_scoped3A : memref<!tpu.dma_semaphore, #tpu.memory_space<semaphore_mem>>)
        %dma_wait3A_115 = arith.constant 0 : i32
        %dma_wait3A_116 = tpu.memref_slice %arg8[%add3A_109, %dma_wait3A_115] : memref<20000x128xf32, #tpu.memory_space<hbm>> -> memref<16x128xf32, #tpu.memory_space<hbm>>
        %dma_wait3A_117 = arith.constant 9984 : i32
        %dma_wait3A_118 = arith.constant 0 : i32
        %dma_wait3A_119 = tpu.memref_slice %arg9[%dma_wait3A_117, %dma_wait3A_118] : memref<10112x128xf32, #tpu.memory_space<vmem_shared>> -> memref<16x128xf32, #tpu.memory_space<vmem_shared>>
        tpu.wait_dma2 semaphore(%run_scoped3A : memref<!tpu.dma_semaphore, #tpu.memory_space<semaphore_mem>>) src(%dma_wait3A_119 : memref<16x128xf32, #tpu.memory_space<vmem_shared>>) dst(%dma_wait3A_116 : memref<16x128xf32, #tpu.memory_space<hbm>>)
        tpu.yield
      }) : () -> ()
    } else {
    }
    return
  }
}

#map = affine_map<(d0, d1) -> (0, 0)>
module attributes {stable_mosaic.version = 14 : i64} {
  func.func @seg(%arg0: i32, %arg1: i32, %arg2: memref<10000x256xf32, #tpu.memory_space<hbm>>, %arg3: memref<1250x128xi32, #tpu.memory_space<hbm>>, %arg4: memref<1250x128xi32, #tpu.memory_space<hbm>>, %arg5: memref<40x128xi32, #tpu.memory_space<hbm>>, %arg6: memref<40x128xi32, #tpu.memory_space<hbm>>, %arg7: memref<1264x128xf32, #tpu.memory_space<hbm>>, %arg8: memref<20000x128xf32, #tpu.memory_space<hbm>>, %arg9: memref<10112x128xf32, #tpu.memory_space<vmem_shared>>, %arg10: memref<40x128xi32, #tpu.memory_space<vmem>>, %arg11: memref<40x128xi32, #tpu.memory_space<vmem>>, %arg12: memref<2x128x128xf32, #tpu.memory_space<vmem>>, %arg13: memref<!tpu.dma_semaphore, #tpu.memory_space<semaphore_mem>>, %arg14: memref<!tpu.dma_semaphore, #tpu.memory_space<semaphore_mem>>, %arg15: memref<!tpu.dma_semaphore, #tpu.memory_space<semaphore_mem>>, %arg16: memref<!tpu.dma_semaphore, #tpu.memory_space<semaphore_mem>>, %arg17: memref<!tpu.dma_semaphore, #tpu.memory_space<semaphore_mem>>, %arg18: memref<!tpu.dma_semaphore, #tpu.memory_space<semaphore_mem>>, %arg19: memref<!tpu.dma_semaphore, #tpu.memory_space<semaphore_mem>>, %arg20: memref<!tpu.dma_semaphore, #tpu.memory_space<semaphore_mem>>, %arg21: memref<!tpu.dma_semaphore, #tpu.memory_space<semaphore_mem>>, %arg22: memref<!tpu.dma_semaphore, #tpu.memory_space<semaphore_mem>>) attributes {dimension_semantics = [#tpu.dimension_semantics<core_parallel>, #tpu.dimension_semantics<subcore_parallel>], iteration_bounds = array<i64: 2, 16>, scalar_prefetch = 0 : i64, scratch_operands = 14 : i64, tpu.core_type = #tpu.core_type<sc_vector_subcore>, window_params = [{transform_indices = #map}, {transform_indices = #map}, {transform_indices = #map}, {transform_indices = #map}, {transform_indices = #map}, {transform_indices = #map}, {transform_indices = #map}]} {
    %mul3A = arith.constant 632 : i32
    %mul3A_0 = arith.muli %arg0, %mul3A : i32
    %mul3A_1 = arith.constant 632 : i32
    %mul3A_2 = arith.muli %arg1, %mul3A_1 : i32
    "tpu.region"() ({
      %run_scoped3A = tpu.sem_alloc : memref<!tpu.dma_semaphore, #tpu.memory_space<semaphore_mem>>
      %dma_start3A_207 = arith.constant 0 : i32
      %dma_start3A_208 = tpu.memref_slice %arg9[%mul3A_2, %dma_start3A_207] : memref<10112x128xf32, #tpu.memory_space<vmem_shared>> -> memref<632x128xf32, #tpu.memory_space<vmem_shared>>
      %dma_start3A_209 = arith.constant 0 : i32
      %dma_start3A_210 = tpu.memref_slice %arg7[%mul3A_0, %dma_start3A_209] : memref<1264x128xf32, #tpu.memory_space<hbm>> -> memref<632x128xf32, #tpu.memory_space<hbm>>
      tpu.enqueue_dma source(%dma_start3A_210 : memref<632x128xf32, #tpu.memory_space<hbm>>) target(%dma_start3A_208 : memref<632x128xf32, #tpu.memory_space<vmem_shared>>) target_semaphore(%run_scoped3A : memref<!tpu.dma_semaphore, #tpu.memory_space<semaphore_mem>>)
      %dma_wait3A_211 = arith.constant 0 : i32
      %dma_wait3A_212 = tpu.memref_slice %arg9[%mul3A_2, %dma_wait3A_211] : memref<10112x128xf32, #tpu.memory_space<vmem_shared>> -> memref<632x128xf32, #tpu.memory_space<vmem_shared>>
      %dma_wait3A_213 = arith.constant 0 : i32
      %dma_wait3A_214 = tpu.memref_slice %arg7[%mul3A_0, %dma_wait3A_213] : memref<1264x128xf32, #tpu.memory_space<hbm>> -> memref<632x128xf32, #tpu.memory_space<hbm>>
      tpu.wait_dma2 semaphore(%run_scoped3A : memref<!tpu.dma_semaphore, #tpu.memory_space<semaphore_mem>>) src(%dma_wait3A_214 : memref<632x128xf32, #tpu.memory_space<hbm>>) dst(%dma_wait3A_212 : memref<632x128xf32, #tpu.memory_space<vmem_shared>>)
      tpu.yield
    }) : () -> ()
    %barrier3A = arith.constant 0 : index
    tpu.barrier barrier_id(%barrier3A)
    %mul3A_3 = arith.constant 80 : i32
    %mul3A_4 = arith.muli %arg1, %mul3A_3 : i32
    %add3A = arith.constant 0 : i32
    %add3A_5 = arith.addi %mul3A_4, %add3A : i32
    %add3A_6 = arith.constant 40 : i32
    %add3A_7 = arith.addi %add3A_5, %add3A_6 : i32
    %le3A = arith.constant 1250 : i32
    %le3A_8 = arith.cmpi sle, %add3A_7, %le3A : i32
    %convert_element_type3A = arith.extui %le3A_8 : i1 to i32
    %cond3A = arith.constant 0 : i32
    %cond3A_9 = arith.cmpi ne, %convert_element_type3A, %cond3A : i32
    scf.if %cond3A_9 {
      "tpu.region"() ({
        %run_scoped3A = tpu.sem_alloc : memref<!tpu.dma_semaphore, #tpu.memory_space<semaphore_mem>>
        %dma_start3A_207 = arith.constant 0 : i32
        %dma_start3A_208 = tpu.memref_slice %arg3[%add3A_5, %dma_start3A_207] : memref<1250x128xi32, #tpu.memory_space<hbm>> -> memref<40x128xi32, #tpu.memory_space<hbm>>
        %dma_start3A_209 = arith.constant 0 : i32
        %dma_start3A_210 = tpu.memref_slice %arg3[%add3A_5, %dma_start3A_209] : memref<1250x128xi32, #tpu.memory_space<hbm>> -> memref<40x128xi32, #tpu.memory_space<hbm>>
        tpu.enqueue_dma source(%dma_start3A_210 : memref<40x128xi32, #tpu.memory_space<hbm>>) target(%arg10 : memref<40x128xi32, #tpu.memory_space<vmem>>) target_semaphore(%run_scoped3A : memref<!tpu.dma_semaphore, #tpu.memory_space<semaphore_mem>>)
        %dma_wait3A_211 = arith.constant 0 : i32
        %dma_wait3A_212 = tpu.memref_slice %arg3[%add3A_5, %dma_wait3A_211] : memref<1250x128xi32, #tpu.memory_space<hbm>> -> memref<40x128xi32, #tpu.memory_space<hbm>>
        %dma_wait3A_213 = arith.constant 0 : i32
        %dma_wait3A_214 = tpu.memref_slice %arg3[%add3A_5, %dma_wait3A_213] : memref<1250x128xi32, #tpu.memory_space<hbm>> -> memref<40x128xi32, #tpu.memory_space<hbm>>
        tpu.wait_dma2 semaphore(%run_scoped3A : memref<!tpu.dma_semaphore, #tpu.memory_space<semaphore_mem>>) src(%dma_wait3A_214 : memref<40x128xi32, #tpu.memory_space<hbm>>) dst(%arg10 : memref<40x128xi32, #tpu.memory_space<vmem>>)
        tpu.yield
      }) : () -> ()
      "tpu.region"() ({
        %run_scoped3A = tpu.sem_alloc : memref<!tpu.dma_semaphore, #tpu.memory_space<semaphore_mem>>
        %dma_start3A_207 = arith.constant 0 : i32
        %dma_start3A_208 = tpu.memref_slice %arg4[%add3A_5, %dma_start3A_207] : memref<1250x128xi32, #tpu.memory_space<hbm>> -> memref<40x128xi32, #tpu.memory_space<hbm>>
        %dma_start3A_209 = arith.constant 0 : i32
        %dma_start3A_210 = tpu.memref_slice %arg4[%add3A_5, %dma_start3A_209] : memref<1250x128xi32, #tpu.memory_space<hbm>> -> memref<40x128xi32, #tpu.memory_space<hbm>>
        tpu.enqueue_dma source(%dma_start3A_210 : memref<40x128xi32, #tpu.memory_space<hbm>>) target(%arg11 : memref<40x128xi32, #tpu.memory_space<vmem>>) target_semaphore(%run_scoped3A : memref<!tpu.dma_semaphore, #tpu.memory_space<semaphore_mem>>)
        %dma_wait3A_211 = arith.constant 0 : i32
        %dma_wait3A_212 = tpu.memref_slice %arg4[%add3A_5, %dma_wait3A_211] : memref<1250x128xi32, #tpu.memory_space<hbm>> -> memref<40x128xi32, #tpu.memory_space<hbm>>
        %dma_wait3A_213 = arith.constant 0 : i32
        %dma_wait3A_214 = tpu.memref_slice %arg4[%add3A_5, %dma_wait3A_213] : memref<1250x128xi32, #tpu.memory_space<hbm>> -> memref<40x128xi32, #tpu.memory_space<hbm>>
        tpu.wait_dma2 semaphore(%run_scoped3A : memref<!tpu.dma_semaphore, #tpu.memory_space<semaphore_mem>>) src(%dma_wait3A_214 : memref<40x128xi32, #tpu.memory_space<hbm>>) dst(%arg11 : memref<40x128xi32, #tpu.memory_space<vmem>>)
        tpu.yield
      }) : () -> ()
    } else {
    }
    %add3A_10 = arith.constant 40 : i32
    %add3A_11 = arith.addi %add3A_5, %add3A_10 : i32
    %gt3A = arith.constant 1250 : i32
    %gt3A_12 = arith.cmpi sgt, %add3A_11, %gt3A : i32
    %convert_element_type3A_13 = arith.extui %gt3A_12 : i1 to i32
    %cond3A_14 = arith.constant 0 : i32
    %cond3A_15 = arith.cmpi ne, %convert_element_type3A_13, %cond3A_14 : i32
    scf.if %cond3A_15 {
      "tpu.region"() ({
        %run_scoped3A = tpu.sem_alloc : memref<!tpu.dma_semaphore, #tpu.memory_space<semaphore_mem>>
        tpu.enqueue_dma source(%arg5 : memref<40x128xi32, #tpu.memory_space<hbm>>) target(%arg10 : memref<40x128xi32, #tpu.memory_space<vmem>>) target_semaphore(%run_scoped3A : memref<!tpu.dma_semaphore, #tpu.memory_space<semaphore_mem>>)
        tpu.wait_dma2 semaphore(%run_scoped3A : memref<!tpu.dma_semaphore, #tpu.memory_space<semaphore_mem>>) src(%arg5 : memref<40x128xi32, #tpu.memory_space<hbm>>) dst(%arg10 : memref<40x128xi32, #tpu.memory_space<vmem>>)
        tpu.yield
      }) : () -> ()
      "tpu.region"() ({
        %run_scoped3A = tpu.sem_alloc : memref<!tpu.dma_semaphore, #tpu.memory_space<semaphore_mem>>
        tpu.enqueue_dma source(%arg6 : memref<40x128xi32, #tpu.memory_space<hbm>>) target(%arg11 : memref<40x128xi32, #tpu.memory_space<vmem>>) target_semaphore(%run_scoped3A : memref<!tpu.dma_semaphore, #tpu.memory_space<semaphore_mem>>)
        tpu.wait_dma2 semaphore(%run_scoped3A : memref<!tpu.dma_semaphore, #tpu.memory_space<semaphore_mem>>) src(%arg6 : memref<40x128xi32, #tpu.memory_space<hbm>>) dst(%arg11 : memref<40x128xi32, #tpu.memory_space<vmem>>)
        tpu.yield
      }) : () -> ()
    } else {
    }
    %mul3A_16 = arith.constant 128 : i32
    %mul3A_17 = arith.muli %arg0, %mul3A_16 : i32
    %dma_start3A = arith.constant 0 : i32
    %dma_start3A_18 = arith.constant 0 : i32
    %dma_start3A_19 = arith.constant 0 : i32
    %dma_start3A_20 = arith.constant 0 : i32
    %dma_start3A_21 = tpu.memref_slice %arg12[%dma_start3A_18, %dma_start3A_19, %dma_start3A_20] : memref<2x128x128xf32, #tpu.memory_space<vmem>> -> memref<1x32x128xf32, #tpu.memory_space<vmem>>
    %dma_start3A_22 = tpu.memref_squeeze %dma_start3A_21 : memref<1x32x128xf32, #tpu.memory_space<vmem>> -> memref<32x128xf32, #tpu.memory_space<vmem>>
    %dma_start3A_23 = arith.constant 0 : i32
    %dma_start3A_24 = tpu.memref_slice %arg10[%dma_start3A, %dma_start3A_23] : memref<40x128xi32, #tpu.memory_space<vmem>> -> memref<1x32xi32, #tpu.memory_space<vmem>>
    %dma_start3A_25 = tpu.memref_squeeze %dma_start3A_24 : memref<1x32xi32, #tpu.memory_space<vmem>> -> memref<32xi32, #tpu.memory_space<vmem>>
    %dma_start3A_26 = arith.constant 0 : i32
    %dma_start3A_27 = tpu.memref_slice %arg2[%dma_start3A_26, %mul3A_17] : memref<10000x256xf32, #tpu.memory_space<hbm>> -> memref<10000x128xf32, #tpu.memory_space<hbm>>
    tpu.enqueue_indirect_dma source(%dma_start3A_27 : memref<10000x128xf32, #tpu.memory_space<hbm>>) target(%dma_start3A_22 : memref<32x128xf32, #tpu.memory_space<vmem>>) offsets(%dma_start3A_25 : memref<32xi32, #tpu.memory_space<vmem>>) semaphore(%arg13 : memref<!tpu.dma_semaphore, #tpu.memory_space<semaphore_mem>>)
    %mul3A_28 = arith.constant 128 : i32
    %mul3A_29 = arith.muli %arg0, %mul3A_28 : i32
    %dma_start3A_30 = arith.constant 0 : i32
    %dma_start3A_31 = arith.constant 0 : i32
    %dma_start3A_32 = arith.constant 32 : i32
    %dma_start3A_33 = arith.constant 0 : i32
    %dma_start3A_34 = tpu.memref_slice %arg12[%dma_start3A_31, %dma_start3A_32, %dma_start3A_33] : memref<2x128x128xf32, #tpu.memory_space<vmem>> -> memref<1x32x128xf32, #tpu.memory_space<vmem>>
    %dma_start3A_35 = tpu.memref_squeeze %dma_start3A_34 : memref<1x32x128xf32, #tpu.memory_space<vmem>> -> memref<32x128xf32, #tpu.memory_space<vmem>>
    %dma_start3A_36 = arith.constant 32 : i32
    %dma_start3A_37 = tpu.memref_slice %arg10[%dma_start3A_30, %dma_start3A_36] : memref<40x128xi32, #tpu.memory_space<vmem>> -> memref<1x32xi32, #tpu.memory_space<vmem>>
    %dma_start3A_38 = tpu.memref_squeeze %dma_start3A_37 : memref<1x32xi32, #tpu.memory_space<vmem>> -> memref<32xi32, #tpu.memory_space<vmem>>
    %dma_start3A_39 = arith.constant 0 : i32
    %dma_start3A_40 = tpu.memref_slice %arg2[%dma_start3A_39, %mul3A_29] : memref<10000x256xf32, #tpu.memory_space<hbm>> -> memref<10000x128xf32, #tpu.memory_space<hbm>>
    tpu.enqueue_indirect_dma source(%dma_start3A_40 : memref<10000x128xf32, #tpu.memory_space<hbm>>) target(%dma_start3A_35 : memref<32x128xf32, #tpu.memory_space<vmem>>) offsets(%dma_start3A_38 : memref<32xi32, #tpu.memory_space<vmem>>) semaphore(%arg14 : memref<!tpu.dma_semaphore, #tpu.memory_space<semaphore_mem>>)
    %mul3A_41 = arith.constant 128 : i32
    %mul3A_42 = arith.muli %arg0, %mul3A_41 : i32
    %dma_start3A_43 = arith.constant 0 : i32
    %dma_start3A_44 = arith.constant 0 : i32
    %dma_start3A_45 = arith.constant 64 : i32
    %dma_start3A_46 = arith.constant 0 : i32
    %dma_start3A_47 = tpu.memref_slice %arg12[%dma_start3A_44, %dma_start3A_45, %dma_start3A_46] : memref<2x128x128xf32, #tpu.memory_space<vmem>> -> memref<1x32x128xf32, #tpu.memory_space<vmem>>
    %dma_start3A_48 = tpu.memref_squeeze %dma_start3A_47 : memref<1x32x128xf32, #tpu.memory_space<vmem>> -> memref<32x128xf32, #tpu.memory_space<vmem>>
    %dma_start3A_49 = arith.constant 64 : i32
    %dma_start3A_50 = tpu.memref_slice %arg10[%dma_start3A_43, %dma_start3A_49] : memref<40x128xi32, #tpu.memory_space<vmem>> -> memref<1x32xi32, #tpu.memory_space<vmem>>
    %dma_start3A_51 = tpu.memref_squeeze %dma_start3A_50 : memref<1x32xi32, #tpu.memory_space<vmem>> -> memref<32xi32, #tpu.memory_space<vmem>>
    %dma_start3A_52 = arith.constant 0 : i32
    %dma_start3A_53 = tpu.memref_slice %arg2[%dma_start3A_52, %mul3A_42] : memref<10000x256xf32, #tpu.memory_space<hbm>> -> memref<10000x128xf32, #tpu.memory_space<hbm>>
    tpu.enqueue_indirect_dma source(%dma_start3A_53 : memref<10000x128xf32, #tpu.memory_space<hbm>>) target(%dma_start3A_48 : memref<32x128xf32, #tpu.memory_space<vmem>>) offsets(%dma_start3A_51 : memref<32xi32, #tpu.memory_space<vmem>>) semaphore(%arg15 : memref<!tpu.dma_semaphore, #tpu.memory_space<semaphore_mem>>)
    %mul3A_54 = arith.constant 128 : i32
    %mul3A_55 = arith.muli %arg0, %mul3A_54 : i32
    %dma_start3A_56 = arith.constant 0 : i32
    %dma_start3A_57 = arith.constant 0 : i32
    %dma_start3A_58 = arith.constant 96 : i32
    %dma_start3A_59 = arith.constant 0 : i32
    %dma_start3A_60 = tpu.memref_slice %arg12[%dma_start3A_57, %dma_start3A_58, %dma_start3A_59] : memref<2x128x128xf32, #tpu.memory_space<vmem>> -> memref<1x32x128xf32, #tpu.memory_space<vmem>>
    %dma_start3A_61 = tpu.memref_squeeze %dma_start3A_60 : memref<1x32x128xf32, #tpu.memory_space<vmem>> -> memref<32x128xf32, #tpu.memory_space<vmem>>
    %dma_start3A_62 = arith.constant 96 : i32
    %dma_start3A_63 = tpu.memref_slice %arg10[%dma_start3A_56, %dma_start3A_62] : memref<40x128xi32, #tpu.memory_space<vmem>> -> memref<1x32xi32, #tpu.memory_space<vmem>>
    %dma_start3A_64 = tpu.memref_squeeze %dma_start3A_63 : memref<1x32xi32, #tpu.memory_space<vmem>> -> memref<32xi32, #tpu.memory_space<vmem>>
    %dma_start3A_65 = arith.constant 0 : i32
    %dma_start3A_66 = tpu.memref_slice %arg2[%dma_start3A_65, %mul3A_55] : memref<10000x256xf32, #tpu.memory_space<hbm>> -> memref<10000x128xf32, #tpu.memory_space<hbm>>
    tpu.enqueue_indirect_dma source(%dma_start3A_66 : memref<10000x128xf32, #tpu.memory_space<hbm>>) target(%dma_start3A_61 : memref<32x128xf32, #tpu.memory_space<vmem>>) offsets(%dma_start3A_64 : memref<32xi32, #tpu.memory_space<vmem>>) semaphore(%arg16 : memref<!tpu.dma_semaphore, #tpu.memory_space<semaphore_mem>>)
    %scan3A = arith.constant 0 : i32
    %scan3A_67 = arith.constant 0 : i32
    %scan3A_68 = arith.constant 20 : i32
    %scan3A_69 = arith.addi %scan3A_67, %scan3A_68 : i32
    %scan3A_70 = arith.constant 1 : i32
    scf.for %scan3A_207 = %scan3A_67 to %scan3A_69 step %scan3A_70  : i32 {
      %mul3A_208 = arith.constant 2 : i32
      %mul3A_209 = arith.muli %scan3A_207, %mul3A_208 : i32
      %add3A_210 = arith.constant 0 : i32
      %add3A_211 = arith.addi %mul3A_209, %add3A_210 : i32
      %add3A_212 = arith.constant 1 : i32
      %add3A_213 = arith.addi %add3A_211, %add3A_212 : i32
      %lt3A = arith.constant 40 : i32
      %lt3A_214 = arith.cmpi slt, %add3A_213, %lt3A : i32
      %convert_element_type3A_215 = arith.extui %lt3A_214 : i1 to i32
      %cond3A_216 = arith.constant 0 : i32
      %cond3A_217 = arith.cmpi ne, %convert_element_type3A_215, %cond3A_216 : i32
      scf.if %cond3A_217 {
        %ge3A = arith.constant 1 : i32
        %ge3A_347 = arith.cmpi sge, %add3A_211, %ge3A : i32
        %convert_element_type3A_348 = arith.extui %ge3A_347 : i1 to i32
        %cond3A_349 = arith.constant 0 : i32
        %cond3A_350 = arith.cmpi ne, %convert_element_type3A_348, %cond3A_349 : i32
        scf.if %cond3A_350 {
          %sub3A = arith.constant 1 : i32
          %sub3A_401 = arith.subi %add3A_211, %sub3A : i32
          %dma_wait3A_402 = arith.constant 1 : i32
          %dma_wait3A_403 = arith.constant 0 : i32
          %dma_wait3A_404 = arith.constant 0 : i32
          %dma_wait3A_405 = tpu.memref_slice %arg12[%dma_wait3A_402, %dma_wait3A_403, %dma_wait3A_404] : memref<2x128x128xf32, #tpu.memory_space<vmem>> -> memref<1x128x128xf32, #tpu.memory_space<vmem>>
          %dma_wait3A_406 = tpu.memref_squeeze %dma_wait3A_405 : memref<1x128x128xf32, #tpu.memory_space<vmem>> -> memref<128x128xf32, #tpu.memory_space<vmem>>
          %dma_wait3A_407 = arith.constant 0 : i32
          %dma_wait3A_408 = tpu.memref_slice %arg11[%sub3A_401, %dma_wait3A_407] : memref<40x128xi32, #tpu.memory_space<vmem>> -> memref<1x128xi32, #tpu.memory_space<vmem>>
          %dma_wait3A_409 = tpu.memref_squeeze %dma_wait3A_408 : memref<1x128xi32, #tpu.memory_space<vmem>> -> memref<128xi32, #tpu.memory_space<vmem>>
          %dma_wait3A_410 = arith.constant 0 : i32
          %dma_wait3A_411 = arith.constant 0 : i32
          %dma_wait3A_412 = tpu.memref_slice %arg9[%dma_wait3A_410, %dma_wait3A_411] : memref<10112x128xf32, #tpu.memory_space<vmem_shared>> -> memref<10112x128xf32, #tpu.memory_space<vmem_shared>>
          tpu.wait_indirect_dma semaphore(%arg22 : memref<!tpu.dma_semaphore, #tpu.memory_space<semaphore_mem>>) src(%dma_wait3A_406 : memref<128x128xf32, #tpu.memory_space<vmem>>) dst(%dma_wait3A_412 : memref<10112x128xf32, #tpu.memory_space<vmem_shared>>)
        } else {
        }
        %add3A_351 = arith.constant 1 : i32
        %add3A_352 = arith.addi %add3A_211, %add3A_351 : i32
        %mul3A_353 = arith.constant 128 : i32
        %mul3A_354 = arith.muli %arg0, %mul3A_353 : i32
        %dma_start3A_355 = arith.constant 1 : i32
        %dma_start3A_356 = arith.constant 0 : i32
        %dma_start3A_357 = arith.constant 0 : i32
        %dma_start3A_358 = tpu.memref_slice %arg12[%dma_start3A_355, %dma_start3A_356, %dma_start3A_357] : memref<2x128x128xf32, #tpu.memory_space<vmem>> -> memref<1x32x128xf32, #tpu.memory_space<vmem>>
        %dma_start3A_359 = tpu.memref_squeeze %dma_start3A_358 : memref<1x32x128xf32, #tpu.memory_space<vmem>> -> memref<32x128xf32, #tpu.memory_space<vmem>>
        %dma_start3A_360 = arith.constant 0 : i32
        %dma_start3A_361 = tpu.memref_slice %arg10[%add3A_352, %dma_start3A_360] : memref<40x128xi32, #tpu.memory_space<vmem>> -> memref<1x32xi32, #tpu.memory_space<vmem>>
        %dma_start3A_362 = tpu.memref_squeeze %dma_start3A_361 : memref<1x32xi32, #tpu.memory_space<vmem>> -> memref<32xi32, #tpu.memory_space<vmem>>
        %dma_start3A_363 = arith.constant 0 : i32
        %dma_start3A_364 = tpu.memref_slice %arg2[%dma_start3A_363, %mul3A_354] : memref<10000x256xf32, #tpu.memory_space<hbm>> -> memref<10000x128xf32, #tpu.memory_space<hbm>>
        tpu.enqueue_indirect_dma source(%dma_start3A_364 : memref<10000x128xf32, #tpu.memory_space<hbm>>) target(%dma_start3A_359 : memref<32x128xf32, #tpu.memory_space<vmem>>) offsets(%dma_start3A_362 : memref<32xi32, #tpu.memory_space<vmem>>) semaphore(%arg17 : memref<!tpu.dma_semaphore, #tpu.memory_space<semaphore_mem>>)
        %mul3A_365 = arith.constant 128 : i32
        %mul3A_366 = arith.muli %arg0, %mul3A_365 : i32
        %dma_start3A_367 = arith.constant 1 : i32
        %dma_start3A_368 = arith.constant 32 : i32
        %dma_start3A_369 = arith.constant 0 : i32
        %dma_start3A_370 = tpu.memref_slice %arg12[%dma_start3A_367, %dma_start3A_368, %dma_start3A_369] : memref<2x128x128xf32, #tpu.memory_space<vmem>> -> memref<1x32x128xf32, #tpu.memory_space<vmem>>
        %dma_start3A_371 = tpu.memref_squeeze %dma_start3A_370 : memref<1x32x128xf32, #tpu.memory_space<vmem>> -> memref<32x128xf32, #tpu.memory_space<vmem>>
        %dma_start3A_372 = arith.constant 32 : i32
        %dma_start3A_373 = tpu.memref_slice %arg10[%add3A_352, %dma_start3A_372] : memref<40x128xi32, #tpu.memory_space<vmem>> -> memref<1x32xi32, #tpu.memory_space<vmem>>
        %dma_start3A_374 = tpu.memref_squeeze %dma_start3A_373 : memref<1x32xi32, #tpu.memory_space<vmem>> -> memref<32xi32, #tpu.memory_space<vmem>>
        %dma_start3A_375 = arith.constant 0 : i32
        %dma_start3A_376 = tpu.memref_slice %arg2[%dma_start3A_375, %mul3A_366] : memref<10000x256xf32, #tpu.memory_space<hbm>> -> memref<10000x128xf32, #tpu.memory_space<hbm>>
        tpu.enqueue_indirect_dma source(%dma_start3A_376 : memref<10000x128xf32, #tpu.memory_space<hbm>>) target(%dma_start3A_371 : memref<32x128xf32, #tpu.memory_space<vmem>>) offsets(%dma_start3A_374 : memref<32xi32, #tpu.memory_space<vmem>>) semaphore(%arg18 : memref<!tpu.dma_semaphore, #tpu.memory_space<semaphore_mem>>)
        %mul3A_377 = arith.constant 128 : i32
        %mul3A_378 = arith.muli %arg0, %mul3A_377 : i32
        %dma_start3A_379 = arith.constant 1 : i32
        %dma_start3A_380 = arith.constant 64 : i32
        %dma_start3A_381 = arith.constant 0 : i32
        %dma_start3A_382 = tpu.memref_slice %arg12[%dma_start3A_379, %dma_start3A_380, %dma_start3A_381] : memref<2x128x128xf32, #tpu.memory_space<vmem>> -> memref<1x32x128xf32, #tpu.memory_space<vmem>>
        %dma_start3A_383 = tpu.memref_squeeze %dma_start3A_382 : memref<1x32x128xf32, #tpu.memory_space<vmem>> -> memref<32x128xf32, #tpu.memory_space<vmem>>
        %dma_start3A_384 = arith.constant 64 : i32
        %dma_start3A_385 = tpu.memref_slice %arg10[%add3A_352, %dma_start3A_384] : memref<40x128xi32, #tpu.memory_space<vmem>> -> memref<1x32xi32, #tpu.memory_space<vmem>>
        %dma_start3A_386 = tpu.memref_squeeze %dma_start3A_385 : memref<1x32xi32, #tpu.memory_space<vmem>> -> memref<32xi32, #tpu.memory_space<vmem>>
        %dma_start3A_387 = arith.constant 0 : i32
        %dma_start3A_388 = tpu.memref_slice %arg2[%dma_start3A_387, %mul3A_378] : memref<10000x256xf32, #tpu.memory_space<hbm>> -> memref<10000x128xf32, #tpu.memory_space<hbm>>
        tpu.enqueue_indirect_dma source(%dma_start3A_388 : memref<10000x128xf32, #tpu.memory_space<hbm>>) target(%dma_start3A_383 : memref<32x128xf32, #tpu.memory_space<vmem>>) offsets(%dma_start3A_386 : memref<32xi32, #tpu.memory_space<vmem>>) semaphore(%arg19 : memref<!tpu.dma_semaphore, #tpu.memory_space<semaphore_mem>>)
        %mul3A_389 = arith.constant 128 : i32
        %mul3A_390 = arith.muli %arg0, %mul3A_389 : i32
        %dma_start3A_391 = arith.constant 1 : i32
        %dma_start3A_392 = arith.constant 96 : i32
        %dma_start3A_393 = arith.constant 0 : i32
        %dma_start3A_394 = tpu.memref_slice %arg12[%dma_start3A_391, %dma_start3A_392, %dma_start3A_393] : memref<2x128x128xf32, #tpu.memory_space<vmem>> -> memref<1x32x128xf32, #tpu.memory_space<vmem>>
        %dma_start3A_395 = tpu.memref_squeeze %dma_start3A_394 : memref<1x32x128xf32, #tpu.memory_space<vmem>> -> memref<32x128xf32, #tpu.memory_space<vmem>>
        %dma_start3A_396 = arith.constant 96 : i32
        %dma_start3A_397 = tpu.memref_slice %arg10[%add3A_352, %dma_start3A_396] : memref<40x128xi32, #tpu.memory_space<vmem>> -> memref<1x32xi32, #tpu.memory_space<vmem>>
        %dma_start3A_398 = tpu.memref_squeeze %dma_start3A_397 : memref<1x32xi32, #tpu.memory_space<vmem>> -> memref<32xi32, #tpu.memory_space<vmem>>
        %dma_start3A_399 = arith.constant 0 : i32
        %dma_start3A_400 = tpu.memref_slice %arg2[%dma_start3A_399, %mul3A_390] : memref<10000x256xf32, #tpu.memory_space<hbm>> -> memref<10000x128xf32, #tpu.memory_space<hbm>>
        tpu.enqueue_indirect_dma source(%dma_start3A_400 : memref<10000x128xf32, #tpu.memory_space<hbm>>) target(%dma_start3A_395 : memref<32x128xf32, #tpu.memory_space<vmem>>) offsets(%dma_start3A_398 : memref<32xi32, #tpu.memory_space<vmem>>) semaphore(%arg20 : memref<!tpu.dma_semaphore, #tpu.memory_space<semaphore_mem>>)
      } else {
      }
      %mul3A_218 = arith.constant 128 : i32
      %mul3A_219 = arith.muli %arg0, %mul3A_218 : i32
      %dma_wait3A_220 = arith.constant 0 : i32
      %dma_wait3A_221 = arith.constant 0 : i32
      %dma_wait3A_222 = arith.constant 0 : i32
      %dma_wait3A_223 = tpu.memref_slice %arg12[%dma_wait3A_220, %dma_wait3A_221, %dma_wait3A_222] : memref<2x128x128xf32, #tpu.memory_space<vmem>> -> memref<1x32x128xf32, #tpu.memory_space<vmem>>
      %dma_wait3A_224 = tpu.memref_squeeze %dma_wait3A_223 : memref<1x32x128xf32, #tpu.memory_space<vmem>> -> memref<32x128xf32, #tpu.memory_space<vmem>>
      %dma_wait3A_225 = arith.constant 0 : i32
      %dma_wait3A_226 = tpu.memref_slice %arg10[%add3A_211, %dma_wait3A_225] : memref<40x128xi32, #tpu.memory_space<vmem>> -> memref<1x32xi32, #tpu.memory_space<vmem>>
      %dma_wait3A_227 = tpu.memref_squeeze %dma_wait3A_226 : memref<1x32xi32, #tpu.memory_space<vmem>> -> memref<32xi32, #tpu.memory_space<vmem>>
      %dma_wait3A_228 = arith.constant 0 : i32
      %dma_wait3A_229 = tpu.memref_slice %arg2[%dma_wait3A_228, %mul3A_219] : memref<10000x256xf32, #tpu.memory_space<hbm>> -> memref<10000x128xf32, #tpu.memory_space<hbm>>
      tpu.wait_indirect_dma semaphore(%arg13 : memref<!tpu.dma_semaphore, #tpu.memory_space<semaphore_mem>>) src(%dma_wait3A_229 : memref<10000x128xf32, #tpu.memory_space<hbm>>) dst(%dma_wait3A_224 : memref<32x128xf32, #tpu.memory_space<vmem>>)
      %mul3A_230 = arith.constant 128 : i32
      %mul3A_231 = arith.muli %arg0, %mul3A_230 : i32
      %dma_wait3A_232 = arith.constant 0 : i32
      %dma_wait3A_233 = arith.constant 32 : i32
      %dma_wait3A_234 = arith.constant 0 : i32
      %dma_wait3A_235 = tpu.memref_slice %arg12[%dma_wait3A_232, %dma_wait3A_233, %dma_wait3A_234] : memref<2x128x128xf32, #tpu.memory_space<vmem>> -> memref<1x32x128xf32, #tpu.memory_space<vmem>>
      %dma_wait3A_236 = tpu.memref_squeeze %dma_wait3A_235 : memref<1x32x128xf32, #tpu.memory_space<vmem>> -> memref<32x128xf32, #tpu.memory_space<vmem>>
      %dma_wait3A_237 = arith.constant 32 : i32
      %dma_wait3A_238 = tpu.memref_slice %arg10[%add3A_211, %dma_wait3A_237] : memref<40x128xi32, #tpu.memory_space<vmem>> -> memref<1x32xi32, #tpu.memory_space<vmem>>
      %dma_wait3A_239 = tpu.memref_squeeze %dma_wait3A_238 : memref<1x32xi32, #tpu.memory_space<vmem>> -> memref<32xi32, #tpu.memory_space<vmem>>
      %dma_wait3A_240 = arith.constant 0 : i32
      %dma_wait3A_241 = tpu.memref_slice %arg2[%dma_wait3A_240, %mul3A_231] : memref<10000x256xf32, #tpu.memory_space<hbm>> -> memref<10000x128xf32, #tpu.memory_space<hbm>>
      tpu.wait_indirect_dma semaphore(%arg14 : memref<!tpu.dma_semaphore, #tpu.memory_space<semaphore_mem>>) src(%dma_wait3A_241 : memref<10000x128xf32, #tpu.memory_space<hbm>>) dst(%dma_wait3A_236 : memref<32x128xf32, #tpu.memory_space<vmem>>)
      %mul3A_242 = arith.constant 128 : i32
      %mul3A_243 = arith.muli %arg0, %mul3A_242 : i32
      %dma_wait3A_244 = arith.constant 0 : i32
      %dma_wait3A_245 = arith.constant 64 : i32
      %dma_wait3A_246 = arith.constant 0 : i32
      %dma_wait3A_247 = tpu.memref_slice %arg12[%dma_wait3A_244, %dma_wait3A_245, %dma_wait3A_246] : memref<2x128x128xf32, #tpu.memory_space<vmem>> -> memref<1x32x128xf32, #tpu.memory_space<vmem>>
      %dma_wait3A_248 = tpu.memref_squeeze %dma_wait3A_247 : memref<1x32x128xf32, #tpu.memory_space<vmem>> -> memref<32x128xf32, #tpu.memory_space<vmem>>
      %dma_wait3A_249 = arith.constant 64 : i32
      %dma_wait3A_250 = tpu.memref_slice %arg10[%add3A_211, %dma_wait3A_249] : memref<40x128xi32, #tpu.memory_space<vmem>> -> memref<1x32xi32, #tpu.memory_space<vmem>>
      %dma_wait3A_251 = tpu.memref_squeeze %dma_wait3A_250 : memref<1x32xi32, #tpu.memory_space<vmem>> -> memref<32xi32, #tpu.memory_space<vmem>>
      %dma_wait3A_252 = arith.constant 0 : i32
      %dma_wait3A_253 = tpu.memref_slice %arg2[%dma_wait3A_252, %mul3A_243] : memref<10000x256xf32, #tpu.memory_space<hbm>> -> memref<10000x128xf32, #tpu.memory_space<hbm>>
      tpu.wait_indirect_dma semaphore(%arg15 : memref<!tpu.dma_semaphore, #tpu.memory_space<semaphore_mem>>) src(%dma_wait3A_253 : memref<10000x128xf32, #tpu.memory_space<hbm>>) dst(%dma_wait3A_248 : memref<32x128xf32, #tpu.memory_space<vmem>>)
      %mul3A_254 = arith.constant 128 : i32
      %mul3A_255 = arith.muli %arg0, %mul3A_254 : i32
      %dma_wait3A_256 = arith.constant 0 : i32
      %dma_wait3A_257 = arith.constant 96 : i32
      %dma_wait3A_258 = arith.constant 0 : i32
      %dma_wait3A_259 = tpu.memref_slice %arg12[%dma_wait3A_256, %dma_wait3A_257, %dma_wait3A_258] : memref<2x128x128xf32, #tpu.memory_space<vmem>> -> memref<1x32x128xf32, #tpu.memory_space<vmem>>
      %dma_wait3A_260 = tpu.memref_squeeze %dma_wait3A_259 : memref<1x32x128xf32, #tpu.memory_space<vmem>> -> memref<32x128xf32, #tpu.memory_space<vmem>>
      %dma_wait3A_261 = arith.constant 96 : i32
      %dma_wait3A_262 = tpu.memref_slice %arg10[%add3A_211, %dma_wait3A_261] : memref<40x128xi32, #tpu.memory_space<vmem>> -> memref<1x32xi32, #tpu.memory_space<vmem>>
      %dma_wait3A_263 = tpu.memref_squeeze %dma_wait3A_262 : memref<1x32xi32, #tpu.memory_space<vmem>> -> memref<32xi32, #tpu.memory_space<vmem>>
      %dma_wait3A_264 = arith.constant 0 : i32
      %dma_wait3A_265 = tpu.memref_slice %arg2[%dma_wait3A_264, %mul3A_255] : memref<10000x256xf32, #tpu.memory_space<hbm>> -> memref<10000x128xf32, #tpu.memory_space<hbm>>
      tpu.wait_indirect_dma semaphore(%arg16 : memref<!tpu.dma_semaphore, #tpu.memory_space<semaphore_mem>>) src(%dma_wait3A_265 : memref<10000x128xf32, #tpu.memory_space<hbm>>) dst(%dma_wait3A_260 : memref<32x128xf32, #tpu.memory_space<vmem>>)
      %dma_start3A_266 = arith.constant 0 : i32
      %dma_start3A_267 = arith.constant 0 : i32
      %dma_start3A_268 = arith.constant 0 : i32
      %dma_start3A_269 = tpu.memref_slice %arg12[%dma_start3A_266, %dma_start3A_267, %dma_start3A_268] : memref<2x128x128xf32, #tpu.memory_space<vmem>> -> memref<1x128x128xf32, #tpu.memory_space<vmem>>
      %dma_start3A_270 = tpu.memref_squeeze %dma_start3A_269 : memref<1x128x128xf32, #tpu.memory_space<vmem>> -> memref<128x128xf32, #tpu.memory_space<vmem>>
      %dma_start3A_271 = arith.constant 0 : i32
      %dma_start3A_272 = tpu.memref_slice %arg11[%add3A_211, %dma_start3A_271] : memref<40x128xi32, #tpu.memory_space<vmem>> -> memref<1x128xi32, #tpu.memory_space<vmem>>
      %dma_start3A_273 = tpu.memref_squeeze %dma_start3A_272 : memref<1x128xi32, #tpu.memory_space<vmem>> -> memref<128xi32, #tpu.memory_space<vmem>>
      %dma_start3A_274 = arith.constant 0 : i32
      %dma_start3A_275 = arith.constant 0 : i32
      %dma_start3A_276 = tpu.memref_slice %arg9[%dma_start3A_274, %dma_start3A_275] : memref<10112x128xf32, #tpu.memory_space<vmem_shared>> -> memref<10112x128xf32, #tpu.memory_space<vmem_shared>>
      tpu.enqueue_indirect_dma source(%dma_start3A_270 : memref<128x128xf32, #tpu.memory_space<vmem>>) target(%dma_start3A_276 : memref<10112x128xf32, #tpu.memory_space<vmem_shared>>) offsets(%dma_start3A_273 : memref<128xi32, #tpu.memory_space<vmem>>) semaphore(%arg21 : memref<!tpu.dma_semaphore, #tpu.memory_space<semaphore_mem>>) {add = true}
      %mul3A_277 = arith.constant 2 : i32
      %mul3A_278 = arith.muli %scan3A_207, %mul3A_277 : i32
      %add3A_279 = arith.constant 1 : i32
      %add3A_280 = arith.addi %mul3A_278, %add3A_279 : i32
      %add3A_281 = arith.constant 1 : i32
      %add3A_282 = arith.addi %add3A_280, %add3A_281 : i32
      %lt3A_283 = arith.constant 40 : i32
      %lt3A_284 = arith.cmpi slt, %add3A_282, %lt3A_283 : i32
      %convert_element_type3A_285 = arith.extui %lt3A_284 : i1 to i32
      %cond3A_286 = arith.constant 0 : i32
      %cond3A_287 = arith.cmpi ne, %convert_element_type3A_285, %cond3A_286 : i32
      scf.if %cond3A_287 {
        %ge3A = arith.constant 1 : i32
        %ge3A_347 = arith.cmpi sge, %add3A_280, %ge3A : i32
        %convert_element_type3A_348 = arith.extui %ge3A_347 : i1 to i32
        %cond3A_349 = arith.constant 0 : i32
        %cond3A_350 = arith.cmpi ne, %convert_element_type3A_348, %cond3A_349 : i32
        scf.if %cond3A_350 {
          %sub3A = arith.constant 1 : i32
          %sub3A_401 = arith.subi %add3A_280, %sub3A : i32
          %dma_wait3A_402 = arith.constant 0 : i32
          %dma_wait3A_403 = arith.constant 0 : i32
          %dma_wait3A_404 = arith.constant 0 : i32
          %dma_wait3A_405 = tpu.memref_slice %arg12[%dma_wait3A_402, %dma_wait3A_403, %dma_wait3A_404] : memref<2x128x128xf32, #tpu.memory_space<vmem>> -> memref<1x128x128xf32, #tpu.memory_space<vmem>>
          %dma_wait3A_406 = tpu.memref_squeeze %dma_wait3A_405 : memref<1x128x128xf32, #tpu.memory_space<vmem>> -> memref<128x128xf32, #tpu.memory_space<vmem>>
          %dma_wait3A_407 = arith.constant 0 : i32
          %dma_wait3A_408 = tpu.memref_slice %arg11[%sub3A_401, %dma_wait3A_407] : memref<40x128xi32, #tpu.memory_space<vmem>> -> memref<1x128xi32, #tpu.memory_space<vmem>>
          %dma_wait3A_409 = tpu.memref_squeeze %dma_wait3A_408 : memref<1x128xi32, #tpu.memory_space<vmem>> -> memref<128xi32, #tpu.memory_space<vmem>>
          %dma_wait3A_410 = arith.constant 0 : i32
          %dma_wait3A_411 = arith.constant 0 : i32
          %dma_wait3A_412 = tpu.memref_slice %arg9[%dma_wait3A_410, %dma_wait3A_411] : memref<10112x128xf32, #tpu.memory_space<vmem_shared>> -> memref<10112x128xf32, #tpu.memory_space<vmem_shared>>
          tpu.wait_indirect_dma semaphore(%arg21 : memref<!tpu.dma_semaphore, #tpu.memory_space<semaphore_mem>>) src(%dma_wait3A_406 : memref<128x128xf32, #tpu.memory_space<vmem>>) dst(%dma_wait3A_412 : memref<10112x128xf32, #tpu.memory_space<vmem_shared>>)
        } else {
        }
        %add3A_351 = arith.constant 1 : i32
        %add3A_352 = arith.addi %add3A_280, %add3A_351 : i32
        %mul3A_353 = arith.constant 128 : i32
        %mul3A_354 = arith.muli %arg0, %mul3A_353 : i32
        %dma_start3A_355 = arith.constant 0 : i32
        %dma_start3A_356 = arith.constant 0 : i32
        %dma_start3A_357 = arith.constant 0 : i32
        %dma_start3A_358 = tpu.memref_slice %arg12[%dma_start3A_355, %dma_start3A_356, %dma_start3A_357] : memref<2x128x128xf32, #tpu.memory_space<vmem>> -> memref<1x32x128xf32, #tpu.memory_space<vmem>>
        %dma_start3A_359 = tpu.memref_squeeze %dma_start3A_358 : memref<1x32x128xf32, #tpu.memory_space<vmem>> -> memref<32x128xf32, #tpu.memory_space<vmem>>
        %dma_start3A_360 = arith.constant 0 : i32
        %dma_start3A_361 = tpu.memref_slice %arg10[%add3A_352, %dma_start3A_360] : memref<40x128xi32, #tpu.memory_space<vmem>> -> memref<1x32xi32, #tpu.memory_space<vmem>>
        %dma_start3A_362 = tpu.memref_squeeze %dma_start3A_361 : memref<1x32xi32, #tpu.memory_space<vmem>> -> memref<32xi32, #tpu.memory_space<vmem>>
        %dma_start3A_363 = arith.constant 0 : i32
        %dma_start3A_364 = tpu.memref_slice %arg2[%dma_start3A_363, %mul3A_354] : memref<10000x256xf32, #tpu.memory_space<hbm>> -> memref<10000x128xf32, #tpu.memory_space<hbm>>
        tpu.enqueue_indirect_dma source(%dma_start3A_364 : memref<10000x128xf32, #tpu.memory_space<hbm>>) target(%dma_start3A_359 : memref<32x128xf32, #tpu.memory_space<vmem>>) offsets(%dma_start3A_362 : memref<32xi32, #tpu.memory_space<vmem>>) semaphore(%arg13 : memref<!tpu.dma_semaphore, #tpu.memory_space<semaphore_mem>>)
        %mul3A_365 = arith.constant 128 : i32
        %mul3A_366 = arith.muli %arg0, %mul3A_365 : i32
        %dma_start3A_367 = arith.constant 0 : i32
        %dma_start3A_368 = arith.constant 32 : i32
        %dma_start3A_369 = arith.constant 0 : i32
        %dma_start3A_370 = tpu.memref_slice %arg12[%dma_start3A_367, %dma_start3A_368, %dma_start3A_369] : memref<2x128x128xf32, #tpu.memory_space<vmem>> -> memref<1x32x128xf32, #tpu.memory_space<vmem>>
        %dma_start3A_371 = tpu.memref_squeeze %dma_start3A_370 : memref<1x32x128xf32, #tpu.memory_space<vmem>> -> memref<32x128xf32, #tpu.memory_space<vmem>>
        %dma_start3A_372 = arith.constant 32 : i32
        %dma_start3A_373 = tpu.memref_slice %arg10[%add3A_352, %dma_start3A_372] : memref<40x128xi32, #tpu.memory_space<vmem>> -> memref<1x32xi32, #tpu.memory_space<vmem>>
        %dma_start3A_374 = tpu.memref_squeeze %dma_start3A_373 : memref<1x32xi32, #tpu.memory_space<vmem>> -> memref<32xi32, #tpu.memory_space<vmem>>
        %dma_start3A_375 = arith.constant 0 : i32
        %dma_start3A_376 = tpu.memref_slice %arg2[%dma_start3A_375, %mul3A_366] : memref<10000x256xf32, #tpu.memory_space<hbm>> -> memref<10000x128xf32, #tpu.memory_space<hbm>>
        tpu.enqueue_indirect_dma source(%dma_start3A_376 : memref<10000x128xf32, #tpu.memory_space<hbm>>) target(%dma_start3A_371 : memref<32x128xf32, #tpu.memory_space<vmem>>) offsets(%dma_start3A_374 : memref<32xi32, #tpu.memory_space<vmem>>) semaphore(%arg14 : memref<!tpu.dma_semaphore, #tpu.memory_space<semaphore_mem>>)
        %mul3A_377 = arith.constant 128 : i32
        %mul3A_378 = arith.muli %arg0, %mul3A_377 : i32
        %dma_start3A_379 = arith.constant 0 : i32
        %dma_start3A_380 = arith.constant 64 : i32
        %dma_start3A_381 = arith.constant 0 : i32
        %dma_start3A_382 = tpu.memref_slice %arg12[%dma_start3A_379, %dma_start3A_380, %dma_start3A_381] : memref<2x128x128xf32, #tpu.memory_space<vmem>> -> memref<1x32x128xf32, #tpu.memory_space<vmem>>
        %dma_start3A_383 = tpu.memref_squeeze %dma_start3A_382 : memref<1x32x128xf32, #tpu.memory_space<vmem>> -> memref<32x128xf32, #tpu.memory_space<vmem>>
        %dma_start3A_384 = arith.constant 64 : i32
        %dma_start3A_385 = tpu.memref_slice %arg10[%add3A_352, %dma_start3A_384] : memref<40x128xi32, #tpu.memory_space<vmem>> -> memref<1x32xi32, #tpu.memory_space<vmem>>
        %dma_start3A_386 = tpu.memref_squeeze %dma_start3A_385 : memref<1x32xi32, #tpu.memory_space<vmem>> -> memref<32xi32, #tpu.memory_space<vmem>>
        %dma_start3A_387 = arith.constant 0 : i32
        %dma_start3A_388 = tpu.memref_slice %arg2[%dma_start3A_387, %mul3A_378] : memref<10000x256xf32, #tpu.memory_space<hbm>> -> memref<10000x128xf32, #tpu.memory_space<hbm>>
        tpu.enqueue_indirect_dma source(%dma_start3A_388 : memref<10000x128xf32, #tpu.memory_space<hbm>>) target(%dma_start3A_383 : memref<32x128xf32, #tpu.memory_space<vmem>>) offsets(%dma_start3A_386 : memref<32xi32, #tpu.memory_space<vmem>>) semaphore(%arg15 : memref<!tpu.dma_semaphore, #tpu.memory_space<semaphore_mem>>)
        %mul3A_389 = arith.constant 128 : i32
        %mul3A_390 = arith.muli %arg0, %mul3A_389 : i32
        %dma_start3A_391 = arith.constant 0 : i32
        %dma_start3A_392 = arith.constant 96 : i32
        %dma_start3A_393 = arith.constant 0 : i32
        %dma_start3A_394 = tpu.memref_slice %arg12[%dma_start3A_391, %dma_start3A_392, %dma_start3A_393] : memref<2x128x128xf32, #tpu.memory_space<vmem>> -> memref<1x32x128xf32, #tpu.memory_space<vmem>>
        %dma_start3A_395 = tpu.memref_squeeze %dma_start3A_394 : memref<1x32x128xf32, #tpu.memory_space<vmem>> -> memref<32x128xf32, #tpu.memory_space<vmem>>
        %dma_start3A_396 = arith.constant 96 : i32
        %dma_start3A_397 = tpu.memref_slice %arg10[%add3A_352, %dma_start3A_396] : memref<40x128xi32, #tpu.memory_space<vmem>> -> memref<1x32xi32, #tpu.memory_space<vmem>>
        %dma_start3A_398 = tpu.memref_squeeze %dma_start3A_397 : memref<1x32xi32, #tpu.memory_space<vmem>> -> memref<32xi32, #tpu.memory_space<vmem>>
        %dma_start3A_399 = arith.constant 0 : i32
        %dma_start3A_400 = tpu.memref_slice %arg2[%dma_start3A_399, %mul3A_390] : memref<10000x256xf32, #tpu.memory_space<hbm>> -> memref<10000x128xf32, #tpu.memory_space<hbm>>
        tpu.enqueue_indirect_dma source(%dma_start3A_400 : memref<10000x128xf32, #tpu.memory_space<hbm>>) target(%dma_start3A_395 : memref<32x128xf32, #tpu.memory_space<vmem>>) offsets(%dma_start3A_398 : memref<32xi32, #tpu.memory_space<vmem>>) semaphore(%arg16 : memref<!tpu.dma_semaphore, #tpu.memory_space<semaphore_mem>>)
      } else {
      }
      %mul3A_288 = arith.constant 128 : i32
      %mul3A_289 = arith.muli %arg0, %mul3A_288 : i32
      %dma_wait3A_290 = arith.constant 1 : i32
      %dma_wait3A_291 = arith.constant 0 : i32
      %dma_wait3A_292 = arith.constant 0 : i32
      %dma_wait3A_293 = tpu.memref_slice %arg12[%dma_wait3A_290, %dma_wait3A_291, %dma_wait3A_292] : memref<2x128x128xf32, #tpu.memory_space<vmem>> -> memref<1x32x128xf32, #tpu.memory_space<vmem>>
      %dma_wait3A_294 = tpu.memref_squeeze %dma_wait3A_293 : memref<1x32x128xf32, #tpu.memory_space<vmem>> -> memref<32x128xf32, #tpu.memory_space<vmem>>
      %dma_wait3A_295 = arith.constant 0 : i32
      %dma_wait3A_296 = tpu.memref_slice %arg10[%add3A_280, %dma_wait3A_295] : memref<40x128xi32, #tpu.memory_space<vmem>> -> memref<1x32xi32, #tpu.memory_space<vmem>>
      %dma_wait3A_297 = tpu.memref_squeeze %dma_wait3A_296 : memref<1x32xi32, #tpu.memory_space<vmem>> -> memref<32xi32, #tpu.memory_space<vmem>>
      %dma_wait3A_298 = arith.constant 0 : i32
      %dma_wait3A_299 = tpu.memref_slice %arg2[%dma_wait3A_298, %mul3A_289] : memref<10000x256xf32, #tpu.memory_space<hbm>> -> memref<10000x128xf32, #tpu.memory_space<hbm>>
      tpu.wait_indirect_dma semaphore(%arg17 : memref<!tpu.dma_semaphore, #tpu.memory_space<semaphore_mem>>) src(%dma_wait3A_299 : memref<10000x128xf32, #tpu.memory_space<hbm>>) dst(%dma_wait3A_294 : memref<32x128xf32, #tpu.memory_space<vmem>>)
      %mul3A_300 = arith.constant 128 : i32
      %mul3A_301 = arith.muli %arg0, %mul3A_300 : i32
      %dma_wait3A_302 = arith.constant 1 : i32
      %dma_wait3A_303 = arith.constant 32 : i32
      %dma_wait3A_304 = arith.constant 0 : i32
      %dma_wait3A_305 = tpu.memref_slice %arg12[%dma_wait3A_302, %dma_wait3A_303, %dma_wait3A_304] : memref<2x128x128xf32, #tpu.memory_space<vmem>> -> memref<1x32x128xf32, #tpu.memory_space<vmem>>
      %dma_wait3A_306 = tpu.memref_squeeze %dma_wait3A_305 : memref<1x32x128xf32, #tpu.memory_space<vmem>> -> memref<32x128xf32, #tpu.memory_space<vmem>>
      %dma_wait3A_307 = arith.constant 32 : i32
      %dma_wait3A_308 = tpu.memref_slice %arg10[%add3A_280, %dma_wait3A_307] : memref<40x128xi32, #tpu.memory_space<vmem>> -> memref<1x32xi32, #tpu.memory_space<vmem>>
      %dma_wait3A_309 = tpu.memref_squeeze %dma_wait3A_308 : memref<1x32xi32, #tpu.memory_space<vmem>> -> memref<32xi32, #tpu.memory_space<vmem>>
      %dma_wait3A_310 = arith.constant 0 : i32
      %dma_wait3A_311 = tpu.memref_slice %arg2[%dma_wait3A_310, %mul3A_301] : memref<10000x256xf32, #tpu.memory_space<hbm>> -> memref<10000x128xf32, #tpu.memory_space<hbm>>
      tpu.wait_indirect_dma semaphore(%arg18 : memref<!tpu.dma_semaphore, #tpu.memory_space<semaphore_mem>>) src(%dma_wait3A_311 : memref<10000x128xf32, #tpu.memory_space<hbm>>) dst(%dma_wait3A_306 : memref<32x128xf32, #tpu.memory_space<vmem>>)
      %mul3A_312 = arith.constant 128 : i32
      %mul3A_313 = arith.muli %arg0, %mul3A_312 : i32
      %dma_wait3A_314 = arith.constant 1 : i32
      %dma_wait3A_315 = arith.constant 64 : i32
      %dma_wait3A_316 = arith.constant 0 : i32
      %dma_wait3A_317 = tpu.memref_slice %arg12[%dma_wait3A_314, %dma_wait3A_315, %dma_wait3A_316] : memref<2x128x128xf32, #tpu.memory_space<vmem>> -> memref<1x32x128xf32, #tpu.memory_space<vmem>>
      %dma_wait3A_318 = tpu.memref_squeeze %dma_wait3A_317 : memref<1x32x128xf32, #tpu.memory_space<vmem>> -> memref<32x128xf32, #tpu.memory_space<vmem>>
      %dma_wait3A_319 = arith.constant 64 : i32
      %dma_wait3A_320 = tpu.memref_slice %arg10[%add3A_280, %dma_wait3A_319] : memref<40x128xi32, #tpu.memory_space<vmem>> -> memref<1x32xi32, #tpu.memory_space<vmem>>
      %dma_wait3A_321 = tpu.memref_squeeze %dma_wait3A_320 : memref<1x32xi32, #tpu.memory_space<vmem>> -> memref<32xi32, #tpu.memory_space<vmem>>
      %dma_wait3A_322 = arith.constant 0 : i32
      %dma_wait3A_323 = tpu.memref_slice %arg2[%dma_wait3A_322, %mul3A_313] : memref<10000x256xf32, #tpu.memory_space<hbm>> -> memref<10000x128xf32, #tpu.memory_space<hbm>>
      tpu.wait_indirect_dma semaphore(%arg19 : memref<!tpu.dma_semaphore, #tpu.memory_space<semaphore_mem>>) src(%dma_wait3A_323 : memref<10000x128xf32, #tpu.memory_space<hbm>>) dst(%dma_wait3A_318 : memref<32x128xf32, #tpu.memory_space<vmem>>)
      %mul3A_324 = arith.constant 128 : i32
      %mul3A_325 = arith.muli %arg0, %mul3A_324 : i32
      %dma_wait3A_326 = arith.constant 1 : i32
      %dma_wait3A_327 = arith.constant 96 : i32
      %dma_wait3A_328 = arith.constant 0 : i32
      %dma_wait3A_329 = tpu.memref_slice %arg12[%dma_wait3A_326, %dma_wait3A_327, %dma_wait3A_328] : memref<2x128x128xf32, #tpu.memory_space<vmem>> -> memref<1x32x128xf32, #tpu.memory_space<vmem>>
      %dma_wait3A_330 = tpu.memref_squeeze %dma_wait3A_329 : memref<1x32x128xf32, #tpu.memory_space<vmem>> -> memref<32x128xf32, #tpu.memory_space<vmem>>
      %dma_wait3A_331 = arith.constant 96 : i32
      %dma_wait3A_332 = tpu.memref_slice %arg10[%add3A_280, %dma_wait3A_331] : memref<40x128xi32, #tpu.memory_space<vmem>> -> memref<1x32xi32, #tpu.memory_space<vmem>>
      %dma_wait3A_333 = tpu.memref_squeeze %dma_wait3A_332 : memref<1x32xi32, #tpu.memory_space<vmem>> -> memref<32xi32, #tpu.memory_space<vmem>>
      %dma_wait3A_334 = arith.constant 0 : i32
      %dma_wait3A_335 = tpu.memref_slice %arg2[%dma_wait3A_334, %mul3A_325] : memref<10000x256xf32, #tpu.memory_space<hbm>> -> memref<10000x128xf32, #tpu.memory_space<hbm>>
      tpu.wait_indirect_dma semaphore(%arg20 : memref<!tpu.dma_semaphore, #tpu.memory_space<semaphore_mem>>) src(%dma_wait3A_335 : memref<10000x128xf32, #tpu.memory_space<hbm>>) dst(%dma_wait3A_330 : memref<32x128xf32, #tpu.memory_space<vmem>>)
      %dma_start3A_336 = arith.constant 1 : i32
      %dma_start3A_337 = arith.constant 0 : i32
      %dma_start3A_338 = arith.constant 0 : i32
      %dma_start3A_339 = tpu.memref_slice %arg12[%dma_start3A_336, %dma_start3A_337, %dma_start3A_338] : memref<2x128x128xf32, #tpu.memory_space<vmem>> -> memref<1x128x128xf32, #tpu.memory_space<vmem>>
      %dma_start3A_340 = tpu.memref_squeeze %dma_start3A_339 : memref<1x128x128xf32, #tpu.memory_space<vmem>> -> memref<128x128xf32, #tpu.memory_space<vmem>>
      %dma_start3A_341 = arith.constant 0 : i32
      %dma_start3A_342 = tpu.memref_slice %arg11[%add3A_280, %dma_start3A_341] : memref<40x128xi32, #tpu.memory_space<vmem>> -> memref<1x128xi32, #tpu.memory_space<vmem>>
      %dma_start3A_343 = tpu.memref_squeeze %dma_start3A_342 : memref<1x128xi32, #tpu.memory_space<vmem>> -> memref<128xi32, #tpu.memory_space<vmem>>
      %dma_start3A_344 = arith.constant 0 : i32
      %dma_start3A_345 = arith.constant 0 : i32
      %dma_start3A_346 = tpu.memref_slice %arg9[%dma_start3A_344, %dma_start3A_345] : memref<10112x128xf32, #tpu.memory_space<vmem_shared>> -> memref<10112x128xf32, #tpu.memory_space<vmem_shared>>
      tpu.enqueue_indirect_dma source(%dma_start3A_340 : memref<128x128xf32, #tpu.memory_space<vmem>>) target(%dma_start3A_346 : memref<10112x128xf32, #tpu.memory_space<vmem_shared>>) offsets(%dma_start3A_343 : memref<128xi32, #tpu.memory_space<vmem>>) semaphore(%arg22 : memref<!tpu.dma_semaphore, #tpu.memory_space<semaphore_mem>>) {add = true}
    }
    %scan3A_71 = arith.constant 20 : i32
    %dma_wait3A = arith.constant 0 : i32
    %dma_wait3A_72 = arith.constant 38 : i32
    %dma_wait3A_73 = arith.constant 0 : i32
    %dma_wait3A_74 = arith.constant 0 : i32
    %dma_wait3A_75 = tpu.memref_slice %arg12[%dma_wait3A, %dma_wait3A_73, %dma_wait3A_74] : memref<2x128x128xf32, #tpu.memory_space<vmem>> -> memref<1x128x128xf32, #tpu.memory_space<vmem>>
    %dma_wait3A_76 = tpu.memref_squeeze %dma_wait3A_75 : memref<1x128x128xf32, #tpu.memory_space<vmem>> -> memref<128x128xf32, #tpu.memory_space<vmem>>
    %dma_wait3A_77 = arith.constant 0 : i32
    %dma_wait3A_78 = tpu.memref_slice %arg11[%dma_wait3A_72, %dma_wait3A_77] : memref<40x128xi32, #tpu.memory_space<vmem>> -> memref<1x128xi32, #tpu.memory_space<vmem>>
    %dma_wait3A_79 = tpu.memref_squeeze %dma_wait3A_78 : memref<1x128xi32, #tpu.memory_space<vmem>> -> memref<128xi32, #tpu.memory_space<vmem>>
    %dma_wait3A_80 = arith.constant 0 : i32
    %dma_wait3A_81 = arith.constant 0 : i32
    %dma_wait3A_82 = tpu.memref_slice %arg9[%dma_wait3A_80, %dma_wait3A_81] : memref<10112x128xf32, #tpu.memory_space<vmem_shared>> -> memref<10112x128xf32, #tpu.memory_space<vmem_shared>>
    tpu.wait_indirect_dma semaphore(%arg21 : memref<!tpu.dma_semaphore, #tpu.memory_space<semaphore_mem>>) src(%dma_wait3A_76 : memref<128x128xf32, #tpu.memory_space<vmem>>) dst(%dma_wait3A_82 : memref<10112x128xf32, #tpu.memory_space<vmem_shared>>)
    %dma_wait3A_83 = arith.constant 1 : i32
    %dma_wait3A_84 = arith.constant 39 : i32
    %dma_wait3A_85 = arith.constant 0 : i32
    %dma_wait3A_86 = arith.constant 0 : i32
    %dma_wait3A_87 = tpu.memref_slice %arg12[%dma_wait3A_83, %dma_wait3A_85, %dma_wait3A_86] : memref<2x128x128xf32, #tpu.memory_space<vmem>> -> memref<1x128x128xf32, #tpu.memory_space<vmem>>
    %dma_wait3A_88 = tpu.memref_squeeze %dma_wait3A_87 : memref<1x128x128xf32, #tpu.memory_space<vmem>> -> memref<128x128xf32, #tpu.memory_space<vmem>>
    %dma_wait3A_89 = arith.constant 0 : i32
    %dma_wait3A_90 = tpu.memref_slice %arg11[%dma_wait3A_84, %dma_wait3A_89] : memref<40x128xi32, #tpu.memory_space<vmem>> -> memref<1x128xi32, #tpu.memory_space<vmem>>
    %dma_wait3A_91 = tpu.memref_squeeze %dma_wait3A_90 : memref<1x128xi32, #tpu.memory_space<vmem>> -> memref<128xi32, #tpu.memory_space<vmem>>
    %dma_wait3A_92 = arith.constant 0 : i32
    %dma_wait3A_93 = arith.constant 0 : i32
    %dma_wait3A_94 = tpu.memref_slice %arg9[%dma_wait3A_92, %dma_wait3A_93] : memref<10112x128xf32, #tpu.memory_space<vmem_shared>> -> memref<10112x128xf32, #tpu.memory_space<vmem_shared>>
    tpu.wait_indirect_dma semaphore(%arg22 : memref<!tpu.dma_semaphore, #tpu.memory_space<semaphore_mem>>) src(%dma_wait3A_88 : memref<128x128xf32, #tpu.memory_space<vmem>>) dst(%dma_wait3A_94 : memref<10112x128xf32, #tpu.memory_space<vmem_shared>>)
    %mul3A_95 = arith.constant 80 : i32
    %mul3A_96 = arith.muli %arg1, %mul3A_95 : i32
    %add3A_97 = arith.constant 40 : i32
    %add3A_98 = arith.addi %mul3A_96, %add3A_97 : i32
    %add3A_99 = arith.constant 40 : i32
    %add3A_100 = arith.addi %add3A_98, %add3A_99 : i32
    %le3A_101 = arith.constant 1250 : i32
    %le3A_102 = arith.cmpi sle, %add3A_100, %le3A_101 : i32
    %convert_element_type3A_103 = arith.extui %le3A_102 : i1 to i32
    %cond3A_104 = arith.constant 0 : i32
    %cond3A_105 = arith.cmpi ne, %convert_element_type3A_103, %cond3A_104 : i32
    scf.if %cond3A_105 {
      "tpu.region"() ({
        %run_scoped3A = tpu.sem_alloc : memref<!tpu.dma_semaphore, #tpu.memory_space<semaphore_mem>>
        %dma_start3A_207 = arith.constant 0 : i32
        %dma_start3A_208 = tpu.memref_slice %arg3[%add3A_98, %dma_start3A_207] : memref<1250x128xi32, #tpu.memory_space<hbm>> -> memref<40x128xi32, #tpu.memory_space<hbm>>
        %dma_start3A_209 = arith.constant 0 : i32
        %dma_start3A_210 = tpu.memref_slice %arg3[%add3A_98, %dma_start3A_209] : memref<1250x128xi32, #tpu.memory_space<hbm>> -> memref<40x128xi32, #tpu.memory_space<hbm>>
        tpu.enqueue_dma source(%dma_start3A_210 : memref<40x128xi32, #tpu.memory_space<hbm>>) target(%arg10 : memref<40x128xi32, #tpu.memory_space<vmem>>) target_semaphore(%run_scoped3A : memref<!tpu.dma_semaphore, #tpu.memory_space<semaphore_mem>>)
        %dma_wait3A_211 = arith.constant 0 : i32
        %dma_wait3A_212 = tpu.memref_slice %arg3[%add3A_98, %dma_wait3A_211] : memref<1250x128xi32, #tpu.memory_space<hbm>> -> memref<40x128xi32, #tpu.memory_space<hbm>>
        %dma_wait3A_213 = arith.constant 0 : i32
        %dma_wait3A_214 = tpu.memref_slice %arg3[%add3A_98, %dma_wait3A_213] : memref<1250x128xi32, #tpu.memory_space<hbm>> -> memref<40x128xi32, #tpu.memory_space<hbm>>
        tpu.wait_dma2 semaphore(%run_scoped3A : memref<!tpu.dma_semaphore, #tpu.memory_space<semaphore_mem>>) src(%dma_wait3A_214 : memref<40x128xi32, #tpu.memory_space<hbm>>) dst(%arg10 : memref<40x128xi32, #tpu.memory_space<vmem>>)
        tpu.yield
      }) : () -> ()
      "tpu.region"() ({
        %run_scoped3A = tpu.sem_alloc : memref<!tpu.dma_semaphore, #tpu.memory_space<semaphore_mem>>
        %dma_start3A_207 = arith.constant 0 : i32
        %dma_start3A_208 = tpu.memref_slice %arg4[%add3A_98, %dma_start3A_207] : memref<1250x128xi32, #tpu.memory_space<hbm>> -> memref<40x128xi32, #tpu.memory_space<hbm>>
        %dma_start3A_209 = arith.constant 0 : i32
        %dma_start3A_210 = tpu.memref_slice %arg4[%add3A_98, %dma_start3A_209] : memref<1250x128xi32, #tpu.memory_space<hbm>> -> memref<40x128xi32, #tpu.memory_space<hbm>>
        tpu.enqueue_dma source(%dma_start3A_210 : memref<40x128xi32, #tpu.memory_space<hbm>>) target(%arg11 : memref<40x128xi32, #tpu.memory_space<vmem>>) target_semaphore(%run_scoped3A : memref<!tpu.dma_semaphore, #tpu.memory_space<semaphore_mem>>)
        %dma_wait3A_211 = arith.constant 0 : i32
        %dma_wait3A_212 = tpu.memref_slice %arg4[%add3A_98, %dma_wait3A_211] : memref<1250x128xi32, #tpu.memory_space<hbm>> -> memref<40x128xi32, #tpu.memory_space<hbm>>
        %dma_wait3A_213 = arith.constant 0 : i32
        %dma_wait3A_214 = tpu.memref_slice %arg4[%add3A_98, %dma_wait3A_213] : memref<1250x128xi32, #tpu.memory_space<hbm>> -> memref<40x128xi32, #tpu.memory_space<hbm>>
        tpu.wait_dma2 semaphore(%run_scoped3A : memref<!tpu.dma_semaphore, #tpu.memory_space<semaphore_mem>>) src(%dma_wait3A_214 : memref<40x128xi32, #tpu.memory_space<hbm>>) dst(%arg11 : memref<40x128xi32, #tpu.memory_space<vmem>>)
        tpu.yield
      }) : () -> ()
    } else {
    }
    %add3A_106 = arith.constant 40 : i32
    %add3A_107 = arith.addi %add3A_98, %add3A_106 : i32
    %gt3A_108 = arith.constant 1250 : i32
    %gt3A_109 = arith.cmpi sgt, %add3A_107, %gt3A_108 : i32
    %convert_element_type3A_110 = arith.extui %gt3A_109 : i1 to i32
    %cond3A_111 = arith.constant 0 : i32
    %cond3A_112 = arith.cmpi ne, %convert_element_type3A_110, %cond3A_111 : i32
    scf.if %cond3A_112 {
      "tpu.region"() ({
        %run_scoped3A = tpu.sem_alloc : memref<!tpu.dma_semaphore, #tpu.memory_space<semaphore_mem>>
        tpu.enqueue_dma source(%arg5 : memref<40x128xi32, #tpu.memory_space<hbm>>) target(%arg10 : memref<40x128xi32, #tpu.memory_space<vmem>>) target_semaphore(%run_scoped3A : memref<!tpu.dma_semaphore, #tpu.memory_space<semaphore_mem>>)
        tpu.wait_dma2 semaphore(%run_scoped3A : memref<!tpu.dma_semaphore, #tpu.memory_space<semaphore_mem>>) src(%arg5 : memref<40x128xi32, #tpu.memory_space<hbm>>) dst(%arg10 : memref<40x128xi32, #tpu.memory_space<vmem>>)
        tpu.yield
      }) : () -> ()
      "tpu.region"() ({
        %run_scoped3A = tpu.sem_alloc : memref<!tpu.dma_semaphore, #tpu.memory_space<semaphore_mem>>
        tpu.enqueue_dma source(%arg6 : memref<40x128xi32, #tpu.memory_space<hbm>>) target(%arg11 : memref<40x128xi32, #tpu.memory_space<vmem>>) target_semaphore(%run_scoped3A : memref<!tpu.dma_semaphore, #tpu.memory_space<semaphore_mem>>)
        tpu.wait_dma2 semaphore(%run_scoped3A : memref<!tpu.dma_semaphore, #tpu.memory_space<semaphore_mem>>) src(%arg6 : memref<40x128xi32, #tpu.memory_space<hbm>>) dst(%arg11 : memref<40x128xi32, #tpu.memory_space<vmem>>)
        tpu.yield
      }) : () -> ()
    } else {
    }
    %mul3A_113 = arith.constant 128 : i32
    %mul3A_114 = arith.muli %arg0, %mul3A_113 : i32
    %dma_start3A_115 = arith.constant 0 : i32
    %dma_start3A_116 = arith.constant 0 : i32
    %dma_start3A_117 = arith.constant 0 : i32
    %dma_start3A_118 = arith.constant 0 : i32
    %dma_start3A_119 = tpu.memref_slice %arg12[%dma_start3A_116, %dma_start3A_117, %dma_start3A_118] : memref<2x128x128xf32, #tpu.memory_space<vmem>> -> memref<1x32x128xf32, #tpu.memory_space<vmem>>
    %dma_start3A_120 = tpu.memref_squeeze %dma_start3A_119 : memref<1x32x128xf32, #tpu.memory_space<vmem>> -> memref<32x128xf32, #tpu.memory_space<vmem>>
    %dma_start3A_121 = arith.constant 0 : i32
    %dma_start3A_122 = tpu.memref_slice %arg10[%dma_start3A_115, %dma_start3A_121] : memref<40x128xi32, #tpu.memory_space<vmem>> -> memref<1x32xi32, #tpu.memory_space<vmem>>
    %dma_start3A_123 = tpu.memref_squeeze %dma_start3A_122 : memref<1x32xi32, #tpu.memory_space<vmem>> -> memref<32xi32, #tpu.memory_space<vmem>>
    %dma_start3A_124 = arith.constant 0 : i32
    %dma_start3A_125 = tpu.memref_slice %arg2[%dma_start3A_124, %mul3A_114] : memref<10000x256xf32, #tpu.memory_space<hbm>> -> memref<10000x128xf32, #tpu.memory_space<hbm>>
    tpu.enqueue_indirect_dma source(%dma_start3A_125 : memref<10000x128xf32, #tpu.memory_space<hbm>>) target(%dma_start3A_120 : memref<32x128xf32, #tpu.memory_space<vmem>>) offsets(%dma_start3A_123 : memref<32xi32, #tpu.memory_space<vmem>>) semaphore(%arg13 : memref<!tpu.dma_semaphore, #tpu.memory_space<semaphore_mem>>)
    %mul3A_126 = arith.constant 128 : i32
    %mul3A_127 = arith.muli %arg0, %mul3A_126 : i32
    %dma_start3A_128 = arith.constant 0 : i32
    %dma_start3A_129 = arith.constant 0 : i32
    %dma_start3A_130 = arith.constant 32 : i32
    %dma_start3A_131 = arith.constant 0 : i32
    %dma_start3A_132 = tpu.memref_slice %arg12[%dma_start3A_129, %dma_start3A_130, %dma_start3A_131] : memref<2x128x128xf32, #tpu.memory_space<vmem>> -> memref<1x32x128xf32, #tpu.memory_space<vmem>>
    %dma_start3A_133 = tpu.memref_squeeze %dma_start3A_132 : memref<1x32x128xf32, #tpu.memory_space<vmem>> -> memref<32x128xf32, #tpu.memory_space<vmem>>
    %dma_start3A_134 = arith.constant 32 : i32
    %dma_start3A_135 = tpu.memref_slice %arg10[%dma_start3A_128, %dma_start3A_134] : memref<40x128xi32, #tpu.memory_space<vmem>> -> memref<1x32xi32, #tpu.memory_space<vmem>>
    %dma_start3A_136 = tpu.memref_squeeze %dma_start3A_135 : memref<1x32xi32, #tpu.memory_space<vmem>> -> memref<32xi32, #tpu.memory_space<vmem>>
    %dma_start3A_137 = arith.constant 0 : i32
    %dma_start3A_138 = tpu.memref_slice %arg2[%dma_start3A_137, %mul3A_127] : memref<10000x256xf32, #tpu.memory_space<hbm>> -> memref<10000x128xf32, #tpu.memory_space<hbm>>
    tpu.enqueue_indirect_dma source(%dma_start3A_138 : memref<10000x128xf32, #tpu.memory_space<hbm>>) target(%dma_start3A_133 : memref<32x128xf32, #tpu.memory_space<vmem>>) offsets(%dma_start3A_136 : memref<32xi32, #tpu.memory_space<vmem>>) semaphore(%arg14 : memref<!tpu.dma_semaphore, #tpu.memory_space<semaphore_mem>>)
    %mul3A_139 = arith.constant 128 : i32
    %mul3A_140 = arith.muli %arg0, %mul3A_139 : i32
    %dma_start3A_141 = arith.constant 0 : i32
    %dma_start3A_142 = arith.constant 0 : i32
    %dma_start3A_143 = arith.constant 64 : i32
    %dma_start3A_144 = arith.constant 0 : i32
    %dma_start3A_145 = tpu.memref_slice %arg12[%dma_start3A_142, %dma_start3A_143, %dma_start3A_144] : memref<2x128x128xf32, #tpu.memory_space<vmem>> -> memref<1x32x128xf32, #tpu.memory_space<vmem>>
    %dma_start3A_146 = tpu.memref_squeeze %dma_start3A_145 : memref<1x32x128xf32, #tpu.memory_space<vmem>> -> memref<32x128xf32, #tpu.memory_space<vmem>>
    %dma_start3A_147 = arith.constant 64 : i32
    %dma_start3A_148 = tpu.memref_slice %arg10[%dma_start3A_141, %dma_start3A_147] : memref<40x128xi32, #tpu.memory_space<vmem>> -> memref<1x32xi32, #tpu.memory_space<vmem>>
    %dma_start3A_149 = tpu.memref_squeeze %dma_start3A_148 : memref<1x32xi32, #tpu.memory_space<vmem>> -> memref<32xi32, #tpu.memory_space<vmem>>
    %dma_start3A_150 = arith.constant 0 : i32
    %dma_start3A_151 = tpu.memref_slice %arg2[%dma_start3A_150, %mul3A_140] : memref<10000x256xf32, #tpu.memory_space<hbm>> -> memref<10000x128xf32, #tpu.memory_space<hbm>>
    tpu.enqueue_indirect_dma source(%dma_start3A_151 : memref<10000x128xf32, #tpu.memory_space<hbm>>) target(%dma_start3A_146 : memref<32x128xf32, #tpu.memory_space<vmem>>) offsets(%dma_start3A_149 : memref<32xi32, #tpu.memory_space<vmem>>) semaphore(%arg15 : memref<!tpu.dma_semaphore, #tpu.memory_space<semaphore_mem>>)
    %mul3A_152 = arith.constant 128 : i32
    %mul3A_153 = arith.muli %arg0, %mul3A_152 : i32
    %dma_start3A_154 = arith.constant 0 : i32
    %dma_start3A_155 = arith.constant 0 : i32
    %dma_start3A_156 = arith.constant 96 : i32
    %dma_start3A_157 = arith.constant 0 : i32
    %dma_start3A_158 = tpu.memref_slice %arg12[%dma_start3A_155, %dma_start3A_156, %dma_start3A_157] : memref<2x128x128xf32, #tpu.memory_space<vmem>> -> memref<1x32x128xf32, #tpu.memory_space<vmem>>
    %dma_start3A_159 = tpu.memref_squeeze %dma_start3A_158 : memref<1x32x128xf32, #tpu.memory_space<vmem>> -> memref<32x128xf32, #tpu.memory_space<vmem>>
    %dma_start3A_160 = arith.constant 96 : i32
    %dma_start3A_161 = tpu.memref_slice %arg10[%dma_start3A_154, %dma_start3A_160] : memref<40x128xi32, #tpu.memory_space<vmem>> -> memref<1x32xi32, #tpu.memory_space<vmem>>
    %dma_start3A_162 = tpu.memref_squeeze %dma_start3A_161 : memref<1x32xi32, #tpu.memory_space<vmem>> -> memref<32xi32, #tpu.memory_space<vmem>>
    %dma_start3A_163 = arith.constant 0 : i32
    %dma_start3A_164 = tpu.memref_slice %arg2[%dma_start3A_163, %mul3A_153] : memref<10000x256xf32, #tpu.memory_space<hbm>> -> memref<10000x128xf32, #tpu.memory_space<hbm>>
    tpu.enqueue_indirect_dma source(%dma_start3A_164 : memref<10000x128xf32, #tpu.memory_space<hbm>>) target(%dma_start3A_159 : memref<32x128xf32, #tpu.memory_space<vmem>>) offsets(%dma_start3A_162 : memref<32xi32, #tpu.memory_space<vmem>>) semaphore(%arg16 : memref<!tpu.dma_semaphore, #tpu.memory_space<semaphore_mem>>)
    %scan3A_165 = arith.constant 0 : i32
    %scan3A_166 = arith.constant 0 : i32
    %scan3A_167 = arith.constant 20 : i32
    %scan3A_168 = arith.addi %scan3A_166, %scan3A_167 : i32
    %scan3A_169 = arith.constant 1 : i32
    scf.for %scan3A_207 = %scan3A_166 to %scan3A_168 step %scan3A_169  : i32 {
      %mul3A_208 = arith.constant 2 : i32
      %mul3A_209 = arith.muli %scan3A_207, %mul3A_208 : i32
      %add3A_210 = arith.constant 0 : i32
      %add3A_211 = arith.addi %mul3A_209, %add3A_210 : i32
      %add3A_212 = arith.constant 1 : i32
      %add3A_213 = arith.addi %add3A_211, %add3A_212 : i32
      %lt3A = arith.constant 40 : i32
      %lt3A_214 = arith.cmpi slt, %add3A_213, %lt3A : i32
      %convert_element_type3A_215 = arith.extui %lt3A_214 : i1 to i32
      %cond3A_216 = arith.constant 0 : i32
      %cond3A_217 = arith.cmpi ne, %convert_element_type3A_215, %cond3A_216 : i32
      scf.if %cond3A_217 {
        %ge3A = arith.constant 1 : i32
        %ge3A_347 = arith.cmpi sge, %add3A_211, %ge3A : i32
        %convert_element_type3A_348 = arith.extui %ge3A_347 : i1 to i32
        %cond3A_349 = arith.constant 0 : i32
        %cond3A_350 = arith.cmpi ne, %convert_element_type3A_348, %cond3A_349 : i32
        scf.if %cond3A_350 {
          %sub3A = arith.constant 1 : i32
          %sub3A_401 = arith.subi %add3A_211, %sub3A : i32
          %dma_wait3A_402 = arith.constant 1 : i32
          %dma_wait3A_403 = arith.constant 0 : i32
          %dma_wait3A_404 = arith.constant 0 : i32
          %dma_wait3A_405 = tpu.memref_slice %arg12[%dma_wait3A_402, %dma_wait3A_403, %dma_wait3A_404] : memref<2x128x128xf32, #tpu.memory_space<vmem>> -> memref<1x128x128xf32, #tpu.memory_space<vmem>>
          %dma_wait3A_406 = tpu.memref_squeeze %dma_wait3A_405 : memref<1x128x128xf32, #tpu.memory_space<vmem>> -> memref<128x128xf32, #tpu.memory_space<vmem>>
          %dma_wait3A_407 = arith.constant 0 : i32
          %dma_wait3A_408 = tpu.memref_slice %arg11[%sub3A_401, %dma_wait3A_407] : memref<40x128xi32, #tpu.memory_space<vmem>> -> memref<1x128xi32, #tpu.memory_space<vmem>>
          %dma_wait3A_409 = tpu.memref_squeeze %dma_wait3A_408 : memref<1x128xi32, #tpu.memory_space<vmem>> -> memref<128xi32, #tpu.memory_space<vmem>>
          %dma_wait3A_410 = arith.constant 0 : i32
          %dma_wait3A_411 = arith.constant 0 : i32
          %dma_wait3A_412 = tpu.memref_slice %arg9[%dma_wait3A_410, %dma_wait3A_411] : memref<10112x128xf32, #tpu.memory_space<vmem_shared>> -> memref<10112x128xf32, #tpu.memory_space<vmem_shared>>
          tpu.wait_indirect_dma semaphore(%arg22 : memref<!tpu.dma_semaphore, #tpu.memory_space<semaphore_mem>>) src(%dma_wait3A_406 : memref<128x128xf32, #tpu.memory_space<vmem>>) dst(%dma_wait3A_412 : memref<10112x128xf32, #tpu.memory_space<vmem_shared>>)
        } else {
        }
        %add3A_351 = arith.constant 1 : i32
        %add3A_352 = arith.addi %add3A_211, %add3A_351 : i32
        %mul3A_353 = arith.constant 128 : i32
        %mul3A_354 = arith.muli %arg0, %mul3A_353 : i32
        %dma_start3A_355 = arith.constant 1 : i32
        %dma_start3A_356 = arith.constant 0 : i32
        %dma_start3A_357 = arith.constant 0 : i32
        %dma_start3A_358 = tpu.memref_slice %arg12[%dma_start3A_355, %dma_start3A_356, %dma_start3A_357] : memref<2x128x128xf32, #tpu.memory_space<vmem>> -> memref<1x32x128xf32, #tpu.memory_space<vmem>>
        %dma_start3A_359 = tpu.memref_squeeze %dma_start3A_358 : memref<1x32x128xf32, #tpu.memory_space<vmem>> -> memref<32x128xf32, #tpu.memory_space<vmem>>
        %dma_start3A_360 = arith.constant 0 : i32
        %dma_start3A_361 = tpu.memref_slice %arg10[%add3A_352, %dma_start3A_360] : memref<40x128xi32, #tpu.memory_space<vmem>> -> memref<1x32xi32, #tpu.memory_space<vmem>>
        %dma_start3A_362 = tpu.memref_squeeze %dma_start3A_361 : memref<1x32xi32, #tpu.memory_space<vmem>> -> memref<32xi32, #tpu.memory_space<vmem>>
        %dma_start3A_363 = arith.constant 0 : i32
        %dma_start3A_364 = tpu.memref_slice %arg2[%dma_start3A_363, %mul3A_354] : memref<10000x256xf32, #tpu.memory_space<hbm>> -> memref<10000x128xf32, #tpu.memory_space<hbm>>
        tpu.enqueue_indirect_dma source(%dma_start3A_364 : memref<10000x128xf32, #tpu.memory_space<hbm>>) target(%dma_start3A_359 : memref<32x128xf32, #tpu.memory_space<vmem>>) offsets(%dma_start3A_362 : memref<32xi32, #tpu.memory_space<vmem>>) semaphore(%arg17 : memref<!tpu.dma_semaphore, #tpu.memory_space<semaphore_mem>>)
        %mul3A_365 = arith.constant 128 : i32
        %mul3A_366 = arith.muli %arg0, %mul3A_365 : i32
        %dma_start3A_367 = arith.constant 1 : i32
        %dma_start3A_368 = arith.constant 32 : i32
        %dma_start3A_369 = arith.constant 0 : i32
        %dma_start3A_370 = tpu.memref_slice %arg12[%dma_start3A_367, %dma_start3A_368, %dma_start3A_369] : memref<2x128x128xf32, #tpu.memory_space<vmem>> -> memref<1x32x128xf32, #tpu.memory_space<vmem>>
        %dma_start3A_371 = tpu.memref_squeeze %dma_start3A_370 : memref<1x32x128xf32, #tpu.memory_space<vmem>> -> memref<32x128xf32, #tpu.memory_space<vmem>>
        %dma_start3A_372 = arith.constant 32 : i32
        %dma_start3A_373 = tpu.memref_slice %arg10[%add3A_352, %dma_start3A_372] : memref<40x128xi32, #tpu.memory_space<vmem>> -> memref<1x32xi32, #tpu.memory_space<vmem>>
        %dma_start3A_374 = tpu.memref_squeeze %dma_start3A_373 : memref<1x32xi32, #tpu.memory_space<vmem>> -> memref<32xi32, #tpu.memory_space<vmem>>
        %dma_start3A_375 = arith.constant 0 : i32
        %dma_start3A_376 = tpu.memref_slice %arg2[%dma_start3A_375, %mul3A_366] : memref<10000x256xf32, #tpu.memory_space<hbm>> -> memref<10000x128xf32, #tpu.memory_space<hbm>>
        tpu.enqueue_indirect_dma source(%dma_start3A_376 : memref<10000x128xf32, #tpu.memory_space<hbm>>) target(%dma_start3A_371 : memref<32x128xf32, #tpu.memory_space<vmem>>) offsets(%dma_start3A_374 : memref<32xi32, #tpu.memory_space<vmem>>) semaphore(%arg18 : memref<!tpu.dma_semaphore, #tpu.memory_space<semaphore_mem>>)
        %mul3A_377 = arith.constant 128 : i32
        %mul3A_378 = arith.muli %arg0, %mul3A_377 : i32
        %dma_start3A_379 = arith.constant 1 : i32
        %dma_start3A_380 = arith.constant 64 : i32
        %dma_start3A_381 = arith.constant 0 : i32
        %dma_start3A_382 = tpu.memref_slice %arg12[%dma_start3A_379, %dma_start3A_380, %dma_start3A_381] : memref<2x128x128xf32, #tpu.memory_space<vmem>> -> memref<1x32x128xf32, #tpu.memory_space<vmem>>
        %dma_start3A_383 = tpu.memref_squeeze %dma_start3A_382 : memref<1x32x128xf32, #tpu.memory_space<vmem>> -> memref<32x128xf32, #tpu.memory_space<vmem>>
        %dma_start3A_384 = arith.constant 64 : i32
        %dma_start3A_385 = tpu.memref_slice %arg10[%add3A_352, %dma_start3A_384] : memref<40x128xi32, #tpu.memory_space<vmem>> -> memref<1x32xi32, #tpu.memory_space<vmem>>
        %dma_start3A_386 = tpu.memref_squeeze %dma_start3A_385 : memref<1x32xi32, #tpu.memory_space<vmem>> -> memref<32xi32, #tpu.memory_space<vmem>>
        %dma_start3A_387 = arith.constant 0 : i32
        %dma_start3A_388 = tpu.memref_slice %arg2[%dma_start3A_387, %mul3A_378] : memref<10000x256xf32, #tpu.memory_space<hbm>> -> memref<10000x128xf32, #tpu.memory_space<hbm>>
        tpu.enqueue_indirect_dma source(%dma_start3A_388 : memref<10000x128xf32, #tpu.memory_space<hbm>>) target(%dma_start3A_383 : memref<32x128xf32, #tpu.memory_space<vmem>>) offsets(%dma_start3A_386 : memref<32xi32, #tpu.memory_space<vmem>>) semaphore(%arg19 : memref<!tpu.dma_semaphore, #tpu.memory_space<semaphore_mem>>)
        %mul3A_389 = arith.constant 128 : i32
        %mul3A_390 = arith.muli %arg0, %mul3A_389 : i32
        %dma_start3A_391 = arith.constant 1 : i32
        %dma_start3A_392 = arith.constant 96 : i32
        %dma_start3A_393 = arith.constant 0 : i32
        %dma_start3A_394 = tpu.memref_slice %arg12[%dma_start3A_391, %dma_start3A_392, %dma_start3A_393] : memref<2x128x128xf32, #tpu.memory_space<vmem>> -> memref<1x32x128xf32, #tpu.memory_space<vmem>>
        %dma_start3A_395 = tpu.memref_squeeze %dma_start3A_394 : memref<1x32x128xf32, #tpu.memory_space<vmem>> -> memref<32x128xf32, #tpu.memory_space<vmem>>
        %dma_start3A_396 = arith.constant 96 : i32
        %dma_start3A_397 = tpu.memref_slice %arg10[%add3A_352, %dma_start3A_396] : memref<40x128xi32, #tpu.memory_space<vmem>> -> memref<1x32xi32, #tpu.memory_space<vmem>>
        %dma_start3A_398 = tpu.memref_squeeze %dma_start3A_397 : memref<1x32xi32, #tpu.memory_space<vmem>> -> memref<32xi32, #tpu.memory_space<vmem>>
        %dma_start3A_399 = arith.constant 0 : i32
        %dma_start3A_400 = tpu.memref_slice %arg2[%dma_start3A_399, %mul3A_390] : memref<10000x256xf32, #tpu.memory_space<hbm>> -> memref<10000x128xf32, #tpu.memory_space<hbm>>
        tpu.enqueue_indirect_dma source(%dma_start3A_400 : memref<10000x128xf32, #tpu.memory_space<hbm>>) target(%dma_start3A_395 : memref<32x128xf32, #tpu.memory_space<vmem>>) offsets(%dma_start3A_398 : memref<32xi32, #tpu.memory_space<vmem>>) semaphore(%arg20 : memref<!tpu.dma_semaphore, #tpu.memory_space<semaphore_mem>>)
      } else {
      }
      %mul3A_218 = arith.constant 128 : i32
      %mul3A_219 = arith.muli %arg0, %mul3A_218 : i32
      %dma_wait3A_220 = arith.constant 0 : i32
      %dma_wait3A_221 = arith.constant 0 : i32
      %dma_wait3A_222 = arith.constant 0 : i32
      %dma_wait3A_223 = tpu.memref_slice %arg12[%dma_wait3A_220, %dma_wait3A_221, %dma_wait3A_222] : memref<2x128x128xf32, #tpu.memory_space<vmem>> -> memref<1x32x128xf32, #tpu.memory_space<vmem>>
      %dma_wait3A_224 = tpu.memref_squeeze %dma_wait3A_223 : memref<1x32x128xf32, #tpu.memory_space<vmem>> -> memref<32x128xf32, #tpu.memory_space<vmem>>
      %dma_wait3A_225 = arith.constant 0 : i32
      %dma_wait3A_226 = tpu.memref_slice %arg10[%add3A_211, %dma_wait3A_225] : memref<40x128xi32, #tpu.memory_space<vmem>> -> memref<1x32xi32, #tpu.memory_space<vmem>>
      %dma_wait3A_227 = tpu.memref_squeeze %dma_wait3A_226 : memref<1x32xi32, #tpu.memory_space<vmem>> -> memref<32xi32, #tpu.memory_space<vmem>>
      %dma_wait3A_228 = arith.constant 0 : i32
      %dma_wait3A_229 = tpu.memref_slice %arg2[%dma_wait3A_228, %mul3A_219] : memref<10000x256xf32, #tpu.memory_space<hbm>> -> memref<10000x128xf32, #tpu.memory_space<hbm>>
      tpu.wait_indirect_dma semaphore(%arg13 : memref<!tpu.dma_semaphore, #tpu.memory_space<semaphore_mem>>) src(%dma_wait3A_229 : memref<10000x128xf32, #tpu.memory_space<hbm>>) dst(%dma_wait3A_224 : memref<32x128xf32, #tpu.memory_space<vmem>>)
      %mul3A_230 = arith.constant 128 : i32
      %mul3A_231 = arith.muli %arg0, %mul3A_230 : i32
      %dma_wait3A_232 = arith.constant 0 : i32
      %dma_wait3A_233 = arith.constant 32 : i32
      %dma_wait3A_234 = arith.constant 0 : i32
      %dma_wait3A_235 = tpu.memref_slice %arg12[%dma_wait3A_232, %dma_wait3A_233, %dma_wait3A_234] : memref<2x128x128xf32, #tpu.memory_space<vmem>> -> memref<1x32x128xf32, #tpu.memory_space<vmem>>
      %dma_wait3A_236 = tpu.memref_squeeze %dma_wait3A_235 : memref<1x32x128xf32, #tpu.memory_space<vmem>> -> memref<32x128xf32, #tpu.memory_space<vmem>>
      %dma_wait3A_237 = arith.constant 32 : i32
      %dma_wait3A_238 = tpu.memref_slice %arg10[%add3A_211, %dma_wait3A_237] : memref<40x128xi32, #tpu.memory_space<vmem>> -> memref<1x32xi32, #tpu.memory_space<vmem>>
      %dma_wait3A_239 = tpu.memref_squeeze %dma_wait3A_238 : memref<1x32xi32, #tpu.memory_space<vmem>> -> memref<32xi32, #tpu.memory_space<vmem>>
      %dma_wait3A_240 = arith.constant 0 : i32
      %dma_wait3A_241 = tpu.memref_slice %arg2[%dma_wait3A_240, %mul3A_231] : memref<10000x256xf32, #tpu.memory_space<hbm>> -> memref<10000x128xf32, #tpu.memory_space<hbm>>
      tpu.wait_indirect_dma semaphore(%arg14 : memref<!tpu.dma_semaphore, #tpu.memory_space<semaphore_mem>>) src(%dma_wait3A_241 : memref<10000x128xf32, #tpu.memory_space<hbm>>) dst(%dma_wait3A_236 : memref<32x128xf32, #tpu.memory_space<vmem>>)
      %mul3A_242 = arith.constant 128 : i32
      %mul3A_243 = arith.muli %arg0, %mul3A_242 : i32
      %dma_wait3A_244 = arith.constant 0 : i32
      %dma_wait3A_245 = arith.constant 64 : i32
      %dma_wait3A_246 = arith.constant 0 : i32
      %dma_wait3A_247 = tpu.memref_slice %arg12[%dma_wait3A_244, %dma_wait3A_245, %dma_wait3A_246] : memref<2x128x128xf32, #tpu.memory_space<vmem>> -> memref<1x32x128xf32, #tpu.memory_space<vmem>>
      %dma_wait3A_248 = tpu.memref_squeeze %dma_wait3A_247 : memref<1x32x128xf32, #tpu.memory_space<vmem>> -> memref<32x128xf32, #tpu.memory_space<vmem>>
      %dma_wait3A_249 = arith.constant 64 : i32
      %dma_wait3A_250 = tpu.memref_slice %arg10[%add3A_211, %dma_wait3A_249] : memref<40x128xi32, #tpu.memory_space<vmem>> -> memref<1x32xi32, #tpu.memory_space<vmem>>
      %dma_wait3A_251 = tpu.memref_squeeze %dma_wait3A_250 : memref<1x32xi32, #tpu.memory_space<vmem>> -> memref<32xi32, #tpu.memory_space<vmem>>
      %dma_wait3A_252 = arith.constant 0 : i32
      %dma_wait3A_253 = tpu.memref_slice %arg2[%dma_wait3A_252, %mul3A_243] : memref<10000x256xf32, #tpu.memory_space<hbm>> -> memref<10000x128xf32, #tpu.memory_space<hbm>>
      tpu.wait_indirect_dma semaphore(%arg15 : memref<!tpu.dma_semaphore, #tpu.memory_space<semaphore_mem>>) src(%dma_wait3A_253 : memref<10000x128xf32, #tpu.memory_space<hbm>>) dst(%dma_wait3A_248 : memref<32x128xf32, #tpu.memory_space<vmem>>)
      %mul3A_254 = arith.constant 128 : i32
      %mul3A_255 = arith.muli %arg0, %mul3A_254 : i32
      %dma_wait3A_256 = arith.constant 0 : i32
      %dma_wait3A_257 = arith.constant 96 : i32
      %dma_wait3A_258 = arith.constant 0 : i32
      %dma_wait3A_259 = tpu.memref_slice %arg12[%dma_wait3A_256, %dma_wait3A_257, %dma_wait3A_258] : memref<2x128x128xf32, #tpu.memory_space<vmem>> -> memref<1x32x128xf32, #tpu.memory_space<vmem>>
      %dma_wait3A_260 = tpu.memref_squeeze %dma_wait3A_259 : memref<1x32x128xf32, #tpu.memory_space<vmem>> -> memref<32x128xf32, #tpu.memory_space<vmem>>
      %dma_wait3A_261 = arith.constant 96 : i32
      %dma_wait3A_262 = tpu.memref_slice %arg10[%add3A_211, %dma_wait3A_261] : memref<40x128xi32, #tpu.memory_space<vmem>> -> memref<1x32xi32, #tpu.memory_space<vmem>>
      %dma_wait3A_263 = tpu.memref_squeeze %dma_wait3A_262 : memref<1x32xi32, #tpu.memory_space<vmem>> -> memref<32xi32, #tpu.memory_space<vmem>>
      %dma_wait3A_264 = arith.constant 0 : i32
      %dma_wait3A_265 = tpu.memref_slice %arg2[%dma_wait3A_264, %mul3A_255] : memref<10000x256xf32, #tpu.memory_space<hbm>> -> memref<10000x128xf32, #tpu.memory_space<hbm>>
      tpu.wait_indirect_dma semaphore(%arg16 : memref<!tpu.dma_semaphore, #tpu.memory_space<semaphore_mem>>) src(%dma_wait3A_265 : memref<10000x128xf32, #tpu.memory_space<hbm>>) dst(%dma_wait3A_260 : memref<32x128xf32, #tpu.memory_space<vmem>>)
      %dma_start3A_266 = arith.constant 0 : i32
      %dma_start3A_267 = arith.constant 0 : i32
      %dma_start3A_268 = arith.constant 0 : i32
      %dma_start3A_269 = tpu.memref_slice %arg12[%dma_start3A_266, %dma_start3A_267, %dma_start3A_268] : memref<2x128x128xf32, #tpu.memory_space<vmem>> -> memref<1x128x128xf32, #tpu.memory_space<vmem>>
      %dma_start3A_270 = tpu.memref_squeeze %dma_start3A_269 : memref<1x128x128xf32, #tpu.memory_space<vmem>> -> memref<128x128xf32, #tpu.memory_space<vmem>>
      %dma_start3A_271 = arith.constant 0 : i32
      %dma_start3A_272 = tpu.memref_slice %arg11[%add3A_211, %dma_start3A_271] : memref<40x128xi32, #tpu.memory_space<vmem>> -> memref<1x128xi32, #tpu.memory_space<vmem>>
      %dma_start3A_273 = tpu.memref_squeeze %dma_start3A_272 : memref<1x128xi32, #tpu.memory_space<vmem>> -> memref<128xi32, #tpu.memory_space<vmem>>
      %dma_start3A_274 = arith.constant 0 : i32
      %dma_start3A_275 = arith.constant 0 : i32
      %dma_start3A_276 = tpu.memref_slice %arg9[%dma_start3A_274, %dma_start3A_275] : memref<10112x128xf32, #tpu.memory_space<vmem_shared>> -> memref<10112x128xf32, #tpu.memory_space<vmem_shared>>
      tpu.enqueue_indirect_dma source(%dma_start3A_270 : memref<128x128xf32, #tpu.memory_space<vmem>>) target(%dma_start3A_276 : memref<10112x128xf32, #tpu.memory_space<vmem_shared>>) offsets(%dma_start3A_273 : memref<128xi32, #tpu.memory_space<vmem>>) semaphore(%arg21 : memref<!tpu.dma_semaphore, #tpu.memory_space<semaphore_mem>>) {add = true}
      %mul3A_277 = arith.constant 2 : i32
      %mul3A_278 = arith.muli %scan3A_207, %mul3A_277 : i32
      %add3A_279 = arith.constant 1 : i32
      %add3A_280 = arith.addi %mul3A_278, %add3A_279 : i32
      %add3A_281 = arith.constant 1 : i32
      %add3A_282 = arith.addi %add3A_280, %add3A_281 : i32
      %lt3A_283 = arith.constant 40 : i32
      %lt3A_284 = arith.cmpi slt, %add3A_282, %lt3A_283 : i32
      %convert_element_type3A_285 = arith.extui %lt3A_284 : i1 to i32
      %cond3A_286 = arith.constant 0 : i32
      %cond3A_287 = arith.cmpi ne, %convert_element_type3A_285, %cond3A_286 : i32
      scf.if %cond3A_287 {
        %ge3A = arith.constant 1 : i32
        %ge3A_347 = arith.cmpi sge, %add3A_280, %ge3A : i32
        %convert_element_type3A_348 = arith.extui %ge3A_347 : i1 to i32
        %cond3A_349 = arith.constant 0 : i32
        %cond3A_350 = arith.cmpi ne, %convert_element_type3A_348, %cond3A_349 : i32
        scf.if %cond3A_350 {
          %sub3A = arith.constant 1 : i32
          %sub3A_401 = arith.subi %add3A_280, %sub3A : i32
          %dma_wait3A_402 = arith.constant 0 : i32
          %dma_wait3A_403 = arith.constant 0 : i32
          %dma_wait3A_404 = arith.constant 0 : i32
          %dma_wait3A_405 = tpu.memref_slice %arg12[%dma_wait3A_402, %dma_wait3A_403, %dma_wait3A_404] : memref<2x128x128xf32, #tpu.memory_space<vmem>> -> memref<1x128x128xf32, #tpu.memory_space<vmem>>
          %dma_wait3A_406 = tpu.memref_squeeze %dma_wait3A_405 : memref<1x128x128xf32, #tpu.memory_space<vmem>> -> memref<128x128xf32, #tpu.memory_space<vmem>>
          %dma_wait3A_407 = arith.constant 0 : i32
          %dma_wait3A_408 = tpu.memref_slice %arg11[%sub3A_401, %dma_wait3A_407] : memref<40x128xi32, #tpu.memory_space<vmem>> -> memref<1x128xi32, #tpu.memory_space<vmem>>
          %dma_wait3A_409 = tpu.memref_squeeze %dma_wait3A_408 : memref<1x128xi32, #tpu.memory_space<vmem>> -> memref<128xi32, #tpu.memory_space<vmem>>
          %dma_wait3A_410 = arith.constant 0 : i32
          %dma_wait3A_411 = arith.constant 0 : i32
          %dma_wait3A_412 = tpu.memref_slice %arg9[%dma_wait3A_410, %dma_wait3A_411] : memref<10112x128xf32, #tpu.memory_space<vmem_shared>> -> memref<10112x128xf32, #tpu.memory_space<vmem_shared>>
          tpu.wait_indirect_dma semaphore(%arg21 : memref<!tpu.dma_semaphore, #tpu.memory_space<semaphore_mem>>) src(%dma_wait3A_406 : memref<128x128xf32, #tpu.memory_space<vmem>>) dst(%dma_wait3A_412 : memref<10112x128xf32, #tpu.memory_space<vmem_shared>>)
        } else {
        }
        %add3A_351 = arith.constant 1 : i32
        %add3A_352 = arith.addi %add3A_280, %add3A_351 : i32
        %mul3A_353 = arith.constant 128 : i32
        %mul3A_354 = arith.muli %arg0, %mul3A_353 : i32
        %dma_start3A_355 = arith.constant 0 : i32
        %dma_start3A_356 = arith.constant 0 : i32
        %dma_start3A_357 = arith.constant 0 : i32
        %dma_start3A_358 = tpu.memref_slice %arg12[%dma_start3A_355, %dma_start3A_356, %dma_start3A_357] : memref<2x128x128xf32, #tpu.memory_space<vmem>> -> memref<1x32x128xf32, #tpu.memory_space<vmem>>
        %dma_start3A_359 = tpu.memref_squeeze %dma_start3A_358 : memref<1x32x128xf32, #tpu.memory_space<vmem>> -> memref<32x128xf32, #tpu.memory_space<vmem>>
        %dma_start3A_360 = arith.constant 0 : i32
        %dma_start3A_361 = tpu.memref_slice %arg10[%add3A_352, %dma_start3A_360] : memref<40x128xi32, #tpu.memory_space<vmem>> -> memref<1x32xi32, #tpu.memory_space<vmem>>
        %dma_start3A_362 = tpu.memref_squeeze %dma_start3A_361 : memref<1x32xi32, #tpu.memory_space<vmem>> -> memref<32xi32, #tpu.memory_space<vmem>>
        %dma_start3A_363 = arith.constant 0 : i32
        %dma_start3A_364 = tpu.memref_slice %arg2[%dma_start3A_363, %mul3A_354] : memref<10000x256xf32, #tpu.memory_space<hbm>> -> memref<10000x128xf32, #tpu.memory_space<hbm>>
        tpu.enqueue_indirect_dma source(%dma_start3A_364 : memref<10000x128xf32, #tpu.memory_space<hbm>>) target(%dma_start3A_359 : memref<32x128xf32, #tpu.memory_space<vmem>>) offsets(%dma_start3A_362 : memref<32xi32, #tpu.memory_space<vmem>>) semaphore(%arg13 : memref<!tpu.dma_semaphore, #tpu.memory_space<semaphore_mem>>)
        %mul3A_365 = arith.constant 128 : i32
        %mul3A_366 = arith.muli %arg0, %mul3A_365 : i32
        %dma_start3A_367 = arith.constant 0 : i32
        %dma_start3A_368 = arith.constant 32 : i32
        %dma_start3A_369 = arith.constant 0 : i32
        %dma_start3A_370 = tpu.memref_slice %arg12[%dma_start3A_367, %dma_start3A_368, %dma_start3A_369] : memref<2x128x128xf32, #tpu.memory_space<vmem>> -> memref<1x32x128xf32, #tpu.memory_space<vmem>>
        %dma_start3A_371 = tpu.memref_squeeze %dma_start3A_370 : memref<1x32x128xf32, #tpu.memory_space<vmem>> -> memref<32x128xf32, #tpu.memory_space<vmem>>
        %dma_start3A_372 = arith.constant 32 : i32
        %dma_start3A_373 = tpu.memref_slice %arg10[%add3A_352, %dma_start3A_372] : memref<40x128xi32, #tpu.memory_space<vmem>> -> memref<1x32xi32, #tpu.memory_space<vmem>>
        %dma_start3A_374 = tpu.memref_squeeze %dma_start3A_373 : memref<1x32xi32, #tpu.memory_space<vmem>> -> memref<32xi32, #tpu.memory_space<vmem>>
        %dma_start3A_375 = arith.constant 0 : i32
        %dma_start3A_376 = tpu.memref_slice %arg2[%dma_start3A_375, %mul3A_366] : memref<10000x256xf32, #tpu.memory_space<hbm>> -> memref<10000x128xf32, #tpu.memory_space<hbm>>
        tpu.enqueue_indirect_dma source(%dma_start3A_376 : memref<10000x128xf32, #tpu.memory_space<hbm>>) target(%dma_start3A_371 : memref<32x128xf32, #tpu.memory_space<vmem>>) offsets(%dma_start3A_374 : memref<32xi32, #tpu.memory_space<vmem>>) semaphore(%arg14 : memref<!tpu.dma_semaphore, #tpu.memory_space<semaphore_mem>>)
        %mul3A_377 = arith.constant 128 : i32
        %mul3A_378 = arith.muli %arg0, %mul3A_377 : i32
        %dma_start3A_379 = arith.constant 0 : i32
        %dma_start3A_380 = arith.constant 64 : i32
        %dma_start3A_381 = arith.constant 0 : i32
        %dma_start3A_382 = tpu.memref_slice %arg12[%dma_start3A_379, %dma_start3A_380, %dma_start3A_381] : memref<2x128x128xf32, #tpu.memory_space<vmem>> -> memref<1x32x128xf32, #tpu.memory_space<vmem>>
        %dma_start3A_383 = tpu.memref_squeeze %dma_start3A_382 : memref<1x32x128xf32, #tpu.memory_space<vmem>> -> memref<32x128xf32, #tpu.memory_space<vmem>>
        %dma_start3A_384 = arith.constant 64 : i32
        %dma_start3A_385 = tpu.memref_slice %arg10[%add3A_352, %dma_start3A_384] : memref<40x128xi32, #tpu.memory_space<vmem>> -> memref<1x32xi32, #tpu.memory_space<vmem>>
        %dma_start3A_386 = tpu.memref_squeeze %dma_start3A_385 : memref<1x32xi32, #tpu.memory_space<vmem>> -> memref<32xi32, #tpu.memory_space<vmem>>
        %dma_start3A_387 = arith.constant 0 : i32
        %dma_start3A_388 = tpu.memref_slice %arg2[%dma_start3A_387, %mul3A_378] : memref<10000x256xf32, #tpu.memory_space<hbm>> -> memref<10000x128xf32, #tpu.memory_space<hbm>>
        tpu.enqueue_indirect_dma source(%dma_start3A_388 : memref<10000x128xf32, #tpu.memory_space<hbm>>) target(%dma_start3A_383 : memref<32x128xf32, #tpu.memory_space<vmem>>) offsets(%dma_start3A_386 : memref<32xi32, #tpu.memory_space<vmem>>) semaphore(%arg15 : memref<!tpu.dma_semaphore, #tpu.memory_space<semaphore_mem>>)
        %mul3A_389 = arith.constant 128 : i32
        %mul3A_390 = arith.muli %arg0, %mul3A_389 : i32
        %dma_start3A_391 = arith.constant 0 : i32
        %dma_start3A_392 = arith.constant 96 : i32
        %dma_start3A_393 = arith.constant 0 : i32
        %dma_start3A_394 = tpu.memref_slice %arg12[%dma_start3A_391, %dma_start3A_392, %dma_start3A_393] : memref<2x128x128xf32, #tpu.memory_space<vmem>> -> memref<1x32x128xf32, #tpu.memory_space<vmem>>
        %dma_start3A_395 = tpu.memref_squeeze %dma_start3A_394 : memref<1x32x128xf32, #tpu.memory_space<vmem>> -> memref<32x128xf32, #tpu.memory_space<vmem>>
        %dma_start3A_396 = arith.constant 96 : i32
        %dma_start3A_397 = tpu.memref_slice %arg10[%add3A_352, %dma_start3A_396] : memref<40x128xi32, #tpu.memory_space<vmem>> -> memref<1x32xi32, #tpu.memory_space<vmem>>
        %dma_start3A_398 = tpu.memref_squeeze %dma_start3A_397 : memref<1x32xi32, #tpu.memory_space<vmem>> -> memref<32xi32, #tpu.memory_space<vmem>>
        %dma_start3A_399 = arith.constant 0 : i32
        %dma_start3A_400 = tpu.memref_slice %arg2[%dma_start3A_399, %mul3A_390] : memref<10000x256xf32, #tpu.memory_space<hbm>> -> memref<10000x128xf32, #tpu.memory_space<hbm>>
        tpu.enqueue_indirect_dma source(%dma_start3A_400 : memref<10000x128xf32, #tpu.memory_space<hbm>>) target(%dma_start3A_395 : memref<32x128xf32, #tpu.memory_space<vmem>>) offsets(%dma_start3A_398 : memref<32xi32, #tpu.memory_space<vmem>>) semaphore(%arg16 : memref<!tpu.dma_semaphore, #tpu.memory_space<semaphore_mem>>)
      } else {
      }
      %mul3A_288 = arith.constant 128 : i32
      %mul3A_289 = arith.muli %arg0, %mul3A_288 : i32
      %dma_wait3A_290 = arith.constant 1 : i32
      %dma_wait3A_291 = arith.constant 0 : i32
      %dma_wait3A_292 = arith.constant 0 : i32
      %dma_wait3A_293 = tpu.memref_slice %arg12[%dma_wait3A_290, %dma_wait3A_291, %dma_wait3A_292] : memref<2x128x128xf32, #tpu.memory_space<vmem>> -> memref<1x32x128xf32, #tpu.memory_space<vmem>>
      %dma_wait3A_294 = tpu.memref_squeeze %dma_wait3A_293 : memref<1x32x128xf32, #tpu.memory_space<vmem>> -> memref<32x128xf32, #tpu.memory_space<vmem>>
      %dma_wait3A_295 = arith.constant 0 : i32
      %dma_wait3A_296 = tpu.memref_slice %arg10[%add3A_280, %dma_wait3A_295] : memref<40x128xi32, #tpu.memory_space<vmem>> -> memref<1x32xi32, #tpu.memory_space<vmem>>
      %dma_wait3A_297 = tpu.memref_squeeze %dma_wait3A_296 : memref<1x32xi32, #tpu.memory_space<vmem>> -> memref<32xi32, #tpu.memory_space<vmem>>
      %dma_wait3A_298 = arith.constant 0 : i32
      %dma_wait3A_299 = tpu.memref_slice %arg2[%dma_wait3A_298, %mul3A_289] : memref<10000x256xf32, #tpu.memory_space<hbm>> -> memref<10000x128xf32, #tpu.memory_space<hbm>>
      tpu.wait_indirect_dma semaphore(%arg17 : memref<!tpu.dma_semaphore, #tpu.memory_space<semaphore_mem>>) src(%dma_wait3A_299 : memref<10000x128xf32, #tpu.memory_space<hbm>>) dst(%dma_wait3A_294 : memref<32x128xf32, #tpu.memory_space<vmem>>)
      %mul3A_300 = arith.constant 128 : i32
      %mul3A_301 = arith.muli %arg0, %mul3A_300 : i32
      %dma_wait3A_302 = arith.constant 1 : i32
      %dma_wait3A_303 = arith.constant 32 : i32
      %dma_wait3A_304 = arith.constant 0 : i32
      %dma_wait3A_305 = tpu.memref_slice %arg12[%dma_wait3A_302, %dma_wait3A_303, %dma_wait3A_304] : memref<2x128x128xf32, #tpu.memory_space<vmem>> -> memref<1x32x128xf32, #tpu.memory_space<vmem>>
      %dma_wait3A_306 = tpu.memref_squeeze %dma_wait3A_305 : memref<1x32x128xf32, #tpu.memory_space<vmem>> -> memref<32x128xf32, #tpu.memory_space<vmem>>
      %dma_wait3A_307 = arith.constant 32 : i32
      %dma_wait3A_308 = tpu.memref_slice %arg10[%add3A_280, %dma_wait3A_307] : memref<40x128xi32, #tpu.memory_space<vmem>> -> memref<1x32xi32, #tpu.memory_space<vmem>>
      %dma_wait3A_309 = tpu.memref_squeeze %dma_wait3A_308 : memref<1x32xi32, #tpu.memory_space<vmem>> -> memref<32xi32, #tpu.memory_space<vmem>>
      %dma_wait3A_310 = arith.constant 0 : i32
      %dma_wait3A_311 = tpu.memref_slice %arg2[%dma_wait3A_310, %mul3A_301] : memref<10000x256xf32, #tpu.memory_space<hbm>> -> memref<10000x128xf32, #tpu.memory_space<hbm>>
      tpu.wait_indirect_dma semaphore(%arg18 : memref<!tpu.dma_semaphore, #tpu.memory_space<semaphore_mem>>) src(%dma_wait3A_311 : memref<10000x128xf32, #tpu.memory_space<hbm>>) dst(%dma_wait3A_306 : memref<32x128xf32, #tpu.memory_space<vmem>>)
      %mul3A_312 = arith.constant 128 : i32
      %mul3A_313 = arith.muli %arg0, %mul3A_312 : i32
      %dma_wait3A_314 = arith.constant 1 : i32
      %dma_wait3A_315 = arith.constant 64 : i32
      %dma_wait3A_316 = arith.constant 0 : i32
      %dma_wait3A_317 = tpu.memref_slice %arg12[%dma_wait3A_314, %dma_wait3A_315, %dma_wait3A_316] : memref<2x128x128xf32, #tpu.memory_space<vmem>> -> memref<1x32x128xf32, #tpu.memory_space<vmem>>
      %dma_wait3A_318 = tpu.memref_squeeze %dma_wait3A_317 : memref<1x32x128xf32, #tpu.memory_space<vmem>> -> memref<32x128xf32, #tpu.memory_space<vmem>>
      %dma_wait3A_319 = arith.constant 64 : i32
      %dma_wait3A_320 = tpu.memref_slice %arg10[%add3A_280, %dma_wait3A_319] : memref<40x128xi32, #tpu.memory_space<vmem>> -> memref<1x32xi32, #tpu.memory_space<vmem>>
      %dma_wait3A_321 = tpu.memref_squeeze %dma_wait3A_320 : memref<1x32xi32, #tpu.memory_space<vmem>> -> memref<32xi32, #tpu.memory_space<vmem>>
      %dma_wait3A_322 = arith.constant 0 : i32
      %dma_wait3A_323 = tpu.memref_slice %arg2[%dma_wait3A_322, %mul3A_313] : memref<10000x256xf32, #tpu.memory_space<hbm>> -> memref<10000x128xf32, #tpu.memory_space<hbm>>
      tpu.wait_indirect_dma semaphore(%arg19 : memref<!tpu.dma_semaphore, #tpu.memory_space<semaphore_mem>>) src(%dma_wait3A_323 : memref<10000x128xf32, #tpu.memory_space<hbm>>) dst(%dma_wait3A_318 : memref<32x128xf32, #tpu.memory_space<vmem>>)
      %mul3A_324 = arith.constant 128 : i32
      %mul3A_325 = arith.muli %arg0, %mul3A_324 : i32
      %dma_wait3A_326 = arith.constant 1 : i32
      %dma_wait3A_327 = arith.constant 96 : i32
      %dma_wait3A_328 = arith.constant 0 : i32
      %dma_wait3A_329 = tpu.memref_slice %arg12[%dma_wait3A_326, %dma_wait3A_327, %dma_wait3A_328] : memref<2x128x128xf32, #tpu.memory_space<vmem>> -> memref<1x32x128xf32, #tpu.memory_space<vmem>>
      %dma_wait3A_330 = tpu.memref_squeeze %dma_wait3A_329 : memref<1x32x128xf32, #tpu.memory_space<vmem>> -> memref<32x128xf32, #tpu.memory_space<vmem>>
      %dma_wait3A_331 = arith.constant 96 : i32
      %dma_wait3A_332 = tpu.memref_slice %arg10[%add3A_280, %dma_wait3A_331] : memref<40x128xi32, #tpu.memory_space<vmem>> -> memref<1x32xi32, #tpu.memory_space<vmem>>
      %dma_wait3A_333 = tpu.memref_squeeze %dma_wait3A_332 : memref<1x32xi32, #tpu.memory_space<vmem>> -> memref<32xi32, #tpu.memory_space<vmem>>
      %dma_wait3A_334 = arith.constant 0 : i32
      %dma_wait3A_335 = tpu.memref_slice %arg2[%dma_wait3A_334, %mul3A_325] : memref<10000x256xf32, #tpu.memory_space<hbm>> -> memref<10000x128xf32, #tpu.memory_space<hbm>>
      tpu.wait_indirect_dma semaphore(%arg20 : memref<!tpu.dma_semaphore, #tpu.memory_space<semaphore_mem>>) src(%dma_wait3A_335 : memref<10000x128xf32, #tpu.memory_space<hbm>>) dst(%dma_wait3A_330 : memref<32x128xf32, #tpu.memory_space<vmem>>)
      %dma_start3A_336 = arith.constant 1 : i32
      %dma_start3A_337 = arith.constant 0 : i32
      %dma_start3A_338 = arith.constant 0 : i32
      %dma_start3A_339 = tpu.memref_slice %arg12[%dma_start3A_336, %dma_start3A_337, %dma_start3A_338] : memref<2x128x128xf32, #tpu.memory_space<vmem>> -> memref<1x128x128xf32, #tpu.memory_space<vmem>>
      %dma_start3A_340 = tpu.memref_squeeze %dma_start3A_339 : memref<1x128x128xf32, #tpu.memory_space<vmem>> -> memref<128x128xf32, #tpu.memory_space<vmem>>
      %dma_start3A_341 = arith.constant 0 : i32
      %dma_start3A_342 = tpu.memref_slice %arg11[%add3A_280, %dma_start3A_341] : memref<40x128xi32, #tpu.memory_space<vmem>> -> memref<1x128xi32, #tpu.memory_space<vmem>>
      %dma_start3A_343 = tpu.memref_squeeze %dma_start3A_342 : memref<1x128xi32, #tpu.memory_space<vmem>> -> memref<128xi32, #tpu.memory_space<vmem>>
      %dma_start3A_344 = arith.constant 0 : i32
      %dma_start3A_345 = arith.constant 0 : i32
      %dma_start3A_346 = tpu.memref_slice %arg9[%dma_start3A_344, %dma_start3A_345] : memref<10112x128xf32, #tpu.memory_space<vmem_shared>> -> memref<10112x128xf32, #tpu.memory_space<vmem_shared>>
      tpu.enqueue_indirect_dma source(%dma_start3A_340 : memref<128x128xf32, #tpu.memory_space<vmem>>) target(%dma_start3A_346 : memref<10112x128xf32, #tpu.memory_space<vmem_shared>>) offsets(%dma_start3A_343 : memref<128xi32, #tpu.memory_space<vmem>>) semaphore(%arg22 : memref<!tpu.dma_semaphore, #tpu.memory_space<semaphore_mem>>) {add = true}
    }
    %scan3A_170 = arith.constant 20 : i32
    %dma_wait3A_171 = arith.constant 0 : i32
    %dma_wait3A_172 = arith.constant 38 : i32
    %dma_wait3A_173 = arith.constant 0 : i32
    %dma_wait3A_174 = arith.constant 0 : i32
    %dma_wait3A_175 = tpu.memref_slice %arg12[%dma_wait3A_171, %dma_wait3A_173, %dma_wait3A_174] : memref<2x128x128xf32, #tpu.memory_space<vmem>> -> memref<1x128x128xf32, #tpu.memory_space<vmem>>
    %dma_wait3A_176 = tpu.memref_squeeze %dma_wait3A_175 : memref<1x128x128xf32, #tpu.memory_space<vmem>> -> memref<128x128xf32, #tpu.memory_space<vmem>>
    %dma_wait3A_177 = arith.constant 0 : i32
    %dma_wait3A_178 = tpu.memref_slice %arg11[%dma_wait3A_172, %dma_wait3A_177] : memref<40x128xi32, #tpu.memory_space<vmem>> -> memref<1x128xi32, #tpu.memory_space<vmem>>
    %dma_wait3A_179 = tpu.memref_squeeze %dma_wait3A_178 : memref<1x128xi32, #tpu.memory_space<vmem>> -> memref<128xi32, #tpu.memory_space<vmem>>
    %dma_wait3A_180 = arith.constant 0 : i32
    %dma_wait3A_181 = arith.constant 0 : i32
    %dma_wait3A_182 = tpu.memref_slice %arg9[%dma_wait3A_180, %dma_wait3A_181] : memref<10112x128xf32, #tpu.memory_space<vmem_shared>> -> memref<10112x128xf32, #tpu.memory_space<vmem_shared>>
    tpu.wait_indirect_dma semaphore(%arg21 : memref<!tpu.dma_semaphore, #tpu.memory_space<semaphore_mem>>) src(%dma_wait3A_176 : memref<128x128xf32, #tpu.memory_space<vmem>>) dst(%dma_wait3A_182 : memref<10112x128xf32, #tpu.memory_space<vmem_shared>>)
    %dma_wait3A_183 = arith.constant 1 : i32
    %dma_wait3A_184 = arith.constant 39 : i32
    %dma_wait3A_185 = arith.constant 0 : i32
    %dma_wait3A_186 = arith.constant 0 : i32
    %dma_wait3A_187 = tpu.memref_slice %arg12[%dma_wait3A_183, %dma_wait3A_185, %dma_wait3A_186] : memref<2x128x128xf32, #tpu.memory_space<vmem>> -> memref<1x128x128xf32, #tpu.memory_space<vmem>>
    %dma_wait3A_188 = tpu.memref_squeeze %dma_wait3A_187 : memref<1x128x128xf32, #tpu.memory_space<vmem>> -> memref<128x128xf32, #tpu.memory_space<vmem>>
    %dma_wait3A_189 = arith.constant 0 : i32
    %dma_wait3A_190 = tpu.memref_slice %arg11[%dma_wait3A_184, %dma_wait3A_189] : memref<40x128xi32, #tpu.memory_space<vmem>> -> memref<1x128xi32, #tpu.memory_space<vmem>>
    %dma_wait3A_191 = tpu.memref_squeeze %dma_wait3A_190 : memref<1x128xi32, #tpu.memory_space<vmem>> -> memref<128xi32, #tpu.memory_space<vmem>>
    %dma_wait3A_192 = arith.constant 0 : i32
    %dma_wait3A_193 = arith.constant 0 : i32
    %dma_wait3A_194 = tpu.memref_slice %arg9[%dma_wait3A_192, %dma_wait3A_193] : memref<10112x128xf32, #tpu.memory_space<vmem_shared>> -> memref<10112x128xf32, #tpu.memory_space<vmem_shared>>
    tpu.wait_indirect_dma semaphore(%arg22 : memref<!tpu.dma_semaphore, #tpu.memory_space<semaphore_mem>>) src(%dma_wait3A_188 : memref<128x128xf32, #tpu.memory_space<vmem>>) dst(%dma_wait3A_194 : memref<10112x128xf32, #tpu.memory_space<vmem_shared>>)
    %barrier3A_195 = arith.constant 0 : index
    tpu.barrier barrier_id(%barrier3A_195)
    %mul3A_196 = arith.constant 624 : i32
    %mul3A_197 = arith.muli %arg1, %mul3A_196 : i32
    %mul3A_198 = arith.constant 10000 : i32
    %mul3A_199 = arith.muli %arg0, %mul3A_198 : i32
    %mul3A_200 = arith.constant 624 : i32
    %mul3A_201 = arith.muli %arg1, %mul3A_200 : i32
    %add3A_202 = arith.addi %mul3A_199, %mul3A_201 : i32
    "tpu.region"() ({
      %run_scoped3A = tpu.sem_alloc : memref<!tpu.dma_semaphore, #tpu.memory_space<semaphore_mem>>
      %dma_start3A_207 = arith.constant 0 : i32
      %dma_start3A_208 = tpu.memref_slice %arg8[%add3A_202, %dma_start3A_207] : memref<20000x128xf32, #tpu.memory_space<hbm>> -> memref<624x128xf32, #tpu.memory_space<hbm>>
      %dma_start3A_209 = arith.constant 0 : i32
      %dma_start3A_210 = tpu.memref_slice %arg9[%mul3A_197, %dma_start3A_209] : memref<10112x128xf32, #tpu.memory_space<vmem_shared>> -> memref<624x128xf32, #tpu.memory_space<vmem_shared>>
      tpu.enqueue_dma source(%dma_start3A_210 : memref<624x128xf32, #tpu.memory_space<vmem_shared>>) target(%dma_start3A_208 : memref<624x128xf32, #tpu.memory_space<hbm>>) target_semaphore(%run_scoped3A : memref<!tpu.dma_semaphore, #tpu.memory_space<semaphore_mem>>)
      %dma_wait3A_211 = arith.constant 0 : i32
      %dma_wait3A_212 = tpu.memref_slice %arg8[%add3A_202, %dma_wait3A_211] : memref<20000x128xf32, #tpu.memory_space<hbm>> -> memref<624x128xf32, #tpu.memory_space<hbm>>
      %dma_wait3A_213 = arith.constant 0 : i32
      %dma_wait3A_214 = tpu.memref_slice %arg9[%mul3A_197, %dma_wait3A_213] : memref<10112x128xf32, #tpu.memory_space<vmem_shared>> -> memref<624x128xf32, #tpu.memory_space<vmem_shared>>
      tpu.wait_dma2 semaphore(%run_scoped3A : memref<!tpu.dma_semaphore, #tpu.memory_space<semaphore_mem>>) src(%dma_wait3A_214 : memref<624x128xf32, #tpu.memory_space<vmem_shared>>) dst(%dma_wait3A_212 : memref<624x128xf32, #tpu.memory_space<hbm>>)
      tpu.yield
    }) : () -> ()
    %eq3A = arith.constant 15 : i32
    %eq3A_203 = arith.cmpi eq, %arg1, %eq3A : i32
    %convert_element_type3A_204 = arith.extui %eq3A_203 : i1 to i32
    %cond3A_205 = arith.constant 0 : i32
    %cond3A_206 = arith.cmpi ne, %convert_element_type3A_204, %cond3A_205 : i32
    scf.if %cond3A_206 {
      %mul3A_207 = arith.constant 10000 : i32
      %mul3A_208 = arith.muli %arg0, %mul3A_207 : i32
      %add3A_209 = arith.constant 9984 : i32
      %add3A_210 = arith.addi %mul3A_208, %add3A_209 : i32
      "tpu.region"() ({
        %run_scoped3A = tpu.sem_alloc : memref<!tpu.dma_semaphore, #tpu.memory_space<semaphore_mem>>
        %dma_start3A_211 = arith.constant 0 : i32
        %dma_start3A_212 = tpu.memref_slice %arg8[%add3A_210, %dma_start3A_211] : memref<20000x128xf32, #tpu.memory_space<hbm>> -> memref<16x128xf32, #tpu.memory_space<hbm>>
        %dma_start3A_213 = arith.constant 9984 : i32
        %dma_start3A_214 = arith.constant 0 : i32
        %dma_start3A_215 = tpu.memref_slice %arg9[%dma_start3A_213, %dma_start3A_214] : memref<10112x128xf32, #tpu.memory_space<vmem_shared>> -> memref<16x128xf32, #tpu.memory_space<vmem_shared>>
        tpu.enqueue_dma source(%dma_start3A_215 : memref<16x128xf32, #tpu.memory_space<vmem_shared>>) target(%dma_start3A_212 : memref<16x128xf32, #tpu.memory_space<hbm>>) target_semaphore(%run_scoped3A : memref<!tpu.dma_semaphore, #tpu.memory_space<semaphore_mem>>)
        %dma_wait3A_216 = arith.constant 0 : i32
        %dma_wait3A_217 = tpu.memref_slice %arg8[%add3A_210, %dma_wait3A_216] : memref<20000x128xf32, #tpu.memory_space<hbm>> -> memref<16x128xf32, #tpu.memory_space<hbm>>
        %dma_wait3A_218 = arith.constant 9984 : i32
        %dma_wait3A_219 = arith.constant 0 : i32
        %dma_wait3A_220 = tpu.memref_slice %arg9[%dma_wait3A_218, %dma_wait3A_219] : memref<10112x128xf32, #tpu.memory_space<vmem_shared>> -> memref<16x128xf32, #tpu.memory_space<vmem_shared>>
        tpu.wait_dma2 semaphore(%run_scoped3A : memref<!tpu.dma_semaphore, #tpu.memory_space<semaphore_mem>>) src(%dma_wait3A_220 : memref<16x128xf32, #tpu.memory_space<vmem_shared>>) dst(%dma_wait3A_217 : memref<16x128xf32, #tpu.memory_space<hbm>>)
        tpu.yield
      }) : () -> ()
    } else {
    }
    return
  }
}

module attributes {stable_mosaic.version = 14 : i64} {
  func.func @_tc_mm_body(%arg0: i32, %arg1: memref<2000x128xf32, #tpu.memory_space<vmem>>, %arg2: memref<2000x128xf32, #tpu.memory_space<vmem>>, %arg3: memref<128x256xf32, #tpu.memory_space<vmem>>, %arg4: memref<128x256xf32, #tpu.memory_space<vmem>>, %arg5: memref<1x256xf32, #tpu.memory_space<vmem>>, %arg6: memref<256x64xf32, #tpu.memory_space<vmem>>, %arg7: memref<2000x128xf32, #tpu.memory_space<vmem>>) attributes {dimension_semantics = [#tpu.dimension_semantics<arbitrary>], iteration_bounds = array<i64: 5>, scalar_prefetch = 0 : i64, scratch_operands = 0 : i64, tpu.core_type = #tpu.core_type<tc>, window_params = [{transform_indices = @transform_0, window_bounds = array<i64: 2000, 128>}, {transform_indices = @transform_1, window_bounds = array<i64: 2000, 128>}, {pipeline_mode = #tpu.pipeline_mode<synchronous>, transform_indices = @transform_2, window_bounds = array<i64: 128, 256>}, {pipeline_mode = #tpu.pipeline_mode<synchronous>, transform_indices = @transform_3, window_bounds = array<i64: 128, 256>}, {pipeline_mode = #tpu.pipeline_mode<synchronous>, transform_indices = @transform_4, window_bounds = array<i64: 1, 256>}, {pipeline_mode = #tpu.pipeline_mode<synchronous>, transform_indices = @transform_5, window_bounds = array<i64: 256, 64>}, {transform_indices = @transform_6, window_bounds = array<i64: 2000, 128>}]} {
    %get3A = arith.constant 0 : index
    %get3A_0 = arith.constant 0 : index
    %get3A_1 = vector.load %arg1[%get3A, %get3A_0] : memref<2000x128xf32, #tpu.memory_space<vmem>>, vector<2000x128xf32>
    %get3A_2 = arith.constant 0 : index
    %get3A_3 = arith.constant 0 : index
    %get3A_4 = vector.load %arg3[%get3A_2, %get3A_3] : memref<128x256xf32, #tpu.memory_space<vmem>>, vector<128x256xf32>
    %dot_general3A = arith.constant dense<0.000000e+00> : vector<2000x256xf32>
    %dot_general3A_5 = tpu.matmul %get3A_1, %get3A_4, %dot_general3A {dimension_numbers = #tpu.dot_dimension_numbers<[1], [0], [0], [1], [0, 0, 1, 1], [], []>, transpose_lhs_hint = false} : vector<2000x128xf32>, vector<128x256xf32>, vector<2000x256xf32> -> vector<2000x256xf32>
    %get3A_6 = arith.constant 0 : index
    %get3A_7 = arith.constant 0 : index
    %get3A_8 = vector.load %arg2[%get3A_6, %get3A_7] : memref<2000x128xf32, #tpu.memory_space<vmem>>, vector<2000x128xf32>
    %get3A_9 = arith.constant 0 : index
    %get3A_10 = arith.constant 0 : index
    %get3A_11 = vector.load %arg4[%get3A_9, %get3A_10] : memref<128x256xf32, #tpu.memory_space<vmem>>, vector<128x256xf32>
    %dot_general3A_12 = arith.constant dense<0.000000e+00> : vector<2000x256xf32>
    %dot_general3A_13 = tpu.matmul %get3A_8, %get3A_11, %dot_general3A_12 {dimension_numbers = #tpu.dot_dimension_numbers<[1], [0], [0], [1], [0, 0, 1, 1], [], []>, transpose_lhs_hint = false} : vector<2000x128xf32>, vector<128x256xf32>, vector<2000x256xf32> -> vector<2000x256xf32>
    %add3A = arith.addf %dot_general3A_5, %dot_general3A_13 : vector<2000x256xf32>
    %get3A_14 = arith.constant 0 : index
    %get3A_15 = arith.constant 0 : index
    %get3A_16 = vector.load %arg5[%get3A_14, %get3A_15] : memref<1x256xf32, #tpu.memory_space<vmem>>, vector<1x256xf32>
    %add3A_17 = vector.broadcast %get3A_16 : vector<1x256xf32> to vector<2000x256xf32>
    %add3A_18 = arith.addf %add3A, %add3A_17 : vector<2000x256xf32>
    %max3A = arith.constant 0.000000e+00 : f32
    %max3A_19 = vector.broadcast %max3A : f32 to vector<2000x256xf32>
    %max3A_20 = arith.maximumf %add3A_18, %max3A_19 : vector<2000x256xf32>
    %get3A_21 = arith.constant 0 : index
    %get3A_22 = arith.constant 0 : index
    %get3A_23 = vector.load %arg6[%get3A_21, %get3A_22] : memref<256x64xf32, #tpu.memory_space<vmem>>, vector<256x64xf32>
    %dot_general3A_24 = arith.constant dense<0.000000e+00> : vector<2000x64xf32>
    %dot_general3A_25 = tpu.matmul %max3A_20, %get3A_23, %dot_general3A_24 {dimension_numbers = #tpu.dot_dimension_numbers<[1], [0], [0], [1], [0, 0, 1, 1], [], []>, transpose_lhs_hint = false} : vector<2000x256xf32>, vector<256x64xf32>, vector<2000x64xf32> -> vector<2000x64xf32>
    %jit3A = arith.constant 0 : i32
    %convert_element_type3A = arith.sitofp %jit3A : i32 to f32
    %pad3A = vector.broadcast %convert_element_type3A : f32 to vector<2000x64xf32>
    %pad3A_26 = tpu.concatenate %dot_general3A_25, %pad3A in 1 : vector<2000x64xf32>, vector<2000x64xf32> -> vector<2000x128xf32>
    %swap3A = arith.constant 0 : index
    %swap3A_27 = arith.constant 0 : index
    %swap3A_28 = vector.load %arg7[%swap3A, %swap3A_27] : memref<2000x128xf32, #tpu.memory_space<vmem>>, vector<2000x128xf32>
    tpu.vector_store %arg7[%swap3A, %swap3A_27], %pad3A_26 {strides = array<i32>} : memref<2000x128xf32, #tpu.memory_space<vmem>>, vector<2000x128xf32>,
    return
  }
  func.func @transform_0(%arg0: i32) -> (i32, i32) {
    %c0_i32 = arith.constant 0 : i32
    %c0_i32_0 = arith.constant 0 : i32
    return %arg0, %c0_i32 : i32, i32
  }
  func.func @transform_1(%arg0: i32) -> (i32, i32) {
    %add3A = arith.constant 5 : i32
    %add3A_0 = arith.addi %add3A, %arg0 : i32
    %c0_i32 = arith.constant 0 : i32
    %c0_i32_1 = arith.constant 0 : i32
    return %add3A_0, %c0_i32 : i32, i32
  }
  func.func @transform_2(%arg0: i32) -> (i32, i32) {
    %c0_i32 = arith.constant 0 : i32
    %c0_i32_0 = arith.constant 0 : i32
    %c0_i32_1 = arith.constant 0 : i32
    return %c0_i32, %c0_i32_0 : i32, i32
  }
  func.func @transform_3(%arg0: i32) -> (i32, i32) {
    %c0_i32 = arith.constant 0 : i32
    %c0_i32_0 = arith.constant 0 : i32
    %c0_i32_1 = arith.constant 0 : i32
    return %c0_i32, %c0_i32_0 : i32, i32
  }
  func.func @transform_4(%arg0: i32) -> (i32, i32) {
    %c0_i32 = arith.constant 0 : i32
    %c0_i32_0 = arith.constant 0 : i32
    %c0_i32_1 = arith.constant 0 : i32
    return %c0_i32, %c0_i32_0 : i32, i32
  }
  func.func @transform_5(%arg0: i32) -> (i32, i32) {
    %c0_i32 = arith.constant 0 : i32
    %c0_i32_0 = arith.constant 0 : i32
    %c0_i32_1 = arith.constant 0 : i32
    return %c0_i32, %c0_i32_0 : i32, i32
  }
  func.func @transform_6(%arg0: i32) -> (i32, i32) {
    %c0_i32 = arith.constant 0 : i32
    %c0_i32_0 = arith.constant 0 : i32
    return %arg0, %c0_i32 : i32, i32
  }
}

module attributes {stable_mosaic.version = 14 : i64} {
  func.func @_tc_comb_body(%arg0: i32, %arg1: memref<2000x128xf32, #tpu.memory_space<vmem>>, %arg2: memref<2000x128xf32, #tpu.memory_space<vmem>>, %arg3: memref<2000x64xf32, #tpu.memory_space<vmem>>) attributes {dimension_semantics = [#tpu.dimension_semantics<arbitrary>], iteration_bounds = array<i64: 5>, scalar_prefetch = 0 : i64, scratch_operands = 0 : i64, tpu.core_type = #tpu.core_type<tc>, window_params = [{transform_indices = @transform_0, window_bounds = array<i64: 2000, 128>}, {transform_indices = @transform_1, window_bounds = array<i64: 2000, 128>}, {transform_indices = @transform_2, window_bounds = array<i64: 2000, 64>}]} {
    %get3A = arith.constant 0 : index
    %get3A_0 = arith.constant 0 : index
    %get3A_1 = vector.load %arg1[%get3A, %get3A_0] : memref<2000x128xf32, #tpu.memory_space<vmem>>, vector<2000x64xf32>
    %get3A_2 = arith.constant 0 : index
    %get3A_3 = arith.constant 0 : index
    %get3A_4 = vector.load %arg2[%get3A_2, %get3A_3] : memref<2000x128xf32, #tpu.memory_space<vmem>>, vector<2000x64xf32>
    %add3A = arith.addf %get3A_1, %get3A_4 : vector<2000x64xf32>
    %swap3A = arith.constant 0 : index
    %swap3A_5 = arith.constant 0 : index
    %swap3A_6 = vector.load %arg3[%swap3A, %swap3A_5] : memref<2000x64xf32, #tpu.memory_space<vmem>>, vector<2000x64xf32>
    tpu.vector_store %arg3[%swap3A, %swap3A_5], %add3A {strides = array<i32>} : memref<2000x64xf32, #tpu.memory_space<vmem>>, vector<2000x64xf32>,
    return
  }
  func.func @transform_0(%arg0: i32) -> (i32, i32) {
    %c0_i32 = arith.constant 0 : i32
    %c0_i32_0 = arith.constant 0 : i32
    return %arg0, %c0_i32 : i32, i32
  }
  func.func @transform_1(%arg0: i32) -> (i32, i32) {
    %add3A = arith.constant 5 : i32
    %add3A_0 = arith.addi %add3A, %arg0 : i32
    %c0_i32 = arith.constant 0 : i32
    %c0_i32_1 = arith.constant 0 : i32
    return %add3A_0, %c0_i32 : i32, i32
  }
  func.func @transform_2(%arg0: i32) -> (i32, i32) {
    %c0_i32 = arith.constant 0 : i32
    %c0_i32_0 = arith.constant 0 : i32
    return %arg0, %c0_i32 : i32, i32
  }
}

</mosaic_0001>

<sc_bundles>
// kernel: kernel.6.cloned.1.call-start
scs
__scs_entry_jumppad:
0x0: {  	(pc) =	sbr.rel $0x88, $3  }
0x1: {  	(tag) =	ssettag $0x0;
	lr =	simm.s32 $0x1  }
0x2: {  	[smem:$0x3F9B] =	sst lr;
	_ =	strace $0xD0000000  }
0x3: {  	_ = 	snop  }
0x4: {  	_ = 	snop  }
0x5: {  	_ = 	snop  }
0x6: {  	_ = 	snop  }
0x7: {  	_ = 	snop  }
__scs_overlays_trampoline_lowered:
0x8: {  	[smem:$0x3FAA] =	sst s0  }
0x9: {  	[smem:$0x3FAB] =	sst s1  }
0xa: {  	[smem:$0x3FAC] =	sst s2  }
0xb: {  	[smem:$0x3FAD] =	sst s3  }
0xc: {  	[smem:$0x3FAE] =	sst s4  }
0xd: {  	[smem:$0x3FAF] =	sst s5  }
0xe: {  	[smem:$0x3FB0] =	sst s6  }
0xf: {  	[smem:$0x3FB1] =	sst s7  }
0x10: {  	[smem:$0x3FB2] =	sst s8  }
0x11: {  	[smem:$0x3FB3] =	sst s9;
	s0 =	simm.s32 @!p0 $0x0  }
0x12: {  	s1 =	sld [smem:$0x3F99];
	s0 =	simm.s32 @p0 $0x1  }
0x13: {  	[smem:$0x3FB4] =	sst s0;
	s0 =	simm.s32 @!p1 $0x0  }
0x14: {  	s2 =	sld [smem:$0x3F98];
	s0 =	simm.s32 @p1 $0x1  }
0x15: {  	[smem:$0x3FB5] =	sst s0;
	s0 =	simm.s32 @!p2 $0x0  }
0x16: {  	s3 =	sld [smem:$0x3FDB];
	s0 =	simm.s32 @p2 $0x1  }
0x17: {  	s4 =	simm.s32 $0x1BF5;
	[smem:$0x3FB7] =	sst s0  }
0x18: {  	s0 =	sld [smem:$0x3F9A];
	_ =	swait.ge [sflag:s4], $0x0  }
0x19: {  	s7 =	sld [smem:$0x3F9B]  }
0x1a: {  	s8 =	sadd.s32 $0xFFFFE003, lr  }
0x1b: {  	s9 =	sadd.s32 $0xFFFFFEF7, lr;
	s5 =	simm.s32 $0xFFFFFFFF;
	p2 =	slt.u32 s8, $0xFFFFF086  }
0x1c: {  	p1 =	slt.u32 s9, $0xF7A;
	s5 =	simm.s32 @!p2 $0x0  }
0x1d: {  	s5 =	simm.s32 @p1 $0x1;
	p0 =	seq.s32 s7, s2  }
0x1e: {  	s7 =	smul.u32 @!p0 $0xF7A, s2;
	p2 =	seq.s32 @!p0 s5, $0x0  }
0x1f: {  	s9 =	smul.u32 $0xF7A, s1;
	s8 =	simm.s32 @!p0 $0x1BF5;
	p2 =	por !p2, p0  }
0x20: {  	[sflag:s8] =	ssyncset.s32 @!p0 $0xFFFFF086;
	s6 =	sadd.s32 @!p0 s3, s7;
	s7 =	simm.s32 @!p0 $0x108  }
0x21: {  	s3 =	sadd.s32 s3, s9;
	s6 =	sadd.s32 @!p0 $0x88, s6;
	s7 =	simm.s32 @p2 $0x1082  }
0x22: {  	[simem:s7], [sflag:s8] =	dma.local @!p0 [hbm:s6], $0xF7A  }
0x23: {  	s9 =	sor.u32 $0xD0000000, s2;
	s6 =	simm.s32 $0x108;
	_ =	swait.ge @!p0 [sflag:s8], $0x0  }
0x24: {  	s3 =	sadd.s32 $0x88, s3;
	s6 =	simm.s32 @!p1 $0x1082;
	[sflag:s4] =	ssyncset.s32 $0xFFFFF086  }
0x25: {  	[simem:s6], [sflag:s4] =	dma.local [hbm:s3], $0xF7A  }
0x26: {  	[smem:$0x3F9B] =	sst s1;
	(tag) =	ssettag s2;
	_ =	strace s9  }
0x27: {  	s1 =	sld [smem:$0x3FAB]  }
0x28: {  	s2 =	sld [smem:$0x3FAC]  }
0x29: {  	s4 =	sld [smem:$0x3FAE]  }
0x2a: {  	p0 =	seq.s32 s5, $0x0;
	s5 =	sld [smem:$0x3FAF]  }
0x2b: {  	s6 =	sld [smem:$0x3FB0]  }
0x2c: {  	s7 =	sld [smem:$0x3FB1]  }
0x2d: {  	s3 =	simm.s32 $0x108;
	s8 =	sld [smem:$0x3FB2]  }
0x2e: {  	s3 =	simm.s32 @!p0 $0x1082;
	s9 =	sld [smem:$0x3FB3]  }
0x2f: {  	lr =	sadd.s32 s0, s3;
	s0 =	sld [smem:$0x3FAA]  }
0x30: {  	s3 =	sld [smem:$0x3FAD]  }
0x31: {  	[smem:$0x3FB6] =	sst s10  }
0x32: {  	s10 =	sld [smem:$0x3FB4];
	_ =	sdelay $0x3  }
0x33: {  	p0 =	seq.s32 s10, $0x1;
	s10 =	sld [smem:$0x3FB6];
	_ =	sdelay $0x3  }
0x34: {  	[smem:$0x3FB6] =	sst s10  }
0x35: {  	s10 =	sld [smem:$0x3FB5];
	_ =	sdelay $0x3  }
0x36: {  	p1 =	seq.s32 s10, $0x1;
	s10 =	sld [smem:$0x3FB6];
	_ =	sdelay $0x3  }
0x37: {  	[smem:$0x3FB6] =	sst s10  }
0x38: {  	s10 =	sld [smem:$0x3FB7]  }
0x39: {  	_ = 	snop;
	(pc) =	sbr.ind lr, $3  }
0x3a: {  	_ = 	snop  }
0x3b: {  	_ = 	snop  }
0x3c: {  	p2 =	seq.s32 s10, $0x1;
	s10 =	sld [smem:$0x3FB6]  }
0x3d: {  	_ =	shalt  }
0x3e: {  	_ =	shalt  }
0x3f: {  	_ =	shalt  }
0x40: {  	_ =	shalt  }
0x41: {  	_ =	shalt  }
0x42: {  	_ =	shalt  }
0x43: {  	_ =	shalt  }
0x44: {  	_ =	shalt  }
0x45: {  	_ =	shalt  }
0x46: {  	_ =	shalt  }
0x47: {  	_ =	shalt  }
0x48: {  	_ =	shalt  }
0x49: {  	_ =	shalt  }
0x4a: {  	_ =	shalt  }
0x4b: {  	_ =	shalt  }
0x4c: {  	_ =	shalt  }
0x4d: {  	_ =	shalt  }
0x4e: {  	_ =	shalt  }
0x4f: {  	_ =	shalt  }
0x50: {  	_ =	shalt  }
0x51: {  	_ =	shalt  }
0x52: {  	_ =	shalt  }
0x53: {  	_ =	shalt  }
0x54: {  	_ =	shalt  }
0x55: {  	_ =	shalt  }
0x56: {  	_ =	shalt  }
0x57: {  	_ =	shalt  }
0x58: {  	_ =	shalt  }
0x59: {  	_ =	shalt  }
0x5a: {  	_ =	shalt  }
0x5b: {  	_ =	shalt  }
0x5c: {  	_ =	shalt  }
0x5d: {  	_ =	shalt  }
0x5e: {  	_ =	shalt  }
0x5f: {  	_ =	shalt  }
0x60: {  	_ =	shalt  }
0x61: {  	_ =	shalt  }
0x62: {  	_ =	shalt  }
0x63: {  	_ =	shalt  }
0x64: {  	_ =	shalt  }
0x65: {  	_ =	shalt  }
0x66: {  	_ =	shalt  }
0x67: {  	_ =	shalt  }
0x68: {  	_ =	shalt  }
0x69: {  	_ =	shalt  }
0x6a: {  	_ =	shalt  }
0x6b: {  	_ =	shalt  }
0x6c: {  	_ =	shalt  }
0x6d: {  	_ =	shalt  }
0x6e: {  	_ =	shalt  }
0x6f: {  	_ =	shalt  }
0x70: {  	_ =	shalt  }
0x71: {  	_ =	shalt  }
0x72: {  	_ =	shalt  }
0x73: {  	_ =	shalt  }
0x74: {  	_ =	shalt  }
0x75: {  	_ =	shalt  }
0x76: {  	_ =	shalt  }
0x77: {  	_ =	shalt  }
0x78: {  	_ =	shalt  }
0x79: {  	_ =	shalt  }
0x7a: {  	_ =	shalt  }
0x7b: {  	_ =	shalt  }
0x7c: {  	_ =	shalt  }
0x7d: {  	_ =	shalt  }
0x7e: {  	_ =	shalt  }
0x7f: {  	_ =	shalt  }
0x80: {  	_ =	shalt  }
0x81: {  	_ =	shalt  }
0x82: {  	_ =	shalt  }
0x83: {  	_ =	shalt  }
0x84: {  	_ =	shalt  }
0x85: {  	_ =	shalt  }
0x86: {  	_ =	shalt  }
0x87: {  	_ =	shalt  }
.Lfunc_end0:
.L_simem_size_0:
called_computation_lowered:
.L_overlay_start_0:
0x88: {  	s2 =	sld [smem:$0x3FD9]  }
0x89: {  	s3 =	sld [smem:$0x3FFE];
	_ =	sdelay $0x1  }
0x8a: {  	s1 =	srdreg.scid  }
0x8b: {  	s0 =	sand.u32 $0x1, s1  }
0x8c: {  	s17 =	sshll.u32 s0, $0xA;
	s2 =	sadd.s32 s3, s2  }
0x8d: {  	s2 =	sadd.s32 s2, s17  }
0x8e: {  	[smem:$0x3FC2] =	sst s2  }
0x8f: {  	_ = 	snop  }
0x90: {  	s2 =	sld [smem:$0x3FC9]  }
0x91: {  	s18 =	sld [smem:$0x3FD0];
	(tm) =	ssettm $0x1  }
0x92: {  	s4 =	sld [smem:$0x3FFB];
	_ =	sdelay $0x3  }
0x93: {  	_ =	strace s4  }
0x94: {  	s4 =	sld [smem:$0x3FFC];
	_ =	sdelay $0x3  }
0x95: {  	_ =	strace s4  }
0x96: {  	s4 =	sld [smem:$0x3FFD];
	_ =	sdelay $0x3  }
0x97: {  	_ =	strace s4  }
0x98: {  	_ =	strace $0x8FFFFFFF  }
0x99: {  	s19 =	sld [smem:$0x3FDB];
	_ =	sdelay $0x1  }
0x9a: {  	s5 =	simm.s32 $_scs_section_size  }
0x9b: {  	s6 =	simm.s32 $_size__tile_overlayer_lowered;
	s7 =	simm.s32 $_tile_overlayer_lowered  }
0x9c: {  	s22 =	simm.s32 $0x1BFF;
	s21 =	sshll.u32 s7, $0x1;
	s4 =	sadd.s32 s5, s19  }
0x9d: {  	s8 =	simm.s32 $0x0;
	s20 =	sshll.u32 s6, $0x1;
	s6 =	sadd.s32 s21, s4  }
0x9e: {  	[timem:s8], [sflag:s22] =	dma.local [hbm:s6], s20  }
0x9f: {  	_ =	swait.ge [sflag:s22], s20  }
0xa0: {  	s5 =	ssub.s32 $0x0, s20;
	[sflag:s22] =	ssyncset.done $0x0  }
0xa1: {  	[sflag:s22] =	ssyncadd.s32 s5;
	_ =	sdelay $0x1  }
0xa2: {  	s23 =	simm.s32 $0x1B8B  }
0xa3: {  	_ =	swait.ge [sflag:s23], $0x1  }
0xa4: {  	[sflag:s23] =	ssyncset.done $0x0  }
0xa5: {  	s25 =	simm.s32 $0x1B8E;
	s24 =	sld [smem:$0x3FFE];
	[sflag:s23] =	ssyncadd.s32 $0xFFFFFFFF  }
0xa6: {  	s26 =	simm.s32 $execute0_lowered;
	[smem:$0x3FD2] =	sst s25  }
0xa7: {  	s6 =	sshll.u32 s26, $0x1;
	_ =	strace $0x80000046;
	[dreg:$0x1] =	wrdreg $0xFFFFFFFF  }
0xa8: {  	s28 =	simm.s32 $_size_execute0_lowered;
	s4 =	sadd.s32 s4, s6;
	[dreg:$0x0] =	wrdreg $0x0  }
0xa9: {  	s6 =	sshll.u32 s28, $0x1;
	[dreg:$0x2] =	wrdreg s4  }
0xaa: {  	[dreg:$0x3] =	wrdreg s6  }
0xab: {  	[dreg:$0x4] =	wrdreg $0xC0  }
0xac: {  	_ =	task [dreg:s8], $0x5FFFF  }
0xad: {  	[dreg:$0x1] =	wrdreg $0xFFFFFFFF  }
0xae: {  	[dreg:$0x0] =	wrdreg $0x60  }
0xaf: {  	[dreg:$0x2] =	wrdreg s2  }
0xb0: {  	[dreg:$0x3] =	wrdreg s24  }
0xb1: {  	[dreg:$0x4] =	wrdreg s18  }
0xb2: {  	[dreg:$0x5] =	wrdreg $0x0  }
0xb3: {  	[dreg:$0x6] =	wrdreg $0x9  }
0xb4: {  	_ =	task.clear_ibuf [dreg:s8], $0x7FFFF;
	_ =	strace $0x90000046  }
0xb5: {  	s29 =	simm.s32 $0x9;
	_ =	strace $0x80000048  }
0xb6: {  	_ =	swait.ge [sflag:s29], $0x1  }
0xb7: {  	[sflag:s29] =	ssyncadd.s32 $0xFFFFFFFF  }
0xb8: {  	_ =	strace $0x90000048  }
0xb9: {  	_ =	sfence  }
0xba: {  	s30 =	sld [smem:$0x0];
	_ =	sdelay $0x2  }
0xbb: {  	s31 =	sshll.u32 s1, $0xD;
	s1 =	sshrl.u32 s1, $0x2  }
0xbc: {  	s3 =	sand.u32 $0x4000, s31;
	s1 =	sadd.s32 s1, s30  }
0xbd: {  	s0 =	sor.u32 s3, s0;
	s1 =	sshll.u32 s1, $0x11  }
0xbe: {  	s0 =	sor.u32 s1, s0  }
0xbf: {  	s0 =	sadd.s32 $0x8F2B, s0  }
0xc0: {  	[sflag:s0] =	ssyncadd.remote.s32 $0x1  }
0xc1: {  	_ =	sfence.sel $0xFFFF  }
0xc2: {  	[dreg:$0x0] =	wrdreg $0xFFFFFFFF;
	(pc) =	sbr.abs _section_cstart, $3  }
0xc3: {  	[dreg:$0x1] =	wrdreg $0xFFFFFFFF  }
0xc4: {  	_ =	task.clear_ibuf [dreg:s8], $0x2FFFF;
	_ =	strace $0x9FFFFFFF  }
0xc5: {  	(tm) =	ssettm $0x7FFFFFFF  }
tec
execute0_lowered:
.L_overlay_start_1:
0x0: {  	(tag) =	ssettag $0x1  }
0x1: {  	s0 =	rddreg [dreg:$0x0]  }
0x2: {  	s3 =	rddreg [dreg:$0x1]  }
0x3: {  	s4 =	rddreg [dreg:$0x2]  }
0x4: {  	s1 =	rddreg [dreg:$0x3];
	s2 =	simm.s32 $0x0;
	s7 =	srdreg.scid  }
0x5: {  	s15 =	stileid.u32;
	s28 =	simm.s32 $0x1DE80;
	s29 =	simm.s32 $0x8  }
0x6: {  	s30 =	simm.s32 $0x7;
	s31 =	simm.s32 $0x5;
	[smem:$0x7FF] =	sst s2  }
0x7: {  	s5 =	sadd.s32 $0x6600, s3;
	s6 =	sadd.s32 $0x1600, s3;
	s8 =	sadd.s32 $0xB600, s3  }
0x8: {  	s7 =	sand.u32 $0x1, s7;
	s13 =	smul.u32 $0x4F000, s15;
	s10 =	sadd.s32 $0xBA00, s3  }
0x9: {  	s3 =	sadd.s32 $0xBE00, s3;
	s14 =	sshll.u32 s15, $0x6;
	s16 =	smul.u32 $0x4E000, s15  }
0xa: {  	p0 =	seq.s32 s15, $0xF;
	p1 =	sne.s32 s15, $0xF;
	s12 =	smul.u32 $0x2780, s7  }
0xb: {  	_ =	strace $0x80000047;
	[dreg:$0x5] =	wrdreg s8;
	s18 =	smul.u32 $0x27100, s7  }
0xc: {  	s9 =	ssub.s32 $0x2, s7;
	s21 =	sor.u32 $0x1C0B, s14;
	s14 =	smul.u32 $0x2700, s15  }
0xd: {  	s20 =	sshll.u32 s7, $0x7;
	s7 =	smul.u32 $0x138800, s7;
	s11 =	sshrl.u32 s9, $0x1  }
0xe: {  	s8 =	sshrl.u32 s13, $0x2;
	s13 =	smul.u32 $0x500, s15;
	s23 =	sshrl.u32 s16, $0x2  }
0xf: {  	s15 =	simm.s32 $0x1DF80;
	s16 =	simm.s32 $0x9;
	[dreg:$0x7] =	wrdreg s21  }
0x10: {  	s11 =	ssub.s32 s9, s11;
	s8 =	sadd.s32 s8, s1;
	s4 =	sadd.s32 s4, s12  }
0x11: {  	s9 =	sadd.s32 s0, s20;
	s0 =	sadd.s32 s23, s1;
	s24 =	sshrl.u32 s7, $0x3  }
0x12: {  	s23 =	simm.s32 $0xB;
	s7 =	simm.s32 $0x2;
	s12 =	simm.s32 $0x1E280  }
0x13: {  	s20 =	simm.s32 $0x0;
	[dreg:$0x6] =	wrdreg s4;
	s17 =	sadd.s32 s5, s13  }
0x14: {  	s19 =	sadd.s32 s6, s13;
	s22 =	sadd.s32 $0x280, s13;
	s4 =	sadd.s32 s14, s18  }
0x15: {  	s25 =	smax.u32 s11, $0x1;
	s26 =	sshrl.u32 s8, $0x3;
	s0 =	sshrl.u32 s0, $0x3  }
0x16: {  	s13 =	simm.s32 $0x1A400;
	s18 =	simm.s32 $0x4;
	[dreg:$0x12] =	wrdreg s20  }
0x17: {  	s8 =	simm.s32 $0x1E380;
	s14 =	simm.s32 $0x1DF00;
	[dreg:$0x8] =	wrdreg s17  }
0x18: {  	s11 =	simm.s32 $0x1E100;
	[dreg:$0x9] =	wrdreg s19;
	s5 =	sadd.s32 s5, s22  }
0x19: {  	s6 =	sadd.s32 s6, s22;
	s4 =	sadd.s32 s3, s4;
	[dreg:$0xe] =	wrdreg s25  }
0x1a: {  	s3 =	sadd.s32 s3, s24;
	[dreg:$0xf] =	wrdreg s26;
	s19 =	simm.s32 $0x16400  }
0x1b: {  	v0 =	vimm.s32 $0x7;
	[dreg:$0x10] =	wrdreg s0;
	s26 =	simm.s32 $0x1DE00;
	s17 =	simm.s32 $0x80  }
0x1c: {  	v1 =	vimm.s32 $0x1;
	v2 =	vimm.s32 $0x0;
	v3 =	vlaneseq.u32;
	s24 =	simm.s32 $0x1E000;
	s25 =	simm.s32 $0x1E080;
	[dreg:$0xa] =	wrdreg s5  }
.Ltmp0:
0x1d: {  	vm0 =	vmmov $0x1;
	v4 =	vimm.s32 $0x2;
	v5 =	vimm.s32 $0x3;
	[dreg:$0xc] =	wrdreg s4;
	s3 =	sadd.s32 $0x27000, s3;
	(pc) =	sbr.rel .LBB2_1-.Ltmp0, $4  }
0x1e: {  	v6 =	vimm.s32 $0x4;
	v7 =	vimm.s32 $0x5;
	v8 =	vimm.s32 $0x6;
	s4 =	sadd.s32 $0x138000, s1;
	s6 =	smov.u32 @p0 s10;
	[dreg:$0xd] =	wrdreg s3  }
0x1f: {  	v9 =	vimm.s32 $0x8;
	v10 =	vimm.s32 $0x9;
	v11 =	vimm.s32 $0xA;
	s5 =	simm.s32 $0x1;
	s10 =	simm.s32 $0x1E300;
	[dreg:$0xb] =	wrdreg s6  }
0x20: {  	v12 =	vimm.s32 $0xB;
	v13 =	vimm.s32 $0xC;
	v14 =	vimm.s32 $0xD;
	s0 =	sshrl.u32 @!p1 s4, $0x3;
	s3 =	simm.s32 $0x1E200;
	s4 =	simm.s32 $0x3  }
0x21: {  	v15 =	vimm.s32 $0xE;
	v16 =	vimm.s32 $0xF;
	v3 =	vmul.u32 $0x8, v3;
	s6 =	simm.s32 $0x1E180;
	[dreg:$0x11] =	wrdreg s0;
	s0 =	simm.s32 $0x6  }
.LBB2_9:
0x22: {  	_ =	swait.ge [sflag:s16], $0x4000  }
0x23: {  	[sflag:s16] =	ssyncset.done $0x0  }
0x24: {  	s20 =	simm.s32 $0xA;
	[sflag:s16] =	ssyncadd.s32 $0xFFFFC000  }
0x25: {  	_ =	swait.ge [sflag:s20], $0x4000  }
0x26: {  	[sflag:s20] =	ssyncset.done $0x0  }
0x27: {  	[sflag:s20] =	ssyncadd.s32 $0xFFFFC000  }
0x28: {  	[bflag:$0x0] =	sbarrier.arrive $0xFFFF  }
0x29: {  	s21 =	rddreg [dreg:$0x7]  }
0x2a: {  	s26 =	rddreg [dreg:$0xc]  }
0x2b: {  	s23 =	simm.s32 $0xB;
	s22 =	rddreg [dreg:$0x10]  }
0x2c: {  	[hbm:s26], [sflag:s21] =	dma.local [spmem:s22], $0x2700  }
0x2d: {  	_ =	swait.ge [sflag:s23], $0x2700  }
0x2e: {  	[sflag:s23] =	ssyncset.done $0x0;
	s20 =	rddreg [dreg:$0xd]  }
0x2f: {  	s22 =	rddreg [dreg:$0x11];
	[sflag:s23] =	ssyncadd.s32 $0xFFFFD900  }
0x30: {  	[hbm:s20], [sflag:s21] =	dma.local @!p1 [spmem:s22], $0x100  }
0x31: {  	s20 =	simm.s32 @!p1 $0xB  }
0x32: {  	_ =	swait.ge @!p1 [sflag:s20], $0x100  }
0x33: {  	s26 =	rddreg [dreg:$0x12]  }
0x34: {  	s22 =	rddreg [dreg:$0xe];
	s26 =	sadd.s32 $0x1, s26  }
0x35: {  	p2 =	sne.s32 s26, s22  }
.Ltmp1:
0x36: {  	_ = 	snop;
	(pc) =	sbr.rel @!p2 .LBB2_10-.Ltmp1, $3  }
0x37: {  	_ =	sdelay $0x1  }
0x38: {  	[sflag:s20] =	ssyncset.done @!p1 $0x0  }
0x39: {  	[sflag:s20] =	ssyncadd.s32 @!p1 $0xFFFFFF00;
	[dreg:$0x12] =	wrdreg s26;
	s26 =	simm.s32 $0x1DE00  }
.LBB2_1:
0x3a: {  	s20 =	rddreg [dreg:$0x6]  }
0x3b: {  	s22 =	rddreg [dreg:$0xf]  }
0x3c: {  	[spmem:s22], [sflag:s21] =	dma.local [hbm:s20], $0x2780  }
0x3d: {  	_ =	swait.ge [sflag:s23], $0x2780  }
0x3e: {  	[sflag:s23] =	ssyncset.done $0x0  }
0x3f: {  	[sflag:s23] =	ssyncadd.s32 $0xFFFFD880  }
0x40: {  	[bflag:$0x0] =	sbarrier.arrive $0xFFFF  }
0x41: {  	s22 =	simm.s32 $0x13C00;
	s21 =	rddreg [dreg:$0x8]  }
0x42: {  	[tilespmem:s22], [sflag:$0xB] =	stream.linear.gather [hbm4b:s21+s2], $0x1400, $0x38;
	[tilespmem:$0x1E400] =	vst v63  }
0x43: {  	_ =	swait.ge [sflag:s23], $0x1400  }
0x44: {  	[sflag:s23] =	ssyncset.done $0x0  }
0x45: {  	s22 =	simm.s32 $0x15000;
	s21 =	rddreg [dreg:$0x9];
	[sflag:s23] =	ssyncadd.s32 $0xFFFFEC00  }
0x46: {  	[tilespmem:s22], [sflag:$0xB] =	stream.linear.gather [hbm4b:s21+s2], $0x1400, $0x38;
	[tilespmem:$0x1E400] =	vst v63  }
0x47: {  	_ =	swait.ge [sflag:s23], $0x1400  }
0x48: {  	[sflag:s23] =	ssyncset.done $0x0  }
0x49: {  	[sflag:s23] =	ssyncadd.s32 $0xFFFFEC00  }
0x4a: {  	v17 =	vld [tilespmem:$0x13C00];
	_ =	sdelay $0x4  }
0x4b: {  	v18 =	vshll.u32 v17, $0x1  }
0x4c: {  	v17 =	vand.u32 $0x7, v17;
	v18 =	vand.u32 $0xFFFFFFF0, v18  }
0x4d: {  	v17 =	vor.u32 v17, v18  }
0x4e: {  	v18 =	vperm.xlane v17, v2;
	_ =	sdelay $0x1  }
0x4f: {  	v19 =	vperm.xlane v17, v1;
	v18 =	vadd.s32 v3, v18;
	_ =	sdelay $0x1  }
0x50: {  	v20 =	vperm.xlane v17, v4;
	v19 =	vadd.s32 v3, v19;
	_ =	sdelay $0x1  }
0x51: {  	v21 =	vperm.xlane v17, v5;
	v20 =	vadd.s32 v3, v20  }
0x52: {  	[tilespmem:s19], [sflag:$0x1] =	stream.indirect_vreg.gather [hbm4b:s9+s2], $0x80, v18, vm0, $0xb8;
	[tilespmem:$0x1E400] =	vst v63  }
0x53: {  	s23 =	simm.s32 $0x16480;
	v50 =	vperm.xlane v17, v6;
	v18 =	vadd.s32 v3, v21  }
0x54: {  	[tilespmem:s23], [sflag:$0x1] =	stream.indirect_vreg.gather [hbm4b:s9+s2], $0x80, v19, vm0, $0xb8;
	[tilespmem:$0x1E400] =	vst v63  }
0x55: {  	s21 =	simm.s32 $0x16500;
	v51 =	vperm.xlane v17, v7;
	v19 =	vadd.s32 v3, v50  }
0x56: {  	[tilespmem:s21], [sflag:$0x1] =	stream.indirect_vreg.gather [hbm4b:s9+s2], $0x80, v20, vm0, $0xb8;
	[tilespmem:$0x1E400] =	vst v63  }
0x57: {  	s22 =	simm.s32 $0x16580;
	v53 =	vperm.xlane v17, v8;
	v52 =	vadd.s32 v3, v51  }
0x58: {  	[tilespmem:s22], [sflag:$0x1] =	stream.indirect_vreg.gather [hbm4b:s9+s2], $0x80, v18, vm0, $0xb8;
	[tilespmem:$0x1E400] =	vst v63  }
0x59: {  	v54 =	vperm.xlane v17, v0;
	s21 =	simm.s32 $0x16600;
	v18 =	vadd.s32 v3, v53  }
0x5a: {  	[tilespmem:s21], [sflag:$0x1] =	stream.indirect_vreg.gather [hbm4b:s9+s2], $0x80, v19, vm0, $0xb8;
	[tilespmem:$0x1E400] =	vst v63  }
0x5b: {  	v55 =	vperm.xlane v17, v9;
	s22 =	simm.s32 $0x16680;
	v19 =	vadd.s32 v3, v54  }
0x5c: {  	[tilespmem:s22], [sflag:$0x1] =	stream.indirect_vreg.gather [hbm4b:s9+s2], $0x80, v52, vm0, $0xb8;
	[tilespmem:$0x1E400] =	vst v63  }
0x5d: {  	v57 =	vperm.xlane v17, v10;
	v56 =	vadd.s32 v3, v55;
	s21 =	simm.s32 $0x16700  }
0x5e: {  	[tilespmem:s21], [sflag:$0x1] =	stream.indirect_vreg.gather [hbm4b:s9+s2], $0x80, v18, vm0, $0xb8;
	[tilespmem:$0x1E400] =	vst v63  }
0x5f: {  	v58 =	vperm.xlane v17, v11;
	s22 =	simm.s32 $0x16780;
	v18 =	vadd.s32 v3, v57  }
0x60: {  	[tilespmem:s22], [sflag:$0x1] =	stream.indirect_vreg.gather [hbm4b:s9+s2], $0x80, v19, vm0, $0xb8;
	[tilespmem:$0x1E400] =	vst v63  }
0x61: {  	v59 =	vperm.xlane v17, v12;
	s21 =	simm.s32 $0x16800;
	v19 =	vadd.s32 v3, v58  }
0x62: {  	[tilespmem:s21], [sflag:$0x1] =	stream.indirect_vreg.gather [hbm4b:s9+s2], $0x80, v56, vm0, $0xb8;
	[tilespmem:$0x1E400] =	vst v63  }
0x63: {  	v61 =	vperm.xlane v17, v13;
	v60 =	vadd.s32 v3, v59;
	s22 =	simm.s32 $0x16880  }
0x64: {  	[tilespmem:s22], [sflag:$0x1] =	stream.indirect_vreg.gather [hbm4b:s9+s2], $0x80, v18, vm0, $0xb8;
	[tilespmem:$0x1E400] =	vst v63  }
0x65: {  	v62 =	vperm.xlane v17, v14;
	s21 =	simm.s32 $0x16900;
	v18 =	vadd.s32 v3, v61  }
0x66: {  	[tilespmem:s21], [sflag:$0x1] =	stream.indirect_vreg.gather [hbm4b:s9+s2], $0x80, v19, vm0, $0xb8;
	[tilespmem:$0x1E400] =	vst v63  }
0x67: {  	v63 =	vperm.xlane v17, v15;
	s22 =	simm.s32 $0x16980;
	v19 =	vadd.s32 v3, v62  }
0x68: {  	[tilespmem:s22], [sflag:$0x1] =	stream.indirect_vreg.gather [hbm4b:s9+s2], $0x80, v60, vm0, $0xb8;
	[tilespmem:$0x1E400] =	vst v63  }
0x69: {  	v17 =	vperm.xlane v17, v16;
	v24 =	vadd.s32 v3, v63;
	s21 =	simm.s32 $0x16A00  }
0x6a: {  	[tilespmem:s21], [sflag:$0x1] =	stream.indirect_vreg.gather [hbm4b:s9+s2], $0x80, v18, vm0, $0xb8;
	[tilespmem:$0x1E400] =	vst v63  }
0x6b: {  	v17 =	vadd.s32 v3, v17;
	s22 =	simm.s32 $0x16A80  }
0x6c: {  	[tilespmem:s22], [sflag:$0x1] =	stream.indirect_vreg.gather [hbm4b:s9+s2], $0x80, v19, vm0, $0xb8;
	[tilespmem:$0x1E400] =	vst v63  }
0x6d: {  	s21 =	simm.s32 $0x16B00  }
0x6e: {  	[tilespmem:s21], [sflag:$0x1] =	stream.indirect_vreg.gather [hbm4b:s9+s2], $0x80, v24, vm0, $0xb8;
	[tilespmem:$0x1E400] =	vst v63  }
0x6f: {  	s22 =	simm.s32 $0x16B80  }
0x70: {  	[tilespmem:s22], [sflag:$0x1] =	stream.indirect_vreg.gather [hbm4b:s9+s2], $0x80, v17, vm0, $0xb8;
	[tilespmem:$0x1E400] =	vst v63  }
0x71: {  	v17 =	vld [tilespmem:$0x13C10];
	_ =	sdelay $0x4  }
0x72: {  	v18 =	vshll.u32 v17, $0x1  }
0x73: {  	v17 =	vand.u32 $0x7, v17;
	v18 =	vand.u32 $0xFFFFFFF0, v18  }
0x74: {  	v17 =	vor.u32 v17, v18  }
0x75: {  	v18 =	vperm.xlane v17, v2;
	_ =	sdelay $0x1  }
0x76: {  	v19 =	vperm.xlane v17, v1;
	v18 =	vadd.s32 v3, v18;
	_ =	sdelay $0x1  }
0x77: {  	v25 =	vperm.xlane v17, v4;
	v19 =	vadd.s32 v3, v19;
	_ =	sdelay $0x1  }
0x78: {  	s21 =	simm.s32 $0x16C00;
	v26 =	vperm.xlane v17, v5;
	v20 =	vadd.s32 v3, v25  }
0x79: {  	[tilespmem:s21], [sflag:$0x1] =	stream.indirect_vreg.gather [hbm4b:s9+s2], $0x80, v18, vm0, $0xb8;
	[tilespmem:$0x1E400] =	vst v63  }
0x7a: {  	s22 =	simm.s32 $0x16C80;
	v27 =	vperm.xlane v17, v6;
	v18 =	vadd.s32 v3, v26  }
0x7b: {  	[tilespmem:s22], [sflag:$0x1] =	stream.indirect_vreg.gather [hbm4b:s9+s2], $0x80, v19, vm0, $0xb8;
	[tilespmem:$0x1E400] =	vst v63  }
0x7c: {  	v28 =	vperm.xlane v17, v7;
	s21 =	simm.s32 $0x16D00;
	v19 =	vadd.s32 v3, v27  }
0x7d: {  	[tilespmem:s21], [sflag:$0x1] =	stream.indirect_vreg.gather [hbm4b:s9+s2], $0x80, v20, vm0, $0xb8;
	[tilespmem:$0x1E400] =	vst v63  }
0x7e: {  	v30 =	vperm.xlane v17, v8;
	v29 =	vadd.s32 v3, v28;
	s22 =	simm.s32 $0x16D80  }
0x7f: {  	[tilespmem:s22], [sflag:$0x1] =	stream.indirect_vreg.gather [hbm4b:s9+s2], $0x80, v18, vm0, $0xb8;
	[tilespmem:$0x1E400] =	vst v63  }
0x80: {  	v31 =	vperm.xlane v17, v0;
	s21 =	simm.s32 $0x16E00;
	v18 =	vadd.s32 v3, v30  }
0x81: {  	[tilespmem:s21], [sflag:$0x1] =	stream.indirect_vreg.gather [hbm4b:s9+s2], $0x80, v19, vm0, $0xb8;
	[tilespmem:$0x1E400] =	vst v63  }
0x82: {  	v32 =	vperm.xlane v17, v9;
	s22 =	simm.s32 $0x16E80;
	v19 =	vadd.s32 v3, v31  }
0x83: {  	[tilespmem:s22], [sflag:$0x1] =	stream.indirect_vreg.gather [hbm4b:s9+s2], $0x80, v29, vm0, $0xb8;
	[tilespmem:$0x1E400] =	vst v63  }
0x84: {  	v34 =	vperm.xlane v17, v10;
	v33 =	vadd.s32 v3, v32;
	s21 =	simm.s32 $0x16F00  }
0x85: {  	[tilespmem:s21], [sflag:$0x1] =	stream.indirect_vreg.gather [hbm4b:s9+s2], $0x80, v18, vm0, $0xb8;
	[tilespmem:$0x1E400] =	vst v63  }
0x86: {  	v35 =	vperm.xlane v17, v11;
	s22 =	simm.s32 $0x16F80;
	v18 =	vadd.s32 v3, v34  }
0x87: {  	[tilespmem:s22], [sflag:$0x1] =	stream.indirect_vreg.gather [hbm4b:s9+s2], $0x80, v19, vm0, $0xb8;
	[tilespmem:$0x1E400] =	vst v63  }
0x88: {  	v36 =	vperm.xlane v17, v12;
	s21 =	simm.s32 $0x17000;
	v19 =	vadd.s32 v3, v35  }
0x89: {  	[tilespmem:s21], [sflag:$0x1] =	stream.indirect_vreg.gather [hbm4b:s9+s2], $0x80, v33, vm0, $0xb8;
	[tilespmem:$0x1E400] =	vst v63  }
0x8a: {  	v38 =	vperm.xlane v17, v13;
	v37 =	vadd.s32 v3, v36;
	s22 =	simm.s32 $0x17080  }
0x8b: {  	[tilespmem:s22], [sflag:$0x1] =	stream.indirect_vreg.gather [hbm4b:s9+s2], $0x80, v18, vm0, $0xb8;
	[tilespmem:$0x1E400] =	vst v63  }
0x8c: {  	v39 =	vperm.xlane v17, v14;
	s21 =	simm.s32 $0x17100;
	v18 =	vadd.s32 v3, v38  }
0x8d: {  	[tilespmem:s21], [sflag:$0x1] =	stream.indirect_vreg.gather [hbm4b:s9+s2], $0x80, v19, vm0, $0xb8;
	[tilespmem:$0x1E400] =	vst v63  }
0x8e: {  	v40 =	vperm.xlane v17, v15;
	s22 =	simm.s32 $0x17180;
	v19 =	vadd.s32 v3, v39  }
0x8f: {  	[tilespmem:s22], [sflag:$0x1] =	stream.indirect_vreg.gather [hbm4b:s9+s2], $0x80, v37, vm0, $0xb8;
	[tilespmem:$0x1E400] =	vst v63  }
0x90: {  	v17 =	vperm.xlane v17, v16;
	v41 =	vadd.s32 v3, v40;
	s21 =	simm.s32 $0x17200  }
0x91: {  	[tilespmem:s21], [sflag:$0x1] =	stream.indirect_vreg.gather [hbm4b:s9+s2], $0x80, v18, vm0, $0xb8;
	[tilespmem:$0x1E400] =	vst v63  }
0x92: {  	v17 =	vadd.s32 v3, v17;
	s22 =	simm.s32 $0x17280  }
0x93: {  	[tilespmem:s22], [sflag:$0x1] =	stream.indirect_vreg.gather [hbm4b:s9+s2], $0x80, v19, vm0, $0xb8;
	[tilespmem:$0x1E400] =	vst v63  }
0x94: {  	s21 =	simm.s32 $0x17300  }
0x95: {  	[tilespmem:s21], [sflag:$0x1] =	stream.indirect_vreg.gather [hbm4b:s9+s2], $0x80, v41, vm0, $0xb8;
	[tilespmem:$0x1E400] =	vst v63  }
0x96: {  	s22 =	simm.s32 $0x17380  }
0x97: {  	[tilespmem:s22], [sflag:$0x1] =	stream.indirect_vreg.gather [hbm4b:s9+s2], $0x80, v17, vm0, $0xb8;
	[tilespmem:$0x1E400] =	vst v63  }
0x98: {  	v17 =	vld [tilespmem:$0x13C20];
	_ =	sdelay $0x4  }
0x99: {  	v18 =	vshll.u32 v17, $0x1  }
0x9a: {  	v17 =	vand.u32 $0x7, v17;
	v18 =	vand.u32 $0xFFFFFFF0, v18  }
0x9b: {  	v17 =	vor.u32 v17, v18  }
0x9c: {  	v18 =	vperm.xlane v17, v2;
	_ =	sdelay $0x1  }
0x9d: {  	v19 =	vperm.xlane v17, v1;
	v18 =	vadd.s32 v3, v18;
	_ =	sdelay $0x1  }
0x9e: {  	v42 =	vperm.xlane v17, v4;
	v19 =	vadd.s32 v3, v19;
	_ =	sdelay $0x1  }
0x9f: {  	s21 =	simm.s32 $0x17400;
	v43 =	vperm.xlane v17, v5;
	v20 =	vadd.s32 v3, v42  }
0xa0: {  	[tilespmem:s21], [sflag:$0x2] =	stream.indirect_vreg.gather [hbm4b:s9+s2], $0x80, v18, vm0, $0xb8;
	[tilespmem:$0x1E400] =	vst v63  }
0xa1: {  	s22 =	simm.s32 $0x17480;
	v44 =	vperm.xlane v17, v6;
	v18 =	vadd.s32 v3, v43  }
0xa2: {  	[tilespmem:s22], [sflag:$0x2] =	stream.indirect_vreg.gather [hbm4b:s9+s2], $0x80, v19, vm0, $0xb8;
	[tilespmem:$0x1E400] =	vst v63  }
0xa3: {  	v45 =	vperm.xlane v17, v7;
	s21 =	simm.s32 $0x17500;
	v19 =	vadd.s32 v3, v44  }
0xa4: {  	[tilespmem:s21], [sflag:$0x2] =	stream.indirect_vreg.gather [hbm4b:s9+s2], $0x80, v20, vm0, $0xb8;
	[tilespmem:$0x1E400] =	vst v63  }
0xa5: {  	v47 =	vperm.xlane v17, v8;
	v46 =	vadd.s32 v3, v45;
	s22 =	simm.s32 $0x17580  }
0xa6: {  	[tilespmem:s22], [sflag:$0x2] =	stream.indirect_vreg.gather [hbm4b:s9+s2], $0x80, v18, vm0, $0xb8;
	[tilespmem:$0x1E400] =	vst v63  }
0xa7: {  	v48 =	vperm.xlane v17, v0;
	s21 =	simm.s32 $0x17600;
	v18 =	vadd.s32 v3, v47  }
0xa8: {  	[tilespmem:s21], [sflag:$0x2] =	stream.indirect_vreg.gather [hbm4b:s9+s2], $0x80, v19, vm0, $0xb8;
	[tilespmem:$0x1E400] =	vst v63  }
0xa9: {  	v49 =	vperm.xlane v17, v9;
	s22 =	simm.s32 $0x17680;
	v19 =	vadd.s32 v3, v48  }
0xaa: {  	[tilespmem:s22], [sflag:$0x2] =	stream.indirect_vreg.gather [hbm4b:s9+s2], $0x80, v46, vm0, $0xb8;
	[tilespmem:$0x1E400] =	vst v63  }
0xab: {  	v51 =	vperm.xlane v17, v10;
	v50 =	vadd.s32 v3, v49;
	s21 =	simm.s32 $0x17700  }
0xac: {  	[tilespmem:s21], [sflag:$0x2] =	stream.indirect_vreg.gather [hbm4b:s9+s2], $0x80, v18, vm0, $0xb8;
	[tilespmem:$0x1E400] =	vst v63  }
0xad: {  	v52 =	vperm.xlane v17, v11;
	s22 =	simm.s32 $0x17780;
	v18 =	vadd.s32 v3, v51  }
0xae: {  	[tilespmem:s22], [sflag:$0x2] =	stream.indirect_vreg.gather [hbm4b:s9+s2], $0x80, v19, vm0, $0xb8;
	[tilespmem:$0x1E400] =	vst v63  }
0xaf: {  	v53 =	vperm.xlane v17, v12;
	s21 =	simm.s32 $0x17800;
	v19 =	vadd.s32 v3, v52  }
0xb0: {  	[tilespmem:s21], [sflag:$0x2] =	stream.indirect_vreg.gather [hbm4b:s9+s2], $0x80, v50, vm0, $0xb8;
	[tilespmem:$0x1E400] =	vst v63  }
0xb1: {  	v55 =	vperm.xlane v17, v13;
	v54 =	vadd.s32 v3, v53;
	s22 =	simm.s32 $0x17880  }
0xb2: {  	[tilespmem:s22], [sflag:$0x2] =	stream.indirect_vreg.gather [hbm4b:s9+s2], $0x80, v18, vm0, $0xb8;
	[tilespmem:$0x1E400] =	vst v63  }
0xb3: {  	v56 =	vperm.xlane v17, v14;
	s21 =	simm.s32 $0x17900;
	v18 =	vadd.s32 v3, v55  }
0xb4: {  	[tilespmem:s21], [sflag:$0x2] =	stream.indirect_vreg.gather [hbm4b:s9+s2], $0x80, v19, vm0, $0xb8;
	[tilespmem:$0x1E400] =	vst v63  }
0xb5: {  	v57 =	vperm.xlane v17, v15;
	s22 =	simm.s32 $0x17980;
	v19 =	vadd.s32 v3, v56  }
0xb6: {  	[tilespmem:s22], [sflag:$0x2] =	stream.indirect_vreg.gather [hbm4b:s9+s2], $0x80, v54, vm0, $0xb8;
	[tilespmem:$0x1E400] =	vst v63  }
0xb7: {  	v17 =	vperm.xlane v17, v16;
	v58 =	vadd.s32 v3, v57;
	s21 =	simm.s32 $0x17A00  }
0xb8: {  	[tilespmem:s21], [sflag:$0x2] =	stream.indirect_vreg.gather [hbm4b:s9+s2], $0x80, v18, vm0, $0xb8;
	[tilespmem:$0x1E400] =	vst v63  }
0xb9: {  	v17 =	vadd.s32 v3, v17;
	s22 =	simm.s32 $0x17A80  }
0xba: {  	[tilespmem:s22], [sflag:$0x2] =	stream.indirect_vreg.gather [hbm4b:s9+s2], $0x80, v19, vm0, $0xb8;
	[tilespmem:$0x1E400] =	vst v63  }
0xbb: {  	s21 =	simm.s32 $0x17B00  }
0xbc: {  	[tilespmem:s21], [sflag:$0x2] =	stream.indirect_vreg.gather [hbm4b:s9+s2], $0x80, v58, vm0, $0xb8;
	[tilespmem:$0x1E400] =	vst v63  }
0xbd: {  	s22 =	simm.s32 $0x17B80  }
0xbe: {  	[tilespmem:s22], [sflag:$0x2] =	stream.indirect_vreg.gather [hbm4b:s9+s2], $0x80, v17, vm0, $0xb8;
	[tilespmem:$0x1E400] =	vst v63  }
0xbf: {  	v17 =	vld [tilespmem:$0x13C30];
	_ =	sdelay $0x4  }
0xc0: {  	v18 =	vshll.u32 v17, $0x1  }
0xc1: {  	v17 =	vand.u32 $0x7, v17;
	v18 =	vand.u32 $0xFFFFFFF0, v18  }
0xc2: {  	v17 =	vor.u32 v17, v18  }
0xc3: {  	v18 =	vperm.xlane v17, v2;
	_ =	sdelay $0x1  }
0xc4: {  	v19 =	vperm.xlane v17, v1;
	v18 =	vadd.s32 v3, v18;
	_ =	sdelay $0x1  }
0xc5: {  	v59 =	vperm.xlane v17, v4;
	v19 =	vadd.s32 v3, v19;
	_ =	sdelay $0x1  }
0xc6: {  	s21 =	simm.s32 $0x17C00;
	v60 =	vperm.xlane v17, v5;
	v20 =	vadd.s32 v3, v59  }
0xc7: {  	[tilespmem:s21], [sflag:$0x2] =	stream.indirect_vreg.gather [hbm4b:s9+s2], $0x80, v18, vm0, $0xb8;
	[tilespmem:$0x1E400] =	vst v63  }
0xc8: {  	s22 =	simm.s32 $0x17C80;
	v61 =	vperm.xlane v17, v6;
	v18 =	vadd.s32 v3, v60  }
0xc9: {  	[tilespmem:s22], [sflag:$0x2] =	stream.indirect_vreg.gather [hbm4b:s9+s2], $0x80, v19, vm0, $0xb8;
	[tilespmem:$0x1E400] =	vst v63  }
0xca: {  	v62 =	vperm.xlane v17, v7;
	s21 =	simm.s32 $0x17D00;
	v19 =	vadd.s32 v3, v61  }
0xcb: {  	[tilespmem:s21], [sflag:$0x2] =	stream.indirect_vreg.gather [hbm4b:s9+s2], $0x80, v20, vm0, $0xb8;
	[tilespmem:$0x1E400] =	vst v63  }
0xcc: {  	v24 =	vperm.xlane v17, v8;
	v63 =	vadd.s32 v3, v62;
	s22 =	simm.s32 $0x17D80  }
0xcd: {  	[tilespmem:s22], [sflag:$0x2] =	stream.indirect_vreg.gather [hbm4b:s9+s2], $0x80, v18, vm0, $0xb8;
	[tilespmem:$0x1E400] =	vst v63  }
0xce: {  	v25 =	vperm.xlane v17, v0;
	s21 =	simm.s32 $0x17E00;
	v18 =	vadd.s32 v3, v24  }
0xcf: {  	[tilespmem:s21], [sflag:$0x2] =	stream.indirect_vreg.gather [hbm4b:s9+s2], $0x80, v19, vm0, $0xb8;
	[tilespmem:$0x1E400] =	vst v63  }
0xd0: {  	v26 =	vperm.xlane v17, v9;
	s22 =	simm.s32 $0x17E80;
	v19 =	vadd.s32 v3, v25  }
0xd1: {  	[tilespmem:s22], [sflag:$0x2] =	stream.indirect_vreg.gather [hbm4b:s9+s2], $0x80, v63, vm0, $0xb8;
	[tilespmem:$0x1E400] =	vst v63  }
0xd2: {  	v28 =	vperm.xlane v17, v10;
	v27 =	vadd.s32 v3, v26;
	s21 =	simm.s32 $0x17F00  }
0xd3: {  	[tilespmem:s21], [sflag:$0x2] =	stream.indirect_vreg.gather [hbm4b:s9+s2], $0x80, v18, vm0, $0xb8;
	[tilespmem:$0x1E400] =	vst v63  }
0xd4: {  	v29 =	vperm.xlane v17, v11;
	s22 =	simm.s32 $0x17F80;
	v18 =	vadd.s32 v3, v28  }
0xd5: {  	[tilespmem:s22], [sflag:$0x2] =	stream.indirect_vreg.gather [hbm4b:s9+s2], $0x80, v19, vm0, $0xb8;
	[tilespmem:$0x1E400] =	vst v63  }
0xd6: {  	v30 =	vperm.xlane v17, v12;
	s21 =	simm.s32 $0x18000;
	v19 =	vadd.s32 v3, v29  }
0xd7: {  	[tilespmem:s21], [sflag:$0x2] =	stream.indirect_vreg.gather [hbm4b:s9+s2], $0x80, v27, vm0, $0xb8;
	[tilespmem:$0x1E400] =	vst v63  }
0xd8: {  	v32 =	vperm.xlane v17, v13;
	v31 =	vadd.s32 v3, v30;
	s22 =	simm.s32 $0x18080  }
0xd9: {  	[tilespmem:s22], [sflag:$0x2] =	stream.indirect_vreg.gather [hbm4b:s9+s2], $0x80, v18, vm0, $0xb8;
	[tilespmem:$0x1E400] =	vst v63  }
0xda: {  	v33 =	vperm.xlane v17, v14;
	s21 =	simm.s32 $0x18100;
	v18 =	vadd.s32 v3, v32  }
0xdb: {  	[tilespmem:s21], [sflag:$0x2] =	stream.indirect_vreg.gather [hbm4b:s9+s2], $0x80, v19, vm0, $0xb8;
	[tilespmem:$0x1E400] =	vst v63  }
0xdc: {  	v34 =	vperm.xlane v17, v15;
	s22 =	simm.s32 $0x18180;
	v19 =	vadd.s32 v3, v33  }
0xdd: {  	[tilespmem:s22], [sflag:$0x2] =	stream.indirect_vreg.gather [hbm4b:s9+s2], $0x80, v31, vm0, $0xb8;
	[tilespmem:$0x1E400] =	vst v63  }
0xde: {  	v17 =	vperm.xlane v17, v16;
	v35 =	vadd.s32 v3, v34;
	s21 =	simm.s32 $0x18200  }
0xdf: {  	[tilespmem:s21], [sflag:$0x2] =	stream.indirect_vreg.gather [hbm4b:s9+s2], $0x80, v18, vm0, $0xb8;
	[tilespmem:$0x1E400] =	vst v63  }
0xe0: {  	v17 =	vadd.s32 v3, v17;
	s22 =	simm.s32 $0x18280  }
0xe1: {  	[tilespmem:s22], [sflag:$0x2] =	stream.indirect_vreg.gather [hbm4b:s9+s2], $0x80, v19, vm0, $0xb8;
	[tilespmem:$0x1E400] =	vst v63  }
0xe2: {  	s21 =	simm.s32 $0x18300  }
0xe3: {  	[tilespmem:s21], [sflag:$0x2] =	stream.indirect_vreg.gather [hbm4b:s9+s2], $0x80, v35, vm0, $0xb8;
	[tilespmem:$0x1E400] =	vst v63  }
0xe4: {  	s22 =	simm.s32 $0x18380  }
0xe5: {  	[tilespmem:s22], [sflag:$0x2] =	stream.indirect_vreg.gather [hbm4b:s9+s2], $0x80, v17, vm0, $0xb8;
	[tilespmem:$0x1E400] =	vst v63  }
0xe6: {  	v17 =	vld [tilespmem:$0x13C40];
	_ =	sdelay $0x4  }
0xe7: {  	v18 =	vshll.u32 v17, $0x1  }
0xe8: {  	v17 =	vand.u32 $0x7, v17;
	v18 =	vand.u32 $0xFFFFFFF0, v18  }
0xe9: {  	v17 =	vor.u32 v17, v18  }
0xea: {  	v18 =	vperm.xlane v17, v2;
	_ =	sdelay $0x1  }
0xeb: {  	v19 =	vperm.xlane v17, v1;
	v18 =	vadd.s32 v3, v18;
	_ =	sdelay $0x1  }
0xec: {  	v36 =	vperm.xlane v17, v4;
	v19 =	vadd.s32 v3, v19;
	_ =	sdelay $0x1  }
0xed: {  	s21 =	simm.s32 $0x18400;
	v37 =	vperm.xlane v17, v5;
	v20 =	vadd.s32 v3, v36  }
0xee: {  	[tilespmem:s21], [sflag:$0x3] =	stream.indirect_vreg.gather [hbm4b:s9+s2], $0x80, v18, vm0, $0xb8;
	[tilespmem:$0x1E400] =	vst v63  }
0xef: {  	s22 =	simm.s32 $0x18480;
	v38 =	vperm.xlane v17, v6;
	v18 =	vadd.s32 v3, v37  }
0xf0: {  	[tilespmem:s22], [sflag:$0x3] =	stream.indirect_vreg.gather [hbm4b:s9+s2], $0x80, v19, vm0, $0xb8;
	[tilespmem:$0x1E400] =	vst v63  }
0xf1: {  	v39 =	vperm.xlane v17, v7;
	s21 =	simm.s32 $0x18500;
	v19 =	vadd.s32 v3, v38  }
0xf2: {  	[tilespmem:s21], [sflag:$0x3] =	stream.indirect_vreg.gather [hbm4b:s9+s2], $0x80, v20, vm0, $0xb8;
	[tilespmem:$0x1E400] =	vst v63  }
0xf3: {  	v41 =	vperm.xlane v17, v8;
	v40 =	vadd.s32 v3, v39;
	s22 =	simm.s32 $0x18580  }
0xf4: {  	[tilespmem:s22], [sflag:$0x3] =	stream.indirect_vreg.gather [hbm4b:s9+s2], $0x80, v18, vm0, $0xb8;
	[tilespmem:$0x1E400] =	vst v63  }
0xf5: {  	v42 =	vperm.xlane v17, v0;
	s21 =	simm.s32 $0x18600;
	v18 =	vadd.s32 v3, v41  }
0xf6: {  	[tilespmem:s21], [sflag:$0x3] =	stream.indirect_vreg.gather [hbm4b:s9+s2], $0x80, v19, vm0, $0xb8;
	[tilespmem:$0x1E400] =	vst v63  }
0xf7: {  	v43 =	vperm.xlane v17, v9;
	s22 =	simm.s32 $0x18680;
	v19 =	vadd.s32 v3, v42  }
0xf8: {  	[tilespmem:s22], [sflag:$0x3] =	stream.indirect_vreg.gather [hbm4b:s9+s2], $0x80, v40, vm0, $0xb8;
	[tilespmem:$0x1E400] =	vst v63  }
0xf9: {  	v45 =	vperm.xlane v17, v10;
	v44 =	vadd.s32 v3, v43;
	s21 =	simm.s32 $0x18700  }
0xfa: {  	[tilespmem:s21], [sflag:$0x3] =	stream.indirect_vreg.gather [hbm4b:s9+s2], $0x80, v18, vm0, $0xb8;
	[tilespmem:$0x1E400] =	vst v63  }
0xfb: {  	v46 =	vperm.xlane v17, v11;
	s22 =	simm.s32 $0x18780;
	v18 =	vadd.s32 v3, v45  }
0xfc: {  	[tilespmem:s22], [sflag:$0x3] =	stream.indirect_vreg.gather [hbm4b:s9+s2], $0x80, v19, vm0, $0xb8;
	[tilespmem:$0x1E400] =	vst v63  }
0xfd: {  	v47 =	vperm.xlane v17, v12;
	s21 =	simm.s32 $0x18800;
	v19 =	vadd.s32 v3, v46  }
0xfe: {  	[tilespmem:s21], [sflag:$0x3] =	stream.indirect_vreg.gather [hbm4b:s9+s2], $0x80, v44, vm0, $0xb8;
	[tilespmem:$0x1E400] =	vst v63  }
0xff: {  	v49 =	vperm.xlane v17, v13;
	v48 =	vadd.s32 v3, v47;
	s22 =	simm.s32 $0x18880  }
0x100: {  	[tilespmem:s22], [sflag:$0x3] =	stream.indirect_vreg.gather [hbm4b:s9+s2], $0x80, v18, vm0, $0xb8;
	[tilespmem:$0x1E400] =	vst v63  }
0x101: {  	v50 =	vperm.xlane v17, v14;
	s21 =	simm.s32 $0x18900;
	v18 =	vadd.s32 v3, v49  }
0x102: {  	[tilespmem:s21], [sflag:$0x3] =	stream.indirect_vreg.gather [hbm4b:s9+s2], $0x80, v19, vm0, $0xb8;
	[tilespmem:$0x1E400] =	vst v63  }
0x103: {  	v51 =	vperm.xlane v17, v15;
	s22 =	simm.s32 $0x18980;
	v19 =	vadd.s32 v3, v50  }
0x104: {  	[tilespmem:s22], [sflag:$0x3] =	stream.indirect_vreg.gather [hbm4b:s9+s2], $0x80, v48, vm0, $0xb8;
	[tilespmem:$0x1E400] =	vst v63  }
0x105: {  	v17 =	vperm.xlane v17, v16;
	v52 =	vadd.s32 v3, v51;
	s21 =	simm.s32 $0x18A00  }
0x106: {  	[tilespmem:s21], [sflag:$0x3] =	stream.indirect_vreg.gather [hbm4b:s9+s2], $0x80, v18, vm0, $0xb8;
	[tilespmem:$0x1E400] =	vst v63  }
0x107: {  	v17 =	vadd.s32 v3, v17;
	s22 =	simm.s32 $0x18A80  }
0x108: {  	[tilespmem:s22], [sflag:$0x3] =	stream.indirect_vreg.gather [hbm4b:s9+s2], $0x80, v19, vm0, $0xb8;
	[tilespmem:$0x1E400] =	vst v63  }
0x109: {  	s21 =	simm.s32 $0x18B00  }
0x10a: {  	[tilespmem:s21], [sflag:$0x3] =	stream.indirect_vreg.gather [hbm4b:s9+s2], $0x80, v52, vm0, $0xb8;
	[tilespmem:$0x1E400] =	vst v63  }
0x10b: {  	s22 =	simm.s32 $0x18B80  }
0x10c: {  	[tilespmem:s22], [sflag:$0x3] =	stream.indirect_vreg.gather [hbm4b:s9+s2], $0x80, v17, vm0, $0xb8;
	[tilespmem:$0x1E400] =	vst v63  }
0x10d: {  	v17 =	vld [tilespmem:$0x13C50];
	_ =	sdelay $0x4  }
0x10e: {  	v18 =	vshll.u32 v17, $0x1  }
0x10f: {  	v17 =	vand.u32 $0x7, v17;
	v18 =	vand.u32 $0xFFFFFFF0, v18  }
0x110: {  	v17 =	vor.u32 v17, v18  }
0x111: {  	v18 =	vperm.xlane v17, v2;
	_ =	sdelay $0x1  }
0x112: {  	v19 =	vperm.xlane v17, v1;
	v18 =	vadd.s32 v3, v18;
	_ =	sdelay $0x1  }
0x113: {  	v53 =	vperm.xlane v17, v4;
	v19 =	vadd.s32 v3, v19;
	_ =	sdelay $0x1  }
0x114: {  	s21 =	simm.s32 $0x18C00;
	v54 =	vperm.xlane v17, v5;
	v20 =	vadd.s32 v3, v53  }
0x115: {  	[tilespmem:s21], [sflag:$0x3] =	stream.indirect_vreg.gather [hbm4b:s9+s2], $0x80, v18, vm0, $0xb8;
	[tilespmem:$0x1E400] =	vst v63  }
0x116: {  	s22 =	simm.s32 $0x18C80;
	v55 =	vperm.xlane v17, v6;
	v18 =	vadd.s32 v3, v54  }
0x117: {  	[tilespmem:s22], [sflag:$0x3] =	stream.indirect_vreg.gather [hbm4b:s9+s2], $0x80, v19, vm0, $0xb8;
	[tilespmem:$0x1E400] =	vst v63  }
0x118: {  	v56 =	vperm.xlane v17, v7;
	s21 =	simm.s32 $0x18D00;
	v19 =	vadd.s32 v3, v55  }
0x119: {  	[tilespmem:s21], [sflag:$0x3] =	stream.indirect_vreg.gather [hbm4b:s9+s2], $0x80, v20, vm0, $0xb8;
	[tilespmem:$0x1E400] =	vst v63  }
0x11a: {  	v58 =	vperm.xlane v17, v8;
	v57 =	vadd.s32 v3, v56;
	s22 =	simm.s32 $0x18D80  }
0x11b: {  	[tilespmem:s22], [sflag:$0x3] =	stream.indirect_vreg.gather [hbm4b:s9+s2], $0x80, v18, vm0, $0xb8;
	[tilespmem:$0x1E400] =	vst v63  }
0x11c: {  	v59 =	vperm.xlane v17, v0;
	s21 =	simm.s32 $0x18E00;
	v18 =	vadd.s32 v3, v58  }
0x11d: {  	[tilespmem:s21], [sflag:$0x3] =	stream.indirect_vreg.gather [hbm4b:s9+s2], $0x80, v19, vm0, $0xb8;
	[tilespmem:$0x1E400] =	vst v63  }
0x11e: {  	v60 =	vperm.xlane v17, v9;
	s22 =	simm.s32 $0x18E80;
	v19 =	vadd.s32 v3, v59  }
0x11f: {  	[tilespmem:s22], [sflag:$0x3] =	stream.indirect_vreg.gather [hbm4b:s9+s2], $0x80, v57, vm0, $0xb8;
	[tilespmem:$0x1E400] =	vst v63  }
0x120: {  	v62 =	vperm.xlane v17, v10;
	v61 =	vadd.s32 v3, v60;
	s21 =	simm.s32 $0x18F00  }
0x121: {  	[tilespmem:s21], [sflag:$0x3] =	stream.indirect_vreg.gather [hbm4b:s9+s2], $0x80, v18, vm0, $0xb8;
	[tilespmem:$0x1E400] =	vst v63  }
0x122: {  	v63 =	vperm.xlane v17, v11;
	s22 =	simm.s32 $0x18F80;
	v18 =	vadd.s32 v3, v62  }
0x123: {  	[tilespmem:s22], [sflag:$0x3] =	stream.indirect_vreg.gather [hbm4b:s9+s2], $0x80, v19, vm0, $0xb8;
	[tilespmem:$0x1E400] =	vst v63  }
0x124: {  	v24 =	vperm.xlane v17, v12;
	s21 =	simm.s32 $0x19000;
	v19 =	vadd.s32 v3, v63  }
0x125: {  	[tilespmem:s21], [sflag:$0x3] =	stream.indirect_vreg.gather [hbm4b:s9+s2], $0x80, v61, vm0, $0xb8;
	[tilespmem:$0x1E400] =	vst v63  }
0x126: {  	v26 =	vperm.xlane v17, v13;
	v25 =	vadd.s32 v3, v24;
	s22 =	simm.s32 $0x19080  }
0x127: {  	[tilespmem:s22], [sflag:$0x3] =	stream.indirect_vreg.gather [hbm4b:s9+s2], $0x80, v18, vm0, $0xb8;
	[tilespmem:$0x1E400] =	vst v63  }
0x128: {  	v27 =	vperm.xlane v17, v14;
	s21 =	simm.s32 $0x19100;
	v18 =	vadd.s32 v3, v26  }
0x129: {  	[tilespmem:s21], [sflag:$0x3] =	stream.indirect_vreg.gather [hbm4b:s9+s2], $0x80, v19, vm0, $0xb8;
	[tilespmem:$0x1E400] =	vst v63  }
0x12a: {  	v28 =	vperm.xlane v17, v15;
	s22 =	simm.s32 $0x19180;
	v19 =	vadd.s32 v3, v27  }
0x12b: {  	[tilespmem:s22], [sflag:$0x3] =	stream.indirect_vreg.gather [hbm4b:s9+s2], $0x80, v25, vm0, $0xb8;
	[tilespmem:$0x1E400] =	vst v63  }
0x12c: {  	v17 =	vperm.xlane v17, v16;
	v29 =	vadd.s32 v3, v28;
	s21 =	simm.s32 $0x19200  }
0x12d: {  	[tilespmem:s21], [sflag:$0x3] =	stream.indirect_vreg.gather [hbm4b:s9+s2], $0x80, v18, vm0, $0xb8;
	[tilespmem:$0x1E400] =	vst v63  }
0x12e: {  	v17 =	vadd.s32 v3, v17;
	s22 =	simm.s32 $0x19280  }
0x12f: {  	[tilespmem:s22], [sflag:$0x3] =	stream.indirect_vreg.gather [hbm4b:s9+s2], $0x80, v19, vm0, $0xb8;
	[tilespmem:$0x1E400] =	vst v63  }
0x130: {  	s21 =	simm.s32 $0x19300  }
0x131: {  	[tilespmem:s21], [sflag:$0x3] =	stream.indirect_vreg.gather [hbm4b:s9+s2], $0x80, v29, vm0, $0xb8;
	[tilespmem:$0x1E400] =	vst v63  }
0x132: {  	s22 =	simm.s32 $0x19380  }
0x133: {  	[tilespmem:s22], [sflag:$0x3] =	stream.indirect_vreg.gather [hbm4b:s9+s2], $0x80, v17, vm0, $0xb8;
	[tilespmem:$0x1E400] =	vst v63  }
0x134: {  	v17 =	vld [tilespmem:$0x13C60];
	_ =	sdelay $0x4  }
0x135: {  	v18 =	vshll.u32 v17, $0x1  }
0x136: {  	v17 =	vand.u32 $0x7, v17;
	v18 =	vand.u32 $0xFFFFFFF0, v18  }
0x137: {  	v17 =	vor.u32 v17, v18  }
0x138: {  	v18 =	vperm.xlane v17, v2;
	_ =	sdelay $0x1  }
0x139: {  	v19 =	vperm.xlane v17, v1;
	v18 =	vadd.s32 v3, v18;
	_ =	sdelay $0x1  }
0x13a: {  	v30 =	vperm.xlane v17, v4;
	v19 =	vadd.s32 v3, v19;
	_ =	sdelay $0x1  }
0x13b: {  	s21 =	simm.s32 $0x19400;
	v31 =	vperm.xlane v17, v5;
	v20 =	vadd.s32 v3, v30  }
0x13c: {  	[tilespmem:s21], [sflag:$0x4] =	stream.indirect_vreg.gather [hbm4b:s9+s2], $0x80, v18, vm0, $0xb8;
	[tilespmem:$0x1E400] =	vst v63  }
0x13d: {  	s22 =	simm.s32 $0x19480;
	v32 =	vperm.xlane v17, v6;
	v18 =	vadd.s32 v3, v31  }
0x13e: {  	[tilespmem:s22], [sflag:$0x4] =	stream.indirect_vreg.gather [hbm4b:s9+s2], $0x80, v19, vm0, $0xb8;
	[tilespmem:$0x1E400] =	vst v63  }
0x13f: {  	v33 =	vperm.xlane v17, v7;
	s21 =	simm.s32 $0x19500;
	v19 =	vadd.s32 v3, v32  }
0x140: {  	[tilespmem:s21], [sflag:$0x4] =	stream.indirect_vreg.gather [hbm4b:s9+s2], $0x80, v20, vm0, $0xb8;
	[tilespmem:$0x1E400] =	vst v63  }
0x141: {  	v35 =	vperm.xlane v17, v8;
	v34 =	vadd.s32 v3, v33;
	s22 =	simm.s32 $0x19580  }
0x142: {  	[tilespmem:s22], [sflag:$0x4] =	stream.indirect_vreg.gather [hbm4b:s9+s2], $0x80, v18, vm0, $0xb8;
	[tilespmem:$0x1E400] =	vst v63  }
0x143: {  	v36 =	vperm.xlane v17, v0;
	s21 =	simm.s32 $0x19600;
	v18 =	vadd.s32 v3, v35  }
0x144: {  	[tilespmem:s21], [sflag:$0x4] =	stream.indirect_vreg.gather [hbm4b:s9+s2], $0x80, v19, vm0, $0xb8;
	[tilespmem:$0x1E400] =	vst v63  }
0x145: {  	v37 =	vperm.xlane v17, v9;
	s22 =	simm.s32 $0x19680;
	v19 =	vadd.s32 v3, v36  }
0x146: {  	[tilespmem:s22], [sflag:$0x4] =	stream.indirect_vreg.gather [hbm4b:s9+s2], $0x80, v34, vm0, $0xb8;
	[tilespmem:$0x1E400] =	vst v63  }
0x147: {  	v39 =	vperm.xlane v17, v10;
	v38 =	vadd.s32 v3, v37;
	s21 =	simm.s32 $0x19700  }
0x148: {  	[tilespmem:s21], [sflag:$0x4] =	stream.indirect_vreg.gather [hbm4b:s9+s2], $0x80, v18, vm0, $0xb8;
	[tilespmem:$0x1E400] =	vst v63  }
0x149: {  	v40 =	vperm.xlane v17, v11;
	s22 =	simm.s32 $0x19780;
	v18 =	vadd.s32 v3, v39  }
0x14a: {  	[tilespmem:s22], [sflag:$0x4] =	stream.indirect_vreg.gather [hbm4b:s9+s2], $0x80, v19, vm0, $0xb8;
	[tilespmem:$0x1E400] =	vst v63  }
0x14b: {  	v41 =	vperm.xlane v17, v12;
	s21 =	simm.s32 $0x19800;
	v19 =	vadd.s32 v3, v40  }
0x14c: {  	[tilespmem:s21], [sflag:$0x4] =	stream.indirect_vreg.gather [hbm4b:s9+s2], $0x80, v38, vm0, $0xb8;
	[tilespmem:$0x1E400] =	vst v63  }
0x14d: {  	v43 =	vperm.xlane v17, v13;
	v42 =	vadd.s32 v3, v41;
	s22 =	simm.s32 $0x19880  }
0x14e: {  	[tilespmem:s22], [sflag:$0x4] =	stream.indirect_vreg.gather [hbm4b:s9+s2], $0x80, v18, vm0, $0xb8;
	[tilespmem:$0x1E400] =	vst v63  }
0x14f: {  	v44 =	vperm.xlane v17, v14;
	s21 =	simm.s32 $0x19900;
	v18 =	vadd.s32 v3, v43  }
0x150: {  	[tilespmem:s21], [sflag:$0x4] =	stream.indirect_vreg.gather [hbm4b:s9+s2], $0x80, v19, vm0, $0xb8;
	[tilespmem:$0x1E400] =	vst v63  }
0x151: {  	v45 =	vperm.xlane v17, v15;
	s22 =	simm.s32 $0x19980;
	v19 =	vadd.s32 v3, v44  }
0x152: {  	[tilespmem:s22], [sflag:$0x4] =	stream.indirect_vreg.gather [hbm4b:s9+s2], $0x80, v42, vm0, $0xb8;
	[tilespmem:$0x1E400] =	vst v63  }
0x153: {  	v17 =	vperm.xlane v17, v16;
	v46 =	vadd.s32 v3, v45;
	s21 =	simm.s32 $0x19A00  }
0x154: {  	[tilespmem:s21], [sflag:$0x4] =	stream.indirect_vreg.gather [hbm4b:s9+s2], $0x80, v18, vm0, $0xb8;
	[tilespmem:$0x1E400] =	vst v63  }
0x155: {  	v17 =	vadd.s32 v3, v17;
	s22 =	simm.s32 $0x19A80  }
0x156: {  	[tilespmem:s22], [sflag:$0x4] =	stream.indirect_vreg.gather [hbm4b:s9+s2], $0x80, v19, vm0, $0xb8;
	[tilespmem:$0x1E400] =	vst v63  }
0x157: {  	s21 =	simm.s32 $0x19B00  }
0x158: {  	[tilespmem:s21], [sflag:$0x4] =	stream.indirect_vreg.gather [hbm4b:s9+s2], $0x80, v46, vm0, $0xb8;
	[tilespmem:$0x1E400] =	vst v63  }
0x159: {  	s22 =	simm.s32 $0x19B80  }
0x15a: {  	[tilespmem:s22], [sflag:$0x4] =	stream.indirect_vreg.gather [hbm4b:s9+s2], $0x80, v17, vm0, $0xb8;
	[tilespmem:$0x1E400] =	vst v63  }
0x15b: {  	v17 =	vld [tilespmem:$0x13C70];
	_ =	sdelay $0x4  }
0x15c: {  	v18 =	vshll.u32 v17, $0x1  }
0x15d: {  	v17 =	vand.u32 $0x7, v17;
	v18 =	vand.u32 $0xFFFFFFF0, v18  }
0x15e: {  	v17 =	vor.u32 v17, v18  }
0x15f: {  	v18 =	vperm.xlane v17, v2;
	_ =	sdelay $0x1  }
0x160: {  	v19 =	vperm.xlane v17, v1;
	v18 =	vadd.s32 v3, v18;
	_ =	sdelay $0x1  }
0x161: {  	v47 =	vperm.xlane v17, v4;
	v19 =	vadd.s32 v3, v19;
	_ =	sdelay $0x1  }
0x162: {  	s21 =	simm.s32 $0x19C00;
	v48 =	vperm.xlane v17, v5;
	v20 =	vadd.s32 v3, v47  }
0x163: {  	[tilespmem:s21], [sflag:$0x4] =	stream.indirect_vreg.gather [hbm4b:s9+s2], $0x80, v18, vm0, $0xb8;
	[tilespmem:$0x1E400] =	vst v63  }
0x164: {  	s22 =	simm.s32 $0x19C80;
	v49 =	vperm.xlane v17, v6;
	v18 =	vadd.s32 v3, v48  }
0x165: {  	[tilespmem:s22], [sflag:$0x4] =	stream.indirect_vreg.gather [hbm4b:s9+s2], $0x80, v19, vm0, $0xb8;
	[tilespmem:$0x1E400] =	vst v63  }
0x166: {  	v50 =	vperm.xlane v17, v7;
	s21 =	simm.s32 $0x19D00;
	v19 =	vadd.s32 v3, v49  }
0x167: {  	[tilespmem:s21], [sflag:$0x4] =	stream.indirect_vreg.gather [hbm4b:s9+s2], $0x80, v20, vm0, $0xb8;
	[tilespmem:$0x1E400] =	vst v63  }
0x168: {  	v52 =	vperm.xlane v17, v8;
	v51 =	vadd.s32 v3, v50;
	s22 =	simm.s32 $0x19D80  }
0x169: {  	[tilespmem:s22], [sflag:$0x4] =	stream.indirect_vreg.gather [hbm4b:s9+s2], $0x80, v18, vm0, $0xb8;
	[tilespmem:$0x1E400] =	vst v63  }
0x16a: {  	v53 =	vperm.xlane v17, v0;
	s21 =	simm.s32 $0x19E00;
	v18 =	vadd.s32 v3, v52  }
0x16b: {  	[tilespmem:s21], [sflag:$0x4] =	stream.indirect_vreg.gather [hbm4b:s9+s2], $0x80, v19, vm0, $0xb8;
	[tilespmem:$0x1E400] =	vst v63  }
0x16c: {  	v54 =	vperm.xlane v17, v9;
	s22 =	simm.s32 $0x19E80;
	v19 =	vadd.s32 v3, v53  }
0x16d: {  	[tilespmem:s22], [sflag:$0x4] =	stream.indirect_vreg.gather [hbm4b:s9+s2], $0x80, v51, vm0, $0xb8;
	[tilespmem:$0x1E400] =	vst v63  }
0x16e: {  	v56 =	vperm.xlane v17, v10;
	v55 =	vadd.s32 v3, v54;
	s21 =	simm.s32 $0x19F00  }
0x16f: {  	[tilespmem:s21], [sflag:$0x4] =	stream.indirect_vreg.gather [hbm4b:s9+s2], $0x80, v18, vm0, $0xb8;
	[tilespmem:$0x1E400] =	vst v63  }
0x170: {  	v57 =	vperm.xlane v17, v11;
	s22 =	simm.s32 $0x19F80;
	v18 =	vadd.s32 v3, v56  }
0x171: {  	[tilespmem:s22], [sflag:$0x4] =	stream.indirect_vreg.gather [hbm4b:s9+s2], $0x80, v19, vm0, $0xb8;
	[tilespmem:$0x1E400] =	vst v63  }
0x172: {  	v58 =	vperm.xlane v17, v12;
	s21 =	simm.s32 $0x1A000;
	v19 =	vadd.s32 v3, v57  }
0x173: {  	[tilespmem:s21], [sflag:$0x4] =	stream.indirect_vreg.gather [hbm4b:s9+s2], $0x80, v55, vm0, $0xb8;
	[tilespmem:$0x1E400] =	vst v63  }
0x174: {  	v60 =	vperm.xlane v17, v13;
	v59 =	vadd.s32 v3, v58;
	s22 =	simm.s32 $0x1A080  }
0x175: {  	[tilespmem:s22], [sflag:$0x4] =	stream.indirect_vreg.gather [hbm4b:s9+s2], $0x80, v18, vm0, $0xb8;
	[tilespmem:$0x1E400] =	vst v63  }
0x176: {  	v61 =	vperm.xlane v17, v14;
	s21 =	simm.s32 $0x1A100;
	v18 =	vadd.s32 v3, v60  }
0x177: {  	[tilespmem:s21], [sflag:$0x4] =	stream.indirect_vreg.gather [hbm4b:s9+s2], $0x80, v19, vm0, $0xb8;
	[tilespmem:$0x1E400] =	vst v63  }
0x178: {  	s22 =	simm.s32 $0x1A180;
	v19 =	vadd.s32 v3, v61  }
0x179: {  	v62 =	vperm.xlane v17, v15;
	[tilespmem:s22], [sflag:$0x4] =	stream.indirect_vreg.gather [hbm4b:s9+s2], $0x80, v59, vm0, $0xb8;
	[tilespmem:$0x1E400] =	vst v63  }
0x17a: {  	s21 =	simm.s32 $0x1A200  }
0x17b: {  	v17 =	vperm.xlane v17, v16;
	v63 =	vadd.s32 v3, v62;
	[tilespmem:s21], [sflag:$0x4] =	stream.indirect_vreg.gather [hbm4b:s9+s2], $0x80, v18, vm0, $0xb8;
	[tilespmem:$0x1E400] =	vst v63  }
0x17c: {  	s22 =	simm.s32 $0x1A280  }
0x17d: {  	v17 =	vadd.s32 v3, v17;
	[tilespmem:s22], [sflag:$0x4] =	stream.indirect_vreg.gather [hbm4b:s9+s2], $0x80, v19, vm0, $0xb8;
	[tilespmem:$0x1E400] =	vst v63  }
.Ltmp2:
0x17e: {  	_ = 	snop;
	(pc) =	sbr.rel .LBB2_2-.Ltmp2, $4  }
0x17f: {  	s21 =	simm.s32 $0x1A300  }
0x180: {  	[tilespmem:s21], [sflag:$0x4] =	stream.indirect_vreg.gather [hbm4b:s9+s2], $0x80, v63, vm0, $0xb8;
	[tilespmem:$0x1E400] =	vst v63  }
0x181: {  	s20 =	simm.s32 $0x0;
	s22 =	simm.s32 $0x1A380  }
0x182: {  	[tilespmem:s22], [sflag:$0x4] =	stream.indirect_vreg.gather [hbm4b:s9+s2], $0x80, v17, vm0, $0xb8;
	[tilespmem:$0x1E400] =	vst v63  }
.LBB2_4:
0x183: {  	_ =	swait.ge [sflag:s31], $0x1000  }
0x184: {  	[sflag:s31] =	ssyncset.done $0x0  }
0x185: {  	[sflag:s31] =	ssyncadd.s32 $0xFFFFF000  }
0x186: {  	_ =	swait.ge [sflag:s0], $0x1000  }
0x187: {  	[sflag:s0] =	ssyncset.done $0x0  }
0x188: {  	[sflag:s0] =	ssyncadd.s32 $0xFFFFF000  }
0x189: {  	s20 =	sadd.s32 $0x400, s20;
	_ =	swait.ge [sflag:s30], $0x1000  }
0x18a: {  	p2 =	sne.s32 s20, $0x5000;
	[sflag:s30] =	ssyncset.done $0x0  }
.Ltmp3:
0x18b: {  	[sflag:s30] =	ssyncadd.s32 $0xFFFFF000;
	(pc) =	sbr.rel @!p2 .LBB2_5-.Ltmp3, $4  }
0x18c: {  	_ =	swait.ge [sflag:s29], $0x1000  }
0x18d: {  	[sflag:s29] =	ssyncset.done $0x0  }
0x18e: {  	s21 =	sadd.s32 $0x15080, s21;
	[sflag:s29] =	ssyncadd.s32 $0xFFFFF000  }
0x18f: {  	[spmem:s1] =	stream.indirect.scatter.add.f32 [tilespmem:s13], [sflag:$0xA], $0x80, s21, s17, $0xb8;
	[tilespmem:$0x1E400] =	vst v63  }
.LBB2_2:
0x190: {  	p2 =	seq.s32 s20, $0x0  }
0x191: {  	s21 =	simm.s32 @!p2 $0xA  }
0x192: {  	_ =	swait.ge @!p2 [sflag:s21], $0x4000  }
0x193: {  	[sflag:s21] =	ssyncset.done @!p2 $0x0  }
0x194: {  	[sflag:s21] =	ssyncadd.s32 @!p2 $0xFFFFC000;
	s21 =	sshra.s32 s20, $0x2  }
0x195: {  	v17 =	vld [tilespmem:s21+$0x13C80];
	_ =	sdelay $0x4  }
0x196: {  	v18 =	vshll.u32 v17, $0x1  }
0x197: {  	v17 =	vand.u32 $0x7, v17;
	v18 =	vand.u32 $0xFFFFFFF0, v18  }
0x198: {  	v17 =	vor.u32 v17, v18  }
0x199: {  	v18 =	vperm.xlane v17, v2;
	_ =	sdelay $0x1  }
0x19a: {  	v19 =	vperm.xlane v17, v1;
	v18 =	vadd.s32 v3, v18;
	_ =	sdelay $0x1  }
0x19b: {  	v20 =	vperm.xlane v17, v4;
	v19 =	vadd.s32 v3, v19;
	_ =	sdelay $0x1  }
0x19c: {  	v21 =	vperm.xlane v17, v5;
	v20 =	vadd.s32 v3, v20  }
0x19d: {  	[tilespmem:s13], [sflag:$0x5] =	stream.indirect_vreg.gather [hbm4b:s9+s2], $0x80, v18, vm0, $0xb8;
	[tilespmem:$0x1E400] =	vst v63  }
0x19e: {  	s22 =	simm.s32 $0x1A480;
	v50 =	vperm.xlane v17, v6;
	v18 =	vadd.s32 v3, v21  }
0x19f: {  	[tilespmem:s22], [sflag:$0x5] =	stream.indirect_vreg.gather [hbm4b:s9+s2], $0x80, v19, vm0, $0xb8;
	[tilespmem:$0x1E400] =	vst v63  }
0x1a0: {  	v51 =	vperm.xlane v17, v7;
	v19 =	vadd.s32 v3, v50;
	s22 =	simm.s32 $0x1A500  }
0x1a1: {  	[tilespmem:s22], [sflag:$0x5] =	stream.indirect_vreg.gather [hbm4b:s9+s2], $0x80, v20, vm0, $0xb8;
	[tilespmem:$0x1E400] =	vst v63  }
0x1a2: {  	v53 =	vperm.xlane v17, v8;
	v52 =	vadd.s32 v3, v51;
	s22 =	simm.s32 $0x1A580  }
0x1a3: {  	[tilespmem:s22], [sflag:$0x5] =	stream.indirect_vreg.gather [hbm4b:s9+s2], $0x80, v18, vm0, $0xb8;
	[tilespmem:$0x1E400] =	vst v63  }
0x1a4: {  	v54 =	vperm.xlane v17, v0;
	v18 =	vadd.s32 v3, v53;
	s22 =	simm.s32 $0x1A600  }
0x1a5: {  	[tilespmem:s22], [sflag:$0x5] =	stream.indirect_vreg.gather [hbm4b:s9+s2], $0x80, v19, vm0, $0xb8;
	[tilespmem:$0x1E400] =	vst v63  }
0x1a6: {  	v55 =	vperm.xlane v17, v9;
	v19 =	vadd.s32 v3, v54;
	s22 =	simm.s32 $0x1A680  }
0x1a7: {  	[tilespmem:s22], [sflag:$0x5] =	stream.indirect_vreg.gather [hbm4b:s9+s2], $0x80, v52, vm0, $0xb8;
	[tilespmem:$0x1E400] =	vst v63  }
0x1a8: {  	v57 =	vperm.xlane v17, v10;
	v56 =	vadd.s32 v3, v55;
	s22 =	simm.s32 $0x1A700  }
0x1a9: {  	[tilespmem:s22], [sflag:$0x5] =	stream.indirect_vreg.gather [hbm4b:s9+s2], $0x80, v18, vm0, $0xb8;
	[tilespmem:$0x1E400] =	vst v63  }
0x1aa: {  	v58 =	vperm.xlane v17, v11;
	v18 =	vadd.s32 v3, v57;
	s22 =	simm.s32 $0x1A780  }
0x1ab: {  	[tilespmem:s22], [sflag:$0x5] =	stream.indirect_vreg.gather [hbm4b:s9+s2], $0x80, v19, vm0, $0xb8;
	[tilespmem:$0x1E400] =	vst v63  }
0x1ac: {  	v59 =	vperm.xlane v17, v12;
	v19 =	vadd.s32 v3, v58;
	s22 =	simm.s32 $0x1A800  }
0x1ad: {  	[tilespmem:s22], [sflag:$0x5] =	stream.indirect_vreg.gather [hbm4b:s9+s2], $0x80, v56, vm0, $0xb8;
	[tilespmem:$0x1E400] =	vst v63  }
0x1ae: {  	v61 =	vperm.xlane v17, v13;
	v60 =	vadd.s32 v3, v59;
	s22 =	simm.s32 $0x1A880  }
0x1af: {  	[tilespmem:s22], [sflag:$0x5] =	stream.indirect_vreg.gather [hbm4b:s9+s2], $0x80, v18, vm0, $0xb8;
	[tilespmem:$0x1E400] =	vst v63  }
0x1b0: {  	v62 =	vperm.xlane v17, v14;
	v18 =	vadd.s32 v3, v61;
	s22 =	simm.s32 $0x1A900  }
0x1b1: {  	[tilespmem:s22], [sflag:$0x5] =	stream.indirect_vreg.gather [hbm4b:s9+s2], $0x80, v19, vm0, $0xb8;
	[tilespmem:$0x1E400] =	vst v63  }
0x1b2: {  	v63 =	vperm.xlane v17, v15;
	v19 =	vadd.s32 v3, v62;
	s22 =	simm.s32 $0x1A980  }
0x1b3: {  	[tilespmem:s22], [sflag:$0x5] =	stream.indirect_vreg.gather [hbm4b:s9+s2], $0x80, v60, vm0, $0xb8;
	[tilespmem:$0x1E400] =	vst v63  }
0x1b4: {  	v17 =	vperm.xlane v17, v16;
	v24 =	vadd.s32 v3, v63;
	s22 =	simm.s32 $0x1AA00  }
0x1b5: {  	[tilespmem:s22], [sflag:$0x5] =	stream.indirect_vreg.gather [hbm4b:s9+s2], $0x80, v18, vm0, $0xb8;
	[tilespmem:$0x1E400] =	vst v63  }
0x1b6: {  	v17 =	vadd.s32 v3, v17;
	s22 =	simm.s32 $0x1AA80  }
0x1b7: {  	[tilespmem:s22], [sflag:$0x5] =	stream.indirect_vreg.gather [hbm4b:s9+s2], $0x80, v19, vm0, $0xb8;
	[tilespmem:$0x1E400] =	vst v63  }
0x1b8: {  	s22 =	simm.s32 $0x1AB00  }
0x1b9: {  	[tilespmem:s22], [sflag:$0x5] =	stream.indirect_vreg.gather [hbm4b:s9+s2], $0x80, v24, vm0, $0xb8;
	[tilespmem:$0x1E400] =	vst v63  }
0x1ba: {  	s22 =	simm.s32 $0x1AB80  }
0x1bb: {  	[tilespmem:s22], [sflag:$0x5] =	stream.indirect_vreg.gather [hbm4b:s9+s2], $0x80, v17, vm0, $0xb8;
	[tilespmem:$0x1E400] =	vst v63  }
0x1bc: {  	v17 =	vld [tilespmem:s21+$0x13C90];
	_ =	sdelay $0x4  }
0x1bd: {  	v18 =	vshll.u32 v17, $0x1  }
0x1be: {  	v17 =	vand.u32 $0x7, v17;
	v18 =	vand.u32 $0xFFFFFFF0, v18  }
0x1bf: {  	v17 =	vor.u32 v17, v18  }
0x1c0: {  	v18 =	vperm.xlane v17, v2;
	_ =	sdelay $0x1  }
0x1c1: {  	v19 =	vperm.xlane v17, v1;
	v18 =	vadd.s32 v3, v18;
	_ =	sdelay $0x1  }
0x1c2: {  	v25 =	vperm.xlane v17, v4;
	v19 =	vadd.s32 v3, v19;
	_ =	sdelay $0x1  }
0x1c3: {  	s22 =	simm.s32 $0x1AC00;
	v26 =	vperm.xlane v17, v5;
	v20 =	vadd.s32 v3, v25  }
0x1c4: {  	[tilespmem:s22], [sflag:$0x5] =	stream.indirect_vreg.gather [hbm4b:s9+s2], $0x80, v18, vm0, $0xb8;
	[tilespmem:$0x1E400] =	vst v63  }
0x1c5: {  	v27 =	vperm.xlane v17, v6;
	v18 =	vadd.s32 v3, v26;
	s22 =	simm.s32 $0x1AC80  }
0x1c6: {  	[tilespmem:s22], [sflag:$0x5] =	stream.indirect_vreg.gather [hbm4b:s9+s2], $0x80, v19, vm0, $0xb8;
	[tilespmem:$0x1E400] =	vst v63  }
0x1c7: {  	v28 =	vperm.xlane v17, v7;
	v19 =	vadd.s32 v3, v27;
	s22 =	simm.s32 $0x1AD00  }
0x1c8: {  	[tilespmem:s22], [sflag:$0x5] =	stream.indirect_vreg.gather [hbm4b:s9+s2], $0x80, v20, vm0, $0xb8;
	[tilespmem:$0x1E400] =	vst v63  }
0x1c9: {  	v30 =	vperm.xlane v17, v8;
	v29 =	vadd.s32 v3, v28;
	s22 =	simm.s32 $0x1AD80  }
0x1ca: {  	[tilespmem:s22], [sflag:$0x5] =	stream.indirect_vreg.gather [hbm4b:s9+s2], $0x80, v18, vm0, $0xb8;
	[tilespmem:$0x1E400] =	vst v63  }
0x1cb: {  	v31 =	vperm.xlane v17, v0;
	v18 =	vadd.s32 v3, v30;
	s22 =	simm.s32 $0x1AE00  }
0x1cc: {  	[tilespmem:s22], [sflag:$0x5] =	stream.indirect_vreg.gather [hbm4b:s9+s2], $0x80, v19, vm0, $0xb8;
	[tilespmem:$0x1E400] =	vst v63  }
0x1cd: {  	v32 =	vperm.xlane v17, v9;
	v19 =	vadd.s32 v3, v31;
	s22 =	simm.s32 $0x1AE80  }
0x1ce: {  	[tilespmem:s22], [sflag:$0x5] =	stream.indirect_vreg.gather [hbm4b:s9+s2], $0x80, v29, vm0, $0xb8;
	[tilespmem:$0x1E400] =	vst v63  }
0x1cf: {  	v34 =	vperm.xlane v17, v10;
	v33 =	vadd.s32 v3, v32;
	s22 =	simm.s32 $0x1AF00  }
0x1d0: {  	[tilespmem:s22], [sflag:$0x5] =	stream.indirect_vreg.gather [hbm4b:s9+s2], $0x80, v18, vm0, $0xb8;
	[tilespmem:$0x1E400] =	vst v63  }
0x1d1: {  	v35 =	vperm.xlane v17, v11;
	v18 =	vadd.s32 v3, v34;
	s22 =	simm.s32 $0x1AF80  }
0x1d2: {  	[tilespmem:s22], [sflag:$0x5] =	stream.indirect_vreg.gather [hbm4b:s9+s2], $0x80, v19, vm0, $0xb8;
	[tilespmem:$0x1E400] =	vst v63  }
0x1d3: {  	v36 =	vperm.xlane v17, v12;
	v19 =	vadd.s32 v3, v35;
	s22 =	simm.s32 $0x1B000  }
0x1d4: {  	[tilespmem:s22], [sflag:$0x5] =	stream.indirect_vreg.gather [hbm4b:s9+s2], $0x80, v33, vm0, $0xb8;
	[tilespmem:$0x1E400] =	vst v63  }
0x1d5: {  	v38 =	vperm.xlane v17, v13;
	v37 =	vadd.s32 v3, v36;
	s22 =	simm.s32 $0x1B080  }
0x1d6: {  	[tilespmem:s22], [sflag:$0x5] =	stream.indirect_vreg.gather [hbm4b:s9+s2], $0x80, v18, vm0, $0xb8;
	[tilespmem:$0x1E400] =	vst v63  }
0x1d7: {  	v39 =	vperm.xlane v17, v14;
	v18 =	vadd.s32 v3, v38;
	s22 =	simm.s32 $0x1B100  }
0x1d8: {  	[tilespmem:s22], [sflag:$0x5] =	stream.indirect_vreg.gather [hbm4b:s9+s2], $0x80, v19, vm0, $0xb8;
	[tilespmem:$0x1E400] =	vst v63  }
0x1d9: {  	v40 =	vperm.xlane v17, v15;
	v19 =	vadd.s32 v3, v39;
	s22 =	simm.s32 $0x1B180  }
0x1da: {  	[tilespmem:s22], [sflag:$0x5] =	stream.indirect_vreg.gather [hbm4b:s9+s2], $0x80, v37, vm0, $0xb8;
	[tilespmem:$0x1E400] =	vst v63  }
0x1db: {  	v17 =	vperm.xlane v17, v16;
	v41 =	vadd.s32 v3, v40;
	s22 =	simm.s32 $0x1B200  }
0x1dc: {  	[tilespmem:s22], [sflag:$0x5] =	stream.indirect_vreg.gather [hbm4b:s9+s2], $0x80, v18, vm0, $0xb8;
	[tilespmem:$0x1E400] =	vst v63  }
0x1dd: {  	v17 =	vadd.s32 v3, v17;
	s22 =	simm.s32 $0x1B280  }
0x1de: {  	[tilespmem:s22], [sflag:$0x5] =	stream.indirect_vreg.gather [hbm4b:s9+s2], $0x80, v19, vm0, $0xb8;
	[tilespmem:$0x1E400] =	vst v63  }
0x1df: {  	s22 =	simm.s32 $0x1B300  }
0x1e0: {  	[tilespmem:s22], [sflag:$0x5] =	stream.indirect_vreg.gather [hbm4b:s9+s2], $0x80, v41, vm0, $0xb8;
	[tilespmem:$0x1E400] =	vst v63  }
0x1e1: {  	s22 =	simm.s32 $0x1B380  }
0x1e2: {  	[tilespmem:s22], [sflag:$0x5] =	stream.indirect_vreg.gather [hbm4b:s9+s2], $0x80, v17, vm0, $0xb8;
	[tilespmem:$0x1E400] =	vst v63  }
0x1e3: {  	v17 =	vld [tilespmem:s21+$0x13CA0];
	_ =	sdelay $0x4  }
0x1e4: {  	v18 =	vshll.u32 v17, $0x1  }
0x1e5: {  	v17 =	vand.u32 $0x7, v17;
	v18 =	vand.u32 $0xFFFFFFF0, v18  }
0x1e6: {  	v17 =	vor.u32 v17, v18  }
0x1e7: {  	v18 =	vperm.xlane v17, v2;
	_ =	sdelay $0x1  }
0x1e8: {  	v19 =	vperm.xlane v17, v1;
	v18 =	vadd.s32 v3, v18;
	_ =	sdelay $0x1  }
0x1e9: {  	v42 =	vperm.xlane v17, v4;
	v19 =	vadd.s32 v3, v19;
	_ =	sdelay $0x1  }
0x1ea: {  	s22 =	simm.s32 $0x1B400;
	v43 =	vperm.xlane v17, v5;
	v20 =	vadd.s32 v3, v42  }
0x1eb: {  	[tilespmem:s22], [sflag:$0x6] =	stream.indirect_vreg.gather [hbm4b:s9+s2], $0x80, v18, vm0, $0xb8;
	[tilespmem:$0x1E400] =	vst v63  }
0x1ec: {  	v44 =	vperm.xlane v17, v6;
	v18 =	vadd.s32 v3, v43;
	s22 =	simm.s32 $0x1B480  }
0x1ed: {  	[tilespmem:s22], [sflag:$0x6] =	stream.indirect_vreg.gather [hbm4b:s9+s2], $0x80, v19, vm0, $0xb8;
	[tilespmem:$0x1E400] =	vst v63  }
0x1ee: {  	v45 =	vperm.xlane v17, v7;
	v19 =	vadd.s32 v3, v44;
	s22 =	simm.s32 $0x1B500  }
0x1ef: {  	[tilespmem:s22], [sflag:$0x6] =	stream.indirect_vreg.gather [hbm4b:s9+s2], $0x80, v20, vm0, $0xb8;
	[tilespmem:$0x1E400] =	vst v63  }
0x1f0: {  	v47 =	vperm.xlane v17, v8;
	v46 =	vadd.s32 v3, v45;
	s22 =	simm.s32 $0x1B580  }
0x1f1: {  	[tilespmem:s22], [sflag:$0x6] =	stream.indirect_vreg.gather [hbm4b:s9+s2], $0x80, v18, vm0, $0xb8;
	[tilespmem:$0x1E400] =	vst v63  }
0x1f2: {  	v48 =	vperm.xlane v17, v0;
	v18 =	vadd.s32 v3, v47;
	s22 =	simm.s32 $0x1B600  }
0x1f3: {  	[tilespmem:s22], [sflag:$0x6] =	stream.indirect_vreg.gather [hbm4b:s9+s2], $0x80, v19, vm0, $0xb8;
	[tilespmem:$0x1E400] =	vst v63  }
0x1f4: {  	v49 =	vperm.xlane v17, v9;
	v19 =	vadd.s32 v3, v48;
	s22 =	simm.s32 $0x1B680  }
0x1f5: {  	[tilespmem:s22], [sflag:$0x6] =	stream.indirect_vreg.gather [hbm4b:s9+s2], $0x80, v46, vm0, $0xb8;
	[tilespmem:$0x1E400] =	vst v63  }
0x1f6: {  	v51 =	vperm.xlane v17, v10;
	v50 =	vadd.s32 v3, v49;
	s22 =	simm.s32 $0x1B700  }
0x1f7: {  	[tilespmem:s22], [sflag:$0x6] =	stream.indirect_vreg.gather [hbm4b:s9+s2], $0x80, v18, vm0, $0xb8;
	[tilespmem:$0x1E400] =	vst v63  }
0x1f8: {  	v52 =	vperm.xlane v17, v11;
	v18 =	vadd.s32 v3, v51;
	s22 =	simm.s32 $0x1B780  }
0x1f9: {  	[tilespmem:s22], [sflag:$0x6] =	stream.indirect_vreg.gather [hbm4b:s9+s2], $0x80, v19, vm0, $0xb8;
	[tilespmem:$0x1E400] =	vst v63  }
0x1fa: {  	v53 =	vperm.xlane v17, v12;
	v19 =	vadd.s32 v3, v52;
	s22 =	simm.s32 $0x1B800  }
0x1fb: {  	[tilespmem:s22], [sflag:$0x6] =	stream.indirect_vreg.gather [hbm4b:s9+s2], $0x80, v50, vm0, $0xb8;
	[tilespmem:$0x1E400] =	vst v63  }
0x1fc: {  	v55 =	vperm.xlane v17, v13;
	v54 =	vadd.s32 v3, v53;
	s22 =	simm.s32 $0x1B880  }
0x1fd: {  	[tilespmem:s22], [sflag:$0x6] =	stream.indirect_vreg.gather [hbm4b:s9+s2], $0x80, v18, vm0, $0xb8;
	[tilespmem:$0x1E400] =	vst v63  }
0x1fe: {  	v56 =	vperm.xlane v17, v14;
	v18 =	vadd.s32 v3, v55;
	s22 =	simm.s32 $0x1B900  }
0x1ff: {  	[tilespmem:s22], [sflag:$0x6] =	stream.indirect_vreg.gather [hbm4b:s9+s2], $0x80, v19, vm0, $0xb8;
	[tilespmem:$0x1E400] =	vst v63  }
0x200: {  	v57 =	vperm.xlane v17, v15;
	v19 =	vadd.s32 v3, v56;
	s22 =	simm.s32 $0x1B980  }
0x201: {  	[tilespmem:s22], [sflag:$0x6] =	stream.indirect_vreg.gather [hbm4b:s9+s2], $0x80, v54, vm0, $0xb8;
	[tilespmem:$0x1E400] =	vst v63  }
0x202: {  	v17 =	vperm.xlane v17, v16;
	v58 =	vadd.s32 v3, v57;
	s22 =	simm.s32 $0x1BA00  }
0x203: {  	[tilespmem:s22], [sflag:$0x6] =	stream.indirect_vreg.gather [hbm4b:s9+s2], $0x80, v18, vm0, $0xb8;
	[tilespmem:$0x1E400] =	vst v63  }
0x204: {  	v17 =	vadd.s32 v3, v17;
	s22 =	simm.s32 $0x1BA80  }
0x205: {  	[tilespmem:s22], [sflag:$0x6] =	stream.indirect_vreg.gather [hbm4b:s9+s2], $0x80, v19, vm0, $0xb8;
	[tilespmem:$0x1E400] =	vst v63  }
0x206: {  	s22 =	simm.s32 $0x1BB00  }
0x207: {  	[tilespmem:s22], [sflag:$0x6] =	stream.indirect_vreg.gather [hbm4b:s9+s2], $0x80, v58, vm0, $0xb8;
	[tilespmem:$0x1E400] =	vst v63  }
0x208: {  	s22 =	simm.s32 $0x1BB80  }
0x209: {  	[tilespmem:s22], [sflag:$0x6] =	stream.indirect_vreg.gather [hbm4b:s9+s2], $0x80, v17, vm0, $0xb8;
	[tilespmem:$0x1E400] =	vst v63  }
0x20a: {  	v17 =	vld [tilespmem:s21+$0x13CB0];
	_ =	sdelay $0x4  }
0x20b: {  	v18 =	vshll.u32 v17, $0x1  }
0x20c: {  	v17 =	vand.u32 $0x7, v17;
	v18 =	vand.u32 $0xFFFFFFF0, v18  }
0x20d: {  	v17 =	vor.u32 v17, v18  }
0x20e: {  	v18 =	vperm.xlane v17, v2;
	_ =	sdelay $0x1  }
0x20f: {  	v19 =	vperm.xlane v17, v1;
	v18 =	vadd.s32 v3, v18;
	_ =	sdelay $0x1  }
0x210: {  	v59 =	vperm.xlane v17, v4;
	v19 =	vadd.s32 v3, v19;
	_ =	sdelay $0x1  }
0x211: {  	s22 =	simm.s32 $0x1BC00;
	v60 =	vperm.xlane v17, v5;
	v20 =	vadd.s32 v3, v59  }
0x212: {  	[tilespmem:s22], [sflag:$0x6] =	stream.indirect_vreg.gather [hbm4b:s9+s2], $0x80, v18, vm0, $0xb8;
	[tilespmem:$0x1E400] =	vst v63  }
0x213: {  	v61 =	vperm.xlane v17, v6;
	v18 =	vadd.s32 v3, v60;
	s22 =	simm.s32 $0x1BC80  }
0x214: {  	[tilespmem:s22], [sflag:$0x6] =	stream.indirect_vreg.gather [hbm4b:s9+s2], $0x80, v19, vm0, $0xb8;
	[tilespmem:$0x1E400] =	vst v63  }
0x215: {  	v62 =	vperm.xlane v17, v7;
	v19 =	vadd.s32 v3, v61;
	s22 =	simm.s32 $0x1BD00  }
0x216: {  	[tilespmem:s22], [sflag:$0x6] =	stream.indirect_vreg.gather [hbm4b:s9+s2], $0x80, v20, vm0, $0xb8;
	[tilespmem:$0x1E400] =	vst v63  }
0x217: {  	v24 =	vperm.xlane v17, v8;
	v63 =	vadd.s32 v3, v62;
	s22 =	simm.s32 $0x1BD80  }
0x218: {  	[tilespmem:s22], [sflag:$0x6] =	stream.indirect_vreg.gather [hbm4b:s9+s2], $0x80, v18, vm0, $0xb8;
	[tilespmem:$0x1E400] =	vst v63  }
0x219: {  	v25 =	vperm.xlane v17, v0;
	v18 =	vadd.s32 v3, v24;
	s22 =	simm.s32 $0x1BE00  }
0x21a: {  	[tilespmem:s22], [sflag:$0x6] =	stream.indirect_vreg.gather [hbm4b:s9+s2], $0x80, v19, vm0, $0xb8;
	[tilespmem:$0x1E400] =	vst v63  }
0x21b: {  	v26 =	vperm.xlane v17, v9;
	v19 =	vadd.s32 v3, v25;
	s22 =	simm.s32 $0x1BE80  }
0x21c: {  	[tilespmem:s22], [sflag:$0x6] =	stream.indirect_vreg.gather [hbm4b:s9+s2], $0x80, v63, vm0, $0xb8;
	[tilespmem:$0x1E400] =	vst v63  }
0x21d: {  	v28 =	vperm.xlane v17, v10;
	v27 =	vadd.s32 v3, v26;
	s22 =	simm.s32 $0x1BF00  }
0x21e: {  	[tilespmem:s22], [sflag:$0x6] =	stream.indirect_vreg.gather [hbm4b:s9+s2], $0x80, v18, vm0, $0xb8;
	[tilespmem:$0x1E400] =	vst v63  }
0x21f: {  	v29 =	vperm.xlane v17, v11;
	v18 =	vadd.s32 v3, v28;
	s22 =	simm.s32 $0x1BF80  }
0x220: {  	[tilespmem:s22], [sflag:$0x6] =	stream.indirect_vreg.gather [hbm4b:s9+s2], $0x80, v19, vm0, $0xb8;
	[tilespmem:$0x1E400] =	vst v63  }
0x221: {  	v30 =	vperm.xlane v17, v12;
	v19 =	vadd.s32 v3, v29;
	s22 =	simm.s32 $0x1C000  }
0x222: {  	[tilespmem:s22], [sflag:$0x6] =	stream.indirect_vreg.gather [hbm4b:s9+s2], $0x80, v27, vm0, $0xb8;
	[tilespmem:$0x1E400] =	vst v63  }
0x223: {  	v32 =	vperm.xlane v17, v13;
	v31 =	vadd.s32 v3, v30;
	s22 =	simm.s32 $0x1C080  }
0x224: {  	[tilespmem:s22], [sflag:$0x6] =	stream.indirect_vreg.gather [hbm4b:s9+s2], $0x80, v18, vm0, $0xb8;
	[tilespmem:$0x1E400] =	vst v63  }
0x225: {  	v33 =	vperm.xlane v17, v14;
	v18 =	vadd.s32 v3, v32;
	s22 =	simm.s32 $0x1C100  }
0x226: {  	[tilespmem:s22], [sflag:$0x6] =	stream.indirect_vreg.gather [hbm4b:s9+s2], $0x80, v19, vm0, $0xb8;
	[tilespmem:$0x1E400] =	vst v63  }
0x227: {  	v34 =	vperm.xlane v17, v15;
	v19 =	vadd.s32 v3, v33;
	s22 =	simm.s32 $0x1C180  }
0x228: {  	[tilespmem:s22], [sflag:$0x6] =	stream.indirect_vreg.gather [hbm4b:s9+s2], $0x80, v31, vm0, $0xb8;
	[tilespmem:$0x1E400] =	vst v63  }
0x229: {  	v17 =	vperm.xlane v17, v16;
	v35 =	vadd.s32 v3, v34;
	s22 =	simm.s32 $0x1C200  }
0x22a: {  	[tilespmem:s22], [sflag:$0x6] =	stream.indirect_vreg.gather [hbm4b:s9+s2], $0x80, v18, vm0, $0xb8;
	[tilespmem:$0x1E400] =	vst v63  }
0x22b: {  	v17 =	vadd.s32 v3, v17;
	s22 =	simm.s32 $0x1C280  }
0x22c: {  	[tilespmem:s22], [sflag:$0x6] =	stream.indirect_vreg.gather [hbm4b:s9+s2], $0x80, v19, vm0, $0xb8;
	[tilespmem:$0x1E400] =	vst v63  }
0x22d: {  	s22 =	simm.s32 $0x1C300  }
0x22e: {  	[tilespmem:s22], [sflag:$0x6] =	stream.indirect_vreg.gather [hbm4b:s9+s2], $0x80, v35, vm0, $0xb8;
	[tilespmem:$0x1E400] =	vst v63  }
0x22f: {  	s22 =	simm.s32 $0x1C380  }
0x230: {  	[tilespmem:s22], [sflag:$0x6] =	stream.indirect_vreg.gather [hbm4b:s9+s2], $0x80, v17, vm0, $0xb8;
	[tilespmem:$0x1E400] =	vst v63  }
0x231: {  	v17 =	vld [tilespmem:s21+$0x13CC0];
	_ =	sdelay $0x4  }
0x232: {  	v18 =	vshll.u32 v17, $0x1  }
0x233: {  	v17 =	vand.u32 $0x7, v17;
	v18 =	vand.u32 $0xFFFFFFF0, v18  }
0x234: {  	v17 =	vor.u32 v17, v18  }
0x235: {  	v18 =	vperm.xlane v17, v2;
	_ =	sdelay $0x1  }
0x236: {  	v19 =	vperm.xlane v17, v1;
	v18 =	vadd.s32 v3, v18;
	_ =	sdelay $0x1  }
0x237: {  	v36 =	vperm.xlane v17, v4;
	v19 =	vadd.s32 v3, v19;
	_ =	sdelay $0x1  }
0x238: {  	s22 =	simm.s32 $0x1C400;
	v37 =	vperm.xlane v17, v5;
	v20 =	vadd.s32 v3, v36  }
0x239: {  	[tilespmem:s22], [sflag:$0x7] =	stream.indirect_vreg.gather [hbm4b:s9+s2], $0x80, v18, vm0, $0xb8;
	[tilespmem:$0x1E400] =	vst v63  }
0x23a: {  	v38 =	vperm.xlane v17, v6;
	v18 =	vadd.s32 v3, v37;
	s22 =	simm.s32 $0x1C480  }
0x23b: {  	[tilespmem:s22], [sflag:$0x7] =	stream.indirect_vreg.gather [hbm4b:s9+s2], $0x80, v19, vm0, $0xb8;
	[tilespmem:$0x1E400] =	vst v63  }
0x23c: {  	v39 =	vperm.xlane v17, v7;
	v19 =	vadd.s32 v3, v38;
	s22 =	simm.s32 $0x1C500  }
0x23d: {  	[tilespmem:s22], [sflag:$0x7] =	stream.indirect_vreg.gather [hbm4b:s9+s2], $0x80, v20, vm0, $0xb8;
	[tilespmem:$0x1E400] =	vst v63  }
0x23e: {  	v41 =	vperm.xlane v17, v8;
	v40 =	vadd.s32 v3, v39;
	s22 =	simm.s32 $0x1C580  }
0x23f: {  	[tilespmem:s22], [sflag:$0x7] =	stream.indirect_vreg.gather [hbm4b:s9+s2], $0x80, v18, vm0, $0xb8;
	[tilespmem:$0x1E400] =	vst v63  }
0x240: {  	v42 =	vperm.xlane v17, v0;
	v18 =	vadd.s32 v3, v41;
	s22 =	simm.s32 $0x1C600  }
0x241: {  	[tilespmem:s22], [sflag:$0x7] =	stream.indirect_vreg.gather [hbm4b:s9+s2], $0x80, v19, vm0, $0xb8;
	[tilespmem:$0x1E400] =	vst v63  }
0x242: {  	v43 =	vperm.xlane v17, v9;
	v19 =	vadd.s32 v3, v42;
	s22 =	simm.s32 $0x1C680  }
0x243: {  	[tilespmem:s22], [sflag:$0x7] =	stream.indirect_vreg.gather [hbm4b:s9+s2], $0x80, v40, vm0, $0xb8;
	[tilespmem:$0x1E400] =	vst v63  }
0x244: {  	v45 =	vperm.xlane v17, v10;
	v44 =	vadd.s32 v3, v43;
	s22 =	simm.s32 $0x1C700  }
0x245: {  	[tilespmem:s22], [sflag:$0x7] =	stream.indirect_vreg.gather [hbm4b:s9+s2], $0x80, v18, vm0, $0xb8;
	[tilespmem:$0x1E400] =	vst v63  }
0x246: {  	v46 =	vperm.xlane v17, v11;
	v18 =	vadd.s32 v3, v45;
	s22 =	simm.s32 $0x1C780  }
0x247: {  	[tilespmem:s22], [sflag:$0x7] =	stream.indirect_vreg.gather [hbm4b:s9+s2], $0x80, v19, vm0, $0xb8;
	[tilespmem:$0x1E400] =	vst v63  }
0x248: {  	v47 =	vperm.xlane v17, v12;
	v19 =	vadd.s32 v3, v46;
	s22 =	simm.s32 $0x1C800  }
0x249: {  	[tilespmem:s22], [sflag:$0x7] =	stream.indirect_vreg.gather [hbm4b:s9+s2], $0x80, v44, vm0, $0xb8;
	[tilespmem:$0x1E400] =	vst v63  }
0x24a: {  	v49 =	vperm.xlane v17, v13;
	v48 =	vadd.s32 v3, v47;
	s22 =	simm.s32 $0x1C880  }
0x24b: {  	[tilespmem:s22], [sflag:$0x7] =	stream.indirect_vreg.gather [hbm4b:s9+s2], $0x80, v18, vm0, $0xb8;
	[tilespmem:$0x1E400] =	vst v63  }
0x24c: {  	v50 =	vperm.xlane v17, v14;
	v18 =	vadd.s32 v3, v49;
	s22 =	simm.s32 $0x1C900  }
0x24d: {  	[tilespmem:s22], [sflag:$0x7] =	stream.indirect_vreg.gather [hbm4b:s9+s2], $0x80, v19, vm0, $0xb8;
	[tilespmem:$0x1E400] =	vst v63  }
0x24e: {  	v51 =	vperm.xlane v17, v15;
	v19 =	vadd.s32 v3, v50;
	s22 =	simm.s32 $0x1C980  }
0x24f: {  	[tilespmem:s22], [sflag:$0x7] =	stream.indirect_vreg.gather [hbm4b:s9+s2], $0x80, v48, vm0, $0xb8;
	[tilespmem:$0x1E400] =	vst v63  }
0x250: {  	v17 =	vperm.xlane v17, v16;
	v52 =	vadd.s32 v3, v51;
	s22 =	simm.s32 $0x1CA00  }
0x251: {  	[tilespmem:s22], [sflag:$0x7] =	stream.indirect_vreg.gather [hbm4b:s9+s2], $0x80, v18, vm0, $0xb8;
	[tilespmem:$0x1E400] =	vst v63  }
0x252: {  	v17 =	vadd.s32 v3, v17;
	s22 =	simm.s32 $0x1CA80  }
0x253: {  	[tilespmem:s22], [sflag:$0x7] =	stream.indirect_vreg.gather [hbm4b:s9+s2], $0x80, v19, vm0, $0xb8;
	[tilespmem:$0x1E400] =	vst v63  }
0x254: {  	s22 =	simm.s32 $0x1CB00  }
0x255: {  	[tilespmem:s22], [sflag:$0x7] =	stream.indirect_vreg.gather [hbm4b:s9+s2], $0x80, v52, vm0, $0xb8;
	[tilespmem:$0x1E400] =	vst v63  }
0x256: {  	s22 =	simm.s32 $0x1CB80  }
0x257: {  	[tilespmem:s22], [sflag:$0x7] =	stream.indirect_vreg.gather [hbm4b:s9+s2], $0x80, v17, vm0, $0xb8;
	[tilespmem:$0x1E400] =	vst v63  }
0x258: {  	v17 =	vld [tilespmem:s21+$0x13CD0];
	_ =	sdelay $0x4  }
0x259: {  	v18 =	vshll.u32 v17, $0x1  }
0x25a: {  	v17 =	vand.u32 $0x7, v17;
	v18 =	vand.u32 $0xFFFFFFF0, v18  }
0x25b: {  	v17 =	vor.u32 v17, v18  }
0x25c: {  	v18 =	vperm.xlane v17, v2;
	_ =	sdelay $0x1  }
0x25d: {  	v19 =	vperm.xlane v17, v1;
	v18 =	vadd.s32 v3, v18;
	_ =	sdelay $0x1  }
0x25e: {  	v53 =	vperm.xlane v17, v4;
	v19 =	vadd.s32 v3, v19;
	_ =	sdelay $0x1  }
0x25f: {  	s22 =	simm.s32 $0x1CC00;
	v54 =	vperm.xlane v17, v5;
	v20 =	vadd.s32 v3, v53  }
0x260: {  	[tilespmem:s22], [sflag:$0x7] =	stream.indirect_vreg.gather [hbm4b:s9+s2], $0x80, v18, vm0, $0xb8;
	[tilespmem:$0x1E400] =	vst v63  }
0x261: {  	v55 =	vperm.xlane v17, v6;
	v18 =	vadd.s32 v3, v54;
	s22 =	simm.s32 $0x1CC80  }
0x262: {  	[tilespmem:s22], [sflag:$0x7] =	stream.indirect_vreg.gather [hbm4b:s9+s2], $0x80, v19, vm0, $0xb8;
	[tilespmem:$0x1E400] =	vst v63  }
0x263: {  	v56 =	vperm.xlane v17, v7;
	v19 =	vadd.s32 v3, v55;
	s22 =	simm.s32 $0x1CD00  }
0x264: {  	[tilespmem:s22], [sflag:$0x7] =	stream.indirect_vreg.gather [hbm4b:s9+s2], $0x80, v20, vm0, $0xb8;
	[tilespmem:$0x1E400] =	vst v63  }
0x265: {  	v58 =	vperm.xlane v17, v8;
	v57 =	vadd.s32 v3, v56;
	s22 =	simm.s32 $0x1CD80  }
0x266: {  	[tilespmem:s22], [sflag:$0x7] =	stream.indirect_vreg.gather [hbm4b:s9+s2], $0x80, v18, vm0, $0xb8;
	[tilespmem:$0x1E400] =	vst v63  }
0x267: {  	v59 =	vperm.xlane v17, v0;
	v18 =	vadd.s32 v3, v58;
	s22 =	simm.s32 $0x1CE00  }
0x268: {  	[tilespmem:s22], [sflag:$0x7] =	stream.indirect_vreg.gather [hbm4b:s9+s2], $0x80, v19, vm0, $0xb8;
	[tilespmem:$0x1E400] =	vst v63  }
0x269: {  	v60 =	vperm.xlane v17, v9;
	v19 =	vadd.s32 v3, v59;
	s22 =	simm.s32 $0x1CE80  }
0x26a: {  	[tilespmem:s22], [sflag:$0x7] =	stream.indirect_vreg.gather [hbm4b:s9+s2], $0x80, v57, vm0, $0xb8;
	[tilespmem:$0x1E400] =	vst v63  }
0x26b: {  	v62 =	vperm.xlane v17, v10;
	v61 =	vadd.s32 v3, v60;
	s22 =	simm.s32 $0x1CF00  }
0x26c: {  	[tilespmem:s22], [sflag:$0x7] =	stream.indirect_vreg.gather [hbm4b:s9+s2], $0x80, v18, vm0, $0xb8;
	[tilespmem:$0x1E400] =	vst v63  }
0x26d: {  	v63 =	vperm.xlane v17, v11;
	v18 =	vadd.s32 v3, v62;
	s22 =	simm.s32 $0x1CF80  }
0x26e: {  	[tilespmem:s22], [sflag:$0x7] =	stream.indirect_vreg.gather [hbm4b:s9+s2], $0x80, v19, vm0, $0xb8;
	[tilespmem:$0x1E400] =	vst v63  }
0x26f: {  	v24 =	vperm.xlane v17, v12;
	v19 =	vadd.s32 v3, v63;
	s22 =	simm.s32 $0x1D000  }
0x270: {  	[tilespmem:s22], [sflag:$0x7] =	stream.indirect_vreg.gather [hbm4b:s9+s2], $0x80, v61, vm0, $0xb8;
	[tilespmem:$0x1E400] =	vst v63  }
0x271: {  	v26 =	vperm.xlane v17, v13;
	v25 =	vadd.s32 v3, v24;
	s22 =	simm.s32 $0x1D080  }
0x272: {  	[tilespmem:s22], [sflag:$0x7] =	stream.indirect_vreg.gather [hbm4b:s9+s2], $0x80, v18, vm0, $0xb8;
	[tilespmem:$0x1E400] =	vst v63  }
0x273: {  	v27 =	vperm.xlane v17, v14;
	v18 =	vadd.s32 v3, v26;
	s22 =	simm.s32 $0x1D100  }
0x274: {  	[tilespmem:s22], [sflag:$0x7] =	stream.indirect_vreg.gather [hbm4b:s9+s2], $0x80, v19, vm0, $0xb8;
	[tilespmem:$0x1E400] =	vst v63  }
0x275: {  	v28 =	vperm.xlane v17, v15;
	v19 =	vadd.s32 v3, v27;
	s22 =	simm.s32 $0x1D180  }
0x276: {  	[tilespmem:s22], [sflag:$0x7] =	stream.indirect_vreg.gather [hbm4b:s9+s2], $0x80, v25, vm0, $0xb8;
	[tilespmem:$0x1E400] =	vst v63  }
0x277: {  	v17 =	vperm.xlane v17, v16;
	v29 =	vadd.s32 v3, v28;
	s22 =	simm.s32 $0x1D200  }
0x278: {  	[tilespmem:s22], [sflag:$0x7] =	stream.indirect_vreg.gather [hbm4b:s9+s2], $0x80, v18, vm0, $0xb8;
	[tilespmem:$0x1E400] =	vst v63  }
0x279: {  	v17 =	vadd.s32 v3, v17;
	s22 =	simm.s32 $0x1D280  }
0x27a: {  	[tilespmem:s22], [sflag:$0x7] =	stream.indirect_vreg.gather [hbm4b:s9+s2], $0x80, v19, vm0, $0xb8;
	[tilespmem:$0x1E400] =	vst v63  }
0x27b: {  	s22 =	simm.s32 $0x1D300  }
0x27c: {  	[tilespmem:s22], [sflag:$0x7] =	stream.indirect_vreg.gather [hbm4b:s9+s2], $0x80, v29, vm0, $0xb8;
	[tilespmem:$0x1E400] =	vst v63  }
0x27d: {  	s22 =	simm.s32 $0x1D380  }
0x27e: {  	[tilespmem:s22], [sflag:$0x7] =	stream.indirect_vreg.gather [hbm4b:s9+s2], $0x80, v17, vm0, $0xb8;
	[tilespmem:$0x1E400] =	vst v63  }
0x27f: {  	v17 =	vld [tilespmem:s21+$0x13CE0];
	_ =	sdelay $0x4  }
0x280: {  	v18 =	vshll.u32 v17, $0x1  }
0x281: {  	v17 =	vand.u32 $0x7, v17;
	v18 =	vand.u32 $0xFFFFFFF0, v18  }
0x282: {  	v17 =	vor.u32 v17, v18  }
0x283: {  	v18 =	vperm.xlane v17, v2;
	_ =	sdelay $0x1  }
0x284: {  	v19 =	vperm.xlane v17, v1;
	v18 =	vadd.s32 v3, v18;
	_ =	sdelay $0x1  }
0x285: {  	v30 =	vperm.xlane v17, v4;
	v19 =	vadd.s32 v3, v19;
	_ =	sdelay $0x1  }
0x286: {  	s22 =	simm.s32 $0x1D400;
	v31 =	vperm.xlane v17, v5;
	v20 =	vadd.s32 v3, v30  }
0x287: {  	[tilespmem:s22], [sflag:$0x8] =	stream.indirect_vreg.gather [hbm4b:s9+s2], $0x80, v18, vm0, $0xb8;
	[tilespmem:$0x1E400] =	vst v63  }
0x288: {  	v32 =	vperm.xlane v17, v6;
	v18 =	vadd.s32 v3, v31;
	s22 =	simm.s32 $0x1D480  }
0x289: {  	[tilespmem:s22], [sflag:$0x8] =	stream.indirect_vreg.gather [hbm4b:s9+s2], $0x80, v19, vm0, $0xb8;
	[tilespmem:$0x1E400] =	vst v63  }
0x28a: {  	v33 =	vperm.xlane v17, v7;
	v19 =	vadd.s32 v3, v32;
	s22 =	simm.s32 $0x1D500  }
0x28b: {  	[tilespmem:s22], [sflag:$0x8] =	stream.indirect_vreg.gather [hbm4b:s9+s2], $0x80, v20, vm0, $0xb8;
	[tilespmem:$0x1E400] =	vst v63  }
0x28c: {  	v35 =	vperm.xlane v17, v8;
	v34 =	vadd.s32 v3, v33;
	s22 =	simm.s32 $0x1D580  }
0x28d: {  	[tilespmem:s22], [sflag:$0x8] =	stream.indirect_vreg.gather [hbm4b:s9+s2], $0x80, v18, vm0, $0xb8;
	[tilespmem:$0x1E400] =	vst v63  }
0x28e: {  	v36 =	vperm.xlane v17, v0;
	v18 =	vadd.s32 v3, v35;
	s22 =	simm.s32 $0x1D600  }
0x28f: {  	[tilespmem:s22], [sflag:$0x8] =	stream.indirect_vreg.gather [hbm4b:s9+s2], $0x80, v19, vm0, $0xb8;
	[tilespmem:$0x1E400] =	vst v63  }
0x290: {  	v37 =	vperm.xlane v17, v9;
	v19 =	vadd.s32 v3, v36;
	s22 =	simm.s32 $0x1D680  }
0x291: {  	[tilespmem:s22], [sflag:$0x8] =	stream.indirect_vreg.gather [hbm4b:s9+s2], $0x80, v34, vm0, $0xb8;
	[tilespmem:$0x1E400] =	vst v63  }
0x292: {  	v39 =	vperm.xlane v17, v10;
	v38 =	vadd.s32 v3, v37;
	s22 =	simm.s32 $0x1D700  }
0x293: {  	[tilespmem:s22], [sflag:$0x8] =	stream.indirect_vreg.gather [hbm4b:s9+s2], $0x80, v18, vm0, $0xb8;
	[tilespmem:$0x1E400] =	vst v63  }
0x294: {  	v40 =	vperm.xlane v17, v11;
	v18 =	vadd.s32 v3, v39;
	s22 =	simm.s32 $0x1D780  }
0x295: {  	[tilespmem:s22], [sflag:$0x8] =	stream.indirect_vreg.gather [hbm4b:s9+s2], $0x80, v19, vm0, $0xb8;
	[tilespmem:$0x1E400] =	vst v63  }
0x296: {  	v41 =	vperm.xlane v17, v12;
	v19 =	vadd.s32 v3, v40;
	s22 =	simm.s32 $0x1D800  }
0x297: {  	[tilespmem:s22], [sflag:$0x8] =	stream.indirect_vreg.gather [hbm4b:s9+s2], $0x80, v38, vm0, $0xb8;
	[tilespmem:$0x1E400] =	vst v63  }
0x298: {  	v43 =	vperm.xlane v17, v13;
	v42 =	vadd.s32 v3, v41;
	s22 =	simm.s32 $0x1D880  }
0x299: {  	[tilespmem:s22], [sflag:$0x8] =	stream.indirect_vreg.gather [hbm4b:s9+s2], $0x80, v18, vm0, $0xb8;
	[tilespmem:$0x1E400] =	vst v63  }
0x29a: {  	v44 =	vperm.xlane v17, v14;
	v18 =	vadd.s32 v3, v43;
	s22 =	simm.s32 $0x1D900  }
0x29b: {  	[tilespmem:s22], [sflag:$0x8] =	stream.indirect_vreg.gather [hbm4b:s9+s2], $0x80, v19, vm0, $0xb8;
	[tilespmem:$0x1E400] =	vst v63  }
0x29c: {  	v45 =	vperm.xlane v17, v15;
	v19 =	vadd.s32 v3, v44;
	s22 =	simm.s32 $0x1D980  }
0x29d: {  	[tilespmem:s22], [sflag:$0x8] =	stream.indirect_vreg.gather [hbm4b:s9+s2], $0x80, v42, vm0, $0xb8;
	[tilespmem:$0x1E400] =	vst v63  }
0x29e: {  	v17 =	vperm.xlane v17, v16;
	v46 =	vadd.s32 v3, v45;
	s22 =	simm.s32 $0x1DA00  }
0x29f: {  	[tilespmem:s22], [sflag:$0x8] =	stream.indirect_vreg.gather [hbm4b:s9+s2], $0x80, v18, vm0, $0xb8;
	[tilespmem:$0x1E400] =	vst v63  }
0x2a0: {  	v17 =	vadd.s32 v3, v17;
	s22 =	simm.s32 $0x1DA80  }
0x2a1: {  	[tilespmem:s22], [sflag:$0x8] =	stream.indirect_vreg.gather [hbm4b:s9+s2], $0x80, v19, vm0, $0xb8;
	[tilespmem:$0x1E400] =	vst v63  }
0x2a2: {  	s22 =	simm.s32 $0x1DB00  }
0x2a3: {  	[tilespmem:s22], [sflag:$0x8] =	stream.indirect_vreg.gather [hbm4b:s9+s2], $0x80, v46, vm0, $0xb8;
	[tilespmem:$0x1E400] =	vst v63  }
0x2a4: {  	s22 =	simm.s32 $0x1DB80  }
0x2a5: {  	[tilespmem:s22], [sflag:$0x8] =	stream.indirect_vreg.gather [hbm4b:s9+s2], $0x80, v17, vm0, $0xb8;
	[tilespmem:$0x1E400] =	vst v63  }
0x2a6: {  	v17 =	vld [tilespmem:s21+$0x13CF0];
	_ =	sdelay $0x4  }
0x2a7: {  	v18 =	vshll.u32 v17, $0x1  }
0x2a8: {  	v17 =	vand.u32 $0x7, v17;
	v18 =	vand.u32 $0xFFFFFFF0, v18  }
0x2a9: {  	v17 =	vor.u32 v17, v18  }
0x2aa: {  	v18 =	vperm.xlane v17, v2;
	_ =	sdelay $0x1  }
0x2ab: {  	v19 =	vperm.xlane v17, v1;
	v18 =	vadd.s32 v3, v18;
	_ =	sdelay $0x1  }
0x2ac: {  	v47 =	vperm.xlane v17, v4;
	v19 =	vadd.s32 v3, v19;
	_ =	sdelay $0x1  }
0x2ad: {  	s22 =	simm.s32 $0x1DC00;
	v48 =	vperm.xlane v17, v5;
	v20 =	vadd.s32 v3, v47  }
0x2ae: {  	[tilespmem:s22], [sflag:$0x8] =	stream.indirect_vreg.gather [hbm4b:s9+s2], $0x80, v18, vm0, $0xb8;
	[tilespmem:$0x1E400] =	vst v63  }
0x2af: {  	v49 =	vperm.xlane v17, v6;
	v18 =	vadd.s32 v3, v48;
	s22 =	simm.s32 $0x1DC80  }
0x2b0: {  	[tilespmem:s22], [sflag:$0x8] =	stream.indirect_vreg.gather [hbm4b:s9+s2], $0x80, v19, vm0, $0xb8;
	[tilespmem:$0x1E400] =	vst v63  }
0x2b1: {  	v50 =	vperm.xlane v17, v7;
	v19 =	vadd.s32 v3, v49;
	s22 =	simm.s32 $0x1DD00  }
0x2b2: {  	[tilespmem:s22], [sflag:$0x8] =	stream.indirect_vreg.gather [hbm4b:s9+s2], $0x80, v20, vm0, $0xb8;
	[tilespmem:$0x1E400] =	vst v63  }
0x2b3: {  	v52 =	vperm.xlane v17, v8;
	v51 =	vadd.s32 v3, v50;
	s22 =	simm.s32 $0x1DD80  }
0x2b4: {  	[tilespmem:s22], [sflag:$0x8] =	stream.indirect_vreg.gather [hbm4b:s9+s2], $0x80, v18, vm0, $0xb8;
	[tilespmem:$0x1E400] =	vst v63  }
0x2b5: {  	v53 =	vperm.xlane v17, v0;
	v18 =	vadd.s32 v3, v52  }
0x2b6: {  	[tilespmem:s26], [sflag:$0x8] =	stream.indirect_vreg.gather [hbm4b:s9+s2], $0x80, v19, vm0, $0xb8;
	[tilespmem:$0x1E400] =	vst v63  }
0x2b7: {  	v54 =	vperm.xlane v17, v9;
	v19 =	vadd.s32 v3, v53  }
0x2b8: {  	[tilespmem:s28], [sflag:$0x8] =	stream.indirect_vreg.gather [hbm4b:s9+s2], $0x80, v51, vm0, $0xb8;
	[tilespmem:$0x1E400] =	vst v63  }
0x2b9: {  	v56 =	vperm.xlane v17, v10;
	v55 =	vadd.s32 v3, v54  }
0x2ba: {  	[tilespmem:s14], [sflag:$0x8] =	stream.indirect_vreg.gather [hbm4b:s9+s2], $0x80, v18, vm0, $0xb8;
	[tilespmem:$0x1E400] =	vst v63  }
0x2bb: {  	v57 =	vperm.xlane v17, v11;
	v18 =	vadd.s32 v3, v56  }
0x2bc: {  	[tilespmem:s15], [sflag:$0x8] =	stream.indirect_vreg.gather [hbm4b:s9+s2], $0x80, v19, vm0, $0xb8;
	[tilespmem:$0x1E400] =	vst v63  }
0x2bd: {  	v58 =	vperm.xlane v17, v12;
	v19 =	vadd.s32 v3, v57  }
0x2be: {  	[tilespmem:s24], [sflag:$0x8] =	stream.indirect_vreg.gather [hbm4b:s9+s2], $0x80, v55, vm0, $0xb8;
	[tilespmem:$0x1E400] =	vst v63  }
0x2bf: {  	v60 =	vperm.xlane v17, v13;
	v59 =	vadd.s32 v3, v58  }
0x2c0: {  	[tilespmem:s25], [sflag:$0x8] =	stream.indirect_vreg.gather [hbm4b:s9+s2], $0x80, v18, vm0, $0xb8;
	[tilespmem:$0x1E400] =	vst v63  }
0x2c1: {  	v61 =	vperm.xlane v17, v14;
	v18 =	vadd.s32 v3, v60  }
0x2c2: {  	[tilespmem:s11], [sflag:$0x8] =	stream.indirect_vreg.gather [hbm4b:s9+s2], $0x80, v19, vm0, $0xb8;
	[tilespmem:$0x1E400] =	vst v63  }
0x2c3: {  	v62 =	vperm.xlane v17, v15;
	v19 =	vadd.s32 v3, v61  }
0x2c4: {  	[tilespmem:s6], [sflag:$0x8] =	stream.indirect_vreg.gather [hbm4b:s9+s2], $0x80, v59, vm0, $0xb8;
	[tilespmem:$0x1E400] =	vst v63  }
0x2c5: {  	v17 =	vperm.xlane v17, v16;
	v63 =	vadd.s32 v3, v62  }
0x2c6: {  	[tilespmem:s3], [sflag:$0x8] =	stream.indirect_vreg.gather [hbm4b:s9+s2], $0x80, v18, vm0, $0xb8;
	[tilespmem:$0x1E400] =	vst v63  }
0x2c7: {  	v17 =	vadd.s32 v3, v17  }
0x2c8: {  	[tilespmem:s12], [sflag:$0x8] =	stream.indirect_vreg.gather [hbm4b:s9+s2], $0x80, v19, vm0, $0xb8;
	[tilespmem:$0x1E400] =	vst v63  }
0x2c9: {  	_ = 	snop  }
0x2ca: {  	[tilespmem:s10], [sflag:$0x8] =	stream.indirect_vreg.gather [hbm4b:s9+s2], $0x80, v63, vm0, $0xb8;
	[tilespmem:$0x1E400] =	vst v63  }
0x2cb: {  	_ = 	snop  }
0x2cc: {  	[tilespmem:s8], [sflag:$0x8] =	stream.indirect_vreg.gather [hbm4b:s9+s2], $0x80, v17, vm0, $0xb8;
	[tilespmem:$0x1E400] =	vst v63  }
0x2cd: {  	_ =	swait.ge [sflag:s5], $0x1000  }
0x2ce: {  	[sflag:s5] =	ssyncset.done $0x0  }
0x2cf: {  	[sflag:s5] =	ssyncadd.s32 $0xFFFFF000  }
0x2d0: {  	_ =	swait.ge [sflag:s7], $0x1000  }
0x2d1: {  	[sflag:s7] =	ssyncset.done $0x0  }
0x2d2: {  	[sflag:s7] =	ssyncadd.s32 $0xFFFFF000  }
0x2d3: {  	_ =	swait.ge [sflag:s4], $0x1000  }
0x2d4: {  	p2 =	seq.s32 s20, $0x4C00;
	[sflag:s4] =	ssyncset.done $0x0  }
.Ltmp4:
0x2d5: {  	[sflag:s4] =	ssyncadd.s32 $0xFFFFF000;
	(pc) =	sbr.rel @p2 .LBB2_4-.Ltmp4, $4  }
0x2d6: {  	_ =	swait.ge [sflag:s18], $0x1000  }
0x2d7: {  	[sflag:s18] =	ssyncset.done $0x0  }
0x2d8: {  	s22 =	sadd.s32 $0x15000, s21;
	[sflag:s18] =	ssyncadd.s32 $0xFFFFF000  }
0x2d9: {  	[spmem:s1] =	stream.indirect.scatter.add.f32 [tilespmem:s19], [sflag:$0x9], $0x80, s22, s17, $0xb8;
	[tilespmem:$0x1E400] =	vst v63  }
0x2da: {  	_ =	swait.ge [sflag:s16], $0x4000  }
0x2db: {  	[sflag:s16] =	ssyncset.done $0x0  }
0x2dc: {  	[sflag:s16] =	ssyncadd.s32 $0xFFFFC000  }
0x2dd: {  	v17 =	vld [tilespmem:s21+$0x13D00];
	_ =	sdelay $0x4  }
0x2de: {  	v18 =	vshll.u32 v17, $0x1  }
0x2df: {  	v17 =	vand.u32 $0x7, v17;
	v18 =	vand.u32 $0xFFFFFFF0, v18  }
0x2e0: {  	v17 =	vor.u32 v17, v18  }
0x2e1: {  	v18 =	vperm.xlane v17, v2;
	_ =	sdelay $0x1  }
0x2e2: {  	v19 =	vperm.xlane v17, v1;
	v18 =	vadd.s32 v3, v18;
	_ =	sdelay $0x1  }
0x2e3: {  	v20 =	vperm.xlane v17, v4;
	v19 =	vadd.s32 v3, v19;
	_ =	sdelay $0x1  }
0x2e4: {  	v21 =	vperm.xlane v17, v5;
	v20 =	vadd.s32 v3, v20  }
0x2e5: {  	[tilespmem:s19], [sflag:$0x1] =	stream.indirect_vreg.gather [hbm4b:s9+s2], $0x80, v18, vm0, $0xb8;
	[tilespmem:$0x1E400] =	vst v63  }
0x2e6: {  	v50 =	vperm.xlane v17, v6;
	v18 =	vadd.s32 v3, v21  }
0x2e7: {  	[tilespmem:s23], [sflag:$0x1] =	stream.indirect_vreg.gather [hbm4b:s9+s2], $0x80, v19, vm0, $0xb8;
	[tilespmem:$0x1E400] =	vst v63  }
0x2e8: {  	s22 =	simm.s32 $0x16500;
	v51 =	vperm.xlane v17, v7;
	v19 =	vadd.s32 v3, v50  }
0x2e9: {  	[tilespmem:s22], [sflag:$0x1] =	stream.indirect_vreg.gather [hbm4b:s9+s2], $0x80, v20, vm0, $0xb8;
	[tilespmem:$0x1E400] =	vst v63  }
0x2ea: {  	v53 =	vperm.xlane v17, v8;
	v52 =	vadd.s32 v3, v51;
	s22 =	simm.s32 $0x16580  }
0x2eb: {  	[tilespmem:s22], [sflag:$0x1] =	stream.indirect_vreg.gather [hbm4b:s9+s2], $0x80, v18, vm0, $0xb8;
	[tilespmem:$0x1E400] =	vst v63  }
0x2ec: {  	v54 =	vperm.xlane v17, v0;
	v18 =	vadd.s32 v3, v53;
	s22 =	simm.s32 $0x16600  }
0x2ed: {  	[tilespmem:s22], [sflag:$0x1] =	stream.indirect_vreg.gather [hbm4b:s9+s2], $0x80, v19, vm0, $0xb8;
	[tilespmem:$0x1E400] =	vst v63  }
0x2ee: {  	v55 =	vperm.xlane v17, v9;
	v19 =	vadd.s32 v3, v54;
	s22 =	simm.s32 $0x16680  }
0x2ef: {  	[tilespmem:s22], [sflag:$0x1] =	stream.indirect_vreg.gather [hbm4b:s9+s2], $0x80, v52, vm0, $0xb8;
	[tilespmem:$0x1E400] =	vst v63  }
0x2f0: {  	v57 =	vperm.xlane v17, v10;
	v56 =	vadd.s32 v3, v55;
	s22 =	simm.s32 $0x16700  }
0x2f1: {  	[tilespmem:s22], [sflag:$0x1] =	stream.indirect_vreg.gather [hbm4b:s9+s2], $0x80, v18, vm0, $0xb8;
	[tilespmem:$0x1E400] =	vst v63  }
0x2f2: {  	v58 =	vperm.xlane v17, v11;
	v18 =	vadd.s32 v3, v57;
	s22 =	simm.s32 $0x16780  }
0x2f3: {  	[tilespmem:s22], [sflag:$0x1] =	stream.indirect_vreg.gather [hbm4b:s9+s2], $0x80, v19, vm0, $0xb8;
	[tilespmem:$0x1E400] =	vst v63  }
0x2f4: {  	v59 =	vperm.xlane v17, v12;
	v19 =	vadd.s32 v3, v58;
	s22 =	simm.s32 $0x16800  }
0x2f5: {  	[tilespmem:s22], [sflag:$0x1] =	stream.indirect_vreg.gather [hbm4b:s9+s2], $0x80, v56, vm0, $0xb8;
	[tilespmem:$0x1E400] =	vst v63  }
0x2f6: {  	v61 =	vperm.xlane v17, v13;
	v60 =	vadd.s32 v3, v59;
	s22 =	simm.s32 $0x16880  }
0x2f7: {  	[tilespmem:s22], [sflag:$0x1] =	stream.indirect_vreg.gather [hbm4b:s9+s2], $0x80, v18, vm0, $0xb8;
	[tilespmem:$0x1E400] =	vst v63  }
0x2f8: {  	v62 =	vperm.xlane v17, v14;
	v18 =	vadd.s32 v3, v61;
	s22 =	simm.s32 $0x16900  }
0x2f9: {  	[tilespmem:s22], [sflag:$0x1] =	stream.indirect_vreg.gather [hbm4b:s9+s2], $0x80, v19, vm0, $0xb8;
	[tilespmem:$0x1E400] =	vst v63  }
0x2fa: {  	v63 =	vperm.xlane v17, v15;
	v19 =	vadd.s32 v3, v62;
	s22 =	simm.s32 $0x16980  }
0x2fb: {  	[tilespmem:s22], [sflag:$0x1] =	stream.indirect_vreg.gather [hbm4b:s9+s2], $0x80, v60, vm0, $0xb8;
	[tilespmem:$0x1E400] =	vst v63  }
0x2fc: {  	v17 =	vperm.xlane v17, v16;
	v24 =	vadd.s32 v3, v63;
	s22 =	simm.s32 $0x16A00  }
0x2fd: {  	[tilespmem:s22], [sflag:$0x1] =	stream.indirect_vreg.gather [hbm4b:s9+s2], $0x80, v18, vm0, $0xb8;
	[tilespmem:$0x1E400] =	vst v63  }
0x2fe: {  	v17 =	vadd.s32 v3, v17;
	s22 =	simm.s32 $0x16A80  }
0x2ff: {  	[tilespmem:s22], [sflag:$0x1] =	stream.indirect_vreg.gather [hbm4b:s9+s2], $0x80, v19, vm0, $0xb8;
	[tilespmem:$0x1E400] =	vst v63  }
0x300: {  	s22 =	simm.s32 $0x16B00  }
0x301: {  	[tilespmem:s22], [sflag:$0x1] =	stream.indirect_vreg.gather [hbm4b:s9+s2], $0x80, v24, vm0, $0xb8;
	[tilespmem:$0x1E400] =	vst v63  }
0x302: {  	s22 =	simm.s32 $0x16B80  }
0x303: {  	[tilespmem:s22], [sflag:$0x1] =	stream.indirect_vreg.gather [hbm4b:s9+s2], $0x80, v17, vm0, $0xb8;
	[tilespmem:$0x1E400] =	vst v63  }
0x304: {  	v17 =	vld [tilespmem:s21+$0x13D10];
	_ =	sdelay $0x4  }
0x305: {  	v18 =	vshll.u32 v17, $0x1  }
0x306: {  	v17 =	vand.u32 $0x7, v17;
	v18 =	vand.u32 $0xFFFFFFF0, v18  }
0x307: {  	v17 =	vor.u32 v17, v18  }
0x308: {  	v18 =	vperm.xlane v17, v2;
	_ =	sdelay $0x1  }
0x309: {  	v19 =	vperm.xlane v17, v1;
	v18 =	vadd.s32 v3, v18;
	_ =	sdelay $0x1  }
0x30a: {  	v25 =	vperm.xlane v17, v4;
	v19 =	vadd.s32 v3, v19;
	_ =	sdelay $0x1  }
0x30b: {  	s22 =	simm.s32 $0x16C00;
	v26 =	vperm.xlane v17, v5;
	v20 =	vadd.s32 v3, v25  }
0x30c: {  	[tilespmem:s22], [sflag:$0x1] =	stream.indirect_vreg.gather [hbm4b:s9+s2], $0x80, v18, vm0, $0xb8;
	[tilespmem:$0x1E400] =	vst v63  }
0x30d: {  	v27 =	vperm.xlane v17, v6;
	v18 =	vadd.s32 v3, v26;
	s22 =	simm.s32 $0x16C80  }
0x30e: {  	[tilespmem:s22], [sflag:$0x1] =	stream.indirect_vreg.gather [hbm4b:s9+s2], $0x80, v19, vm0, $0xb8;
	[tilespmem:$0x1E400] =	vst v63  }
0x30f: {  	v28 =	vperm.xlane v17, v7;
	v19 =	vadd.s32 v3, v27;
	s22 =	simm.s32 $0x16D00  }
0x310: {  	[tilespmem:s22], [sflag:$0x1] =	stream.indirect_vreg.gather [hbm4b:s9+s2], $0x80, v20, vm0, $0xb8;
	[tilespmem:$0x1E400] =	vst v63  }
0x311: {  	v30 =	vperm.xlane v17, v8;
	v29 =	vadd.s32 v3, v28;
	s22 =	simm.s32 $0x16D80  }
0x312: {  	[tilespmem:s22], [sflag:$0x1] =	stream.indirect_vreg.gather [hbm4b:s9+s2], $0x80, v18, vm0, $0xb8;
	[tilespmem:$0x1E400] =	vst v63  }
0x313: {  	v31 =	vperm.xlane v17, v0;
	v18 =	vadd.s32 v3, v30;
	s22 =	simm.s32 $0x16E00  }
0x314: {  	[tilespmem:s22], [sflag:$0x1] =	stream.indirect_vreg.gather [hbm4b:s9+s2], $0x80, v19, vm0, $0xb8;
	[tilespmem:$0x1E400] =	vst v63  }
0x315: {  	v32 =	vperm.xlane v17, v9;
	v19 =	vadd.s32 v3, v31;
	s22 =	simm.s32 $0x16E80  }
0x316: {  	[tilespmem:s22], [sflag:$0x1] =	stream.indirect_vreg.gather [hbm4b:s9+s2], $0x80, v29, vm0, $0xb8;
	[tilespmem:$0x1E400] =	vst v63  }
0x317: {  	v34 =	vperm.xlane v17, v10;
	v33 =	vadd.s32 v3, v32;
	s22 =	simm.s32 $0x16F00  }
0x318: {  	[tilespmem:s22], [sflag:$0x1] =	stream.indirect_vreg.gather [hbm4b:s9+s2], $0x80, v18, vm0, $0xb8;
	[tilespmem:$0x1E400] =	vst v63  }
0x319: {  	v35 =	vperm.xlane v17, v11;
	v18 =	vadd.s32 v3, v34;
	s22 =	simm.s32 $0x16F80  }
0x31a: {  	[tilespmem:s22], [sflag:$0x1] =	stream.indirect_vreg.gather [hbm4b:s9+s2], $0x80, v19, vm0, $0xb8;
	[tilespmem:$0x1E400] =	vst v63  }
0x31b: {  	v36 =	vperm.xlane v17, v12;
	v19 =	vadd.s32 v3, v35;
	s22 =	simm.s32 $0x17000  }
0x31c: {  	[tilespmem:s22], [sflag:$0x1] =	stream.indirect_vreg.gather [hbm4b:s9+s2], $0x80, v33, vm0, $0xb8;
	[tilespmem:$0x1E400] =	vst v63  }
0x31d: {  	v38 =	vperm.xlane v17, v13;
	v37 =	vadd.s32 v3, v36;
	s22 =	simm.s32 $0x17080  }
0x31e: {  	[tilespmem:s22], [sflag:$0x1] =	stream.indirect_vreg.gather [hbm4b:s9+s2], $0x80, v18, vm0, $0xb8;
	[tilespmem:$0x1E400] =	vst v63  }
0x31f: {  	v39 =	vperm.xlane v17, v14;
	v18 =	vadd.s32 v3, v38;
	s22 =	simm.s32 $0x17100  }
0x320: {  	[tilespmem:s22], [sflag:$0x1] =	stream.indirect_vreg.gather [hbm4b:s9+s2], $0x80, v19, vm0, $0xb8;
	[tilespmem:$0x1E400] =	vst v63  }
0x321: {  	v40 =	vperm.xlane v17, v15;
	v19 =	vadd.s32 v3, v39;
	s22 =	simm.s32 $0x17180  }
0x322: {  	[tilespmem:s22], [sflag:$0x1] =	stream.indirect_vreg.gather [hbm4b:s9+s2], $0x80, v37, vm0, $0xb8;
	[tilespmem:$0x1E400] =	vst v63  }
0x323: {  	v17 =	vperm.xlane v17, v16;
	v41 =	vadd.s32 v3, v40;
	s22 =	simm.s32 $0x17200  }
0x324: {  	[tilespmem:s22], [sflag:$0x1] =	stream.indirect_vreg.gather [hbm4b:s9+s2], $0x80, v18, vm0, $0xb8;
	[tilespmem:$0x1E400] =	vst v63  }
0x325: {  	v17 =	vadd.s32 v3, v17;
	s22 =	simm.s32 $0x17280  }
0x326: {  	[tilespmem:s22], [sflag:$0x1] =	stream.indirect_vreg.gather [hbm4b:s9+s2], $0x80, v19, vm0, $0xb8;
	[tilespmem:$0x1E400] =	vst v63  }
0x327: {  	s22 =	simm.s32 $0x17300  }
0x328: {  	[tilespmem:s22], [sflag:$0x1] =	stream.indirect_vreg.gather [hbm4b:s9+s2], $0x80, v41, vm0, $0xb8;
	[tilespmem:$0x1E400] =	vst v63  }
0x329: {  	s22 =	simm.s32 $0x17380  }
0x32a: {  	[tilespmem:s22], [sflag:$0x1] =	stream.indirect_vreg.gather [hbm4b:s9+s2], $0x80, v17, vm0, $0xb8;
	[tilespmem:$0x1E400] =	vst v63  }
0x32b: {  	v17 =	vld [tilespmem:s21+$0x13D20];
	_ =	sdelay $0x4  }
0x32c: {  	v18 =	vshll.u32 v17, $0x1  }
0x32d: {  	v17 =	vand.u32 $0x7, v17;
	v18 =	vand.u32 $0xFFFFFFF0, v18  }
0x32e: {  	v17 =	vor.u32 v17, v18  }
0x32f: {  	v18 =	vperm.xlane v17, v2;
	_ =	sdelay $0x1  }
0x330: {  	v19 =	vperm.xlane v17, v1;
	v18 =	vadd.s32 v3, v18;
	_ =	sdelay $0x1  }
0x331: {  	v42 =	vperm.xlane v17, v4;
	v19 =	vadd.s32 v3, v19;
	_ =	sdelay $0x1  }
0x332: {  	s22 =	simm.s32 $0x17400;
	v43 =	vperm.xlane v17, v5;
	v20 =	vadd.s32 v3, v42  }
0x333: {  	[tilespmem:s22], [sflag:$0x2] =	stream.indirect_vreg.gather [hbm4b:s9+s2], $0x80, v18, vm0, $0xb8;
	[tilespmem:$0x1E400] =	vst v63  }
0x334: {  	v44 =	vperm.xlane v17, v6;
	v18 =	vadd.s32 v3, v43;
	s22 =	simm.s32 $0x17480  }
0x335: {  	[tilespmem:s22], [sflag:$0x2] =	stream.indirect_vreg.gather [hbm4b:s9+s2], $0x80, v19, vm0, $0xb8;
	[tilespmem:$0x1E400] =	vst v63  }
0x336: {  	v45 =	vperm.xlane v17, v7;
	v19 =	vadd.s32 v3, v44;
	s22 =	simm.s32 $0x17500  }
0x337: {  	[tilespmem:s22], [sflag:$0x2] =	stream.indirect_vreg.gather [hbm4b:s9+s2], $0x80, v20, vm0, $0xb8;
	[tilespmem:$0x1E400] =	vst v63  }
0x338: {  	v47 =	vperm.xlane v17, v8;
	v46 =	vadd.s32 v3, v45;
	s22 =	simm.s32 $0x17580  }
0x339: {  	[tilespmem:s22], [sflag:$0x2] =	stream.indirect_vreg.gather [hbm4b:s9+s2], $0x80, v18, vm0, $0xb8;
	[tilespmem:$0x1E400] =	vst v63  }
0x33a: {  	v48 =	vperm.xlane v17, v0;
	v18 =	vadd.s32 v3, v47;
	s22 =	simm.s32 $0x17600  }
0x33b: {  	[tilespmem:s22], [sflag:$0x2] =	stream.indirect_vreg.gather [hbm4b:s9+s2], $0x80, v19, vm0, $0xb8;
	[tilespmem:$0x1E400] =	vst v63  }
0x33c: {  	v49 =	vperm.xlane v17, v9;
	v19 =	vadd.s32 v3, v48;
	s22 =	simm.s32 $0x17680  }
0x33d: {  	[tilespmem:s22], [sflag:$0x2] =	stream.indirect_vreg.gather [hbm4b:s9+s2], $0x80, v46, vm0, $0xb8;
	[tilespmem:$0x1E400] =	vst v63  }
0x33e: {  	v51 =	vperm.xlane v17, v10;
	v50 =	vadd.s32 v3, v49;
	s22 =	simm.s32 $0x17700  }
0x33f: {  	[tilespmem:s22], [sflag:$0x2] =	stream.indirect_vreg.gather [hbm4b:s9+s2], $0x80, v18, vm0, $0xb8;
	[tilespmem:$0x1E400] =	vst v63  }
0x340: {  	v52 =	vperm.xlane v17, v11;
	v18 =	vadd.s32 v3, v51;
	s22 =	simm.s32 $0x17780  }
0x341: {  	[tilespmem:s22], [sflag:$0x2] =	stream.indirect_vreg.gather [hbm4b:s9+s2], $0x80, v19, vm0, $0xb8;
	[tilespmem:$0x1E400] =	vst v63  }
0x342: {  	v53 =	vperm.xlane v17, v12;
	v19 =	vadd.s32 v3, v52;
	s22 =	simm.s32 $0x17800  }
0x343: {  	[tilespmem:s22], [sflag:$0x2] =	stream.indirect_vreg.gather [hbm4b:s9+s2], $0x80, v50, vm0, $0xb8;
	[tilespmem:$0x1E400] =	vst v63  }
0x344: {  	v55 =	vperm.xlane v17, v13;
	v54 =	vadd.s32 v3, v53;
	s22 =	simm.s32 $0x17880  }
0x345: {  	[tilespmem:s22], [sflag:$0x2] =	stream.indirect_vreg.gather [hbm4b:s9+s2], $0x80, v18, vm0, $0xb8;
	[tilespmem:$0x1E400] =	vst v63  }
0x346: {  	v56 =	vperm.xlane v17, v14;
	v18 =	vadd.s32 v3, v55;
	s22 =	simm.s32 $0x17900  }
0x347: {  	[tilespmem:s22], [sflag:$0x2] =	stream.indirect_vreg.gather [hbm4b:s9+s2], $0x80, v19, vm0, $0xb8;
	[tilespmem:$0x1E400] =	vst v63  }
0x348: {  	v57 =	vperm.xlane v17, v15;
	v19 =	vadd.s32 v3, v56;
	s22 =	simm.s32 $0x17980  }
0x349: {  	[tilespmem:s22], [sflag:$0x2] =	stream.indirect_vreg.gather [hbm4b:s9+s2], $0x80, v54, vm0, $0xb8;
	[tilespmem:$0x1E400] =	vst v63  }
0x34a: {  	v17 =	vperm.xlane v17, v16;
	v58 =	vadd.s32 v3, v57;
	s22 =	simm.s32 $0x17A00  }
0x34b: {  	[tilespmem:s22], [sflag:$0x2] =	stream.indirect_vreg.gather [hbm4b:s9+s2], $0x80, v18, vm0, $0xb8;
	[tilespmem:$0x1E400] =	vst v63  }
0x34c: {  	v17 =	vadd.s32 v3, v17;
	s22 =	simm.s32 $0x17A80  }
0x34d: {  	[tilespmem:s22], [sflag:$0x2] =	stream.indirect_vreg.gather [hbm4b:s9+s2], $0x80, v19, vm0, $0xb8;
	[tilespmem:$0x1E400] =	vst v63  }
0x34e: {  	s22 =	simm.s32 $0x17B00  }
0x34f: {  	[tilespmem:s22], [sflag:$0x2] =	stream.indirect_vreg.gather [hbm4b:s9+s2], $0x80, v58, vm0, $0xb8;
	[tilespmem:$0x1E400] =	vst v63  }
0x350: {  	s22 =	simm.s32 $0x17B80  }
0x351: {  	[tilespmem:s22], [sflag:$0x2] =	stream.indirect_vreg.gather [hbm4b:s9+s2], $0x80, v17, vm0, $0xb8;
	[tilespmem:$0x1E400] =	vst v63  }
0x352: {  	v17 =	vld [tilespmem:s21+$0x13D30];
	_ =	sdelay $0x4  }
0x353: {  	v18 =	vshll.u32 v17, $0x1  }
0x354: {  	v17 =	vand.u32 $0x7, v17;
	v18 =	vand.u32 $0xFFFFFFF0, v18  }
0x355: {  	v17 =	vor.u32 v17, v18  }
0x356: {  	v18 =	vperm.xlane v17, v2;
	_ =	sdelay $0x1  }
0x357: {  	v19 =	vperm.xlane v17, v1;
	v18 =	vadd.s32 v3, v18;
	_ =	sdelay $0x1  }
0x358: {  	v59 =	vperm.xlane v17, v4;
	v19 =	vadd.s32 v3, v19;
	_ =	sdelay $0x1  }
0x359: {  	s22 =	simm.s32 $0x17C00;
	v60 =	vperm.xlane v17, v5;
	v20 =	vadd.s32 v3, v59  }
0x35a: {  	[tilespmem:s22], [sflag:$0x2] =	stream.indirect_vreg.gather [hbm4b:s9+s2], $0x80, v18, vm0, $0xb8;
	[tilespmem:$0x1E400] =	vst v63  }
0x35b: {  	v61 =	vperm.xlane v17, v6;
	v18 =	vadd.s32 v3, v60;
	s22 =	simm.s32 $0x17C80  }
0x35c: {  	[tilespmem:s22], [sflag:$0x2] =	stream.indirect_vreg.gather [hbm4b:s9+s2], $0x80, v19, vm0, $0xb8;
	[tilespmem:$0x1E400] =	vst v63  }
0x35d: {  	v62 =	vperm.xlane v17, v7;
	v19 =	vadd.s32 v3, v61;
	s22 =	simm.s32 $0x17D00  }
0x35e: {  	[tilespmem:s22], [sflag:$0x2] =	stream.indirect_vreg.gather [hbm4b:s9+s2], $0x80, v20, vm0, $0xb8;
	[tilespmem:$0x1E400] =	vst v63  }
0x35f: {  	v24 =	vperm.xlane v17, v8;
	v63 =	vadd.s32 v3, v62;
	s22 =	simm.s32 $0x17D80  }
0x360: {  	[tilespmem:s22], [sflag:$0x2] =	stream.indirect_vreg.gather [hbm4b:s9+s2], $0x80, v18, vm0, $0xb8;
	[tilespmem:$0x1E400] =	vst v63  }
0x361: {  	v25 =	vperm.xlane v17, v0;
	v18 =	vadd.s32 v3, v24;
	s22 =	simm.s32 $0x17E00  }
0x362: {  	[tilespmem:s22], [sflag:$0x2] =	stream.indirect_vreg.gather [hbm4b:s9+s2], $0x80, v19, vm0, $0xb8;
	[tilespmem:$0x1E400] =	vst v63  }
0x363: {  	v26 =	vperm.xlane v17, v9;
	v19 =	vadd.s32 v3, v25;
	s22 =	simm.s32 $0x17E80  }
0x364: {  	[tilespmem:s22], [sflag:$0x2] =	stream.indirect_vreg.gather [hbm4b:s9+s2], $0x80, v63, vm0, $0xb8;
	[tilespmem:$0x1E400] =	vst v63  }
0x365: {  	v28 =	vperm.xlane v17, v10;
	v27 =	vadd.s32 v3, v26;
	s22 =	simm.s32 $0x17F00  }
0x366: {  	[tilespmem:s22], [sflag:$0x2] =	stream.indirect_vreg.gather [hbm4b:s9+s2], $0x80, v18, vm0, $0xb8;
	[tilespmem:$0x1E400] =	vst v63  }
0x367: {  	v29 =	vperm.xlane v17, v11;
	v18 =	vadd.s32 v3, v28;
	s22 =	simm.s32 $0x17F80  }
0x368: {  	[tilespmem:s22], [sflag:$0x2] =	stream.indirect_vreg.gather [hbm4b:s9+s2], $0x80, v19, vm0, $0xb8;
	[tilespmem:$0x1E400] =	vst v63  }
0x369: {  	v30 =	vperm.xlane v17, v12;
	v19 =	vadd.s32 v3, v29;
	s22 =	simm.s32 $0x18000  }
0x36a: {  	[tilespmem:s22], [sflag:$0x2] =	stream.indirect_vreg.gather [hbm4b:s9+s2], $0x80, v27, vm0, $0xb8;
	[tilespmem:$0x1E400] =	vst v63  }
0x36b: {  	v32 =	vperm.xlane v17, v13;
	v31 =	vadd.s32 v3, v30;
	s22 =	simm.s32 $0x18080  }
0x36c: {  	[tilespmem:s22], [sflag:$0x2] =	stream.indirect_vreg.gather [hbm4b:s9+s2], $0x80, v18, vm0, $0xb8;
	[tilespmem:$0x1E400] =	vst v63  }
0x36d: {  	v33 =	vperm.xlane v17, v14;
	v18 =	vadd.s32 v3, v32;
	s22 =	simm.s32 $0x18100  }
0x36e: {  	[tilespmem:s22], [sflag:$0x2] =	stream.indirect_vreg.gather [hbm4b:s9+s2], $0x80, v19, vm0, $0xb8;
	[tilespmem:$0x1E400] =	vst v63  }
0x36f: {  	v34 =	vperm.xlane v17, v15;
	v19 =	vadd.s32 v3, v33;
	s22 =	simm.s32 $0x18180  }
0x370: {  	[tilespmem:s22], [sflag:$0x2] =	stream.indirect_vreg.gather [hbm4b:s9+s2], $0x80, v31, vm0, $0xb8;
	[tilespmem:$0x1E400] =	vst v63  }
0x371: {  	v17 =	vperm.xlane v17, v16;
	v35 =	vadd.s32 v3, v34;
	s22 =	simm.s32 $0x18200  }
0x372: {  	[tilespmem:s22], [sflag:$0x2] =	stream.indirect_vreg.gather [hbm4b:s9+s2], $0x80, v18, vm0, $0xb8;
	[tilespmem:$0x1E400] =	vst v63  }
0x373: {  	v17 =	vadd.s32 v3, v17;
	s22 =	simm.s32 $0x18280  }
0x374: {  	[tilespmem:s22], [sflag:$0x2] =	stream.indirect_vreg.gather [hbm4b:s9+s2], $0x80, v19, vm0, $0xb8;
	[tilespmem:$0x1E400] =	vst v63  }
0x375: {  	s22 =	simm.s32 $0x18300  }
0x376: {  	[tilespmem:s22], [sflag:$0x2] =	stream.indirect_vreg.gather [hbm4b:s9+s2], $0x80, v35, vm0, $0xb8;
	[tilespmem:$0x1E400] =	vst v63  }
0x377: {  	s22 =	simm.s32 $0x18380  }
0x378: {  	[tilespmem:s22], [sflag:$0x2] =	stream.indirect_vreg.gather [hbm4b:s9+s2], $0x80, v17, vm0, $0xb8;
	[tilespmem:$0x1E400] =	vst v63  }
0x379: {  	v17 =	vld [tilespmem:s21+$0x13D40];
	_ =	sdelay $0x4  }
0x37a: {  	v18 =	vshll.u32 v17, $0x1  }
0x37b: {  	v17 =	vand.u32 $0x7, v17;
	v18 =	vand.u32 $0xFFFFFFF0, v18  }
0x37c: {  	v17 =	vor.u32 v17, v18  }
0x37d: {  	v18 =	vperm.xlane v17, v2;
	_ =	sdelay $0x1  }
0x37e: {  	v19 =	vperm.xlane v17, v1;
	v18 =	vadd.s32 v3, v18;
	_ =	sdelay $0x1  }
0x37f: {  	v36 =	vperm.xlane v17, v4;
	v19 =	vadd.s32 v3, v19;
	_ =	sdelay $0x1  }
0x380: {  	s22 =	simm.s32 $0x18400;
	v37 =	vperm.xlane v17, v5;
	v20 =	vadd.s32 v3, v36  }
0x381: {  	[tilespmem:s22], [sflag:$0x3] =	stream.indirect_vreg.gather [hbm4b:s9+s2], $0x80, v18, vm0, $0xb8;
	[tilespmem:$0x1E400] =	vst v63  }
0x382: {  	v38 =	vperm.xlane v17, v6;
	v18 =	vadd.s32 v3, v37;
	s22 =	simm.s32 $0x18480  }
0x383: {  	[tilespmem:s22], [sflag:$0x3] =	stream.indirect_vreg.gather [hbm4b:s9+s2], $0x80, v19, vm0, $0xb8;
	[tilespmem:$0x1E400] =	vst v63  }
0x384: {  	v39 =	vperm.xlane v17, v7;
	v19 =	vadd.s32 v3, v38;
	s22 =	simm.s32 $0x18500  }
0x385: {  	[tilespmem:s22], [sflag:$0x3] =	stream.indirect_vreg.gather [hbm4b:s9+s2], $0x80, v20, vm0, $0xb8;
	[tilespmem:$0x1E400] =	vst v63  }
0x386: {  	v41 =	vperm.xlane v17, v8;
	v40 =	vadd.s32 v3, v39;
	s22 =	simm.s32 $0x18580  }
0x387: {  	[tilespmem:s22], [sflag:$0x3] =	stream.indirect_vreg.gather [hbm4b:s9+s2], $0x80, v18, vm0, $0xb8;
	[tilespmem:$0x1E400] =	vst v63  }
0x388: {  	v42 =	vperm.xlane v17, v0;
	v18 =	vadd.s32 v3, v41;
	s22 =	simm.s32 $0x18600  }
0x389: {  	[tilespmem:s22], [sflag:$0x3] =	stream.indirect_vreg.gather [hbm4b:s9+s2], $0x80, v19, vm0, $0xb8;
	[tilespmem:$0x1E400] =	vst v63  }
0x38a: {  	v43 =	vperm.xlane v17, v9;
	v19 =	vadd.s32 v3, v42;
	s22 =	simm.s32 $0x18680  }
0x38b: {  	[tilespmem:s22], [sflag:$0x3] =	stream.indirect_vreg.gather [hbm4b:s9+s2], $0x80, v40, vm0, $0xb8;
	[tilespmem:$0x1E400] =	vst v63  }
0x38c: {  	v45 =	vperm.xlane v17, v10;
	v44 =	vadd.s32 v3, v43;
	s22 =	simm.s32 $0x18700  }
0x38d: {  	[tilespmem:s22], [sflag:$0x3] =	stream.indirect_vreg.gather [hbm4b:s9+s2], $0x80, v18, vm0, $0xb8;
	[tilespmem:$0x1E400] =	vst v63  }
0x38e: {  	v46 =	vperm.xlane v17, v11;
	v18 =	vadd.s32 v3, v45;
	s22 =	simm.s32 $0x18780  }
0x38f: {  	[tilespmem:s22], [sflag:$0x3] =	stream.indirect_vreg.gather [hbm4b:s9+s2], $0x80, v19, vm0, $0xb8;
	[tilespmem:$0x1E400] =	vst v63  }
0x390: {  	v47 =	vperm.xlane v17, v12;
	v19 =	vadd.s32 v3, v46;
	s22 =	simm.s32 $0x18800  }
0x391: {  	[tilespmem:s22], [sflag:$0x3] =	stream.indirect_vreg.gather [hbm4b:s9+s2], $0x80, v44, vm0, $0xb8;
	[tilespmem:$0x1E400] =	vst v63  }
0x392: {  	v49 =	vperm.xlane v17, v13;
	v48 =	vadd.s32 v3, v47;
	s22 =	simm.s32 $0x18880  }
0x393: {  	[tilespmem:s22], [sflag:$0x3] =	stream.indirect_vreg.gather [hbm4b:s9+s2], $0x80, v18, vm0, $0xb8;
	[tilespmem:$0x1E400] =	vst v63  }
0x394: {  	v50 =	vperm.xlane v17, v14;
	v18 =	vadd.s32 v3, v49;
	s22 =	simm.s32 $0x18900  }
0x395: {  	[tilespmem:s22], [sflag:$0x3] =	stream.indirect_vreg.gather [hbm4b:s9+s2], $0x80, v19, vm0, $0xb8;
	[tilespmem:$0x1E400] =	vst v63  }
0x396: {  	v51 =	vperm.xlane v17, v15;
	v19 =	vadd.s32 v3, v50;
	s22 =	simm.s32 $0x18980  }
0x397: {  	[tilespmem:s22], [sflag:$0x3] =	stream.indirect_vreg.gather [hbm4b:s9+s2], $0x80, v48, vm0, $0xb8;
	[tilespmem:$0x1E400] =	vst v63  }
0x398: {  	v17 =	vperm.xlane v17, v16;
	v52 =	vadd.s32 v3, v51;
	s22 =	simm.s32 $0x18A00  }
0x399: {  	[tilespmem:s22], [sflag:$0x3] =	stream.indirect_vreg.gather [hbm4b:s9+s2], $0x80, v18, vm0, $0xb8;
	[tilespmem:$0x1E400] =	vst v63  }
0x39a: {  	v17 =	vadd.s32 v3, v17;
	s22 =	simm.s32 $0x18A80  }
0x39b: {  	[tilespmem:s22], [sflag:$0x3] =	stream.indirect_vreg.gather [hbm4b:s9+s2], $0x80, v19, vm0, $0xb8;
	[tilespmem:$0x1E400] =	vst v63  }
0x39c: {  	s22 =	simm.s32 $0x18B00  }
0x39d: {  	[tilespmem:s22], [sflag:$0x3] =	stream.indirect_vreg.gather [hbm4b:s9+s2], $0x80, v52, vm0, $0xb8;
	[tilespmem:$0x1E400] =	vst v63  }
0x39e: {  	s22 =	simm.s32 $0x18B80  }
0x39f: {  	[tilespmem:s22], [sflag:$0x3] =	stream.indirect_vreg.gather [hbm4b:s9+s2], $0x80, v17, vm0, $0xb8;
	[tilespmem:$0x1E400] =	vst v63  }
0x3a0: {  	v17 =	vld [tilespmem:s21+$0x13D50];
	_ =	sdelay $0x4  }
0x3a1: {  	v18 =	vshll.u32 v17, $0x1  }
0x3a2: {  	v17 =	vand.u32 $0x7, v17;
	v18 =	vand.u32 $0xFFFFFFF0, v18  }
0x3a3: {  	v17 =	vor.u32 v17, v18  }
0x3a4: {  	v18 =	vperm.xlane v17, v2;
	_ =	sdelay $0x1  }
0x3a5: {  	v19 =	vperm.xlane v17, v1;
	v18 =	vadd.s32 v3, v18;
	_ =	sdelay $0x1  }
0x3a6: {  	v53 =	vperm.xlane v17, v4;
	v19 =	vadd.s32 v3, v19;
	_ =	sdelay $0x1  }
0x3a7: {  	s22 =	simm.s32 $0x18C00;
	v54 =	vperm.xlane v17, v5;
	v20 =	vadd.s32 v3, v53  }
0x3a8: {  	[tilespmem:s22], [sflag:$0x3] =	stream.indirect_vreg.gather [hbm4b:s9+s2], $0x80, v18, vm0, $0xb8;
	[tilespmem:$0x1E400] =	vst v63  }
0x3a9: {  	v55 =	vperm.xlane v17, v6;
	v18 =	vadd.s32 v3, v54;
	s22 =	simm.s32 $0x18C80  }
0x3aa: {  	[tilespmem:s22], [sflag:$0x3] =	stream.indirect_vreg.gather [hbm4b:s9+s2], $0x80, v19, vm0, $0xb8;
	[tilespmem:$0x1E400] =	vst v63  }
0x3ab: {  	v56 =	vperm.xlane v17, v7;
	v19 =	vadd.s32 v3, v55;
	s22 =	simm.s32 $0x18D00  }
0x3ac: {  	[tilespmem:s22], [sflag:$0x3] =	stream.indirect_vreg.gather [hbm4b:s9+s2], $0x80, v20, vm0, $0xb8;
	[tilespmem:$0x1E400] =	vst v63  }
0x3ad: {  	v58 =	vperm.xlane v17, v8;
	v57 =	vadd.s32 v3, v56;
	s22 =	simm.s32 $0x18D80  }
0x3ae: {  	[tilespmem:s22], [sflag:$0x3] =	stream.indirect_vreg.gather [hbm4b:s9+s2], $0x80, v18, vm0, $0xb8;
	[tilespmem:$0x1E400] =	vst v63  }
0x3af: {  	v59 =	vperm.xlane v17, v0;
	v18 =	vadd.s32 v3, v58;
	s22 =	simm.s32 $0x18E00  }
0x3b0: {  	[tilespmem:s22], [sflag:$0x3] =	stream.indirect_vreg.gather [hbm4b:s9+s2], $0x80, v19, vm0, $0xb8;
	[tilespmem:$0x1E400] =	vst v63  }
0x3b1: {  	v60 =	vperm.xlane v17, v9;
	v19 =	vadd.s32 v3, v59;
	s22 =	simm.s32 $0x18E80  }
0x3b2: {  	[tilespmem:s22], [sflag:$0x3] =	stream.indirect_vreg.gather [hbm4b:s9+s2], $0x80, v57, vm0, $0xb8;
	[tilespmem:$0x1E400] =	vst v63  }
0x3b3: {  	v62 =	vperm.xlane v17, v10;
	v61 =	vadd.s32 v3, v60;
	s22 =	simm.s32 $0x18F00  }
0x3b4: {  	[tilespmem:s22], [sflag:$0x3] =	stream.indirect_vreg.gather [hbm4b:s9+s2], $0x80, v18, vm0, $0xb8;
	[tilespmem:$0x1E400] =	vst v63  }
0x3b5: {  	v63 =	vperm.xlane v17, v11;
	v18 =	vadd.s32 v3, v62;
	s22 =	simm.s32 $0x18F80  }
0x3b6: {  	[tilespmem:s22], [sflag:$0x3] =	stream.indirect_vreg.gather [hbm4b:s9+s2], $0x80, v19, vm0, $0xb8;
	[tilespmem:$0x1E400] =	vst v63  }
0x3b7: {  	v24 =	vperm.xlane v17, v12;
	v19 =	vadd.s32 v3, v63;
	s22 =	simm.s32 $0x19000  }
0x3b8: {  	[tilespmem:s22], [sflag:$0x3] =	stream.indirect_vreg.gather [hbm4b:s9+s2], $0x80, v61, vm0, $0xb8;
	[tilespmem:$0x1E400] =	vst v63  }
0x3b9: {  	v26 =	vperm.xlane v17, v13;
	v25 =	vadd.s32 v3, v24;
	s22 =	simm.s32 $0x19080  }
0x3ba: {  	[tilespmem:s22], [sflag:$0x3] =	stream.indirect_vreg.gather [hbm4b:s9+s2], $0x80, v18, vm0, $0xb8;
	[tilespmem:$0x1E400] =	vst v63  }
0x3bb: {  	v27 =	vperm.xlane v17, v14;
	v18 =	vadd.s32 v3, v26;
	s22 =	simm.s32 $0x19100  }
0x3bc: {  	[tilespmem:s22], [sflag:$0x3] =	stream.indirect_vreg.gather [hbm4b:s9+s2], $0x80, v19, vm0, $0xb8;
	[tilespmem:$0x1E400] =	vst v63  }
0x3bd: {  	v28 =	vperm.xlane v17, v15;
	v19 =	vadd.s32 v3, v27;
	s22 =	simm.s32 $0x19180  }
0x3be: {  	[tilespmem:s22], [sflag:$0x3] =	stream.indirect_vreg.gather [hbm4b:s9+s2], $0x80, v25, vm0, $0xb8;
	[tilespmem:$0x1E400] =	vst v63  }
0x3bf: {  	v17 =	vperm.xlane v17, v16;
	v29 =	vadd.s32 v3, v28;
	s22 =	simm.s32 $0x19200  }
0x3c0: {  	[tilespmem:s22], [sflag:$0x3] =	stream.indirect_vreg.gather [hbm4b:s9+s2], $0x80, v18, vm0, $0xb8;
	[tilespmem:$0x1E400] =	vst v63  }
0x3c1: {  	v17 =	vadd.s32 v3, v17;
	s22 =	simm.s32 $0x19280  }
0x3c2: {  	[tilespmem:s22], [sflag:$0x3] =	stream.indirect_vreg.gather [hbm4b:s9+s2], $0x80, v19, vm0, $0xb8;
	[tilespmem:$0x1E400] =	vst v63  }
0x3c3: {  	s22 =	simm.s32 $0x19300  }
0x3c4: {  	[tilespmem:s22], [sflag:$0x3] =	stream.indirect_vreg.gather [hbm4b:s9+s2], $0x80, v29, vm0, $0xb8;
	[tilespmem:$0x1E400] =	vst v63  }
0x3c5: {  	s22 =	simm.s32 $0x19380  }
0x3c6: {  	[tilespmem:s22], [sflag:$0x3] =	stream.indirect_vreg.gather [hbm4b:s9+s2], $0x80, v17, vm0, $0xb8;
	[tilespmem:$0x1E400] =	vst v63  }
0x3c7: {  	v17 =	vld [tilespmem:s21+$0x13D60];
	_ =	sdelay $0x4  }
0x3c8: {  	v18 =	vshll.u32 v17, $0x1  }
0x3c9: {  	v17 =	vand.u32 $0x7, v17;
	v18 =	vand.u32 $0xFFFFFFF0, v18  }
0x3ca: {  	v17 =	vor.u32 v17, v18  }
0x3cb: {  	v18 =	vperm.xlane v17, v2;
	_ =	sdelay $0x1  }
0x3cc: {  	v19 =	vperm.xlane v17, v1;
	v18 =	vadd.s32 v3, v18;
	_ =	sdelay $0x1  }
0x3cd: {  	v30 =	vperm.xlane v17, v4;
	v19 =	vadd.s32 v3, v19;
	_ =	sdelay $0x1  }
0x3ce: {  	s22 =	simm.s32 $0x19400;
	v31 =	vperm.xlane v17, v5;
	v20 =	vadd.s32 v3, v30  }
0x3cf: {  	[tilespmem:s22], [sflag:$0x4] =	stream.indirect_vreg.gather [hbm4b:s9+s2], $0x80, v18, vm0, $0xb8;
	[tilespmem:$0x1E400] =	vst v63  }
0x3d0: {  	v32 =	vperm.xlane v17, v6;
	v18 =	vadd.s32 v3, v31;
	s22 =	simm.s32 $0x19480  }
0x3d1: {  	[tilespmem:s22], [sflag:$0x4] =	stream.indirect_vreg.gather [hbm4b:s9+s2], $0x80, v19, vm0, $0xb8;
	[tilespmem:$0x1E400] =	vst v63  }
0x3d2: {  	v33 =	vperm.xlane v17, v7;
	v19 =	vadd.s32 v3, v32;
	s22 =	simm.s32 $0x19500  }
0x3d3: {  	[tilespmem:s22], [sflag:$0x4] =	stream.indirect_vreg.gather [hbm4b:s9+s2], $0x80, v20, vm0, $0xb8;
	[tilespmem:$0x1E400] =	vst v63  }
0x3d4: {  	v35 =	vperm.xlane v17, v8;
	v34 =	vadd.s32 v3, v33;
	s22 =	simm.s32 $0x19580  }
0x3d5: {  	[tilespmem:s22], [sflag:$0x4] =	stream.indirect_vreg.gather [hbm4b:s9+s2], $0x80, v18, vm0, $0xb8;
	[tilespmem:$0x1E400] =	vst v63  }
0x3d6: {  	v36 =	vperm.xlane v17, v0;
	v18 =	vadd.s32 v3, v35;
	s22 =	simm.s32 $0x19600  }
0x3d7: {  	[tilespmem:s22], [sflag:$0x4] =	stream.indirect_vreg.gather [hbm4b:s9+s2], $0x80, v19, vm0, $0xb8;
	[tilespmem:$0x1E400] =	vst v63  }
0x3d8: {  	v37 =	vperm.xlane v17, v9;
	v19 =	vadd.s32 v3, v36;
	s22 =	simm.s32 $0x19680  }
0x3d9: {  	[tilespmem:s22], [sflag:$0x4] =	stream.indirect_vreg.gather [hbm4b:s9+s2], $0x80, v34, vm0, $0xb8;
	[tilespmem:$0x1E400] =	vst v63  }
0x3da: {  	v39 =	vperm.xlane v17, v10;
	v38 =	vadd.s32 v3, v37;
	s22 =	simm.s32 $0x19700  }
0x3db: {  	[tilespmem:s22], [sflag:$0x4] =	stream.indirect_vreg.gather [hbm4b:s9+s2], $0x80, v18, vm0, $0xb8;
	[tilespmem:$0x1E400] =	vst v63  }
0x3dc: {  	v40 =	vperm.xlane v17, v11;
	v18 =	vadd.s32 v3, v39;
	s22 =	simm.s32 $0x19780  }
0x3dd: {  	[tilespmem:s22], [sflag:$0x4] =	stream.indirect_vreg.gather [hbm4b:s9+s2], $0x80, v19, vm0, $0xb8;
	[tilespmem:$0x1E400] =	vst v63  }
0x3de: {  	v41 =	vperm.xlane v17, v12;
	v19 =	vadd.s32 v3, v40;
	s22 =	simm.s32 $0x19800  }
0x3df: {  	[tilespmem:s22], [sflag:$0x4] =	stream.indirect_vreg.gather [hbm4b:s9+s2], $0x80, v38, vm0, $0xb8;
	[tilespmem:$0x1E400] =	vst v63  }
0x3e0: {  	v43 =	vperm.xlane v17, v13;
	v42 =	vadd.s32 v3, v41;
	s22 =	simm.s32 $0x19880  }
0x3e1: {  	[tilespmem:s22], [sflag:$0x4] =	stream.indirect_vreg.gather [hbm4b:s9+s2], $0x80, v18, vm0, $0xb8;
	[tilespmem:$0x1E400] =	vst v63  }
0x3e2: {  	v44 =	vperm.xlane v17, v14;
	v18 =	vadd.s32 v3, v43;
	s22 =	simm.s32 $0x19900  }
0x3e3: {  	[tilespmem:s22], [sflag:$0x4] =	stream.indirect_vreg.gather [hbm4b:s9+s2], $0x80, v19, vm0, $0xb8;
	[tilespmem:$0x1E400] =	vst v63  }
0x3e4: {  	v45 =	vperm.xlane v17, v15;
	v19 =	vadd.s32 v3, v44;
	s22 =	simm.s32 $0x19980  }
0x3e5: {  	[tilespmem:s22], [sflag:$0x4] =	stream.indirect_vreg.gather [hbm4b:s9+s2], $0x80, v42, vm0, $0xb8;
	[tilespmem:$0x1E400] =	vst v63  }
0x3e6: {  	v17 =	vperm.xlane v17, v16;
	v46 =	vadd.s32 v3, v45;
	s22 =	simm.s32 $0x19A00  }
0x3e7: {  	[tilespmem:s22], [sflag:$0x4] =	stream.indirect_vreg.gather [hbm4b:s9+s2], $0x80, v18, vm0, $0xb8;
	[tilespmem:$0x1E400] =	vst v63  }
0x3e8: {  	v17 =	vadd.s32 v3, v17;
	s22 =	simm.s32 $0x19A80  }
0x3e9: {  	[tilespmem:s22], [sflag:$0x4] =	stream.indirect_vreg.gather [hbm4b:s9+s2], $0x80, v19, vm0, $0xb8;
	[tilespmem:$0x1E400] =	vst v63  }
0x3ea: {  	s22 =	simm.s32 $0x19B00  }
0x3eb: {  	[tilespmem:s22], [sflag:$0x4] =	stream.indirect_vreg.gather [hbm4b:s9+s2], $0x80, v46, vm0, $0xb8;
	[tilespmem:$0x1E400] =	vst v63  }
0x3ec: {  	s22 =	simm.s32 $0x19B80  }
0x3ed: {  	[tilespmem:s22], [sflag:$0x4] =	stream.indirect_vreg.gather [hbm4b:s9+s2], $0x80, v17, vm0, $0xb8;
	[tilespmem:$0x1E400] =	vst v63  }
0x3ee: {  	v17 =	vld [tilespmem:s21+$0x13D70];
	_ =	sdelay $0x4  }
0x3ef: {  	v18 =	vshll.u32 v17, $0x1  }
0x3f0: {  	v17 =	vand.u32 $0x7, v17;
	v18 =	vand.u32 $0xFFFFFFF0, v18  }
0x3f1: {  	v17 =	vor.u32 v17, v18  }
0x3f2: {  	v18 =	vperm.xlane v17, v2;
	_ =	sdelay $0x1  }
0x3f3: {  	v19 =	vperm.xlane v17, v1;
	v18 =	vadd.s32 v3, v18;
	_ =	sdelay $0x1  }
0x3f4: {  	v47 =	vperm.xlane v17, v4;
	v19 =	vadd.s32 v3, v19;
	_ =	sdelay $0x1  }
0x3f5: {  	s22 =	simm.s32 $0x19C00;
	v48 =	vperm.xlane v17, v5;
	v20 =	vadd.s32 v3, v47  }
0x3f6: {  	[tilespmem:s22], [sflag:$0x4] =	stream.indirect_vreg.gather [hbm4b:s9+s2], $0x80, v18, vm0, $0xb8;
	[tilespmem:$0x1E400] =	vst v63  }
0x3f7: {  	v49 =	vperm.xlane v17, v6;
	v18 =	vadd.s32 v3, v48;
	s22 =	simm.s32 $0x19C80  }
0x3f8: {  	[tilespmem:s22], [sflag:$0x4] =	stream.indirect_vreg.gather [hbm4b:s9+s2], $0x80, v19, vm0, $0xb8;
	[tilespmem:$0x1E400] =	vst v63  }
0x3f9: {  	v50 =	vperm.xlane v17, v7;
	v19 =	vadd.s32 v3, v49;
	s22 =	simm.s32 $0x19D00  }
0x3fa: {  	[tilespmem:s22], [sflag:$0x4] =	stream.indirect_vreg.gather [hbm4b:s9+s2], $0x80, v20, vm0, $0xb8;
	[tilespmem:$0x1E400] =	vst v63  }
0x3fb: {  	v52 =	vperm.xlane v17, v8;
	v51 =	vadd.s32 v3, v50;
	s22 =	simm.s32 $0x19D80  }
0x3fc: {  	[tilespmem:s22], [sflag:$0x4] =	stream.indirect_vreg.gather [hbm4b:s9+s2], $0x80, v18, vm0, $0xb8;
	[tilespmem:$0x1E400] =	vst v63  }
0x3fd: {  	v53 =	vperm.xlane v17, v0;
	v18 =	vadd.s32 v3, v52;
	s22 =	simm.s32 $0x19E00  }
0x3fe: {  	[tilespmem:s22], [sflag:$0x4] =	stream.indirect_vreg.gather [hbm4b:s9+s2], $0x80, v19, vm0, $0xb8;
	[tilespmem:$0x1E400] =	vst v63  }
0x3ff: {  	v54 =	vperm.xlane v17, v9;
	v19 =	vadd.s32 v3, v53;
	s22 =	simm.s32 $0x19E80  }
0x400: {  	[tilespmem:s22], [sflag:$0x4] =	stream.indirect_vreg.gather [hbm4b:s9+s2], $0x80, v51, vm0, $0xb8;
	[tilespmem:$0x1E400] =	vst v63  }
0x401: {  	v56 =	vperm.xlane v17, v10;
	v55 =	vadd.s32 v3, v54;
	s22 =	simm.s32 $0x19F00  }
0x402: {  	[tilespmem:s22], [sflag:$0x4] =	stream.indirect_vreg.gather [hbm4b:s9+s2], $0x80, v18, vm0, $0xb8;
	[tilespmem:$0x1E400] =	vst v63  }
0x403: {  	v57 =	vperm.xlane v17, v11;
	v18 =	vadd.s32 v3, v56;
	s22 =	simm.s32 $0x19F80  }
0x404: {  	[tilespmem:s22], [sflag:$0x4] =	stream.indirect_vreg.gather [hbm4b:s9+s2], $0x80, v19, vm0, $0xb8;
	[tilespmem:$0x1E400] =	vst v63  }
0x405: {  	v58 =	vperm.xlane v17, v12;
	v19 =	vadd.s32 v3, v57;
	s22 =	simm.s32 $0x1A000  }
0x406: {  	[tilespmem:s22], [sflag:$0x4] =	stream.indirect_vreg.gather [hbm4b:s9+s2], $0x80, v55, vm0, $0xb8;
	[tilespmem:$0x1E400] =	vst v63  }
0x407: {  	v60 =	vperm.xlane v17, v13;
	v59 =	vadd.s32 v3, v58;
	s22 =	simm.s32 $0x1A080  }
0x408: {  	[tilespmem:s22], [sflag:$0x4] =	stream.indirect_vreg.gather [hbm4b:s9+s2], $0x80, v18, vm0, $0xb8;
	[tilespmem:$0x1E400] =	vst v63  }
0x409: {  	v61 =	vperm.xlane v17, v14;
	v18 =	vadd.s32 v3, v60;
	s22 =	simm.s32 $0x1A100  }
0x40a: {  	[tilespmem:s22], [sflag:$0x4] =	stream.indirect_vreg.gather [hbm4b:s9+s2], $0x80, v19, vm0, $0xb8;
	[tilespmem:$0x1E400] =	vst v63  }
0x40b: {  	v19 =	vadd.s32 v3, v61;
	s22 =	simm.s32 $0x1A180  }
0x40c: {  	v62 =	vperm.xlane v17, v15;
	[tilespmem:s22], [sflag:$0x4] =	stream.indirect_vreg.gather [hbm4b:s9+s2], $0x80, v59, vm0, $0xb8;
	[tilespmem:$0x1E400] =	vst v63  }
0x40d: {  	s22 =	simm.s32 $0x1A200  }
0x40e: {  	v17 =	vperm.xlane v17, v16;
	v63 =	vadd.s32 v3, v62;
	[tilespmem:s22], [sflag:$0x4] =	stream.indirect_vreg.gather [hbm4b:s9+s2], $0x80, v18, vm0, $0xb8;
	[tilespmem:$0x1E400] =	vst v63  }
0x40f: {  	s22 =	simm.s32 $0x1A280  }
0x410: {  	v17 =	vadd.s32 v3, v17;
	[tilespmem:s22], [sflag:$0x4] =	stream.indirect_vreg.gather [hbm4b:s9+s2], $0x80, v19, vm0, $0xb8;
	[tilespmem:$0x1E400] =	vst v63  }
.Ltmp5:
0x411: {  	_ = 	snop;
	(pc) =	sbr.rel .LBB2_4-.Ltmp5, $4  }
0x412: {  	s22 =	simm.s32 $0x1A300  }
0x413: {  	[tilespmem:s22], [sflag:$0x4] =	stream.indirect_vreg.gather [hbm4b:s9+s2], $0x80, v63, vm0, $0xb8;
	[tilespmem:$0x1E400] =	vst v63  }
0x414: {  	s22 =	simm.s32 $0x1A380  }
0x415: {  	[tilespmem:s22], [sflag:$0x4] =	stream.indirect_vreg.gather [hbm4b:s9+s2], $0x80, v17, vm0, $0xb8;
	[tilespmem:$0x1E400] =	vst v63  }
.LBB2_5:
0x416: {  	_ =	swait.ge [sflag:s16], $0x4000  }
0x417: {  	[sflag:s16] =	ssyncset.done $0x0  }
0x418: {  	s20 =	simm.s32 $0xA;
	[sflag:s16] =	ssyncadd.s32 $0xFFFFC000  }
0x419: {  	_ =	swait.ge [sflag:s20], $0x4000  }
0x41a: {  	s21 =	simm.s32 @p0 $0x13C00;
	[sflag:s20] =	ssyncset.done $0x0  }
0x41b: {  	s22 =	rddreg [dreg:$0x5];
	[sflag:s20] =	ssyncadd.s32 $0xFFFFC000;
	s20 =	simm.s32 @p0 $0x0  }
0x41c: {  	[tilespmem:s21], [sflag:$0xB] =	stream.linear.gather @p0 [hbm4b:s22+s20], $0x1400, $0x38;
	[tilespmem:$0x1E400] =	vst v63  }
0x41d: {  	s20 =	simm.s32 @p0 $0xB  }
0x41e: {  	_ =	swait.ge @p0 [sflag:s20], $0x1400  }
0x41f: {  	s21 =	simm.s32 @!p0 $0x13C00;
	[sflag:s20] =	ssyncset.done @p0 $0x0  }
0x420: {  	s22 =	rddreg [dreg:$0xa];
	[sflag:s20] =	ssyncadd.s32 @p0 $0xFFFFEC00;
	s20 =	simm.s32 @!p0 $0x0  }
0x421: {  	[tilespmem:s21], [sflag:$0xB] =	stream.linear.gather @!p0 [hbm4b:s22+s20], $0x1400, $0x38;
	[tilespmem:$0x1E400] =	vst v63  }
0x422: {  	s20 =	simm.s32 @!p0 $0xB  }
0x423: {  	_ =	swait.ge @!p0 [sflag:s20], $0x1400  }
0x424: {  	s22 =	simm.s32 $0x15000;
	[sflag:s20] =	ssyncset.done @!p0 $0x0  }
0x425: {  	s21 =	rddreg [dreg:$0xb];
	[sflag:s20] =	ssyncadd.s32 @!p0 $0xFFFFEC00;
	s20 =	simm.s32 $0x0  }
0x426: {  	[tilespmem:s22], [sflag:$0xB] =	stream.linear.gather [hbm4b:s21+s20], $0x1400, $0x38;
	[tilespmem:$0x1E400] =	vst v63  }
0x427: {  	s22 =	simm.s32 $0xB  }
0x428: {  	_ =	swait.ge [sflag:s22], $0x1400  }
0x429: {  	[sflag:s22] =	ssyncset.done $0x0  }
0x42a: {  	[sflag:s22] =	ssyncadd.s32 $0xFFFFEC00  }
0x42b: {  	v17 =	vld [tilespmem:$0x13C00];
	_ =	sdelay $0x4  }
0x42c: {  	v18 =	vshll.u32 v17, $0x1  }
0x42d: {  	v17 =	vand.u32 $0x7, v17;
	v18 =	vand.u32 $0xFFFFFFF0, v18  }
0x42e: {  	v17 =	vor.u32 v17, v18  }
0x42f: {  	v18 =	vperm.xlane v17, v2;
	_ =	sdelay $0x1  }
0x430: {  	v19 =	vperm.xlane v17, v1;
	v18 =	vadd.s32 v3, v18;
	_ =	sdelay $0x1  }
0x431: {  	v20 =	vperm.xlane v17, v4;
	v19 =	vadd.s32 v3, v19;
	_ =	sdelay $0x1  }
0x432: {  	v21 =	vperm.xlane v17, v5;
	v20 =	vadd.s32 v3, v20  }
0x433: {  	[tilespmem:s19], [sflag:$0x1] =	stream.indirect_vreg.gather [hbm4b:s9+s20], $0x80, v18, vm0, $0xb8;
	[tilespmem:$0x1E400] =	vst v63  }
0x434: {  	v50 =	vperm.xlane v17, v6;
	v18 =	vadd.s32 v3, v21  }
0x435: {  	[tilespmem:s23], [sflag:$0x1] =	stream.indirect_vreg.gather [hbm4b:s9+s20], $0x80, v19, vm0, $0xb8;
	[tilespmem:$0x1E400] =	vst v63  }
0x436: {  	s22 =	simm.s32 $0x16500;
	v51 =	vperm.xlane v17, v7;
	v19 =	vadd.s32 v3, v50  }
0x437: {  	[tilespmem:s22], [sflag:$0x1] =	stream.indirect_vreg.gather [hbm4b:s9+s20], $0x80, v20, vm0, $0xb8;
	[tilespmem:$0x1E400] =	vst v63  }
0x438: {  	v53 =	vperm.xlane v17, v8;
	v52 =	vadd.s32 v3, v51;
	s22 =	simm.s32 $0x16580  }
0x439: {  	[tilespmem:s22], [sflag:$0x1] =	stream.indirect_vreg.gather [hbm4b:s9+s20], $0x80, v18, vm0, $0xb8;
	[tilespmem:$0x1E400] =	vst v63  }
0x43a: {  	v54 =	vperm.xlane v17, v0;
	v18 =	vadd.s32 v3, v53;
	s22 =	simm.s32 $0x16600  }
0x43b: {  	[tilespmem:s22], [sflag:$0x1] =	stream.indirect_vreg.gather [hbm4b:s9+s20], $0x80, v19, vm0, $0xb8;
	[tilespmem:$0x1E400] =	vst v63  }
0x43c: {  	v55 =	vperm.xlane v17, v9;
	v19 =	vadd.s32 v3, v54;
	s22 =	simm.s32 $0x16680  }
0x43d: {  	[tilespmem:s22], [sflag:$0x1] =	stream.indirect_vreg.gather [hbm4b:s9+s20], $0x80, v52, vm0, $0xb8;
	[tilespmem:$0x1E400] =	vst v63  }
0x43e: {  	v57 =	vperm.xlane v17, v10;
	v56 =	vadd.s32 v3, v55;
	s22 =	simm.s32 $0x16700  }
0x43f: {  	[tilespmem:s22], [sflag:$0x1] =	stream.indirect_vreg.gather [hbm4b:s9+s20], $0x80, v18, vm0, $0xb8;
	[tilespmem:$0x1E400] =	vst v63  }
0x440: {  	v58 =	vperm.xlane v17, v11;
	v18 =	vadd.s32 v3, v57;
	s22 =	simm.s32 $0x16780  }
0x441: {  	[tilespmem:s22], [sflag:$0x1] =	stream.indirect_vreg.gather [hbm4b:s9+s20], $0x80, v19, vm0, $0xb8;
	[tilespmem:$0x1E400] =	vst v63  }
0x442: {  	v59 =	vperm.xlane v17, v12;
	v19 =	vadd.s32 v3, v58;
	s22 =	simm.s32 $0x16800  }
0x443: {  	[tilespmem:s22], [sflag:$0x1] =	stream.indirect_vreg.gather [hbm4b:s9+s20], $0x80, v56, vm0, $0xb8;
	[tilespmem:$0x1E400] =	vst v63  }
0x444: {  	v61 =	vperm.xlane v17, v13;
	v60 =	vadd.s32 v3, v59;
	s22 =	simm.s32 $0x16880  }
0x445: {  	[tilespmem:s22], [sflag:$0x1] =	stream.indirect_vreg.gather [hbm4b:s9+s20], $0x80, v18, vm0, $0xb8;
	[tilespmem:$0x1E400] =	vst v63  }
0x446: {  	v62 =	vperm.xlane v17, v14;
	v18 =	vadd.s32 v3, v61;
	s22 =	simm.s32 $0x16900  }
0x447: {  	[tilespmem:s22], [sflag:$0x1] =	stream.indirect_vreg.gather [hbm4b:s9+s20], $0x80, v19, vm0, $0xb8;
	[tilespmem:$0x1E400] =	vst v63  }
0x448: {  	v63 =	vperm.xlane v17, v15;
	v19 =	vadd.s32 v3, v62;
	s22 =	simm.s32 $0x16980  }
0x449: {  	[tilespmem:s22], [sflag:$0x1] =	stream.indirect_vreg.gather [hbm4b:s9+s20], $0x80, v60, vm0, $0xb8;
	[tilespmem:$0x1E400] =	vst v63  }
0x44a: {  	v17 =	vperm.xlane v17, v16;
	v24 =	vadd.s32 v3, v63;
	s22 =	simm.s32 $0x16A00  }
0x44b: {  	[tilespmem:s22], [sflag:$0x1] =	stream.indirect_vreg.gather [hbm4b:s9+s20], $0x80, v18, vm0, $0xb8;
	[tilespmem:$0x1E400] =	vst v63  }
0x44c: {  	v17 =	vadd.s32 v3, v17;
	s22 =	simm.s32 $0x16A80  }
0x44d: {  	[tilespmem:s22], [sflag:$0x1] =	stream.indirect_vreg.gather [hbm4b:s9+s20], $0x80, v19, vm0, $0xb8;
	[tilespmem:$0x1E400] =	vst v63  }
0x44e: {  	s22 =	simm.s32 $0x16B00  }
0x44f: {  	[tilespmem:s22], [sflag:$0x1] =	stream.indirect_vreg.gather [hbm4b:s9+s20], $0x80, v24, vm0, $0xb8;
	[tilespmem:$0x1E400] =	vst v63  }
0x450: {  	s22 =	simm.s32 $0x16B80  }
0x451: {  	[tilespmem:s22], [sflag:$0x1] =	stream.indirect_vreg.gather [hbm4b:s9+s20], $0x80, v17, vm0, $0xb8;
	[tilespmem:$0x1E400] =	vst v63  }
0x452: {  	v17 =	vld [tilespmem:$0x13C10];
	_ =	sdelay $0x4  }
0x453: {  	v18 =	vshll.u32 v17, $0x1  }
0x454: {  	v17 =	vand.u32 $0x7, v17;
	v18 =	vand.u32 $0xFFFFFFF0, v18  }
0x455: {  	v17 =	vor.u32 v17, v18  }
0x456: {  	v18 =	vperm.xlane v17, v2;
	_ =	sdelay $0x1  }
0x457: {  	v19 =	vperm.xlane v17, v1;
	v18 =	vadd.s32 v3, v18;
	_ =	sdelay $0x1  }
0x458: {  	v25 =	vperm.xlane v17, v4;
	v19 =	vadd.s32 v3, v19;
	_ =	sdelay $0x1  }
0x459: {  	s22 =	simm.s32 $0x16C00;
	v26 =	vperm.xlane v17, v5;
	v20 =	vadd.s32 v3, v25  }
0x45a: {  	[tilespmem:s22], [sflag:$0x1] =	stream.indirect_vreg.gather [hbm4b:s9+s20], $0x80, v18, vm0, $0xb8;
	[tilespmem:$0x1E400] =	vst v63  }
0x45b: {  	v27 =	vperm.xlane v17, v6;
	v18 =	vadd.s32 v3, v26;
	s22 =	simm.s32 $0x16C80  }
0x45c: {  	[tilespmem:s22], [sflag:$0x1] =	stream.indirect_vreg.gather [hbm4b:s9+s20], $0x80, v19, vm0, $0xb8;
	[tilespmem:$0x1E400] =	vst v63  }
0x45d: {  	v28 =	vperm.xlane v17, v7;
	v19 =	vadd.s32 v3, v27;
	s22 =	simm.s32 $0x16D00  }
0x45e: {  	[tilespmem:s22], [sflag:$0x1] =	stream.indirect_vreg.gather [hbm4b:s9+s20], $0x80, v20, vm0, $0xb8;
	[tilespmem:$0x1E400] =	vst v63  }
0x45f: {  	v30 =	vperm.xlane v17, v8;
	v29 =	vadd.s32 v3, v28;
	s22 =	simm.s32 $0x16D80  }
0x460: {  	[tilespmem:s22], [sflag:$0x1] =	stream.indirect_vreg.gather [hbm4b:s9+s20], $0x80, v18, vm0, $0xb8;
	[tilespmem:$0x1E400] =	vst v63  }
0x461: {  	v31 =	vperm.xlane v17, v0;
	v18 =	vadd.s32 v3, v30;
	s22 =	simm.s32 $0x16E00  }
0x462: {  	[tilespmem:s22], [sflag:$0x1] =	stream.indirect_vreg.gather [hbm4b:s9+s20], $0x80, v19, vm0, $0xb8;
	[tilespmem:$0x1E400] =	vst v63  }
0x463: {  	v32 =	vperm.xlane v17, v9;
	v19 =	vadd.s32 v3, v31;
	s22 =	simm.s32 $0x16E80  }
0x464: {  	[tilespmem:s22], [sflag:$0x1] =	stream.indirect_vreg.gather [hbm4b:s9+s20], $0x80, v29, vm0, $0xb8;
	[tilespmem:$0x1E400] =	vst v63  }
0x465: {  	v34 =	vperm.xlane v17, v10;
	v33 =	vadd.s32 v3, v32;
	s22 =	simm.s32 $0x16F00  }
0x466: {  	[tilespmem:s22], [sflag:$0x1] =	stream.indirect_vreg.gather [hbm4b:s9+s20], $0x80, v18, vm0, $0xb8;
	[tilespmem:$0x1E400] =	vst v63  }
0x467: {  	v35 =	vperm.xlane v17, v11;
	v18 =	vadd.s32 v3, v34;
	s22 =	simm.s32 $0x16F80  }
0x468: {  	[tilespmem:s22], [sflag:$0x1] =	stream.indirect_vreg.gather [hbm4b:s9+s20], $0x80, v19, vm0, $0xb8;
	[tilespmem:$0x1E400] =	vst v63  }
0x469: {  	v36 =	vperm.xlane v17, v12;
	v19 =	vadd.s32 v3, v35;
	s22 =	simm.s32 $0x17000  }
0x46a: {  	[tilespmem:s22], [sflag:$0x1] =	stream.indirect_vreg.gather [hbm4b:s9+s20], $0x80, v33, vm0, $0xb8;
	[tilespmem:$0x1E400] =	vst v63  }
0x46b: {  	v38 =	vperm.xlane v17, v13;
	v37 =	vadd.s32 v3, v36;
	s22 =	simm.s32 $0x17080  }
0x46c: {  	[tilespmem:s22], [sflag:$0x1] =	stream.indirect_vreg.gather [hbm4b:s9+s20], $0x80, v18, vm0, $0xb8;
	[tilespmem:$0x1E400] =	vst v63  }
0x46d: {  	v39 =	vperm.xlane v17, v14;
	v18 =	vadd.s32 v3, v38;
	s22 =	simm.s32 $0x17100  }
0x46e: {  	[tilespmem:s22], [sflag:$0x1] =	stream.indirect_vreg.gather [hbm4b:s9+s20], $0x80, v19, vm0, $0xb8;
	[tilespmem:$0x1E400] =	vst v63  }
0x46f: {  	v40 =	vperm.xlane v17, v15;
	v19 =	vadd.s32 v3, v39;
	s22 =	simm.s32 $0x17180  }
0x470: {  	[tilespmem:s22], [sflag:$0x1] =	stream.indirect_vreg.gather [hbm4b:s9+s20], $0x80, v37, vm0, $0xb8;
	[tilespmem:$0x1E400] =	vst v63  }
0x471: {  	v17 =	vperm.xlane v17, v16;
	v41 =	vadd.s32 v3, v40;
	s22 =	simm.s32 $0x17200  }
0x472: {  	[tilespmem:s22], [sflag:$0x1] =	stream.indirect_vreg.gather [hbm4b:s9+s20], $0x80, v18, vm0, $0xb8;
	[tilespmem:$0x1E400] =	vst v63  }
0x473: {  	v17 =	vadd.s32 v3, v17;
	s22 =	simm.s32 $0x17280  }
0x474: {  	[tilespmem:s22], [sflag:$0x1] =	stream.indirect_vreg.gather [hbm4b:s9+s20], $0x80, v19, vm0, $0xb8;
	[tilespmem:$0x1E400] =	vst v63  }
0x475: {  	s22 =	simm.s32 $0x17300  }
0x476: {  	[tilespmem:s22], [sflag:$0x1] =	stream.indirect_vreg.gather [hbm4b:s9+s20], $0x80, v41, vm0, $0xb8;
	[tilespmem:$0x1E400] =	vst v63  }
0x477: {  	s22 =	simm.s32 $0x17380  }
0x478: {  	[tilespmem:s22], [sflag:$0x1] =	stream.indirect_vreg.gather [hbm4b:s9+s20], $0x80, v17, vm0, $0xb8;
	[tilespmem:$0x1E400] =	vst v63  }
0x479: {  	v17 =	vld [tilespmem:$0x13C20];
	_ =	sdelay $0x4  }
0x47a: {  	v18 =	vshll.u32 v17, $0x1  }
0x47b: {  	v17 =	vand.u32 $0x7, v17;
	v18 =	vand.u32 $0xFFFFFFF0, v18  }
0x47c: {  	v17 =	vor.u32 v17, v18  }
0x47d: {  	v18 =	vperm.xlane v17, v2;
	_ =	sdelay $0x1  }
0x47e: {  	v19 =	vperm.xlane v17, v1;
	v18 =	vadd.s32 v3, v18;
	_ =	sdelay $0x1  }
0x47f: {  	v42 =	vperm.xlane v17, v4;
	v19 =	vadd.s32 v3, v19;
	_ =	sdelay $0x1  }
0x480: {  	s22 =	simm.s32 $0x17400;
	v43 =	vperm.xlane v17, v5;
	v20 =	vadd.s32 v3, v42  }
0x481: {  	[tilespmem:s22], [sflag:$0x2] =	stream.indirect_vreg.gather [hbm4b:s9+s20], $0x80, v18, vm0, $0xb8;
	[tilespmem:$0x1E400] =	vst v63  }
0x482: {  	v44 =	vperm.xlane v17, v6;
	v18 =	vadd.s32 v3, v43;
	s22 =	simm.s32 $0x17480  }
0x483: {  	[tilespmem:s22], [sflag:$0x2] =	stream.indirect_vreg.gather [hbm4b:s9+s20], $0x80, v19, vm0, $0xb8;
	[tilespmem:$0x1E400] =	vst v63  }
0x484: {  	v45 =	vperm.xlane v17, v7;
	v19 =	vadd.s32 v3, v44;
	s22 =	simm.s32 $0x17500  }
0x485: {  	[tilespmem:s22], [sflag:$0x2] =	stream.indirect_vreg.gather [hbm4b:s9+s20], $0x80, v20, vm0, $0xb8;
	[tilespmem:$0x1E400] =	vst v63  }
0x486: {  	v47 =	vperm.xlane v17, v8;
	v46 =	vadd.s32 v3, v45;
	s22 =	simm.s32 $0x17580  }
0x487: {  	[tilespmem:s22], [sflag:$0x2] =	stream.indirect_vreg.gather [hbm4b:s9+s20], $0x80, v18, vm0, $0xb8;
	[tilespmem:$0x1E400] =	vst v63  }
0x488: {  	v48 =	vperm.xlane v17, v0;
	v18 =	vadd.s32 v3, v47;
	s22 =	simm.s32 $0x17600  }
0x489: {  	[tilespmem:s22], [sflag:$0x2] =	stream.indirect_vreg.gather [hbm4b:s9+s20], $0x80, v19, vm0, $0xb8;
	[tilespmem:$0x1E400] =	vst v63  }
0x48a: {  	v49 =	vperm.xlane v17, v9;
	v19 =	vadd.s32 v3, v48;
	s22 =	simm.s32 $0x17680  }
0x48b: {  	[tilespmem:s22], [sflag:$0x2] =	stream.indirect_vreg.gather [hbm4b:s9+s20], $0x80, v46, vm0, $0xb8;
	[tilespmem:$0x1E400] =	vst v63  }
0x48c: {  	v51 =	vperm.xlane v17, v10;
	v50 =	vadd.s32 v3, v49;
	s22 =	simm.s32 $0x17700  }
0x48d: {  	[tilespmem:s22], [sflag:$0x2] =	stream.indirect_vreg.gather [hbm4b:s9+s20], $0x80, v18, vm0, $0xb8;
	[tilespmem:$0x1E400] =	vst v63  }
0x48e: {  	v52 =	vperm.xlane v17, v11;
	v18 =	vadd.s32 v3, v51;
	s22 =	simm.s32 $0x17780  }
0x48f: {  	[tilespmem:s22], [sflag:$0x2] =	stream.indirect_vreg.gather [hbm4b:s9+s20], $0x80, v19, vm0, $0xb8;
	[tilespmem:$0x1E400] =	vst v63  }
0x490: {  	v53 =	vperm.xlane v17, v12;
	v19 =	vadd.s32 v3, v52;
	s22 =	simm.s32 $0x17800  }
0x491: {  	[tilespmem:s22], [sflag:$0x2] =	stream.indirect_vreg.gather [hbm4b:s9+s20], $0x80, v50, vm0, $0xb8;
	[tilespmem:$0x1E400] =	vst v63  }
0x492: {  	v55 =	vperm.xlane v17, v13;
	v54 =	vadd.s32 v3, v53;
	s22 =	simm.s32 $0x17880  }
0x493: {  	[tilespmem:s22], [sflag:$0x2] =	stream.indirect_vreg.gather [hbm4b:s9+s20], $0x80, v18, vm0, $0xb8;
	[tilespmem:$0x1E400] =	vst v63  }
0x494: {  	v56 =	vperm.xlane v17, v14;
	v18 =	vadd.s32 v3, v55;
	s22 =	simm.s32 $0x17900  }
0x495: {  	[tilespmem:s22], [sflag:$0x2] =	stream.indirect_vreg.gather [hbm4b:s9+s20], $0x80, v19, vm0, $0xb8;
	[tilespmem:$0x1E400] =	vst v63  }
0x496: {  	v57 =	vperm.xlane v17, v15;
	v19 =	vadd.s32 v3, v56;
	s22 =	simm.s32 $0x17980  }
0x497: {  	[tilespmem:s22], [sflag:$0x2] =	stream.indirect_vreg.gather [hbm4b:s9+s20], $0x80, v54, vm0, $0xb8;
	[tilespmem:$0x1E400] =	vst v63  }
0x498: {  	v17 =	vperm.xlane v17, v16;
	v58 =	vadd.s32 v3, v57;
	s22 =	simm.s32 $0x17A00  }
0x499: {  	[tilespmem:s22], [sflag:$0x2] =	stream.indirect_vreg.gather [hbm4b:s9+s20], $0x80, v18, vm0, $0xb8;
	[tilespmem:$0x1E400] =	vst v63  }
0x49a: {  	v17 =	vadd.s32 v3, v17;
	s22 =	simm.s32 $0x17A80  }
0x49b: {  	[tilespmem:s22], [sflag:$0x2] =	stream.indirect_vreg.gather [hbm4b:s9+s20], $0x80, v19, vm0, $0xb8;
	[tilespmem:$0x1E400] =	vst v63  }
0x49c: {  	s22 =	simm.s32 $0x17B00  }
0x49d: {  	[tilespmem:s22], [sflag:$0x2] =	stream.indirect_vreg.gather [hbm4b:s9+s20], $0x80, v58, vm0, $0xb8;
	[tilespmem:$0x1E400] =	vst v63  }
0x49e: {  	s22 =	simm.s32 $0x17B80  }
0x49f: {  	[tilespmem:s22], [sflag:$0x2] =	stream.indirect_vreg.gather [hbm4b:s9+s20], $0x80, v17, vm0, $0xb8;
	[tilespmem:$0x1E400] =	vst v63  }
0x4a0: {  	v17 =	vld [tilespmem:$0x13C30];
	_ =	sdelay $0x4  }
0x4a1: {  	v18 =	vshll.u32 v17, $0x1  }
0x4a2: {  	v17 =	vand.u32 $0x7, v17;
	v18 =	vand.u32 $0xFFFFFFF0, v18  }
0x4a3: {  	v17 =	vor.u32 v17, v18  }
0x4a4: {  	v18 =	vperm.xlane v17, v2;
	_ =	sdelay $0x1  }
0x4a5: {  	v19 =	vperm.xlane v17, v1;
	v18 =	vadd.s32 v3, v18;
	_ =	sdelay $0x1  }
0x4a6: {  	v59 =	vperm.xlane v17, v4;
	v19 =	vadd.s32 v3, v19;
	_ =	sdelay $0x1  }
0x4a7: {  	s22 =	simm.s32 $0x17C00;
	v60 =	vperm.xlane v17, v5;
	v20 =	vadd.s32 v3, v59  }
0x4a8: {  	[tilespmem:s22], [sflag:$0x2] =	stream.indirect_vreg.gather [hbm4b:s9+s20], $0x80, v18, vm0, $0xb8;
	[tilespmem:$0x1E400] =	vst v63  }
0x4a9: {  	v61 =	vperm.xlane v17, v6;
	v18 =	vadd.s32 v3, v60;
	s22 =	simm.s32 $0x17C80  }
0x4aa: {  	[tilespmem:s22], [sflag:$0x2] =	stream.indirect_vreg.gather [hbm4b:s9+s20], $0x80, v19, vm0, $0xb8;
	[tilespmem:$0x1E400] =	vst v63  }
0x4ab: {  	v62 =	vperm.xlane v17, v7;
	v19 =	vadd.s32 v3, v61;
	s22 =	simm.s32 $0x17D00  }
0x4ac: {  	[tilespmem:s22], [sflag:$0x2] =	stream.indirect_vreg.gather [hbm4b:s9+s20], $0x80, v20, vm0, $0xb8;
	[tilespmem:$0x1E400] =	vst v63  }
0x4ad: {  	v24 =	vperm.xlane v17, v8;
	v63 =	vadd.s32 v3, v62;
	s22 =	simm.s32 $0x17D80  }
0x4ae: {  	[tilespmem:s22], [sflag:$0x2] =	stream.indirect_vreg.gather [hbm4b:s9+s20], $0x80, v18, vm0, $0xb8;
	[tilespmem:$0x1E400] =	vst v63  }
0x4af: {  	v25 =	vperm.xlane v17, v0;
	v18 =	vadd.s32 v3, v24;
	s22 =	simm.s32 $0x17E00  }
0x4b0: {  	[tilespmem:s22], [sflag:$0x2] =	stream.indirect_vreg.gather [hbm4b:s9+s20], $0x80, v19, vm0, $0xb8;
	[tilespmem:$0x1E400] =	vst v63  }
0x4b1: {  	v26 =	vperm.xlane v17, v9;
	v19 =	vadd.s32 v3, v25;
	s22 =	simm.s32 $0x17E80  }
0x4b2: {  	[tilespmem:s22], [sflag:$0x2] =	stream.indirect_vreg.gather [hbm4b:s9+s20], $0x80, v63, vm0, $0xb8;
	[tilespmem:$0x1E400] =	vst v63  }
0x4b3: {  	v28 =	vperm.xlane v17, v10;
	v27 =	vadd.s32 v3, v26;
	s22 =	simm.s32 $0x17F00  }
0x4b4: {  	[tilespmem:s22], [sflag:$0x2] =	stream.indirect_vreg.gather [hbm4b:s9+s20], $0x80, v18, vm0, $0xb8;
	[tilespmem:$0x1E400] =	vst v63  }
0x4b5: {  	v29 =	vperm.xlane v17, v11;
	v18 =	vadd.s32 v3, v28;
	s22 =	simm.s32 $0x17F80  }
0x4b6: {  	[tilespmem:s22], [sflag:$0x2] =	stream.indirect_vreg.gather [hbm4b:s9+s20], $0x80, v19, vm0, $0xb8;
	[tilespmem:$0x1E400] =	vst v63  }
0x4b7: {  	v30 =	vperm.xlane v17, v12;
	v19 =	vadd.s32 v3, v29;
	s22 =	simm.s32 $0x18000  }
0x4b8: {  	[tilespmem:s22], [sflag:$0x2] =	stream.indirect_vreg.gather [hbm4b:s9+s20], $0x80, v27, vm0, $0xb8;
	[tilespmem:$0x1E400] =	vst v63  }
0x4b9: {  	v32 =	vperm.xlane v17, v13;
	v31 =	vadd.s32 v3, v30;
	s22 =	simm.s32 $0x18080  }
0x4ba: {  	[tilespmem:s22], [sflag:$0x2] =	stream.indirect_vreg.gather [hbm4b:s9+s20], $0x80, v18, vm0, $0xb8;
	[tilespmem:$0x1E400] =	vst v63  }
0x4bb: {  	v33 =	vperm.xlane v17, v14;
	v18 =	vadd.s32 v3, v32;
	s22 =	simm.s32 $0x18100  }
0x4bc: {  	[tilespmem:s22], [sflag:$0x2] =	stream.indirect_vreg.gather [hbm4b:s9+s20], $0x80, v19, vm0, $0xb8;
	[tilespmem:$0x1E400] =	vst v63  }
0x4bd: {  	v34 =	vperm.xlane v17, v15;
	v19 =	vadd.s32 v3, v33;
	s22 =	simm.s32 $0x18180  }
0x4be: {  	[tilespmem:s22], [sflag:$0x2] =	stream.indirect_vreg.gather [hbm4b:s9+s20], $0x80, v31, vm0, $0xb8;
	[tilespmem:$0x1E400] =	vst v63  }
0x4bf: {  	v17 =	vperm.xlane v17, v16;
	v35 =	vadd.s32 v3, v34;
	s22 =	simm.s32 $0x18200  }
0x4c0: {  	[tilespmem:s22], [sflag:$0x2] =	stream.indirect_vreg.gather [hbm4b:s9+s20], $0x80, v18, vm0, $0xb8;
	[tilespmem:$0x1E400] =	vst v63  }
0x4c1: {  	v17 =	vadd.s32 v3, v17;
	s22 =	simm.s32 $0x18280  }
0x4c2: {  	[tilespmem:s22], [sflag:$0x2] =	stream.indirect_vreg.gather [hbm4b:s9+s20], $0x80, v19, vm0, $0xb8;
	[tilespmem:$0x1E400] =	vst v63  }
0x4c3: {  	s22 =	simm.s32 $0x18300  }
0x4c4: {  	[tilespmem:s22], [sflag:$0x2] =	stream.indirect_vreg.gather [hbm4b:s9+s20], $0x80, v35, vm0, $0xb8;
	[tilespmem:$0x1E400] =	vst v63  }
0x4c5: {  	s22 =	simm.s32 $0x18380  }
0x4c6: {  	[tilespmem:s22], [sflag:$0x2] =	stream.indirect_vreg.gather [hbm4b:s9+s20], $0x80, v17, vm0, $0xb8;
	[tilespmem:$0x1E400] =	vst v63  }
0x4c7: {  	v17 =	vld [tilespmem:$0x13C40];
	_ =	sdelay $0x4  }
0x4c8: {  	v18 =	vshll.u32 v17, $0x1  }
0x4c9: {  	v17 =	vand.u32 $0x7, v17;
	v18 =	vand.u32 $0xFFFFFFF0, v18  }
0x4ca: {  	v17 =	vor.u32 v17, v18  }
0x4cb: {  	v18 =	vperm.xlane v17, v2;
	_ =	sdelay $0x1  }
0x4cc: {  	v19 =	vperm.xlane v17, v1;
	v18 =	vadd.s32 v3, v18;
	_ =	sdelay $0x1  }
0x4cd: {  	v36 =	vperm.xlane v17, v4;
	v19 =	vadd.s32 v3, v19;
	_ =	sdelay $0x1  }
0x4ce: {  	s22 =	simm.s32 $0x18400;
	v37 =	vperm.xlane v17, v5;
	v20 =	vadd.s32 v3, v36  }
0x4cf: {  	[tilespmem:s22], [sflag:$0x3] =	stream.indirect_vreg.gather [hbm4b:s9+s20], $0x80, v18, vm0, $0xb8;
	[tilespmem:$0x1E400] =	vst v63  }
0x4d0: {  	v38 =	vperm.xlane v17, v6;
	v18 =	vadd.s32 v3, v37;
	s22 =	simm.s32 $0x18480  }
0x4d1: {  	[tilespmem:s22], [sflag:$0x3] =	stream.indirect_vreg.gather [hbm4b:s9+s20], $0x80, v19, vm0, $0xb8;
	[tilespmem:$0x1E400] =	vst v63  }
0x4d2: {  	v39 =	vperm.xlane v17, v7;
	v19 =	vadd.s32 v3, v38;
	s22 =	simm.s32 $0x18500  }
0x4d3: {  	[tilespmem:s22], [sflag:$0x3] =	stream.indirect_vreg.gather [hbm4b:s9+s20], $0x80, v20, vm0, $0xb8;
	[tilespmem:$0x1E400] =	vst v63  }
0x4d4: {  	v41 =	vperm.xlane v17, v8;
	v40 =	vadd.s32 v3, v39;
	s22 =	simm.s32 $0x18580  }
0x4d5: {  	[tilespmem:s22], [sflag:$0x3] =	stream.indirect_vreg.gather [hbm4b:s9+s20], $0x80, v18, vm0, $0xb8;
	[tilespmem:$0x1E400] =	vst v63  }
0x4d6: {  	v42 =	vperm.xlane v17, v0;
	v18 =	vadd.s32 v3, v41;
	s22 =	simm.s32 $0x18600  }
0x4d7: {  	[tilespmem:s22], [sflag:$0x3] =	stream.indirect_vreg.gather [hbm4b:s9+s20], $0x80, v19, vm0, $0xb8;
	[tilespmem:$0x1E400] =	vst v63  }
0x4d8: {  	v43 =	vperm.xlane v17, v9;
	v19 =	vadd.s32 v3, v42;
	s22 =	simm.s32 $0x18680  }
0x4d9: {  	[tilespmem:s22], [sflag:$0x3] =	stream.indirect_vreg.gather [hbm4b:s9+s20], $0x80, v40, vm0, $0xb8;
	[tilespmem:$0x1E400] =	vst v63  }
0x4da: {  	v45 =	vperm.xlane v17, v10;
	v44 =	vadd.s32 v3, v43;
	s22 =	simm.s32 $0x18700  }
0x4db: {  	[tilespmem:s22], [sflag:$0x3] =	stream.indirect_vreg.gather [hbm4b:s9+s20], $0x80, v18, vm0, $0xb8;
	[tilespmem:$0x1E400] =	vst v63  }
0x4dc: {  	v46 =	vperm.xlane v17, v11;
	v18 =	vadd.s32 v3, v45;
	s22 =	simm.s32 $0x18780  }
0x4dd: {  	[tilespmem:s22], [sflag:$0x3] =	stream.indirect_vreg.gather [hbm4b:s9+s20], $0x80, v19, vm0, $0xb8;
	[tilespmem:$0x1E400] =	vst v63  }
0x4de: {  	v47 =	vperm.xlane v17, v12;
	v19 =	vadd.s32 v3, v46;
	s22 =	simm.s32 $0x18800  }
0x4df: {  	[tilespmem:s22], [sflag:$0x3] =	stream.indirect_vreg.gather [hbm4b:s9+s20], $0x80, v44, vm0, $0xb8;
	[tilespmem:$0x1E400] =	vst v63  }
0x4e0: {  	v49 =	vperm.xlane v17, v13;
	v48 =	vadd.s32 v3, v47;
	s22 =	simm.s32 $0x18880  }
0x4e1: {  	[tilespmem:s22], [sflag:$0x3] =	stream.indirect_vreg.gather [hbm4b:s9+s20], $0x80, v18, vm0, $0xb8;
	[tilespmem:$0x1E400] =	vst v63  }
0x4e2: {  	v50 =	vperm.xlane v17, v14;
	v18 =	vadd.s32 v3, v49;
	s22 =	simm.s32 $0x18900  }
0x4e3: {  	[tilespmem:s22], [sflag:$0x3] =	stream.indirect_vreg.gather [hbm4b:s9+s20], $0x80, v19, vm0, $0xb8;
	[tilespmem:$0x1E400] =	vst v63  }
0x4e4: {  	v51 =	vperm.xlane v17, v15;
	v19 =	vadd.s32 v3, v50;
	s22 =	simm.s32 $0x18980  }
0x4e5: {  	[tilespmem:s22], [sflag:$0x3] =	stream.indirect_vreg.gather [hbm4b:s9+s20], $0x80, v48, vm0, $0xb8;
	[tilespmem:$0x1E400] =	vst v63  }
0x4e6: {  	v17 =	vperm.xlane v17, v16;
	v52 =	vadd.s32 v3, v51;
	s22 =	simm.s32 $0x18A00  }
0x4e7: {  	[tilespmem:s22], [sflag:$0x3] =	stream.indirect_vreg.gather [hbm4b:s9+s20], $0x80, v18, vm0, $0xb8;
	[tilespmem:$0x1E400] =	vst v63  }
0x4e8: {  	v17 =	vadd.s32 v3, v17;
	s22 =	simm.s32 $0x18A80  }
0x4e9: {  	[tilespmem:s22], [sflag:$0x3] =	stream.indirect_vreg.gather [hbm4b:s9+s20], $0x80, v19, vm0, $0xb8;
	[tilespmem:$0x1E400] =	vst v63  }
0x4ea: {  	s22 =	simm.s32 $0x18B00  }
0x4eb: {  	[tilespmem:s22], [sflag:$0x3] =	stream.indirect_vreg.gather [hbm4b:s9+s20], $0x80, v52, vm0, $0xb8;
	[tilespmem:$0x1E400] =	vst v63  }
0x4ec: {  	s22 =	simm.s32 $0x18B80  }
0x4ed: {  	[tilespmem:s22], [sflag:$0x3] =	stream.indirect_vreg.gather [hbm4b:s9+s20], $0x80, v17, vm0, $0xb8;
	[tilespmem:$0x1E400] =	vst v63  }
0x4ee: {  	v17 =	vld [tilespmem:$0x13C50];
	_ =	sdelay $0x4  }
0x4ef: {  	v18 =	vshll.u32 v17, $0x1  }
0x4f0: {  	v17 =	vand.u32 $0x7, v17;
	v18 =	vand.u32 $0xFFFFFFF0, v18  }
0x4f1: {  	v17 =	vor.u32 v17, v18  }
0x4f2: {  	v18 =	vperm.xlane v17, v2;
	_ =	sdelay $0x1  }
0x4f3: {  	v19 =	vperm.xlane v17, v1;
	v18 =	vadd.s32 v3, v18;
	_ =	sdelay $0x1  }
0x4f4: {  	v53 =	vperm.xlane v17, v4;
	v19 =	vadd.s32 v3, v19;
	_ =	sdelay $0x1  }
0x4f5: {  	s22 =	simm.s32 $0x18C00;
	v54 =	vperm.xlane v17, v5;
	v20 =	vadd.s32 v3, v53  }
0x4f6: {  	[tilespmem:s22], [sflag:$0x3] =	stream.indirect_vreg.gather [hbm4b:s9+s20], $0x80, v18, vm0, $0xb8;
	[tilespmem:$0x1E400] =	vst v63  }
0x4f7: {  	v55 =	vperm.xlane v17, v6;
	v18 =	vadd.s32 v3, v54;
	s22 =	simm.s32 $0x18C80  }
0x4f8: {  	[tilespmem:s22], [sflag:$0x3] =	stream.indirect_vreg.gather [hbm4b:s9+s20], $0x80, v19, vm0, $0xb8;
	[tilespmem:$0x1E400] =	vst v63  }
0x4f9: {  	v56 =	vperm.xlane v17, v7;
	v19 =	vadd.s32 v3, v55;
	s22 =	simm.s32 $0x18D00  }
0x4fa: {  	[tilespmem:s22], [sflag:$0x3] =	stream.indirect_vreg.gather [hbm4b:s9+s20], $0x80, v20, vm0, $0xb8;
	[tilespmem:$0x1E400] =	vst v63  }
0x4fb: {  	v58 =	vperm.xlane v17, v8;
	v57 =	vadd.s32 v3, v56;
	s22 =	simm.s32 $0x18D80  }
0x4fc: {  	[tilespmem:s22], [sflag:$0x3] =	stream.indirect_vreg.gather [hbm4b:s9+s20], $0x80, v18, vm0, $0xb8;
	[tilespmem:$0x1E400] =	vst v63  }
0x4fd: {  	v59 =	vperm.xlane v17, v0;
	v18 =	vadd.s32 v3, v58;
	s22 =	simm.s32 $0x18E00  }
0x4fe: {  	[tilespmem:s22], [sflag:$0x3] =	stream.indirect_vreg.gather [hbm4b:s9+s20], $0x80, v19, vm0, $0xb8;
	[tilespmem:$0x1E400] =	vst v63  }
0x4ff: {  	v60 =	vperm.xlane v17, v9;
	v19 =	vadd.s32 v3, v59;
	s22 =	simm.s32 $0x18E80  }
0x500: {  	[tilespmem:s22], [sflag:$0x3] =	stream.indirect_vreg.gather [hbm4b:s9+s20], $0x80, v57, vm0, $0xb8;
	[tilespmem:$0x1E400] =	vst v63  }
0x501: {  	v62 =	vperm.xlane v17, v10;
	v61 =	vadd.s32 v3, v60;
	s22 =	simm.s32 $0x18F00  }
0x502: {  	[tilespmem:s22], [sflag:$0x3] =	stream.indirect_vreg.gather [hbm4b:s9+s20], $0x80, v18, vm0, $0xb8;
	[tilespmem:$0x1E400] =	vst v63  }
0x503: {  	v63 =	vperm.xlane v17, v11;
	v18 =	vadd.s32 v3, v62;
	s22 =	simm.s32 $0x18F80  }
0x504: {  	[tilespmem:s22], [sflag:$0x3] =	stream.indirect_vreg.gather [hbm4b:s9+s20], $0x80, v19, vm0, $0xb8;
	[tilespmem:$0x1E400] =	vst v63  }
0x505: {  	v24 =	vperm.xlane v17, v12;
	v19 =	vadd.s32 v3, v63;
	s22 =	simm.s32 $0x19000  }
0x506: {  	[tilespmem:s22], [sflag:$0x3] =	stream.indirect_vreg.gather [hbm4b:s9+s20], $0x80, v61, vm0, $0xb8;
	[tilespmem:$0x1E400] =	vst v63  }
0x507: {  	v26 =	vperm.xlane v17, v13;
	v25 =	vadd.s32 v3, v24;
	s22 =	simm.s32 $0x19080  }
0x508: {  	[tilespmem:s22], [sflag:$0x3] =	stream.indirect_vreg.gather [hbm4b:s9+s20], $0x80, v18, vm0, $0xb8;
	[tilespmem:$0x1E400] =	vst v63  }
0x509: {  	v27 =	vperm.xlane v17, v14;
	v18 =	vadd.s32 v3, v26;
	s22 =	simm.s32 $0x19100  }
0x50a: {  	[tilespmem:s22], [sflag:$0x3] =	stream.indirect_vreg.gather [hbm4b:s9+s20], $0x80, v19, vm0, $0xb8;
	[tilespmem:$0x1E400] =	vst v63  }
0x50b: {  	v28 =	vperm.xlane v17, v15;
	v19 =	vadd.s32 v3, v27;
	s22 =	simm.s32 $0x19180  }
0x50c: {  	[tilespmem:s22], [sflag:$0x3] =	stream.indirect_vreg.gather [hbm4b:s9+s20], $0x80, v25, vm0, $0xb8;
	[tilespmem:$0x1E400] =	vst v63  }
0x50d: {  	v17 =	vperm.xlane v17, v16;
	v29 =	vadd.s32 v3, v28;
	s22 =	simm.s32 $0x19200  }
0x50e: {  	[tilespmem:s22], [sflag:$0x3] =	stream.indirect_vreg.gather [hbm4b:s9+s20], $0x80, v18, vm0, $0xb8;
	[tilespmem:$0x1E400] =	vst v63  }
0x50f: {  	v17 =	vadd.s32 v3, v17;
	s22 =	simm.s32 $0x19280  }
0x510: {  	[tilespmem:s22], [sflag:$0x3] =	stream.indirect_vreg.gather [hbm4b:s9+s20], $0x80, v19, vm0, $0xb8;
	[tilespmem:$0x1E400] =	vst v63  }
0x511: {  	s22 =	simm.s32 $0x19300  }
0x512: {  	[tilespmem:s22], [sflag:$0x3] =	stream.indirect_vreg.gather [hbm4b:s9+s20], $0x80, v29, vm0, $0xb8;
	[tilespmem:$0x1E400] =	vst v63  }
0x513: {  	s22 =	simm.s32 $0x19380  }
0x514: {  	[tilespmem:s22], [sflag:$0x3] =	stream.indirect_vreg.gather [hbm4b:s9+s20], $0x80, v17, vm0, $0xb8;
	[tilespmem:$0x1E400] =	vst v63  }
0x515: {  	v17 =	vld [tilespmem:$0x13C60];
	_ =	sdelay $0x4  }
0x516: {  	v18 =	vshll.u32 v17, $0x1  }
0x517: {  	v17 =	vand.u32 $0x7, v17;
	v18 =	vand.u32 $0xFFFFFFF0, v18  }
0x518: {  	v17 =	vor.u32 v17, v18  }
0x519: {  	v18 =	vperm.xlane v17, v2;
	_ =	sdelay $0x1  }
0x51a: {  	v19 =	vperm.xlane v17, v1;
	v18 =	vadd.s32 v3, v18;
	_ =	sdelay $0x1  }
0x51b: {  	v30 =	vperm.xlane v17, v4;
	v19 =	vadd.s32 v3, v19;
	_ =	sdelay $0x1  }
0x51c: {  	s22 =	simm.s32 $0x19400;
	v31 =	vperm.xlane v17, v5;
	v20 =	vadd.s32 v3, v30  }
0x51d: {  	[tilespmem:s22], [sflag:$0x4] =	stream.indirect_vreg.gather [hbm4b:s9+s20], $0x80, v18, vm0, $0xb8;
	[tilespmem:$0x1E400] =	vst v63  }
0x51e: {  	v32 =	vperm.xlane v17, v6;
	v18 =	vadd.s32 v3, v31;
	s22 =	simm.s32 $0x19480  }
0x51f: {  	[tilespmem:s22], [sflag:$0x4] =	stream.indirect_vreg.gather [hbm4b:s9+s20], $0x80, v19, vm0, $0xb8;
	[tilespmem:$0x1E400] =	vst v63  }
0x520: {  	v33 =	vperm.xlane v17, v7;
	v19 =	vadd.s32 v3, v32;
	s22 =	simm.s32 $0x19500  }
0x521: {  	[tilespmem:s22], [sflag:$0x4] =	stream.indirect_vreg.gather [hbm4b:s9+s20], $0x80, v20, vm0, $0xb8;
	[tilespmem:$0x1E400] =	vst v63  }
0x522: {  	v35 =	vperm.xlane v17, v8;
	v34 =	vadd.s32 v3, v33;
	s22 =	simm.s32 $0x19580  }
0x523: {  	[tilespmem:s22], [sflag:$0x4] =	stream.indirect_vreg.gather [hbm4b:s9+s20], $0x80, v18, vm0, $0xb8;
	[tilespmem:$0x1E400] =	vst v63  }
0x524: {  	v36 =	vperm.xlane v17, v0;
	v18 =	vadd.s32 v3, v35;
	s22 =	simm.s32 $0x19600  }
0x525: {  	[tilespmem:s22], [sflag:$0x4] =	stream.indirect_vreg.gather [hbm4b:s9+s20], $0x80, v19, vm0, $0xb8;
	[tilespmem:$0x1E400] =	vst v63  }
0x526: {  	v37 =	vperm.xlane v17, v9;
	v19 =	vadd.s32 v3, v36;
	s22 =	simm.s32 $0x19680  }
0x527: {  	[tilespmem:s22], [sflag:$0x4] =	stream.indirect_vreg.gather [hbm4b:s9+s20], $0x80, v34, vm0, $0xb8;
	[tilespmem:$0x1E400] =	vst v63  }
0x528: {  	v39 =	vperm.xlane v17, v10;
	v38 =	vadd.s32 v3, v37;
	s22 =	simm.s32 $0x19700  }
0x529: {  	[tilespmem:s22], [sflag:$0x4] =	stream.indirect_vreg.gather [hbm4b:s9+s20], $0x80, v18, vm0, $0xb8;
	[tilespmem:$0x1E400] =	vst v63  }
0x52a: {  	v40 =	vperm.xlane v17, v11;
	v18 =	vadd.s32 v3, v39;
	s22 =	simm.s32 $0x19780  }
0x52b: {  	[tilespmem:s22], [sflag:$0x4] =	stream.indirect_vreg.gather [hbm4b:s9+s20], $0x80, v19, vm0, $0xb8;
	[tilespmem:$0x1E400] =	vst v63  }
0x52c: {  	v41 =	vperm.xlane v17, v12;
	v19 =	vadd.s32 v3, v40;
	s22 =	simm.s32 $0x19800  }
0x52d: {  	[tilespmem:s22], [sflag:$0x4] =	stream.indirect_vreg.gather [hbm4b:s9+s20], $0x80, v38, vm0, $0xb8;
	[tilespmem:$0x1E400] =	vst v63  }
0x52e: {  	v43 =	vperm.xlane v17, v13;
	v42 =	vadd.s32 v3, v41;
	s22 =	simm.s32 $0x19880  }
0x52f: {  	[tilespmem:s22], [sflag:$0x4] =	stream.indirect_vreg.gather [hbm4b:s9+s20], $0x80, v18, vm0, $0xb8;
	[tilespmem:$0x1E400] =	vst v63  }
0x530: {  	v44 =	vperm.xlane v17, v14;
	v18 =	vadd.s32 v3, v43;
	s22 =	simm.s32 $0x19900  }
0x531: {  	[tilespmem:s22], [sflag:$0x4] =	stream.indirect_vreg.gather [hbm4b:s9+s20], $0x80, v19, vm0, $0xb8;
	[tilespmem:$0x1E400] =	vst v63  }
0x532: {  	v45 =	vperm.xlane v17, v15;
	v19 =	vadd.s32 v3, v44;
	s22 =	simm.s32 $0x19980  }
0x533: {  	[tilespmem:s22], [sflag:$0x4] =	stream.indirect_vreg.gather [hbm4b:s9+s20], $0x80, v42, vm0, $0xb8;
	[tilespmem:$0x1E400] =	vst v63  }
0x534: {  	v17 =	vperm.xlane v17, v16;
	v46 =	vadd.s32 v3, v45;
	s22 =	simm.s32 $0x19A00  }
0x535: {  	[tilespmem:s22], [sflag:$0x4] =	stream.indirect_vreg.gather [hbm4b:s9+s20], $0x80, v18, vm0, $0xb8;
	[tilespmem:$0x1E400] =	vst v63  }
0x536: {  	v17 =	vadd.s32 v3, v17;
	s22 =	simm.s32 $0x19A80  }
0x537: {  	[tilespmem:s22], [sflag:$0x4] =	stream.indirect_vreg.gather [hbm4b:s9+s20], $0x80, v19, vm0, $0xb8;
	[tilespmem:$0x1E400] =	vst v63  }
0x538: {  	s22 =	simm.s32 $0x19B00  }
0x539: {  	[tilespmem:s22], [sflag:$0x4] =	stream.indirect_vreg.gather [hbm4b:s9+s20], $0x80, v46, vm0, $0xb8;
	[tilespmem:$0x1E400] =	vst v63  }
0x53a: {  	s22 =	simm.s32 $0x19B80  }
0x53b: {  	[tilespmem:s22], [sflag:$0x4] =	stream.indirect_vreg.gather [hbm4b:s9+s20], $0x80, v17, vm0, $0xb8;
	[tilespmem:$0x1E400] =	vst v63  }
0x53c: {  	v17 =	vld [tilespmem:$0x13C70];
	_ =	sdelay $0x4  }
0x53d: {  	v18 =	vshll.u32 v17, $0x1  }
0x53e: {  	v17 =	vand.u32 $0x7, v17;
	v18 =	vand.u32 $0xFFFFFFF0, v18  }
0x53f: {  	v17 =	vor.u32 v17, v18  }
0x540: {  	v18 =	vperm.xlane v17, v2;
	_ =	sdelay $0x1  }
0x541: {  	v19 =	vperm.xlane v17, v1;
	v18 =	vadd.s32 v3, v18;
	_ =	sdelay $0x1  }
0x542: {  	v47 =	vperm.xlane v17, v4;
	v19 =	vadd.s32 v3, v19;
	_ =	sdelay $0x1  }
0x543: {  	s22 =	simm.s32 $0x19C00;
	v48 =	vperm.xlane v17, v5;
	v20 =	vadd.s32 v3, v47  }
0x544: {  	[tilespmem:s22], [sflag:$0x4] =	stream.indirect_vreg.gather [hbm4b:s9+s20], $0x80, v18, vm0, $0xb8;
	[tilespmem:$0x1E400] =	vst v63  }
0x545: {  	v49 =	vperm.xlane v17, v6;
	v18 =	vadd.s32 v3, v48;
	s22 =	simm.s32 $0x19C80  }
0x546: {  	[tilespmem:s22], [sflag:$0x4] =	stream.indirect_vreg.gather [hbm4b:s9+s20], $0x80, v19, vm0, $0xb8;
	[tilespmem:$0x1E400] =	vst v63  }
0x547: {  	v50 =	vperm.xlane v17, v7;
	v19 =	vadd.s32 v3, v49;
	s22 =	simm.s32 $0x19D00  }
0x548: {  	[tilespmem:s22], [sflag:$0x4] =	stream.indirect_vreg.gather [hbm4b:s9+s20], $0x80, v20, vm0, $0xb8;
	[tilespmem:$0x1E400] =	vst v63  }
0x549: {  	v52 =	vperm.xlane v17, v8;
	v51 =	vadd.s32 v3, v50;
	s22 =	simm.s32 $0x19D80  }
0x54a: {  	[tilespmem:s22], [sflag:$0x4] =	stream.indirect_vreg.gather [hbm4b:s9+s20], $0x80, v18, vm0, $0xb8;
	[tilespmem:$0x1E400] =	vst v63  }
0x54b: {  	v53 =	vperm.xlane v17, v0;
	v18 =	vadd.s32 v3, v52;
	s22 =	simm.s32 $0x19E00  }
0x54c: {  	[tilespmem:s22], [sflag:$0x4] =	stream.indirect_vreg.gather [hbm4b:s9+s20], $0x80, v19, vm0, $0xb8;
	[tilespmem:$0x1E400] =	vst v63  }
0x54d: {  	v54 =	vperm.xlane v17, v9;
	v19 =	vadd.s32 v3, v53;
	s22 =	simm.s32 $0x19E80  }
0x54e: {  	[tilespmem:s22], [sflag:$0x4] =	stream.indirect_vreg.gather [hbm4b:s9+s20], $0x80, v51, vm0, $0xb8;
	[tilespmem:$0x1E400] =	vst v63  }
0x54f: {  	v56 =	vperm.xlane v17, v10;
	v55 =	vadd.s32 v3, v54;
	s22 =	simm.s32 $0x19F00  }
0x550: {  	[tilespmem:s22], [sflag:$0x4] =	stream.indirect_vreg.gather [hbm4b:s9+s20], $0x80, v18, vm0, $0xb8;
	[tilespmem:$0x1E400] =	vst v63  }
0x551: {  	v57 =	vperm.xlane v17, v11;
	v18 =	vadd.s32 v3, v56;
	s22 =	simm.s32 $0x19F80  }
0x552: {  	[tilespmem:s22], [sflag:$0x4] =	stream.indirect_vreg.gather [hbm4b:s9+s20], $0x80, v19, vm0, $0xb8;
	[tilespmem:$0x1E400] =	vst v63  }
0x553: {  	v58 =	vperm.xlane v17, v12;
	v19 =	vadd.s32 v3, v57;
	s22 =	simm.s32 $0x1A000  }
0x554: {  	[tilespmem:s22], [sflag:$0x4] =	stream.indirect_vreg.gather [hbm4b:s9+s20], $0x80, v55, vm0, $0xb8;
	[tilespmem:$0x1E400] =	vst v63  }
0x555: {  	v60 =	vperm.xlane v17, v13;
	v59 =	vadd.s32 v3, v58;
	s22 =	simm.s32 $0x1A080  }
0x556: {  	[tilespmem:s22], [sflag:$0x4] =	stream.indirect_vreg.gather [hbm4b:s9+s20], $0x80, v18, vm0, $0xb8;
	[tilespmem:$0x1E400] =	vst v63  }
0x557: {  	v61 =	vperm.xlane v17, v14;
	v18 =	vadd.s32 v3, v60;
	s22 =	simm.s32 $0x1A100  }
0x558: {  	[tilespmem:s22], [sflag:$0x4] =	stream.indirect_vreg.gather [hbm4b:s9+s20], $0x80, v19, vm0, $0xb8;
	[tilespmem:$0x1E400] =	vst v63  }
0x559: {  	v19 =	vadd.s32 v3, v61;
	s22 =	simm.s32 $0x1A180  }
0x55a: {  	v62 =	vperm.xlane v17, v15;
	[tilespmem:s22], [sflag:$0x4] =	stream.indirect_vreg.gather [hbm4b:s9+s20], $0x80, v59, vm0, $0xb8;
	[tilespmem:$0x1E400] =	vst v63  }
0x55b: {  	s22 =	simm.s32 $0x1A200  }
0x55c: {  	v17 =	vperm.xlane v17, v16;
	v63 =	vadd.s32 v3, v62;
	[tilespmem:s22], [sflag:$0x4] =	stream.indirect_vreg.gather [hbm4b:s9+s20], $0x80, v18, vm0, $0xb8;
	[tilespmem:$0x1E400] =	vst v63  }
0x55d: {  	s22 =	simm.s32 $0x1A280  }
0x55e: {  	v17 =	vadd.s32 v3, v17;
	[tilespmem:s22], [sflag:$0x4] =	stream.indirect_vreg.gather [hbm4b:s9+s20], $0x80, v19, vm0, $0xb8;
	[tilespmem:$0x1E400] =	vst v63  }
.Ltmp6:
0x55f: {  	_ = 	snop;
	(pc) =	sbr.rel .LBB2_6-.Ltmp6, $4  }
0x560: {  	s22 =	simm.s32 $0x1A300  }
0x561: {  	[tilespmem:s22], [sflag:$0x4] =	stream.indirect_vreg.gather [hbm4b:s9+s20], $0x80, v63, vm0, $0xb8;
	[tilespmem:$0x1E400] =	vst v63  }
0x562: {  	s22 =	simm.s32 $0x1A380  }
0x563: {  	[tilespmem:s22], [sflag:$0x4] =	stream.indirect_vreg.gather [hbm4b:s9+s20], $0x80, v17, vm0, $0xb8;
	[tilespmem:$0x1E400] =	vst v63  }
.LBB2_8:
0x564: {  	_ =	swait.ge [sflag:s31], $0x1000  }
0x565: {  	[sflag:s31] =	ssyncset.done $0x0  }
0x566: {  	[sflag:s31] =	ssyncadd.s32 $0xFFFFF000  }
0x567: {  	_ =	swait.ge [sflag:s0], $0x1000  }
0x568: {  	[sflag:s0] =	ssyncset.done $0x0  }
0x569: {  	[sflag:s0] =	ssyncadd.s32 $0xFFFFF000  }
0x56a: {  	s20 =	sadd.s32 $0x400, s20;
	_ =	swait.ge [sflag:s30], $0x1000  }
0x56b: {  	p2 =	sne.s32 s20, $0x5000;
	[sflag:s30] =	ssyncset.done $0x0  }
.Ltmp7:
0x56c: {  	[sflag:s30] =	ssyncadd.s32 $0xFFFFF000;
	(pc) =	sbr.rel @!p2 .LBB2_9-.Ltmp7, $4  }
0x56d: {  	_ =	swait.ge [sflag:s29], $0x1000  }
0x56e: {  	[sflag:s29] =	ssyncset.done $0x0  }
0x56f: {  	s21 =	sadd.s32 $0x15080, s21;
	[sflag:s29] =	ssyncadd.s32 $0xFFFFF000  }
0x570: {  	[spmem:s1] =	stream.indirect.scatter.add.f32 [tilespmem:s13], [sflag:$0xA], $0x80, s21, s17, $0xb8;
	[tilespmem:$0x1E400] =	vst v63  }
.LBB2_6:
0x571: {  	p2 =	seq.s32 s20, $0x0  }
0x572: {  	s21 =	simm.s32 @!p2 $0xA  }
0x573: {  	_ =	swait.ge @!p2 [sflag:s21], $0x4000  }
0x574: {  	[sflag:s21] =	ssyncset.done @!p2 $0x0  }
0x575: {  	[sflag:s21] =	ssyncadd.s32 @!p2 $0xFFFFC000;
	s21 =	sshra.s32 s20, $0x2  }
0x576: {  	v17 =	vld [tilespmem:s21+$0x13C80];
	_ =	sdelay $0x4  }
0x577: {  	v18 =	vshll.u32 v17, $0x1  }
0x578: {  	v17 =	vand.u32 $0x7, v17;
	v18 =	vand.u32 $0xFFFFFFF0, v18  }
0x579: {  	v17 =	vor.u32 v17, v18  }
0x57a: {  	v18 =	vperm.xlane v17, v2;
	_ =	sdelay $0x1  }
0x57b: {  	v19 =	vperm.xlane v17, v1;
	v18 =	vadd.s32 v3, v18;
	_ =	sdelay $0x1  }
0x57c: {  	v20 =	vperm.xlane v17, v4;
	v19 =	vadd.s32 v3, v19;
	_ =	sdelay $0x1  }
0x57d: {  	v21 =	vperm.xlane v17, v5;
	v20 =	vadd.s32 v3, v20  }
0x57e: {  	[tilespmem:s13], [sflag:$0x5] =	stream.indirect_vreg.gather [hbm4b:s9+s2], $0x80, v18, vm0, $0xb8;
	[tilespmem:$0x1E400] =	vst v63  }
0x57f: {  	s22 =	simm.s32 $0x1A480;
	v50 =	vperm.xlane v17, v6;
	v18 =	vadd.s32 v3, v21  }
0x580: {  	[tilespmem:s22], [sflag:$0x5] =	stream.indirect_vreg.gather [hbm4b:s9+s2], $0x80, v19, vm0, $0xb8;
	[tilespmem:$0x1E400] =	vst v63  }
0x581: {  	v51 =	vperm.xlane v17, v7;
	v19 =	vadd.s32 v3, v50;
	s22 =	simm.s32 $0x1A500  }
0x582: {  	[tilespmem:s22], [sflag:$0x5] =	stream.indirect_vreg.gather [hbm4b:s9+s2], $0x80, v20, vm0, $0xb8;
	[tilespmem:$0x1E400] =	vst v63  }
0x583: {  	v53 =	vperm.xlane v17, v8;
	v52 =	vadd.s32 v3, v51;
	s22 =	simm.s32 $0x1A580  }
0x584: {  	[tilespmem:s22], [sflag:$0x5] =	stream.indirect_vreg.gather [hbm4b:s9+s2], $0x80, v18, vm0, $0xb8;
	[tilespmem:$0x1E400] =	vst v63  }
0x585: {  	v54 =	vperm.xlane v17, v0;
	v18 =	vadd.s32 v3, v53;
	s22 =	simm.s32 $0x1A600  }
0x586: {  	[tilespmem:s22], [sflag:$0x5] =	stream.indirect_vreg.gather [hbm4b:s9+s2], $0x80, v19, vm0, $0xb8;
	[tilespmem:$0x1E400] =	vst v63  }
0x587: {  	v55 =	vperm.xlane v17, v9;
	v19 =	vadd.s32 v3, v54;
	s22 =	simm.s32 $0x1A680  }
0x588: {  	[tilespmem:s22], [sflag:$0x5] =	stream.indirect_vreg.gather [hbm4b:s9+s2], $0x80, v52, vm0, $0xb8;
	[tilespmem:$0x1E400] =	vst v63  }
0x589: {  	v57 =	vperm.xlane v17, v10;
	v56 =	vadd.s32 v3, v55;
	s22 =	simm.s32 $0x1A700  }
0x58a: {  	[tilespmem:s22], [sflag:$0x5] =	stream.indirect_vreg.gather [hbm4b:s9+s2], $0x80, v18, vm0, $0xb8;
	[tilespmem:$0x1E400] =	vst v63  }
0x58b: {  	v58 =	vperm.xlane v17, v11;
	v18 =	vadd.s32 v3, v57;
	s22 =	simm.s32 $0x1A780  }
0x58c: {  	[tilespmem:s22], [sflag:$0x5] =	stream.indirect_vreg.gather [hbm4b:s9+s2], $0x80, v19, vm0, $0xb8;
	[tilespmem:$0x1E400] =	vst v63  }
0x58d: {  	v59 =	vperm.xlane v17, v12;
	v19 =	vadd.s32 v3, v58;
	s22 =	simm.s32 $0x1A800  }
0x58e: {  	[tilespmem:s22], [sflag:$0x5] =	stream.indirect_vreg.gather [hbm4b:s9+s2], $0x80, v56, vm0, $0xb8;
	[tilespmem:$0x1E400] =	vst v63  }
0x58f: {  	v61 =	vperm.xlane v17, v13;
	v60 =	vadd.s32 v3, v59;
	s22 =	simm.s32 $0x1A880  }
0x590: {  	[tilespmem:s22], [sflag:$0x5] =	stream.indirect_vreg.gather [hbm4b:s9+s2], $0x80, v18, vm0, $0xb8;
	[tilespmem:$0x1E400] =	vst v63  }
0x591: {  	v62 =	vperm.xlane v17, v14;
	v18 =	vadd.s32 v3, v61;
	s22 =	simm.s32 $0x1A900  }
0x592: {  	[tilespmem:s22], [sflag:$0x5] =	stream.indirect_vreg.gather [hbm4b:s9+s2], $0x80, v19, vm0, $0xb8;
	[tilespmem:$0x1E400] =	vst v63  }
0x593: {  	v63 =	vperm.xlane v17, v15;
	v19 =	vadd.s32 v3, v62;
	s22 =	simm.s32 $0x1A980  }
0x594: {  	[tilespmem:s22], [sflag:$0x5] =	stream.indirect_vreg.gather [hbm4b:s9+s2], $0x80, v60, vm0, $0xb8;
	[tilespmem:$0x1E400] =	vst v63  }
0x595: {  	v17 =	vperm.xlane v17, v16;
	v24 =	vadd.s32 v3, v63;
	s22 =	simm.s32 $0x1AA00  }
0x596: {  	[tilespmem:s22], [sflag:$0x5] =	stream.indirect_vreg.gather [hbm4b:s9+s2], $0x80, v18, vm0, $0xb8;
	[tilespmem:$0x1E400] =	vst v63  }
0x597: {  	v17 =	vadd.s32 v3, v17;
	s22 =	simm.s32 $0x1AA80  }
0x598: {  	[tilespmem:s22], [sflag:$0x5] =	stream.indirect_vreg.gather [hbm4b:s9+s2], $0x80, v19, vm0, $0xb8;
	[tilespmem:$0x1E400] =	vst v63  }
0x599: {  	s22 =	simm.s32 $0x1AB00  }
0x59a: {  	[tilespmem:s22], [sflag:$0x5] =	stream.indirect_vreg.gather [hbm4b:s9+s2], $0x80, v24, vm0, $0xb8;
	[tilespmem:$0x1E400] =	vst v63  }
0x59b: {  	s22 =	simm.s32 $0x1AB80  }
0x59c: {  	[tilespmem:s22], [sflag:$0x5] =	stream.indirect_vreg.gather [hbm4b:s9+s2], $0x80, v17, vm0, $0xb8;
	[tilespmem:$0x1E400] =	vst v63  }
0x59d: {  	v17 =	vld [tilespmem:s21+$0x13C90];
	_ =	sdelay $0x4  }
0x59e: {  	v18 =	vshll.u32 v17, $0x1  }
0x59f: {  	v17 =	vand.u32 $0x7, v17;
	v18 =	vand.u32 $0xFFFFFFF0, v18  }
0x5a0: {  	v17 =	vor.u32 v17, v18  }
0x5a1: {  	v18 =	vperm.xlane v17, v2;
	_ =	sdelay $0x1  }
0x5a2: {  	v19 =	vperm.xlane v17, v1;
	v18 =	vadd.s32 v3, v18;
	_ =	sdelay $0x1  }
0x5a3: {  	v25 =	vperm.xlane v17, v4;
	v19 =	vadd.s32 v3, v19;
	_ =	sdelay $0x1  }
0x5a4: {  	s22 =	simm.s32 $0x1AC00;
	v26 =	vperm.xlane v17, v5;
	v20 =	vadd.s32 v3, v25  }
0x5a5: {  	[tilespmem:s22], [sflag:$0x5] =	stream.indirect_vreg.gather [hbm4b:s9+s2], $0x80, v18, vm0, $0xb8;
	[tilespmem:$0x1E400] =	vst v63  }
0x5a6: {  	v27 =	vperm.xlane v17, v6;
	v18 =	vadd.s32 v3, v26;
	s22 =	simm.s32 $0x1AC80  }
0x5a7: {  	[tilespmem:s22], [sflag:$0x5] =	stream.indirect_vreg.gather [hbm4b:s9+s2], $0x80, v19, vm0, $0xb8;
	[tilespmem:$0x1E400] =	vst v63  }
0x5a8: {  	v28 =	vperm.xlane v17, v7;
	v19 =	vadd.s32 v3, v27;
	s22 =	simm.s32 $0x1AD00  }
0x5a9: {  	[tilespmem:s22], [sflag:$0x5] =	stream.indirect_vreg.gather [hbm4b:s9+s2], $0x80, v20, vm0, $0xb8;
	[tilespmem:$0x1E400] =	vst v63  }
0x5aa: {  	v30 =	vperm.xlane v17, v8;
	v29 =	vadd.s32 v3, v28;
	s22 =	simm.s32 $0x1AD80  }
0x5ab: {  	[tilespmem:s22], [sflag:$0x5] =	stream.indirect_vreg.gather [hbm4b:s9+s2], $0x80, v18, vm0, $0xb8;
	[tilespmem:$0x1E400] =	vst v63  }
0x5ac: {  	v31 =	vperm.xlane v17, v0;
	v18 =	vadd.s32 v3, v30;
	s22 =	simm.s32 $0x1AE00  }
0x5ad: {  	[tilespmem:s22], [sflag:$0x5] =	stream.indirect_vreg.gather [hbm4b:s9+s2], $0x80, v19, vm0, $0xb8;
	[tilespmem:$0x1E400] =	vst v63  }
0x5ae: {  	v32 =	vperm.xlane v17, v9;
	v19 =	vadd.s32 v3, v31;
	s22 =	simm.s32 $0x1AE80  }
0x5af: {  	[tilespmem:s22], [sflag:$0x5] =	stream.indirect_vreg.gather [hbm4b:s9+s2], $0x80, v29, vm0, $0xb8;
	[tilespmem:$0x1E400] =	vst v63  }
0x5b0: {  	v34 =	vperm.xlane v17, v10;
	v33 =	vadd.s32 v3, v32;
	s22 =	simm.s32 $0x1AF00  }
0x5b1: {  	[tilespmem:s22], [sflag:$0x5] =	stream.indirect_vreg.gather [hbm4b:s9+s2], $0x80, v18, vm0, $0xb8;
	[tilespmem:$0x1E400] =	vst v63  }
0x5b2: {  	v35 =	vperm.xlane v17, v11;
	v18 =	vadd.s32 v3, v34;
	s22 =	simm.s32 $0x1AF80  }
0x5b3: {  	[tilespmem:s22], [sflag:$0x5] =	stream.indirect_vreg.gather [hbm4b:s9+s2], $0x80, v19, vm0, $0xb8;
	[tilespmem:$0x1E400] =	vst v63  }
0x5b4: {  	v36 =	vperm.xlane v17, v12;
	v19 =	vadd.s32 v3, v35;
	s22 =	simm.s32 $0x1B000  }
0x5b5: {  	[tilespmem:s22], [sflag:$0x5] =	stream.indirect_vreg.gather [hbm4b:s9+s2], $0x80, v33, vm0, $0xb8;
	[tilespmem:$0x1E400] =	vst v63  }
0x5b6: {  	v38 =	vperm.xlane v17, v13;
	v37 =	vadd.s32 v3, v36;
	s22 =	simm.s32 $0x1B080  }
0x5b7: {  	[tilespmem:s22], [sflag:$0x5] =	stream.indirect_vreg.gather [hbm4b:s9+s2], $0x80, v18, vm0, $0xb8;
	[tilespmem:$0x1E400] =	vst v63  }
0x5b8: {  	v39 =	vperm.xlane v17, v14;
	v18 =	vadd.s32 v3, v38;
	s22 =	simm.s32 $0x1B100  }
0x5b9: {  	[tilespmem:s22], [sflag:$0x5] =	stream.indirect_vreg.gather [hbm4b:s9+s2], $0x80, v19, vm0, $0xb8;
	[tilespmem:$0x1E400] =	vst v63  }
0x5ba: {  	v40 =	vperm.xlane v17, v15;
	v19 =	vadd.s32 v3, v39;
	s22 =	simm.s32 $0x1B180  }
0x5bb: {  	[tilespmem:s22], [sflag:$0x5] =	stream.indirect_vreg.gather [hbm4b:s9+s2], $0x80, v37, vm0, $0xb8;
	[tilespmem:$0x1E400] =	vst v63  }
0x5bc: {  	v17 =	vperm.xlane v17, v16;
	v41 =	vadd.s32 v3, v40;
	s22 =	simm.s32 $0x1B200  }
0x5bd: {  	[tilespmem:s22], [sflag:$0x5] =	stream.indirect_vreg.gather [hbm4b:s9+s2], $0x80, v18, vm0, $0xb8;
	[tilespmem:$0x1E400] =	vst v63  }
0x5be: {  	v17 =	vadd.s32 v3, v17;
	s22 =	simm.s32 $0x1B280  }
0x5bf: {  	[tilespmem:s22], [sflag:$0x5] =	stream.indirect_vreg.gather [hbm4b:s9+s2], $0x80, v19, vm0, $0xb8;
	[tilespmem:$0x1E400] =	vst v63  }
0x5c0: {  	s22 =	simm.s32 $0x1B300  }
0x5c1: {  	[tilespmem:s22], [sflag:$0x5] =	stream.indirect_vreg.gather [hbm4b:s9+s2], $0x80, v41, vm0, $0xb8;
	[tilespmem:$0x1E400] =	vst v63  }
0x5c2: {  	s22 =	simm.s32 $0x1B380  }
0x5c3: {  	[tilespmem:s22], [sflag:$0x5] =	stream.indirect_vreg.gather [hbm4b:s9+s2], $0x80, v17, vm0, $0xb8;
	[tilespmem:$0x1E400] =	vst v63  }
0x5c4: {  	v17 =	vld [tilespmem:s21+$0x13CA0];
	_ =	sdelay $0x4  }
0x5c5: {  	v18 =	vshll.u32 v17, $0x1  }
0x5c6: {  	v17 =	vand.u32 $0x7, v17;
	v18 =	vand.u32 $0xFFFFFFF0, v18  }
0x5c7: {  	v17 =	vor.u32 v17, v18  }
0x5c8: {  	v18 =	vperm.xlane v17, v2;
	_ =	sdelay $0x1  }
0x5c9: {  	v19 =	vperm.xlane v17, v1;
	v18 =	vadd.s32 v3, v18;
	_ =	sdelay $0x1  }
0x5ca: {  	v42 =	vperm.xlane v17, v4;
	v19 =	vadd.s32 v3, v19;
	_ =	sdelay $0x1  }
0x5cb: {  	s22 =	simm.s32 $0x1B400;
	v43 =	vperm.xlane v17, v5;
	v20 =	vadd.s32 v3, v42  }
0x5cc: {  	[tilespmem:s22], [sflag:$0x6] =	stream.indirect_vreg.gather [hbm4b:s9+s2], $0x80, v18, vm0, $0xb8;
	[tilespmem:$0x1E400] =	vst v63  }
0x5cd: {  	v44 =	vperm.xlane v17, v6;
	v18 =	vadd.s32 v3, v43;
	s22 =	simm.s32 $0x1B480  }
0x5ce: {  	[tilespmem:s22], [sflag:$0x6] =	stream.indirect_vreg.gather [hbm4b:s9+s2], $0x80, v19, vm0, $0xb8;
	[tilespmem:$0x1E400] =	vst v63  }
0x5cf: {  	v45 =	vperm.xlane v17, v7;
	v19 =	vadd.s32 v3, v44;
	s22 =	simm.s32 $0x1B500  }
0x5d0: {  	[tilespmem:s22], [sflag:$0x6] =	stream.indirect_vreg.gather [hbm4b:s9+s2], $0x80, v20, vm0, $0xb8;
	[tilespmem:$0x1E400] =	vst v63  }
0x5d1: {  	v47 =	vperm.xlane v17, v8;
	v46 =	vadd.s32 v3, v45;
	s22 =	simm.s32 $0x1B580  }
0x5d2: {  	[tilespmem:s22], [sflag:$0x6] =	stream.indirect_vreg.gather [hbm4b:s9+s2], $0x80, v18, vm0, $0xb8;
	[tilespmem:$0x1E400] =	vst v63  }
0x5d3: {  	v48 =	vperm.xlane v17, v0;
	v18 =	vadd.s32 v3, v47;
	s22 =	simm.s32 $0x1B600  }
0x5d4: {  	[tilespmem:s22], [sflag:$0x6] =	stream.indirect_vreg.gather [hbm4b:s9+s2], $0x80, v19, vm0, $0xb8;
	[tilespmem:$0x1E400] =	vst v63  }
0x5d5: {  	v49 =	vperm.xlane v17, v9;
	v19 =	vadd.s32 v3, v48;
	s22 =	simm.s32 $0x1B680  }
0x5d6: {  	[tilespmem:s22], [sflag:$0x6] =	stream.indirect_vreg.gather [hbm4b:s9+s2], $0x80, v46, vm0, $0xb8;
	[tilespmem:$0x1E400] =	vst v63  }
0x5d7: {  	v51 =	vperm.xlane v17, v10;
	v50 =	vadd.s32 v3, v49;
	s22 =	simm.s32 $0x1B700  }
0x5d8: {  	[tilespmem:s22], [sflag:$0x6] =	stream.indirect_vreg.gather [hbm4b:s9+s2], $0x80, v18, vm0, $0xb8;
	[tilespmem:$0x1E400] =	vst v63  }
0x5d9: {  	v52 =	vperm.xlane v17, v11;
	v18 =	vadd.s32 v3, v51;
	s22 =	simm.s32 $0x1B780  }
0x5da: {  	[tilespmem:s22], [sflag:$0x6] =	stream.indirect_vreg.gather [hbm4b:s9+s2], $0x80, v19, vm0, $0xb8;
	[tilespmem:$0x1E400] =	vst v63  }
0x5db: {  	v53 =	vperm.xlane v17, v12;
	v19 =	vadd.s32 v3, v52;
	s22 =	simm.s32 $0x1B800  }
0x5dc: {  	[tilespmem:s22], [sflag:$0x6] =	stream.indirect_vreg.gather [hbm4b:s9+s2], $0x80, v50, vm0, $0xb8;
	[tilespmem:$0x1E400] =	vst v63  }
0x5dd: {  	v55 =	vperm.xlane v17, v13;
	v54 =	vadd.s32 v3, v53;
	s22 =	simm.s32 $0x1B880  }
0x5de: {  	[tilespmem:s22], [sflag:$0x6] =	stream.indirect_vreg.gather [hbm4b:s9+s2], $0x80, v18, vm0, $0xb8;
	[tilespmem:$0x1E400] =	vst v63  }
0x5df: {  	v56 =	vperm.xlane v17, v14;
	v18 =	vadd.s32 v3, v55;
	s22 =	simm.s32 $0x1B900  }
0x5e0: {  	[tilespmem:s22], [sflag:$0x6] =	stream.indirect_vreg.gather [hbm4b:s9+s2], $0x80, v19, vm0, $0xb8;
	[tilespmem:$0x1E400] =	vst v63  }
0x5e1: {  	v57 =	vperm.xlane v17, v15;
	v19 =	vadd.s32 v3, v56;
	s22 =	simm.s32 $0x1B980  }
0x5e2: {  	[tilespmem:s22], [sflag:$0x6] =	stream.indirect_vreg.gather [hbm4b:s9+s2], $0x80, v54, vm0, $0xb8;
	[tilespmem:$0x1E400] =	vst v63  }
0x5e3: {  	v17 =	vperm.xlane v17, v16;
	v58 =	vadd.s32 v3, v57;
	s22 =	simm.s32 $0x1BA00  }
0x5e4: {  	[tilespmem:s22], [sflag:$0x6] =	stream.indirect_vreg.gather [hbm4b:s9+s2], $0x80, v18, vm0, $0xb8;
	[tilespmem:$0x1E400] =	vst v63  }
0x5e5: {  	v17 =	vadd.s32 v3, v17;
	s22 =	simm.s32 $0x1BA80  }
0x5e6: {  	[tilespmem:s22], [sflag:$0x6] =	stream.indirect_vreg.gather [hbm4b:s9+s2], $0x80, v19, vm0, $0xb8;
	[tilespmem:$0x1E400] =	vst v63  }
0x5e7: {  	s22 =	simm.s32 $0x1BB00  }
0x5e8: {  	[tilespmem:s22], [sflag:$0x6] =	stream.indirect_vreg.gather [hbm4b:s9+s2], $0x80, v58, vm0, $0xb8;
	[tilespmem:$0x1E400] =	vst v63  }
0x5e9: {  	s22 =	simm.s32 $0x1BB80  }
0x5ea: {  	[tilespmem:s22], [sflag:$0x6] =	stream.indirect_vreg.gather [hbm4b:s9+s2], $0x80, v17, vm0, $0xb8;
	[tilespmem:$0x1E400] =	vst v63  }
0x5eb: {  	v17 =	vld [tilespmem:s21+$0x13CB0];
	_ =	sdelay $0x4  }
0x5ec: {  	v18 =	vshll.u32 v17, $0x1  }
0x5ed: {  	v17 =	vand.u32 $0x7, v17;
	v18 =	vand.u32 $0xFFFFFFF0, v18  }
0x5ee: {  	v17 =	vor.u32 v17, v18  }
0x5ef: {  	v18 =	vperm.xlane v17, v2;
	_ =	sdelay $0x1  }
0x5f0: {  	v19 =	vperm.xlane v17, v1;
	v18 =	vadd.s32 v3, v18;
	_ =	sdelay $0x1  }
0x5f1: {  	v59 =	vperm.xlane v17, v4;
	v19 =	vadd.s32 v3, v19;
	_ =	sdelay $0x1  }
0x5f2: {  	s22 =	simm.s32 $0x1BC00;
	v60 =	vperm.xlane v17, v5;
	v20 =	vadd.s32 v3, v59  }
0x5f3: {  	[tilespmem:s22], [sflag:$0x6] =	stream.indirect_vreg.gather [hbm4b:s9+s2], $0x80, v18, vm0, $0xb8;
	[tilespmem:$0x1E400] =	vst v63  }
0x5f4: {  	v61 =	vperm.xlane v17, v6;
	v18 =	vadd.s32 v3, v60;
	s22 =	simm.s32 $0x1BC80  }
0x5f5: {  	[tilespmem:s22], [sflag:$0x6] =	stream.indirect_vreg.gather [hbm4b:s9+s2], $0x80, v19, vm0, $0xb8;
	[tilespmem:$0x1E400] =	vst v63  }
0x5f6: {  	v62 =	vperm.xlane v17, v7;
	v19 =	vadd.s32 v3, v61;
	s22 =	simm.s32 $0x1BD00  }
0x5f7: {  	[tilespmem:s22], [sflag:$0x6] =	stream.indirect_vreg.gather [hbm4b:s9+s2], $0x80, v20, vm0, $0xb8;
	[tilespmem:$0x1E400] =	vst v63  }
0x5f8: {  	v24 =	vperm.xlane v17, v8;
	v63 =	vadd.s32 v3, v62;
	s22 =	simm.s32 $0x1BD80  }
0x5f9: {  	[tilespmem:s22], [sflag:$0x6] =	stream.indirect_vreg.gather [hbm4b:s9+s2], $0x80, v18, vm0, $0xb8;
	[tilespmem:$0x1E400] =	vst v63  }
0x5fa: {  	v25 =	vperm.xlane v17, v0;
	v18 =	vadd.s32 v3, v24;
	s22 =	simm.s32 $0x1BE00  }
0x5fb: {  	[tilespmem:s22], [sflag:$0x6] =	stream.indirect_vreg.gather [hbm4b:s9+s2], $0x80, v19, vm0, $0xb8;
	[tilespmem:$0x1E400] =	vst v63  }
0x5fc: {  	v26 =	vperm.xlane v17, v9;
	v19 =	vadd.s32 v3, v25;
	s22 =	simm.s32 $0x1BE80  }
0x5fd: {  	[tilespmem:s22], [sflag:$0x6] =	stream.indirect_vreg.gather [hbm4b:s9+s2], $0x80, v63, vm0, $0xb8;
	[tilespmem:$0x1E400] =	vst v63  }
0x5fe: {  	v28 =	vperm.xlane v17, v10;
	v27 =	vadd.s32 v3, v26;
	s22 =	simm.s32 $0x1BF00  }
0x5ff: {  	[tilespmem:s22], [sflag:$0x6] =	stream.indirect_vreg.gather [hbm4b:s9+s2], $0x80, v18, vm0, $0xb8;
	[tilespmem:$0x1E400] =	vst v63  }
0x600: {  	v29 =	vperm.xlane v17, v11;
	v18 =	vadd.s32 v3, v28;
	s22 =	simm.s32 $0x1BF80  }
0x601: {  	[tilespmem:s22], [sflag:$0x6] =	stream.indirect_vreg.gather [hbm4b:s9+s2], $0x80, v19, vm0, $0xb8;
	[tilespmem:$0x1E400] =	vst v63  }
0x602: {  	v30 =	vperm.xlane v17, v12;
	v19 =	vadd.s32 v3, v29;
	s22 =	simm.s32 $0x1C000  }
0x603: {  	[tilespmem:s22], [sflag:$0x6] =	stream.indirect_vreg.gather [hbm4b:s9+s2], $0x80, v27, vm0, $0xb8;
	[tilespmem:$0x1E400] =	vst v63  }
0x604: {  	v32 =	vperm.xlane v17, v13;
	v31 =	vadd.s32 v3, v30;
	s22 =	simm.s32 $0x1C080  }
0x605: {  	[tilespmem:s22], [sflag:$0x6] =	stream.indirect_vreg.gather [hbm4b:s9+s2], $0x80, v18, vm0, $0xb8;
	[tilespmem:$0x1E400] =	vst v63  }
0x606: {  	v33 =	vperm.xlane v17, v14;
	v18 =	vadd.s32 v3, v32;
	s22 =	simm.s32 $0x1C100  }
0x607: {  	[tilespmem:s22], [sflag:$0x6] =	stream.indirect_vreg.gather [hbm4b:s9+s2], $0x80, v19, vm0, $0xb8;
	[tilespmem:$0x1E400] =	vst v63  }
0x608: {  	v34 =	vperm.xlane v17, v15;
	v19 =	vadd.s32 v3, v33;
	s22 =	simm.s32 $0x1C180  }
0x609: {  	[tilespmem:s22], [sflag:$0x6] =	stream.indirect_vreg.gather [hbm4b:s9+s2], $0x80, v31, vm0, $0xb8;
	[tilespmem:$0x1E400] =	vst v63  }
0x60a: {  	v17 =	vperm.xlane v17, v16;
	v35 =	vadd.s32 v3, v34;
	s22 =	simm.s32 $0x1C200  }
0x60b: {  	[tilespmem:s22], [sflag:$0x6] =	stream.indirect_vreg.gather [hbm4b:s9+s2], $0x80, v18, vm0, $0xb8;
	[tilespmem:$0x1E400] =	vst v63  }
0x60c: {  	v17 =	vadd.s32 v3, v17;
	s22 =	simm.s32 $0x1C280  }
0x60d: {  	[tilespmem:s22], [sflag:$0x6] =	stream.indirect_vreg.gather [hbm4b:s9+s2], $0x80, v19, vm0, $0xb8;
	[tilespmem:$0x1E400] =	vst v63  }
0x60e: {  	s22 =	simm.s32 $0x1C300  }
0x60f: {  	[tilespmem:s22], [sflag:$0x6] =	stream.indirect_vreg.gather [hbm4b:s9+s2], $0x80, v35, vm0, $0xb8;
	[tilespmem:$0x1E400] =	vst v63  }
0x610: {  	s22 =	simm.s32 $0x1C380  }
0x611: {  	[tilespmem:s22], [sflag:$0x6] =	stream.indirect_vreg.gather [hbm4b:s9+s2], $0x80, v17, vm0, $0xb8;
	[tilespmem:$0x1E400] =	vst v63  }
0x612: {  	v17 =	vld [tilespmem:s21+$0x13CC0];
	_ =	sdelay $0x4  }
0x613: {  	v18 =	vshll.u32 v17, $0x1  }
0x614: {  	v17 =	vand.u32 $0x7, v17;
	v18 =	vand.u32 $0xFFFFFFF0, v18  }
0x615: {  	v17 =	vor.u32 v17, v18  }
0x616: {  	v18 =	vperm.xlane v17, v2;
	_ =	sdelay $0x1  }
0x617: {  	v19 =	vperm.xlane v17, v1;
	v18 =	vadd.s32 v3, v18;
	_ =	sdelay $0x1  }
0x618: {  	v36 =	vperm.xlane v17, v4;
	v19 =	vadd.s32 v3, v19;
	_ =	sdelay $0x1  }
0x619: {  	s22 =	simm.s32 $0x1C400;
	v37 =	vperm.xlane v17, v5;
	v20 =	vadd.s32 v3, v36  }
0x61a: {  	[tilespmem:s22], [sflag:$0x7] =	stream.indirect_vreg.gather [hbm4b:s9+s2], $0x80, v18, vm0, $0xb8;
	[tilespmem:$0x1E400] =	vst v63  }
0x61b: {  	v38 =	vperm.xlane v17, v6;
	v18 =	vadd.s32 v3, v37;
	s22 =	simm.s32 $0x1C480  }
0x61c: {  	[tilespmem:s22], [sflag:$0x7] =	stream.indirect_vreg.gather [hbm4b:s9+s2], $0x80, v19, vm0, $0xb8;
	[tilespmem:$0x1E400] =	vst v63  }
0x61d: {  	v39 =	vperm.xlane v17, v7;
	v19 =	vadd.s32 v3, v38;
	s22 =	simm.s32 $0x1C500  }
0x61e: {  	[tilespmem:s22], [sflag:$0x7] =	stream.indirect_vreg.gather [hbm4b:s9+s2], $0x80, v20, vm0, $0xb8;
	[tilespmem:$0x1E400] =	vst v63  }
0x61f: {  	v41 =	vperm.xlane v17, v8;
	v40 =	vadd.s32 v3, v39;
	s22 =	simm.s32 $0x1C580  }
0x620: {  	[tilespmem:s22], [sflag:$0x7] =	stream.indirect_vreg.gather [hbm4b:s9+s2], $0x80, v18, vm0, $0xb8;
	[tilespmem:$0x1E400] =	vst v63  }
0x621: {  	v42 =	vperm.xlane v17, v0;
	v18 =	vadd.s32 v3, v41;
	s22 =	simm.s32 $0x1C600  }
0x622: {  	[tilespmem:s22], [sflag:$0x7] =	stream.indirect_vreg.gather [hbm4b:s9+s2], $0x80, v19, vm0, $0xb8;
	[tilespmem:$0x1E400] =	vst v63  }
0x623: {  	v43 =	vperm.xlane v17, v9;
	v19 =	vadd.s32 v3, v42;
	s22 =	simm.s32 $0x1C680  }
0x624: {  	[tilespmem:s22], [sflag:$0x7] =	stream.indirect_vreg.gather [hbm4b:s9+s2], $0x80, v40, vm0, $0xb8;
	[tilespmem:$0x1E400] =	vst v63  }
0x625: {  	v45 =	vperm.xlane v17, v10;
	v44 =	vadd.s32 v3, v43;
	s22 =	simm.s32 $0x1C700  }
0x626: {  	[tilespmem:s22], [sflag:$0x7] =	stream.indirect_vreg.gather [hbm4b:s9+s2], $0x80, v18, vm0, $0xb8;
	[tilespmem:$0x1E400] =	vst v63  }
0x627: {  	v46 =	vperm.xlane v17, v11;
	v18 =	vadd.s32 v3, v45;
	s22 =	simm.s32 $0x1C780  }
0x628: {  	[tilespmem:s22], [sflag:$0x7] =	stream.indirect_vreg.gather [hbm4b:s9+s2], $0x80, v19, vm0, $0xb8;
	[tilespmem:$0x1E400] =	vst v63  }
0x629: {  	v47 =	vperm.xlane v17, v12;
	v19 =	vadd.s32 v3, v46;
	s22 =	simm.s32 $0x1C800  }
0x62a: {  	[tilespmem:s22], [sflag:$0x7] =	stream.indirect_vreg.gather [hbm4b:s9+s2], $0x80, v44, vm0, $0xb8;
	[tilespmem:$0x1E400] =	vst v63  }
0x62b: {  	v49 =	vperm.xlane v17, v13;
	v48 =	vadd.s32 v3, v47;
	s22 =	simm.s32 $0x1C880  }
0x62c: {  	[tilespmem:s22], [sflag:$0x7] =	stream.indirect_vreg.gather [hbm4b:s9+s2], $0x80, v18, vm0, $0xb8;
	[tilespmem:$0x1E400] =	vst v63  }
0x62d: {  	v50 =	vperm.xlane v17, v14;
	v18 =	vadd.s32 v3, v49;
	s22 =	simm.s32 $0x1C900  }
0x62e: {  	[tilespmem:s22], [sflag:$0x7] =	stream.indirect_vreg.gather [hbm4b:s9+s2], $0x80, v19, vm0, $0xb8;
	[tilespmem:$0x1E400] =	vst v63  }
0x62f: {  	v51 =	vperm.xlane v17, v15;
	v19 =	vadd.s32 v3, v50;
	s22 =	simm.s32 $0x1C980  }
0x630: {  	[tilespmem:s22], [sflag:$0x7] =	stream.indirect_vreg.gather [hbm4b:s9+s2], $0x80, v48, vm0, $0xb8;
	[tilespmem:$0x1E400] =	vst v63  }
0x631: {  	v17 =	vperm.xlane v17, v16;
	v52 =	vadd.s32 v3, v51;
	s22 =	simm.s32 $0x1CA00  }
0x632: {  	[tilespmem:s22], [sflag:$0x7] =	stream.indirect_vreg.gather [hbm4b:s9+s2], $0x80, v18, vm0, $0xb8;
	[tilespmem:$0x1E400] =	vst v63  }
0x633: {  	v17 =	vadd.s32 v3, v17;
	s22 =	simm.s32 $0x1CA80  }
0x634: {  	[tilespmem:s22], [sflag:$0x7] =	stream.indirect_vreg.gather [hbm4b:s9+s2], $0x80, v19, vm0, $0xb8;
	[tilespmem:$0x1E400] =	vst v63  }
0x635: {  	s22 =	simm.s32 $0x1CB00  }
0x636: {  	[tilespmem:s22], [sflag:$0x7] =	stream.indirect_vreg.gather [hbm4b:s9+s2], $0x80, v52, vm0, $0xb8;
	[tilespmem:$0x1E400] =	vst v63  }
0x637: {  	s22 =	simm.s32 $0x1CB80  }
0x638: {  	[tilespmem:s22], [sflag:$0x7] =	stream.indirect_vreg.gather [hbm4b:s9+s2], $0x80, v17, vm0, $0xb8;
	[tilespmem:$0x1E400] =	vst v63  }
0x639: {  	v17 =	vld [tilespmem:s21+$0x13CD0];
	_ =	sdelay $0x4  }
0x63a: {  	v18 =	vshll.u32 v17, $0x1  }
0x63b: {  	v17 =	vand.u32 $0x7, v17;
	v18 =	vand.u32 $0xFFFFFFF0, v18  }
0x63c: {  	v17 =	vor.u32 v17, v18  }
0x63d: {  	v18 =	vperm.xlane v17, v2;
	_ =	sdelay $0x1  }
0x63e: {  	v19 =	vperm.xlane v17, v1;
	v18 =	vadd.s32 v3, v18;
	_ =	sdelay $0x1  }
0x63f: {  	v53 =	vperm.xlane v17, v4;
	v19 =	vadd.s32 v3, v19;
	_ =	sdelay $0x1  }
0x640: {  	s22 =	simm.s32 $0x1CC00;
	v54 =	vperm.xlane v17, v5;
	v20 =	vadd.s32 v3, v53  }
0x641: {  	[tilespmem:s22], [sflag:$0x7] =	stream.indirect_vreg.gather [hbm4b:s9+s2], $0x80, v18, vm0, $0xb8;
	[tilespmem:$0x1E400] =	vst v63  }
0x642: {  	v55 =	vperm.xlane v17, v6;
	v18 =	vadd.s32 v3, v54;
	s22 =	simm.s32 $0x1CC80  }
0x643: {  	[tilespmem:s22], [sflag:$0x7] =	stream.indirect_vreg.gather [hbm4b:s9+s2], $0x80, v19, vm0, $0xb8;
	[tilespmem:$0x1E400] =	vst v63  }
0x644: {  	v56 =	vperm.xlane v17, v7;
	v19 =	vadd.s32 v3, v55;
	s22 =	simm.s32 $0x1CD00  }
0x645: {  	[tilespmem:s22], [sflag:$0x7] =	stream.indirect_vreg.gather [hbm4b:s9+s2], $0x80, v20, vm0, $0xb8;
	[tilespmem:$0x1E400] =	vst v63  }
0x646: {  	v58 =	vperm.xlane v17, v8;
	v57 =	vadd.s32 v3, v56;
	s22 =	simm.s32 $0x1CD80  }
0x647: {  	[tilespmem:s22], [sflag:$0x7] =	stream.indirect_vreg.gather [hbm4b:s9+s2], $0x80, v18, vm0, $0xb8;
	[tilespmem:$0x1E400] =	vst v63  }
0x648: {  	v59 =	vperm.xlane v17, v0;
	v18 =	vadd.s32 v3, v58;
	s22 =	simm.s32 $0x1CE00  }
0x649: {  	[tilespmem:s22], [sflag:$0x7] =	stream.indirect_vreg.gather [hbm4b:s9+s2], $0x80, v19, vm0, $0xb8;
	[tilespmem:$0x1E400] =	vst v63  }
0x64a: {  	v60 =	vperm.xlane v17, v9;
	v19 =	vadd.s32 v3, v59;
	s22 =	simm.s32 $0x1CE80  }
0x64b: {  	[tilespmem:s22], [sflag:$0x7] =	stream.indirect_vreg.gather [hbm4b:s9+s2], $0x80, v57, vm0, $0xb8;
	[tilespmem:$0x1E400] =	vst v63  }
0x64c: {  	v62 =	vperm.xlane v17, v10;
	v61 =	vadd.s32 v3, v60;
	s22 =	simm.s32 $0x1CF00  }
0x64d: {  	[tilespmem:s22], [sflag:$0x7] =	stream.indirect_vreg.gather [hbm4b:s9+s2], $0x80, v18, vm0, $0xb8;
	[tilespmem:$0x1E400] =	vst v63  }
0x64e: {  	v63 =	vperm.xlane v17, v11;
	v18 =	vadd.s32 v3, v62;
	s22 =	simm.s32 $0x1CF80  }
0x64f: {  	[tilespmem:s22], [sflag:$0x7] =	stream.indirect_vreg.gather [hbm4b:s9+s2], $0x80, v19, vm0, $0xb8;
	[tilespmem:$0x1E400] =	vst v63  }
0x650: {  	v24 =	vperm.xlane v17, v12;
	v19 =	vadd.s32 v3, v63;
	s22 =	simm.s32 $0x1D000  }
0x651: {  	[tilespmem:s22], [sflag:$0x7] =	stream.indirect_vreg.gather [hbm4b:s9+s2], $0x80, v61, vm0, $0xb8;
	[tilespmem:$0x1E400] =	vst v63  }
0x652: {  	v26 =	vperm.xlane v17, v13;
	v25 =	vadd.s32 v3, v24;
	s22 =	simm.s32 $0x1D080  }
0x653: {  	[tilespmem:s22], [sflag:$0x7] =	stream.indirect_vreg.gather [hbm4b:s9+s2], $0x80, v18, vm0, $0xb8;
	[tilespmem:$0x1E400] =	vst v63  }
0x654: {  	v27 =	vperm.xlane v17, v14;
	v18 =	vadd.s32 v3, v26;
	s22 =	simm.s32 $0x1D100  }
0x655: {  	[tilespmem:s22], [sflag:$0x7] =	stream.indirect_vreg.gather [hbm4b:s9+s2], $0x80, v19, vm0, $0xb8;
	[tilespmem:$0x1E400] =	vst v63  }
0x656: {  	v28 =	vperm.xlane v17, v15;
	v19 =	vadd.s32 v3, v27;
	s22 =	simm.s32 $0x1D180  }
0x657: {  	[tilespmem:s22], [sflag:$0x7] =	stream.indirect_vreg.gather [hbm4b:s9+s2], $0x80, v25, vm0, $0xb8;
	[tilespmem:$0x1E400] =	vst v63  }
0x658: {  	v17 =	vperm.xlane v17, v16;
	v29 =	vadd.s32 v3, v28;
	s22 =	simm.s32 $0x1D200  }
0x659: {  	[tilespmem:s22], [sflag:$0x7] =	stream.indirect_vreg.gather [hbm4b:s9+s2], $0x80, v18, vm0, $0xb8;
	[tilespmem:$0x1E400] =	vst v63  }
0x65a: {  	v17 =	vadd.s32 v3, v17;
	s22 =	simm.s32 $0x1D280  }
0x65b: {  	[tilespmem:s22], [sflag:$0x7] =	stream.indirect_vreg.gather [hbm4b:s9+s2], $0x80, v19, vm0, $0xb8;
	[tilespmem:$0x1E400] =	vst v63  }
0x65c: {  	s22 =	simm.s32 $0x1D300  }
0x65d: {  	[tilespmem:s22], [sflag:$0x7] =	stream.indirect_vreg.gather [hbm4b:s9+s2], $0x80, v29, vm0, $0xb8;
	[tilespmem:$0x1E400] =	vst v63  }
0x65e: {  	s22 =	simm.s32 $0x1D380  }
0x65f: {  	[tilespmem:s22], [sflag:$0x7] =	stream.indirect_vreg.gather [hbm4b:s9+s2], $0x80, v17, vm0, $0xb8;
	[tilespmem:$0x1E400] =	vst v63  }
0x660: {  	v17 =	vld [tilespmem:s21+$0x13CE0];
	_ =	sdelay $0x4  }
0x661: {  	v18 =	vshll.u32 v17, $0x1  }
0x662: {  	v17 =	vand.u32 $0x7, v17;
	v18 =	vand.u32 $0xFFFFFFF0, v18  }
0x663: {  	v17 =	vor.u32 v17, v18  }
0x664: {  	v18 =	vperm.xlane v17, v2;
	_ =	sdelay $0x1  }
0x665: {  	v19 =	vperm.xlane v17, v1;
	v18 =	vadd.s32 v3, v18;
	_ =	sdelay $0x1  }
0x666: {  	v30 =	vperm.xlane v17, v4;
	v19 =	vadd.s32 v3, v19;
	_ =	sdelay $0x1  }
0x667: {  	s22 =	simm.s32 $0x1D400;
	v31 =	vperm.xlane v17, v5;
	v20 =	vadd.s32 v3, v30  }
0x668: {  	[tilespmem:s22], [sflag:$0x8] =	stream.indirect_vreg.gather [hbm4b:s9+s2], $0x80, v18, vm0, $0xb8;
	[tilespmem:$0x1E400] =	vst v63  }
0x669: {  	v32 =	vperm.xlane v17, v6;
	v18 =	vadd.s32 v3, v31;
	s22 =	simm.s32 $0x1D480  }
0x66a: {  	[tilespmem:s22], [sflag:$0x8] =	stream.indirect_vreg.gather [hbm4b:s9+s2], $0x80, v19, vm0, $0xb8;
	[tilespmem:$0x1E400] =	vst v63  }
0x66b: {  	v33 =	vperm.xlane v17, v7;
	v19 =	vadd.s32 v3, v32;
	s22 =	simm.s32 $0x1D500  }
0x66c: {  	[tilespmem:s22], [sflag:$0x8] =	stream.indirect_vreg.gather [hbm4b:s9+s2], $0x80, v20, vm0, $0xb8;
	[tilespmem:$0x1E400] =	vst v63  }
0x66d: {  	v35 =	vperm.xlane v17, v8;
	v34 =	vadd.s32 v3, v33;
	s22 =	simm.s32 $0x1D580  }
0x66e: {  	[tilespmem:s22], [sflag:$0x8] =	stream.indirect_vreg.gather [hbm4b:s9+s2], $0x80, v18, vm0, $0xb8;
	[tilespmem:$0x1E400] =	vst v63  }
0x66f: {  	v36 =	vperm.xlane v17, v0;
	v18 =	vadd.s32 v3, v35;
	s22 =	simm.s32 $0x1D600  }
0x670: {  	[tilespmem:s22], [sflag:$0x8] =	stream.indirect_vreg.gather [hbm4b:s9+s2], $0x80, v19, vm0, $0xb8;
	[tilespmem:$0x1E400] =	vst v63  }
0x671: {  	v37 =	vperm.xlane v17, v9;
	v19 =	vadd.s32 v3, v36;
	s22 =	simm.s32 $0x1D680  }
0x672: {  	[tilespmem:s22], [sflag:$0x8] =	stream.indirect_vreg.gather [hbm4b:s9+s2], $0x80, v34, vm0, $0xb8;
	[tilespmem:$0x1E400] =	vst v63  }
0x673: {  	v39 =	vperm.xlane v17, v10;
	v38 =	vadd.s32 v3, v37;
	s22 =	simm.s32 $0x1D700  }
0x674: {  	[tilespmem:s22], [sflag:$0x8] =	stream.indirect_vreg.gather [hbm4b:s9+s2], $0x80, v18, vm0, $0xb8;
	[tilespmem:$0x1E400] =	vst v63  }
0x675: {  	v40 =	vperm.xlane v17, v11;
	v18 =	vadd.s32 v3, v39;
	s22 =	simm.s32 $0x1D780  }
0x676: {  	[tilespmem:s22], [sflag:$0x8] =	stream.indirect_vreg.gather [hbm4b:s9+s2], $0x80, v19, vm0, $0xb8;
	[tilespmem:$0x1E400] =	vst v63  }
0x677: {  	v41 =	vperm.xlane v17, v12;
	v19 =	vadd.s32 v3, v40;
	s22 =	simm.s32 $0x1D800  }
0x678: {  	[tilespmem:s22], [sflag:$0x8] =	stream.indirect_vreg.gather [hbm4b:s9+s2], $0x80, v38, vm0, $0xb8;
	[tilespmem:$0x1E400] =	vst v63  }
0x679: {  	v43 =	vperm.xlane v17, v13;
	v42 =	vadd.s32 v3, v41;
	s22 =	simm.s32 $0x1D880  }
0x67a: {  	[tilespmem:s22], [sflag:$0x8] =	stream.indirect_vreg.gather [hbm4b:s9+s2], $0x80, v18, vm0, $0xb8;
	[tilespmem:$0x1E400] =	vst v63  }
0x67b: {  	v44 =	vperm.xlane v17, v14;
	v18 =	vadd.s32 v3, v43;
	s22 =	simm.s32 $0x1D900  }
0x67c: {  	[tilespmem:s22], [sflag:$0x8] =	stream.indirect_vreg.gather [hbm4b:s9+s2], $0x80, v19, vm0, $0xb8;
	[tilespmem:$0x1E400] =	vst v63  }
0x67d: {  	v45 =	vperm.xlane v17, v15;
	v19 =	vadd.s32 v3, v44;
	s22 =	simm.s32 $0x1D980  }
0x67e: {  	[tilespmem:s22], [sflag:$0x8] =	stream.indirect_vreg.gather [hbm4b:s9+s2], $0x80, v42, vm0, $0xb8;
	[tilespmem:$0x1E400] =	vst v63  }
0x67f: {  	v17 =	vperm.xlane v17, v16;
	v46 =	vadd.s32 v3, v45;
	s22 =	simm.s32 $0x1DA00  }
0x680: {  	[tilespmem:s22], [sflag:$0x8] =	stream.indirect_vreg.gather [hbm4b:s9+s2], $0x80, v18, vm0, $0xb8;
	[tilespmem:$0x1E400] =	vst v63  }
0x681: {  	v17 =	vadd.s32 v3, v17;
	s22 =	simm.s32 $0x1DA80  }
0x682: {  	[tilespmem:s22], [sflag:$0x8] =	stream.indirect_vreg.gather [hbm4b:s9+s2], $0x80, v19, vm0, $0xb8;
	[tilespmem:$0x1E400] =	vst v63  }
0x683: {  	s22 =	simm.s32 $0x1DB00  }
0x684: {  	[tilespmem:s22], [sflag:$0x8] =	stream.indirect_vreg.gather [hbm4b:s9+s2], $0x80, v46, vm0, $0xb8;
	[tilespmem:$0x1E400] =	vst v63  }
0x685: {  	s22 =	simm.s32 $0x1DB80  }
0x686: {  	[tilespmem:s22], [sflag:$0x8] =	stream.indirect_vreg.gather [hbm4b:s9+s2], $0x80, v17, vm0, $0xb8;
	[tilespmem:$0x1E400] =	vst v63  }
0x687: {  	v17 =	vld [tilespmem:s21+$0x13CF0];
	_ =	sdelay $0x4  }
0x688: {  	v18 =	vshll.u32 v17, $0x1  }
0x689: {  	v17 =	vand.u32 $0x7, v17;
	v18 =	vand.u32 $0xFFFFFFF0, v18  }
0x68a: {  	v17 =	vor.u32 v17, v18  }
0x68b: {  	v18 =	vperm.xlane v17, v2;
	_ =	sdelay $0x1  }
0x68c: {  	v19 =	vperm.xlane v17, v1;
	v18 =	vadd.s32 v3, v18;
	_ =	sdelay $0x1  }
0x68d: {  	v47 =	vperm.xlane v17, v4;
	v19 =	vadd.s32 v3, v19;
	_ =	sdelay $0x1  }
0x68e: {  	s22 =	simm.s32 $0x1DC00;
	v48 =	vperm.xlane v17, v5;
	v20 =	vadd.s32 v3, v47  }
0x68f: {  	[tilespmem:s22], [sflag:$0x8] =	stream.indirect_vreg.gather [hbm4b:s9+s2], $0x80, v18, vm0, $0xb8;
	[tilespmem:$0x1E400] =	vst v63  }
0x690: {  	v49 =	vperm.xlane v17, v6;
	v18 =	vadd.s32 v3, v48;
	s22 =	simm.s32 $0x1DC80  }
0x691: {  	[tilespmem:s22], [sflag:$0x8] =	stream.indirect_vreg.gather [hbm4b:s9+s2], $0x80, v19, vm0, $0xb8;
	[tilespmem:$0x1E400] =	vst v63  }
0x692: {  	v50 =	vperm.xlane v17, v7;
	v19 =	vadd.s32 v3, v49;
	s22 =	simm.s32 $0x1DD00  }
0x693: {  	[tilespmem:s22], [sflag:$0x8] =	stream.indirect_vreg.gather [hbm4b:s9+s2], $0x80, v20, vm0, $0xb8;
	[tilespmem:$0x1E400] =	vst v63  }
0x694: {  	v52 =	vperm.xlane v17, v8;
	v51 =	vadd.s32 v3, v50;
	s22 =	simm.s32 $0x1DD80  }
0x695: {  	[tilespmem:s22], [sflag:$0x8] =	stream.indirect_vreg.gather [hbm4b:s9+s2], $0x80, v18, vm0, $0xb8;
	[tilespmem:$0x1E400] =	vst v63  }
0x696: {  	v53 =	vperm.xlane v17, v0;
	v18 =	vadd.s32 v3, v52  }
0x697: {  	[tilespmem:s26], [sflag:$0x8] =	stream.indirect_vreg.gather [hbm4b:s9+s2], $0x80, v19, vm0, $0xb8;
	[tilespmem:$0x1E400] =	vst v63  }
0x698: {  	v54 =	vperm.xlane v17, v9;
	v19 =	vadd.s32 v3, v53  }
0x699: {  	[tilespmem:s28], [sflag:$0x8] =	stream.indirect_vreg.gather [hbm4b:s9+s2], $0x80, v51, vm0, $0xb8;
	[tilespmem:$0x1E400] =	vst v63  }
0x69a: {  	v56 =	vperm.xlane v17, v10;
	v55 =	vadd.s32 v3, v54  }
0x69b: {  	[tilespmem:s14], [sflag:$0x8] =	stream.indirect_vreg.gather [hbm4b:s9+s2], $0x80, v18, vm0, $0xb8;
	[tilespmem:$0x1E400] =	vst v63  }
0x69c: {  	v57 =	vperm.xlane v17, v11;
	v18 =	vadd.s32 v3, v56  }
0x69d: {  	[tilespmem:s15], [sflag:$0x8] =	stream.indirect_vreg.gather [hbm4b:s9+s2], $0x80, v19, vm0, $0xb8;
	[tilespmem:$0x1E400] =	vst v63  }
0x69e: {  	v58 =	vperm.xlane v17, v12;
	v19 =	vadd.s32 v3, v57  }
0x69f: {  	[tilespmem:s24], [sflag:$0x8] =	stream.indirect_vreg.gather [hbm4b:s9+s2], $0x80, v55, vm0, $0xb8;
	[tilespmem:$0x1E400] =	vst v63  }
0x6a0: {  	v60 =	vperm.xlane v17, v13;
	v59 =	vadd.s32 v3, v58  }
0x6a1: {  	[tilespmem:s25], [sflag:$0x8] =	stream.indirect_vreg.gather [hbm4b:s9+s2], $0x80, v18, vm0, $0xb8;
	[tilespmem:$0x1E400] =	vst v63  }
0x6a2: {  	v61 =	vperm.xlane v17, v14;
	v18 =	vadd.s32 v3, v60  }
0x6a3: {  	[tilespmem:s11], [sflag:$0x8] =	stream.indirect_vreg.gather [hbm4b:s9+s2], $0x80, v19, vm0, $0xb8;
	[tilespmem:$0x1E400] =	vst v63  }
0x6a4: {  	v62 =	vperm.xlane v17, v15;
	v19 =	vadd.s32 v3, v61  }
0x6a5: {  	[tilespmem:s6], [sflag:$0x8] =	stream.indirect_vreg.gather [hbm4b:s9+s2], $0x80, v59, vm0, $0xb8;
	[tilespmem:$0x1E400] =	vst v63  }
0x6a6: {  	v17 =	vperm.xlane v17, v16;
	v63 =	vadd.s32 v3, v62  }
0x6a7: {  	[tilespmem:s3], [sflag:$0x8] =	stream.indirect_vreg.gather [hbm4b:s9+s2], $0x80, v18, vm0, $0xb8;
	[tilespmem:$0x1E400] =	vst v63  }
0x6a8: {  	v17 =	vadd.s32 v3, v17  }
0x6a9: {  	[tilespmem:s12], [sflag:$0x8] =	stream.indirect_vreg.gather [hbm4b:s9+s2], $0x80, v19, vm0, $0xb8;
	[tilespmem:$0x1E400] =	vst v63  }
0x6aa: {  	_ = 	snop  }
0x6ab: {  	[tilespmem:s10], [sflag:$0x8] =	stream.indirect_vreg.gather [hbm4b:s9+s2], $0x80, v63, vm0, $0xb8;
	[tilespmem:$0x1E400] =	vst v63  }
0x6ac: {  	_ = 	snop  }
0x6ad: {  	[tilespmem:s8], [sflag:$0x8] =	stream.indirect_vreg.gather [hbm4b:s9+s2], $0x80, v17, vm0, $0xb8;
	[tilespmem:$0x1E400] =	vst v63  }
0x6ae: {  	_ =	swait.ge [sflag:s5], $0x1000  }
0x6af: {  	[sflag:s5] =	ssyncset.done $0x0  }
0x6b0: {  	[sflag:s5] =	ssyncadd.s32 $0xFFFFF000  }
0x6b1: {  	_ =	swait.ge [sflag:s7], $0x1000  }
0x6b2: {  	[sflag:s7] =	ssyncset.done $0x0  }
0x6b3: {  	[sflag:s7] =	ssyncadd.s32 $0xFFFFF000  }
0x6b4: {  	_ =	swait.ge [sflag:s4], $0x1000  }
0x6b5: {  	p2 =	seq.s32 s20, $0x4C00;
	[sflag:s4] =	ssyncset.done $0x0  }
.Ltmp8:
0x6b6: {  	[sflag:s4] =	ssyncadd.s32 $0xFFFFF000;
	(pc) =	sbr.rel @p2 .LBB2_8-.Ltmp8, $4  }
0x6b7: {  	_ =	swait.ge [sflag:s18], $0x1000  }
0x6b8: {  	[sflag:s18] =	ssyncset.done $0x0  }
0x6b9: {  	s22 =	sadd.s32 $0x15000, s21;
	[sflag:s18] =	ssyncadd.s32 $0xFFFFF000  }
0x6ba: {  	[spmem:s1] =	stream.indirect.scatter.add.f32 [tilespmem:s19], [sflag:$0x9], $0x80, s22, s17, $0xb8;
	[tilespmem:$0x1E400] =	vst v63  }
0x6bb: {  	_ =	swait.ge [sflag:s16], $0x4000  }
0x6bc: {  	[sflag:s16] =	ssyncset.done $0x0  }
0x6bd: {  	[sflag:s16] =	ssyncadd.s32 $0xFFFFC000  }
0x6be: {  	v17 =	vld [tilespmem:s21+$0x13D00];
	_ =	sdelay $0x4  }
0x6bf: {  	v18 =	vshll.u32 v17, $0x1  }
0x6c0: {  	v17 =	vand.u32 $0x7, v17;
	v18 =	vand.u32 $0xFFFFFFF0, v18  }
0x6c1: {  	v17 =	vor.u32 v17, v18  }
0x6c2: {  	v18 =	vperm.xlane v17, v2;
	_ =	sdelay $0x1  }
0x6c3: {  	v19 =	vperm.xlane v17, v1;
	v18 =	vadd.s32 v3, v18;
	_ =	sdelay $0x1  }
0x6c4: {  	v20 =	vperm.xlane v17, v4;
	v19 =	vadd.s32 v3, v19;
	_ =	sdelay $0x1  }
0x6c5: {  	v21 =	vperm.xlane v17, v5;
	v20 =	vadd.s32 v3, v20  }
0x6c6: {  	[tilespmem:s19], [sflag:$0x1] =	stream.indirect_vreg.gather [hbm4b:s9+s2], $0x80, v18, vm0, $0xb8;
	[tilespmem:$0x1E400] =	vst v63  }
0x6c7: {  	v50 =	vperm.xlane v17, v6;
	v18 =	vadd.s32 v3, v21  }
0x6c8: {  	[tilespmem:s23], [sflag:$0x1] =	stream.indirect_vreg.gather [hbm4b:s9+s2], $0x80, v19, vm0, $0xb8;
	[tilespmem:$0x1E400] =	vst v63  }
0x6c9: {  	s22 =	simm.s32 $0x16500;
	v51 =	vperm.xlane v17, v7;
	v19 =	vadd.s32 v3, v50  }
0x6ca: {  	[tilespmem:s22], [sflag:$0x1] =	stream.indirect_vreg.gather [hbm4b:s9+s2], $0x80, v20, vm0, $0xb8;
	[tilespmem:$0x1E400] =	vst v63  }
0x6cb: {  	v53 =	vperm.xlane v17, v8;
	v52 =	vadd.s32 v3, v51;
	s22 =	simm.s32 $0x16580  }
0x6cc: {  	[tilespmem:s22], [sflag:$0x1] =	stream.indirect_vreg.gather [hbm4b:s9+s2], $0x80, v18, vm0, $0xb8;
	[tilespmem:$0x1E400] =	vst v63  }
0x6cd: {  	v54 =	vperm.xlane v17, v0;
	v18 =	vadd.s32 v3, v53;
	s22 =	simm.s32 $0x16600  }
0x6ce: {  	[tilespmem:s22], [sflag:$0x1] =	stream.indirect_vreg.gather [hbm4b:s9+s2], $0x80, v19, vm0, $0xb8;
	[tilespmem:$0x1E400] =	vst v63  }
0x6cf: {  	v55 =	vperm.xlane v17, v9;
	v19 =	vadd.s32 v3, v54;
	s22 =	simm.s32 $0x16680  }
0x6d0: {  	[tilespmem:s22], [sflag:$0x1] =	stream.indirect_vreg.gather [hbm4b:s9+s2], $0x80, v52, vm0, $0xb8;
	[tilespmem:$0x1E400] =	vst v63  }
0x6d1: {  	v57 =	vperm.xlane v17, v10;
	v56 =	vadd.s32 v3, v55;
	s22 =	simm.s32 $0x16700  }
0x6d2: {  	[tilespmem:s22], [sflag:$0x1] =	stream.indirect_vreg.gather [hbm4b:s9+s2], $0x80, v18, vm0, $0xb8;
	[tilespmem:$0x1E400] =	vst v63  }
0x6d3: {  	v58 =	vperm.xlane v17, v11;
	v18 =	vadd.s32 v3, v57;
	s22 =	simm.s32 $0x16780  }
0x6d4: {  	[tilespmem:s22], [sflag:$0x1] =	stream.indirect_vreg.gather [hbm4b:s9+s2], $0x80, v19, vm0, $0xb8;
	[tilespmem:$0x1E400] =	vst v63  }
0x6d5: {  	v59 =	vperm.xlane v17, v12;
	v19 =	vadd.s32 v3, v58;
	s22 =	simm.s32 $0x16800  }
0x6d6: {  	[tilespmem:s22], [sflag:$0x1] =	stream.indirect_vreg.gather [hbm4b:s9+s2], $0x80, v56, vm0, $0xb8;
	[tilespmem:$0x1E400] =	vst v63  }
0x6d7: {  	v61 =	vperm.xlane v17, v13;
	v60 =	vadd.s32 v3, v59;
	s22 =	simm.s32 $0x16880  }
0x6d8: {  	[tilespmem:s22], [sflag:$0x1] =	stream.indirect_vreg.gather [hbm4b:s9+s2], $0x80, v18, vm0, $0xb8;
	[tilespmem:$0x1E400] =	vst v63  }
0x6d9: {  	v62 =	vperm.xlane v17, v14;
	v18 =	vadd.s32 v3, v61;
	s22 =	simm.s32 $0x16900  }
0x6da: {  	[tilespmem:s22], [sflag:$0x1] =	stream.indirect_vreg.gather [hbm4b:s9+s2], $0x80, v19, vm0, $0xb8;
	[tilespmem:$0x1E400] =	vst v63  }
0x6db: {  	v63 =	vperm.xlane v17, v15;
	v19 =	vadd.s32 v3, v62;
	s22 =	simm.s32 $0x16980  }
0x6dc: {  	[tilespmem:s22], [sflag:$0x1] =	stream.indirect_vreg.gather [hbm4b:s9+s2], $0x80, v60, vm0, $0xb8;
	[tilespmem:$0x1E400] =	vst v63  }
0x6dd: {  	v17 =	vperm.xlane v17, v16;
	v24 =	vadd.s32 v3, v63;
	s22 =	simm.s32 $0x16A00  }
0x6de: {  	[tilespmem:s22], [sflag:$0x1] =	stream.indirect_vreg.gather [hbm4b:s9+s2], $0x80, v18, vm0, $0xb8;
	[tilespmem:$0x1E400] =	vst v63  }
0x6df: {  	v17 =	vadd.s32 v3, v17;
	s22 =	simm.s32 $0x16A80  }
0x6e0: {  	[tilespmem:s22], [sflag:$0x1] =	stream.indirect_vreg.gather [hbm4b:s9+s2], $0x80, v19, vm0, $0xb8;
	[tilespmem:$0x1E400] =	vst v63  }
0x6e1: {  	s22 =	simm.s32 $0x16B00  }
0x6e2: {  	[tilespmem:s22], [sflag:$0x1] =	stream.indirect_vreg.gather [hbm4b:s9+s2], $0x80, v24, vm0, $0xb8;
	[tilespmem:$0x1E400] =	vst v63  }
0x6e3: {  	s22 =	simm.s32 $0x16B80  }
0x6e4: {  	[tilespmem:s22], [sflag:$0x1] =	stream.indirect_vreg.gather [hbm4b:s9+s2], $0x80, v17, vm0, $0xb8;
	[tilespmem:$0x1E400] =	vst v63  }
0x6e5: {  	v17 =	vld [tilespmem:s21+$0x13D10];
	_ =	sdelay $0x4  }
0x6e6: {  	v18 =	vshll.u32 v17, $0x1  }
0x6e7: {  	v17 =	vand.u32 $0x7, v17;
	v18 =	vand.u32 $0xFFFFFFF0, v18  }
0x6e8: {  	v17 =	vor.u32 v17, v18  }
0x6e9: {  	v18 =	vperm.xlane v17, v2;
	_ =	sdelay $0x1  }
0x6ea: {  	v19 =	vperm.xlane v17, v1;
	v18 =	vadd.s32 v3, v18;
	_ =	sdelay $0x1  }
0x6eb: {  	v25 =	vperm.xlane v17, v4;
	v19 =	vadd.s32 v3, v19;
	_ =	sdelay $0x1  }
0x6ec: {  	s22 =	simm.s32 $0x16C00;
	v26 =	vperm.xlane v17, v5;
	v20 =	vadd.s32 v3, v25  }
0x6ed: {  	[tilespmem:s22], [sflag:$0x1] =	stream.indirect_vreg.gather [hbm4b:s9+s2], $0x80, v18, vm0, $0xb8;
	[tilespmem:$0x1E400] =	vst v63  }
0x6ee: {  	v27 =	vperm.xlane v17, v6;
	v18 =	vadd.s32 v3, v26;
	s22 =	simm.s32 $0x16C80  }
0x6ef: {  	[tilespmem:s22], [sflag:$0x1] =	stream.indirect_vreg.gather [hbm4b:s9+s2], $0x80, v19, vm0, $0xb8;
	[tilespmem:$0x1E400] =	vst v63  }
0x6f0: {  	v28 =	vperm.xlane v17, v7;
	v19 =	vadd.s32 v3, v27;
	s22 =	simm.s32 $0x16D00  }
0x6f1: {  	[tilespmem:s22], [sflag:$0x1] =	stream.indirect_vreg.gather [hbm4b:s9+s2], $0x80, v20, vm0, $0xb8;
	[tilespmem:$0x1E400] =	vst v63  }
0x6f2: {  	v30 =	vperm.xlane v17, v8;
	v29 =	vadd.s32 v3, v28;
	s22 =	simm.s32 $0x16D80  }
0x6f3: {  	[tilespmem:s22], [sflag:$0x1] =	stream.indirect_vreg.gather [hbm4b:s9+s2], $0x80, v18, vm0, $0xb8;
	[tilespmem:$0x1E400] =	vst v63  }
0x6f4: {  	v31 =	vperm.xlane v17, v0;
	v18 =	vadd.s32 v3, v30;
	s22 =	simm.s32 $0x16E00  }
0x6f5: {  	[tilespmem:s22], [sflag:$0x1] =	stream.indirect_vreg.gather [hbm4b:s9+s2], $0x80, v19, vm0, $0xb8;
	[tilespmem:$0x1E400] =	vst v63  }
0x6f6: {  	v32 =	vperm.xlane v17, v9;
	v19 =	vadd.s32 v3, v31;
	s22 =	simm.s32 $0x16E80  }
0x6f7: {  	[tilespmem:s22], [sflag:$0x1] =	stream.indirect_vreg.gather [hbm4b:s9+s2], $0x80, v29, vm0, $0xb8;
	[tilespmem:$0x1E400] =	vst v63  }
0x6f8: {  	v34 =	vperm.xlane v17, v10;
	v33 =	vadd.s32 v3, v32;
	s22 =	simm.s32 $0x16F00  }
0x6f9: {  	[tilespmem:s22], [sflag:$0x1] =	stream.indirect_vreg.gather [hbm4b:s9+s2], $0x80, v18, vm0, $0xb8;
	[tilespmem:$0x1E400] =	vst v63  }
0x6fa: {  	v35 =	vperm.xlane v17, v11;
	v18 =	vadd.s32 v3, v34;
	s22 =	simm.s32 $0x16F80  }
0x6fb: {  	[tilespmem:s22], [sflag:$0x1] =	stream.indirect_vreg.gather [hbm4b:s9+s2], $0x80, v19, vm0, $0xb8;
	[tilespmem:$0x1E400] =	vst v63  }
0x6fc: {  	v36 =	vperm.xlane v17, v12;
	v19 =	vadd.s32 v3, v35;
	s22 =	simm.s32 $0x17000  }
0x6fd: {  	[tilespmem:s22], [sflag:$0x1] =	stream.indirect_vreg.gather [hbm4b:s9+s2], $0x80, v33, vm0, $0xb8;
	[tilespmem:$0x1E400] =	vst v63  }
0x6fe: {  	v38 =	vperm.xlane v17, v13;
	v37 =	vadd.s32 v3, v36;
	s22 =	simm.s32 $0x17080  }
0x6ff: {  	[tilespmem:s22], [sflag:$0x1] =	stream.indirect_vreg.gather [hbm4b:s9+s2], $0x80, v18, vm0, $0xb8;
	[tilespmem:$0x1E400] =	vst v63  }
0x700: {  	v39 =	vperm.xlane v17, v14;
	v18 =	vadd.s32 v3, v38;
	s22 =	simm.s32 $0x17100  }
0x701: {  	[tilespmem:s22], [sflag:$0x1] =	stream.indirect_vreg.gather [hbm4b:s9+s2], $0x80, v19, vm0, $0xb8;
	[tilespmem:$0x1E400] =	vst v63  }
0x702: {  	v40 =	vperm.xlane v17, v15;
	v19 =	vadd.s32 v3, v39;
	s22 =	simm.s32 $0x17180  }
0x703: {  	[tilespmem:s22], [sflag:$0x1] =	stream.indirect_vreg.gather [hbm4b:s9+s2], $0x80, v37, vm0, $0xb8;
	[tilespmem:$0x1E400] =	vst v63  }
0x704: {  	v17 =	vperm.xlane v17, v16;
	v41 =	vadd.s32 v3, v40;
	s22 =	simm.s32 $0x17200  }
0x705: {  	[tilespmem:s22], [sflag:$0x1] =	stream.indirect_vreg.gather [hbm4b:s9+s2], $0x80, v18, vm0, $0xb8;
	[tilespmem:$0x1E400] =	vst v63  }
0x706: {  	v17 =	vadd.s32 v3, v17;
	s22 =	simm.s32 $0x17280  }
0x707: {  	[tilespmem:s22], [sflag:$0x1] =	stream.indirect_vreg.gather [hbm4b:s9+s2], $0x80, v19, vm0, $0xb8;
	[tilespmem:$0x1E400] =	vst v63  }
0x708: {  	s22 =	simm.s32 $0x17300  }
0x709: {  	[tilespmem:s22], [sflag:$0x1] =	stream.indirect_vreg.gather [hbm4b:s9+s2], $0x80, v41, vm0, $0xb8;
	[tilespmem:$0x1E400] =	vst v63  }
0x70a: {  	s22 =	simm.s32 $0x17380  }
0x70b: {  	[tilespmem:s22], [sflag:$0x1] =	stream.indirect_vreg.gather [hbm4b:s9+s2], $0x80, v17, vm0, $0xb8;
	[tilespmem:$0x1E400] =	vst v63  }
0x70c: {  	v17 =	vld [tilespmem:s21+$0x13D20];
	_ =	sdelay $0x4  }
0x70d: {  	v18 =	vshll.u32 v17, $0x1  }
0x70e: {  	v17 =	vand.u32 $0x7, v17;
	v18 =	vand.u32 $0xFFFFFFF0, v18  }
0x70f: {  	v17 =	vor.u32 v17, v18  }
0x710: {  	v18 =	vperm.xlane v17, v2;
	_ =	sdelay $0x1  }
0x711: {  	v19 =	vperm.xlane v17, v1;
	v18 =	vadd.s32 v3, v18;
	_ =	sdelay $0x1  }
0x712: {  	v42 =	vperm.xlane v17, v4;
	v19 =	vadd.s32 v3, v19;
	_ =	sdelay $0x1  }
0x713: {  	s22 =	simm.s32 $0x17400;
	v43 =	vperm.xlane v17, v5;
	v20 =	vadd.s32 v3, v42  }
0x714: {  	[tilespmem:s22], [sflag:$0x2] =	stream.indirect_vreg.gather [hbm4b:s9+s2], $0x80, v18, vm0, $0xb8;
	[tilespmem:$0x1E400] =	vst v63  }
0x715: {  	v44 =	vperm.xlane v17, v6;
	v18 =	vadd.s32 v3, v43;
	s22 =	simm.s32 $0x17480  }
0x716: {  	[tilespmem:s22], [sflag:$0x2] =	stream.indirect_vreg.gather [hbm4b:s9+s2], $0x80, v19, vm0, $0xb8;
	[tilespmem:$0x1E400] =	vst v63  }
0x717: {  	v45 =	vperm.xlane v17, v7;
	v19 =	vadd.s32 v3, v44;
	s22 =	simm.s32 $0x17500  }
0x718: {  	[tilespmem:s22], [sflag:$0x2] =	stream.indirect_vreg.gather [hbm4b:s9+s2], $0x80, v20, vm0, $0xb8;
	[tilespmem:$0x1E400] =	vst v63  }
0x719: {  	v47 =	vperm.xlane v17, v8;
	v46 =	vadd.s32 v3, v45;
	s22 =	simm.s32 $0x17580  }
0x71a: {  	[tilespmem:s22], [sflag:$0x2] =	stream.indirect_vreg.gather [hbm4b:s9+s2], $0x80, v18, vm0, $0xb8;
	[tilespmem:$0x1E400] =	vst v63  }
0x71b: {  	v48 =	vperm.xlane v17, v0;
	v18 =	vadd.s32 v3, v47;
	s22 =	simm.s32 $0x17600  }
0x71c: {  	[tilespmem:s22], [sflag:$0x2] =	stream.indirect_vreg.gather [hbm4b:s9+s2], $0x80, v19, vm0, $0xb8;
	[tilespmem:$0x1E400] =	vst v63  }
0x71d: {  	v49 =	vperm.xlane v17, v9;
	v19 =	vadd.s32 v3, v48;
	s22 =	simm.s32 $0x17680  }
0x71e: {  	[tilespmem:s22], [sflag:$0x2] =	stream.indirect_vreg.gather [hbm4b:s9+s2], $0x80, v46, vm0, $0xb8;
	[tilespmem:$0x1E400] =	vst v63  }
0x71f: {  	v51 =	vperm.xlane v17, v10;
	v50 =	vadd.s32 v3, v49;
	s22 =	simm.s32 $0x17700  }
0x720: {  	[tilespmem:s22], [sflag:$0x2] =	stream.indirect_vreg.gather [hbm4b:s9+s2], $0x80, v18, vm0, $0xb8;
	[tilespmem:$0x1E400] =	vst v63  }
0x721: {  	v52 =	vperm.xlane v17, v11;
	v18 =	vadd.s32 v3, v51;
	s22 =	simm.s32 $0x17780  }
0x722: {  	[tilespmem:s22], [sflag:$0x2] =	stream.indirect_vreg.gather [hbm4b:s9+s2], $0x80, v19, vm0, $0xb8;
	[tilespmem:$0x1E400] =	vst v63  }
0x723: {  	v53 =	vperm.xlane v17, v12;
	v19 =	vadd.s32 v3, v52;
	s22 =	simm.s32 $0x17800  }
0x724: {  	[tilespmem:s22], [sflag:$0x2] =	stream.indirect_vreg.gather [hbm4b:s9+s2], $0x80, v50, vm0, $0xb8;
	[tilespmem:$0x1E400] =	vst v63  }
0x725: {  	v55 =	vperm.xlane v17, v13;
	v54 =	vadd.s32 v3, v53;
	s22 =	simm.s32 $0x17880  }
0x726: {  	[tilespmem:s22], [sflag:$0x2] =	stream.indirect_vreg.gather [hbm4b:s9+s2], $0x80, v18, vm0, $0xb8;
	[tilespmem:$0x1E400] =	vst v63  }
0x727: {  	v56 =	vperm.xlane v17, v14;
	v18 =	vadd.s32 v3, v55;
	s22 =	simm.s32 $0x17900  }
0x728: {  	[tilespmem:s22], [sflag:$0x2] =	stream.indirect_vreg.gather [hbm4b:s9+s2], $0x80, v19, vm0, $0xb8;
	[tilespmem:$0x1E400] =	vst v63  }
0x729: {  	v57 =	vperm.xlane v17, v15;
	v19 =	vadd.s32 v3, v56;
	s22 =	simm.s32 $0x17980  }
0x72a: {  	[tilespmem:s22], [sflag:$0x2] =	stream.indirect_vreg.gather [hbm4b:s9+s2], $0x80, v54, vm0, $0xb8;
	[tilespmem:$0x1E400] =	vst v63  }
0x72b: {  	v17 =	vperm.xlane v17, v16;
	v58 =	vadd.s32 v3, v57;
	s22 =	simm.s32 $0x17A00  }
0x72c: {  	[tilespmem:s22], [sflag:$0x2] =	stream.indirect_vreg.gather [hbm4b:s9+s2], $0x80, v18, vm0, $0xb8;
	[tilespmem:$0x1E400] =	vst v63  }
0x72d: {  	v17 =	vadd.s32 v3, v17;
	s22 =	simm.s32 $0x17A80  }
0x72e: {  	[tilespmem:s22], [sflag:$0x2] =	stream.indirect_vreg.gather [hbm4b:s9+s2], $0x80, v19, vm0, $0xb8;
	[tilespmem:$0x1E400] =	vst v63  }
0x72f: {  	s22 =	simm.s32 $0x17B00  }
0x730: {  	[tilespmem:s22], [sflag:$0x2] =	stream.indirect_vreg.gather [hbm4b:s9+s2], $0x80, v58, vm0, $0xb8;
	[tilespmem:$0x1E400] =	vst v63  }
0x731: {  	s22 =	simm.s32 $0x17B80  }
0x732: {  	[tilespmem:s22], [sflag:$0x2] =	stream.indirect_vreg.gather [hbm4b:s9+s2], $0x80, v17, vm0, $0xb8;
	[tilespmem:$0x1E400] =	vst v63  }
0x733: {  	v17 =	vld [tilespmem:s21+$0x13D30];
	_ =	sdelay $0x4  }
0x734: {  	v18 =	vshll.u32 v17, $0x1  }
0x735: {  	v17 =	vand.u32 $0x7, v17;
	v18 =	vand.u32 $0xFFFFFFF0, v18  }
0x736: {  	v17 =	vor.u32 v17, v18  }
0x737: {  	v18 =	vperm.xlane v17, v2;
	_ =	sdelay $0x1  }
0x738: {  	v19 =	vperm.xlane v17, v1;
	v18 =	vadd.s32 v3, v18;
	_ =	sdelay $0x1  }
0x739: {  	v59 =	vperm.xlane v17, v4;
	v19 =	vadd.s32 v3, v19;
	_ =	sdelay $0x1  }
0x73a: {  	s22 =	simm.s32 $0x17C00;
	v60 =	vperm.xlane v17, v5;
	v20 =	vadd.s32 v3, v59  }
0x73b: {  	[tilespmem:s22], [sflag:$0x2] =	stream.indirect_vreg.gather [hbm4b:s9+s2], $0x80, v18, vm0, $0xb8;
	[tilespmem:$0x1E400] =	vst v63  }
0x73c: {  	v61 =	vperm.xlane v17, v6;
	v18 =	vadd.s32 v3, v60;
	s22 =	simm.s32 $0x17C80  }
0x73d: {  	[tilespmem:s22], [sflag:$0x2] =	stream.indirect_vreg.gather [hbm4b:s9+s2], $0x80, v19, vm0, $0xb8;
	[tilespmem:$0x1E400] =	vst v63  }
0x73e: {  	v62 =	vperm.xlane v17, v7;
	v19 =	vadd.s32 v3, v61;
	s22 =	simm.s32 $0x17D00  }
0x73f: {  	[tilespmem:s22], [sflag:$0x2] =	stream.indirect_vreg.gather [hbm4b:s9+s2], $0x80, v20, vm0, $0xb8;
	[tilespmem:$0x1E400] =	vst v63  }
0x740: {  	v24 =	vperm.xlane v17, v8;
	v63 =	vadd.s32 v3, v62;
	s22 =	simm.s32 $0x17D80  }
0x741: {  	[tilespmem:s22], [sflag:$0x2] =	stream.indirect_vreg.gather [hbm4b:s9+s2], $0x80, v18, vm0, $0xb8;
	[tilespmem:$0x1E400] =	vst v63  }
0x742: {  	v25 =	vperm.xlane v17, v0;
	v18 =	vadd.s32 v3, v24;
	s22 =	simm.s32 $0x17E00  }
0x743: {  	[tilespmem:s22], [sflag:$0x2] =	stream.indirect_vreg.gather [hbm4b:s9+s2], $0x80, v19, vm0, $0xb8;
	[tilespmem:$0x1E400] =	vst v63  }
0x744: {  	v26 =	vperm.xlane v17, v9;
	v19 =	vadd.s32 v3, v25;
	s22 =	simm.s32 $0x17E80  }
0x745: {  	[tilespmem:s22], [sflag:$0x2] =	stream.indirect_vreg.gather [hbm4b:s9+s2], $0x80, v63, vm0, $0xb8;
	[tilespmem:$0x1E400] =	vst v63  }
0x746: {  	v28 =	vperm.xlane v17, v10;
	v27 =	vadd.s32 v3, v26;
	s22 =	simm.s32 $0x17F00  }
0x747: {  	[tilespmem:s22], [sflag:$0x2] =	stream.indirect_vreg.gather [hbm4b:s9+s2], $0x80, v18, vm0, $0xb8;
	[tilespmem:$0x1E400] =	vst v63  }
0x748: {  	v29 =	vperm.xlane v17, v11;
	v18 =	vadd.s32 v3, v28;
	s22 =	simm.s32 $0x17F80  }
0x749: {  	[tilespmem:s22], [sflag:$0x2] =	stream.indirect_vreg.gather [hbm4b:s9+s2], $0x80, v19, vm0, $0xb8;
	[tilespmem:$0x1E400] =	vst v63  }
0x74a: {  	v30 =	vperm.xlane v17, v12;
	v19 =	vadd.s32 v3, v29;
	s22 =	simm.s32 $0x18000  }
0x74b: {  	[tilespmem:s22], [sflag:$0x2] =	stream.indirect_vreg.gather [hbm4b:s9+s2], $0x80, v27, vm0, $0xb8;
	[tilespmem:$0x1E400] =	vst v63  }
0x74c: {  	v32 =	vperm.xlane v17, v13;
	v31 =	vadd.s32 v3, v30;
	s22 =	simm.s32 $0x18080  }
0x74d: {  	[tilespmem:s22], [sflag:$0x2] =	stream.indirect_vreg.gather [hbm4b:s9+s2], $0x80, v18, vm0, $0xb8;
	[tilespmem:$0x1E400] =	vst v63  }
0x74e: {  	v33 =	vperm.xlane v17, v14;
	v18 =	vadd.s32 v3, v32;
	s22 =	simm.s32 $0x18100  }
0x74f: {  	[tilespmem:s22], [sflag:$0x2] =	stream.indirect_vreg.gather [hbm4b:s9+s2], $0x80, v19, vm0, $0xb8;
	[tilespmem:$0x1E400] =	vst v63  }
0x750: {  	v34 =	vperm.xlane v17, v15;
	v19 =	vadd.s32 v3, v33;
	s22 =	simm.s32 $0x18180  }
0x751: {  	[tilespmem:s22], [sflag:$0x2] =	stream.indirect_vreg.gather [hbm4b:s9+s2], $0x80, v31, vm0, $0xb8;
	[tilespmem:$0x1E400] =	vst v63  }
0x752: {  	v17 =	vperm.xlane v17, v16;
	v35 =	vadd.s32 v3, v34;
	s22 =	simm.s32 $0x18200  }
0x753: {  	[tilespmem:s22], [sflag:$0x2] =	stream.indirect_vreg.gather [hbm4b:s9+s2], $0x80, v18, vm0, $0xb8;
	[tilespmem:$0x1E400] =	vst v63  }
0x754: {  	v17 =	vadd.s32 v3, v17;
	s22 =	simm.s32 $0x18280  }
0x755: {  	[tilespmem:s22], [sflag:$0x2] =	stream.indirect_vreg.gather [hbm4b:s9+s2], $0x80, v19, vm0, $0xb8;
	[tilespmem:$0x1E400] =	vst v63  }
0x756: {  	s22 =	simm.s32 $0x18300  }
0x757: {  	[tilespmem:s22], [sflag:$0x2] =	stream.indirect_vreg.gather [hbm4b:s9+s2], $0x80, v35, vm0, $0xb8;
	[tilespmem:$0x1E400] =	vst v63  }
0x758: {  	s22 =	simm.s32 $0x18380  }
0x759: {  	[tilespmem:s22], [sflag:$0x2] =	stream.indirect_vreg.gather [hbm4b:s9+s2], $0x80, v17, vm0, $0xb8;
	[tilespmem:$0x1E400] =	vst v63  }
0x75a: {  	v17 =	vld [tilespmem:s21+$0x13D40];
	_ =	sdelay $0x4  }
0x75b: {  	v18 =	vshll.u32 v17, $0x1  }
0x75c: {  	v17 =	vand.u32 $0x7, v17;
	v18 =	vand.u32 $0xFFFFFFF0, v18  }
0x75d: {  	v17 =	vor.u32 v17, v18  }
0x75e: {  	v18 =	vperm.xlane v17, v2;
	_ =	sdelay $0x1  }
0x75f: {  	v19 =	vperm.xlane v17, v1;
	v18 =	vadd.s32 v3, v18;
	_ =	sdelay $0x1  }
0x760: {  	v36 =	vperm.xlane v17, v4;
	v19 =	vadd.s32 v3, v19;
	_ =	sdelay $0x1  }
0x761: {  	s22 =	simm.s32 $0x18400;
	v37 =	vperm.xlane v17, v5;
	v20 =	vadd.s32 v3, v36  }
0x762: {  	[tilespmem:s22], [sflag:$0x3] =	stream.indirect_vreg.gather [hbm4b:s9+s2], $0x80, v18, vm0, $0xb8;
	[tilespmem:$0x1E400] =	vst v63  }
0x763: {  	v38 =	vperm.xlane v17, v6;
	v18 =	vadd.s32 v3, v37;
	s22 =	simm.s32 $0x18480  }
0x764: {  	[tilespmem:s22], [sflag:$0x3] =	stream.indirect_vreg.gather [hbm4b:s9+s2], $0x80, v19, vm0, $0xb8;
	[tilespmem:$0x1E400] =	vst v63  }
0x765: {  	v39 =	vperm.xlane v17, v7;
	v19 =	vadd.s32 v3, v38;
	s22 =	simm.s32 $0x18500  }
0x766: {  	[tilespmem:s22], [sflag:$0x3] =	stream.indirect_vreg.gather [hbm4b:s9+s2], $0x80, v20, vm0, $0xb8;
	[tilespmem:$0x1E400] =	vst v63  }
0x767: {  	v41 =	vperm.xlane v17, v8;
	v40 =	vadd.s32 v3, v39;
	s22 =	simm.s32 $0x18580  }
0x768: {  	[tilespmem:s22], [sflag:$0x3] =	stream.indirect_vreg.gather [hbm4b:s9+s2], $0x80, v18, vm0, $0xb8;
	[tilespmem:$0x1E400] =	vst v63  }
0x769: {  	v42 =	vperm.xlane v17, v0;
	v18 =	vadd.s32 v3, v41;
	s22 =	simm.s32 $0x18600  }
0x76a: {  	[tilespmem:s22], [sflag:$0x3] =	stream.indirect_vreg.gather [hbm4b:s9+s2], $0x80, v19, vm0, $0xb8;
	[tilespmem:$0x1E400] =	vst v63  }
0x76b: {  	v43 =	vperm.xlane v17, v9;
	v19 =	vadd.s32 v3, v42;
	s22 =	simm.s32 $0x18680  }
0x76c: {  	[tilespmem:s22], [sflag:$0x3] =	stream.indirect_vreg.gather [hbm4b:s9+s2], $0x80, v40, vm0, $0xb8;
	[tilespmem:$0x1E400] =	vst v63  }
0x76d: {  	v45 =	vperm.xlane v17, v10;
	v44 =	vadd.s32 v3, v43;
	s22 =	simm.s32 $0x18700  }
0x76e: {  	[tilespmem:s22], [sflag:$0x3] =	stream.indirect_vreg.gather [hbm4b:s9+s2], $0x80, v18, vm0, $0xb8;
	[tilespmem:$0x1E400] =	vst v63  }
0x76f: {  	v46 =	vperm.xlane v17, v11;
	v18 =	vadd.s32 v3, v45;
	s22 =	simm.s32 $0x18780  }
0x770: {  	[tilespmem:s22], [sflag:$0x3] =	stream.indirect_vreg.gather [hbm4b:s9+s2], $0x80, v19, vm0, $0xb8;
	[tilespmem:$0x1E400] =	vst v63  }
0x771: {  	v47 =	vperm.xlane v17, v12;
	v19 =	vadd.s32 v3, v46;
	s22 =	simm.s32 $0x18800  }
0x772: {  	[tilespmem:s22], [sflag:$0x3] =	stream.indirect_vreg.gather [hbm4b:s9+s2], $0x80, v44, vm0, $0xb8;
	[tilespmem:$0x1E400] =	vst v63  }
0x773: {  	v49 =	vperm.xlane v17, v13;
	v48 =	vadd.s32 v3, v47;
	s22 =	simm.s32 $0x18880  }
0x774: {  	[tilespmem:s22], [sflag:$0x3] =	stream.indirect_vreg.gather [hbm4b:s9+s2], $0x80, v18, vm0, $0xb8;
	[tilespmem:$0x1E400] =	vst v63  }
0x775: {  	v50 =	vperm.xlane v17, v14;
	v18 =	vadd.s32 v3, v49;
	s22 =	simm.s32 $0x18900  }
0x776: {  	[tilespmem:s22], [sflag:$0x3] =	stream.indirect_vreg.gather [hbm4b:s9+s2], $0x80, v19, vm0, $0xb8;
	[tilespmem:$0x1E400] =	vst v63  }
0x777: {  	v51 =	vperm.xlane v17, v15;
	v19 =	vadd.s32 v3, v50;
	s22 =	simm.s32 $0x18980  }
0x778: {  	[tilespmem:s22], [sflag:$0x3] =	stream.indirect_vreg.gather [hbm4b:s9+s2], $0x80, v48, vm0, $0xb8;
	[tilespmem:$0x1E400] =	vst v63  }
0x779: {  	v17 =	vperm.xlane v17, v16;
	v52 =	vadd.s32 v3, v51;
	s22 =	simm.s32 $0x18A00  }
0x77a: {  	[tilespmem:s22], [sflag:$0x3] =	stream.indirect_vreg.gather [hbm4b:s9+s2], $0x80, v18, vm0, $0xb8;
	[tilespmem:$0x1E400] =	vst v63  }
0x77b: {  	v17 =	vadd.s32 v3, v17;
	s22 =	simm.s32 $0x18A80  }
0x77c: {  	[tilespmem:s22], [sflag:$0x3] =	stream.indirect_vreg.gather [hbm4b:s9+s2], $0x80, v19, vm0, $0xb8;
	[tilespmem:$0x1E400] =	vst v63  }
0x77d: {  	s22 =	simm.s32 $0x18B00  }
0x77e: {  	[tilespmem:s22], [sflag:$0x3] =	stream.indirect_vreg.gather [hbm4b:s9+s2], $0x80, v52, vm0, $0xb8;
	[tilespmem:$0x1E400] =	vst v63  }
0x77f: {  	s22 =	simm.s32 $0x18B80  }
0x780: {  	[tilespmem:s22], [sflag:$0x3] =	stream.indirect_vreg.gather [hbm4b:s9+s2], $0x80, v17, vm0, $0xb8;
	[tilespmem:$0x1E400] =	vst v63  }
0x781: {  	v17 =	vld [tilespmem:s21+$0x13D50];
	_ =	sdelay $0x4  }
0x782: {  	v18 =	vshll.u32 v17, $0x1  }
0x783: {  	v17 =	vand.u32 $0x7, v17;
	v18 =	vand.u32 $0xFFFFFFF0, v18  }
0x784: {  	v17 =	vor.u32 v17, v18  }
0x785: {  	v18 =	vperm.xlane v17, v2;
	_ =	sdelay $0x1  }
0x786: {  	v19 =	vperm.xlane v17, v1;
	v18 =	vadd.s32 v3, v18;
	_ =	sdelay $0x1  }
0x787: {  	v53 =	vperm.xlane v17, v4;
	v19 =	vadd.s32 v3, v19;
	_ =	sdelay $0x1  }
0x788: {  	s22 =	simm.s32 $0x18C00;
	v54 =	vperm.xlane v17, v5;
	v20 =	vadd.s32 v3, v53  }
0x789: {  	[tilespmem:s22], [sflag:$0x3] =	stream.indirect_vreg.gather [hbm4b:s9+s2], $0x80, v18, vm0, $0xb8;
	[tilespmem:$0x1E400] =	vst v63  }
0x78a: {  	v55 =	vperm.xlane v17, v6;
	v18 =	vadd.s32 v3, v54;
	s22 =	simm.s32 $0x18C80  }
0x78b: {  	[tilespmem:s22], [sflag:$0x3] =	stream.indirect_vreg.gather [hbm4b:s9+s2], $0x80, v19, vm0, $0xb8;
	[tilespmem:$0x1E400] =	vst v63  }
0x78c: {  	v56 =	vperm.xlane v17, v7;
	v19 =	vadd.s32 v3, v55;
	s22 =	simm.s32 $0x18D00  }
0x78d: {  	[tilespmem:s22], [sflag:$0x3] =	stream.indirect_vreg.gather [hbm4b:s9+s2], $0x80, v20, vm0, $0xb8;
	[tilespmem:$0x1E400] =	vst v63  }
0x78e: {  	v58 =	vperm.xlane v17, v8;
	v57 =	vadd.s32 v3, v56;
	s22 =	simm.s32 $0x18D80  }
0x78f: {  	[tilespmem:s22], [sflag:$0x3] =	stream.indirect_vreg.gather [hbm4b:s9+s2], $0x80, v18, vm0, $0xb8;
	[tilespmem:$0x1E400] =	vst v63  }
0x790: {  	v59 =	vperm.xlane v17, v0;
	v18 =	vadd.s32 v3, v58;
	s22 =	simm.s32 $0x18E00  }
0x791: {  	[tilespmem:s22], [sflag:$0x3] =	stream.indirect_vreg.gather [hbm4b:s9+s2], $0x80, v19, vm0, $0xb8;
	[tilespmem:$0x1E400] =	vst v63  }
0x792: {  	v60 =	vperm.xlane v17, v9;
	v19 =	vadd.s32 v3, v59;
	s22 =	simm.s32 $0x18E80  }
0x793: {  	[tilespmem:s22], [sflag:$0x3] =	stream.indirect_vreg.gather [hbm4b:s9+s2], $0x80, v57, vm0, $0xb8;
	[tilespmem:$0x1E400] =	vst v63  }
0x794: {  	v62 =	vperm.xlane v17, v10;
	v61 =	vadd.s32 v3, v60;
	s22 =	simm.s32 $0x18F00  }
0x795: {  	[tilespmem:s22], [sflag:$0x3] =	stream.indirect_vreg.gather [hbm4b:s9+s2], $0x80, v18, vm0, $0xb8;
	[tilespmem:$0x1E400] =	vst v63  }
0x796: {  	v63 =	vperm.xlane v17, v11;
	v18 =	vadd.s32 v3, v62;
	s22 =	simm.s32 $0x18F80  }
0x797: {  	[tilespmem:s22], [sflag:$0x3] =	stream.indirect_vreg.gather [hbm4b:s9+s2], $0x80, v19, vm0, $0xb8;
	[tilespmem:$0x1E400] =	vst v63  }
0x798: {  	v24 =	vperm.xlane v17, v12;
	v19 =	vadd.s32 v3, v63;
	s22 =	simm.s32 $0x19000  }
0x799: {  	[tilespmem:s22], [sflag:$0x3] =	stream.indirect_vreg.gather [hbm4b:s9+s2], $0x80, v61, vm0, $0xb8;
	[tilespmem:$0x1E400] =	vst v63  }
0x79a: {  	v26 =	vperm.xlane v17, v13;
	v25 =	vadd.s32 v3, v24;
	s22 =	simm.s32 $0x19080  }
0x79b: {  	[tilespmem:s22], [sflag:$0x3] =	stream.indirect_vreg.gather [hbm4b:s9+s2], $0x80, v18, vm0, $0xb8;
	[tilespmem:$0x1E400] =	vst v63  }
0x79c: {  	v27 =	vperm.xlane v17, v14;
	v18 =	vadd.s32 v3, v26;
	s22 =	simm.s32 $0x19100  }
0x79d: {  	[tilespmem:s22], [sflag:$0x3] =	stream.indirect_vreg.gather [hbm4b:s9+s2], $0x80, v19, vm0, $0xb8;
	[tilespmem:$0x1E400] =	vst v63  }
0x79e: {  	v28 =	vperm.xlane v17, v15;
	v19 =	vadd.s32 v3, v27;
	s22 =	simm.s32 $0x19180  }
0x79f: {  	[tilespmem:s22], [sflag:$0x3] =	stream.indirect_vreg.gather [hbm4b:s9+s2], $0x80, v25, vm0, $0xb8;
	[tilespmem:$0x1E400] =	vst v63  }
0x7a0: {  	v17 =	vperm.xlane v17, v16;
	v29 =	vadd.s32 v3, v28;
	s22 =	simm.s32 $0x19200  }
0x7a1: {  	[tilespmem:s22], [sflag:$0x3] =	stream.indirect_vreg.gather [hbm4b:s9+s2], $0x80, v18, vm0, $0xb8;
	[tilespmem:$0x1E400] =	vst v63  }
0x7a2: {  	v17 =	vadd.s32 v3, v17;
	s22 =	simm.s32 $0x19280  }
0x7a3: {  	[tilespmem:s22], [sflag:$0x3] =	stream.indirect_vreg.gather [hbm4b:s9+s2], $0x80, v19, vm0, $0xb8;
	[tilespmem:$0x1E400] =	vst v63  }
0x7a4: {  	s22 =	simm.s32 $0x19300  }
0x7a5: {  	[tilespmem:s22], [sflag:$0x3] =	stream.indirect_vreg.gather [hbm4b:s9+s2], $0x80, v29, vm0, $0xb8;
	[tilespmem:$0x1E400] =	vst v63  }
0x7a6: {  	s22 =	simm.s32 $0x19380  }
0x7a7: {  	[tilespmem:s22], [sflag:$0x3] =	stream.indirect_vreg.gather [hbm4b:s9+s2], $0x80, v17, vm0, $0xb8;
	[tilespmem:$0x1E400] =	vst v63  }
0x7a8: {  	v17 =	vld [tilespmem:s21+$0x13D60];
	_ =	sdelay $0x4  }
0x7a9: {  	v18 =	vshll.u32 v17, $0x1  }
0x7aa: {  	v17 =	vand.u32 $0x7, v17;
	v18 =	vand.u32 $0xFFFFFFF0, v18  }
0x7ab: {  	v17 =	vor.u32 v17, v18  }
0x7ac: {  	v18 =	vperm.xlane v17, v2;
	_ =	sdelay $0x1  }
0x7ad: {  	v19 =	vperm.xlane v17, v1;
	v18 =	vadd.s32 v3, v18;
	_ =	sdelay $0x1  }
0x7ae: {  	v30 =	vperm.xlane v17, v4;
	v19 =	vadd.s32 v3, v19;
	_ =	sdelay $0x1  }
0x7af: {  	s22 =	simm.s32 $0x19400;
	v31 =	vperm.xlane v17, v5;
	v20 =	vadd.s32 v3, v30  }
0x7b0: {  	[tilespmem:s22], [sflag:$0x4] =	stream.indirect_vreg.gather [hbm4b:s9+s2], $0x80, v18, vm0, $0xb8;
	[tilespmem:$0x1E400] =	vst v63  }
0x7b1: {  	v32 =	vperm.xlane v17, v6;
	v18 =	vadd.s32 v3, v31;
	s22 =	simm.s32 $0x19480  }
0x7b2: {  	[tilespmem:s22], [sflag:$0x4] =	stream.indirect_vreg.gather [hbm4b:s9+s2], $0x80, v19, vm0, $0xb8;
	[tilespmem:$0x1E400] =	vst v63  }
0x7b3: {  	v33 =	vperm.xlane v17, v7;
	v19 =	vadd.s32 v3, v32;
	s22 =	simm.s32 $0x19500  }
0x7b4: {  	[tilespmem:s22], [sflag:$0x4] =	stream.indirect_vreg.gather [hbm4b:s9+s2], $0x80, v20, vm0, $0xb8;
	[tilespmem:$0x1E400] =	vst v63  }
0x7b5: {  	v35 =	vperm.xlane v17, v8;
	v34 =	vadd.s32 v3, v33;
	s22 =	simm.s32 $0x19580  }
0x7b6: {  	[tilespmem:s22], [sflag:$0x4] =	stream.indirect_vreg.gather [hbm4b:s9+s2], $0x80, v18, vm0, $0xb8;
	[tilespmem:$0x1E400] =	vst v63  }
0x7b7: {  	v36 =	vperm.xlane v17, v0;
	v18 =	vadd.s32 v3, v35;
	s22 =	simm.s32 $0x19600  }
0x7b8: {  	[tilespmem:s22], [sflag:$0x4] =	stream.indirect_vreg.gather [hbm4b:s9+s2], $0x80, v19, vm0, $0xb8;
	[tilespmem:$0x1E400] =	vst v63  }
0x7b9: {  	v37 =	vperm.xlane v17, v9;
	v19 =	vadd.s32 v3, v36;
	s22 =	simm.s32 $0x19680  }
0x7ba: {  	[tilespmem:s22], [sflag:$0x4] =	stream.indirect_vreg.gather [hbm4b:s9+s2], $0x80, v34, vm0, $0xb8;
	[tilespmem:$0x1E400] =	vst v63  }
0x7bb: {  	v39 =	vperm.xlane v17, v10;
	v38 =	vadd.s32 v3, v37;
	s22 =	simm.s32 $0x19700  }
0x7bc: {  	[tilespmem:s22], [sflag:$0x4] =	stream.indirect_vreg.gather [hbm4b:s9+s2], $0x80, v18, vm0, $0xb8;
	[tilespmem:$0x1E400] =	vst v63  }
0x7bd: {  	v40 =	vperm.xlane v17, v11;
	v18 =	vadd.s32 v3, v39;
	s22 =	simm.s32 $0x19780  }
0x7be: {  	[tilespmem:s22], [sflag:$0x4] =	stream.indirect_vreg.gather [hbm4b:s9+s2], $0x80, v19, vm0, $0xb8;
	[tilespmem:$0x1E400] =	vst v63  }
0x7bf: {  	v41 =	vperm.xlane v17, v12;
	v19 =	vadd.s32 v3, v40;
	s22 =	simm.s32 $0x19800  }
0x7c0: {  	[tilespmem:s22], [sflag:$0x4] =	stream.indirect_vreg.gather [hbm4b:s9+s2], $0x80, v38, vm0, $0xb8;
	[tilespmem:$0x1E400] =	vst v63  }
0x7c1: {  	v43 =	vperm.xlane v17, v13;
	v42 =	vadd.s32 v3, v41;
	s22 =	simm.s32 $0x19880  }
0x7c2: {  	[tilespmem:s22], [sflag:$0x4] =	stream.indirect_vreg.gather [hbm4b:s9+s2], $0x80, v18, vm0, $0xb8;
	[tilespmem:$0x1E400] =	vst v63  }
0x7c3: {  	v44 =	vperm.xlane v17, v14;
	v18 =	vadd.s32 v3, v43;
	s22 =	simm.s32 $0x19900  }
0x7c4: {  	[tilespmem:s22], [sflag:$0x4] =	stream.indirect_vreg.gather [hbm4b:s9+s2], $0x80, v19, vm0, $0xb8;
	[tilespmem:$0x1E400] =	vst v63  }
0x7c5: {  	v45 =	vperm.xlane v17, v15;
	v19 =	vadd.s32 v3, v44;
	s22 =	simm.s32 $0x19980  }
0x7c6: {  	[tilespmem:s22], [sflag:$0x4] =	stream.indirect_vreg.gather [hbm4b:s9+s2], $0x80, v42, vm0, $0xb8;
	[tilespmem:$0x1E400] =	vst v63  }
0x7c7: {  	v17 =	vperm.xlane v17, v16;
	v46 =	vadd.s32 v3, v45;
	s22 =	simm.s32 $0x19A00  }
0x7c8: {  	[tilespmem:s22], [sflag:$0x4] =	stream.indirect_vreg.gather [hbm4b:s9+s2], $0x80, v18, vm0, $0xb8;
	[tilespmem:$0x1E400] =	vst v63  }
0x7c9: {  	v17 =	vadd.s32 v3, v17;
	s22 =	simm.s32 $0x19A80  }
0x7ca: {  	[tilespmem:s22], [sflag:$0x4] =	stream.indirect_vreg.gather [hbm4b:s9+s2], $0x80, v19, vm0, $0xb8;
	[tilespmem:$0x1E400] =	vst v63  }
0x7cb: {  	s22 =	simm.s32 $0x19B00  }
0x7cc: {  	[tilespmem:s22], [sflag:$0x4] =	stream.indirect_vreg.gather [hbm4b:s9+s2], $0x80, v46, vm0, $0xb8;
	[tilespmem:$0x1E400] =	vst v63  }
0x7cd: {  	s22 =	simm.s32 $0x19B80  }
0x7ce: {  	[tilespmem:s22], [sflag:$0x4] =	stream.indirect_vreg.gather [hbm4b:s9+s2], $0x80, v17, vm0, $0xb8;
	[tilespmem:$0x1E400] =	vst v63  }
0x7cf: {  	v17 =	vld [tilespmem:s21+$0x13D70];
	_ =	sdelay $0x4  }
0x7d0: {  	v18 =	vshll.u32 v17, $0x1  }
0x7d1: {  	v17 =	vand.u32 $0x7, v17;
	v18 =	vand.u32 $0xFFFFFFF0, v18  }
0x7d2: {  	v17 =	vor.u32 v17, v18  }
0x7d3: {  	v18 =	vperm.xlane v17, v2;
	_ =	sdelay $0x1  }
0x7d4: {  	v19 =	vperm.xlane v17, v1;
	v18 =	vadd.s32 v3, v18;
	_ =	sdelay $0x1  }
0x7d5: {  	v47 =	vperm.xlane v17, v4;
	v19 =	vadd.s32 v3, v19;
	_ =	sdelay $0x1  }
0x7d6: {  	s22 =	simm.s32 $0x19C00;
	v48 =	vperm.xlane v17, v5;
	v20 =	vadd.s32 v3, v47  }
0x7d7: {  	[tilespmem:s22], [sflag:$0x4] =	stream.indirect_vreg.gather [hbm4b:s9+s2], $0x80, v18, vm0, $0xb8;
	[tilespmem:$0x1E400] =	vst v63  }
0x7d8: {  	v49 =	vperm.xlane v17, v6;
	v18 =	vadd.s32 v3, v48;
	s22 =	simm.s32 $0x19C80  }
0x7d9: {  	[tilespmem:s22], [sflag:$0x4] =	stream.indirect_vreg.gather [hbm4b:s9+s2], $0x80, v19, vm0, $0xb8;
	[tilespmem:$0x1E400] =	vst v63  }
0x7da: {  	v50 =	vperm.xlane v17, v7;
	v19 =	vadd.s32 v3, v49;
	s22 =	simm.s32 $0x19D00  }
0x7db: {  	[tilespmem:s22], [sflag:$0x4] =	stream.indirect_vreg.gather [hbm4b:s9+s2], $0x80, v20, vm0, $0xb8;
	[tilespmem:$0x1E400] =	vst v63  }
0x7dc: {  	v52 =	vperm.xlane v17, v8;
	v51 =	vadd.s32 v3, v50;
	s22 =	simm.s32 $0x19D80  }
0x7dd: {  	[tilespmem:s22], [sflag:$0x4] =	stream.indirect_vreg.gather [hbm4b:s9+s2], $0x80, v18, vm0, $0xb8;
	[tilespmem:$0x1E400] =	vst v63  }
0x7de: {  	v53 =	vperm.xlane v17, v0;
	v18 =	vadd.s32 v3, v52;
	s22 =	simm.s32 $0x19E00  }
0x7df: {  	[tilespmem:s22], [sflag:$0x4] =	stream.indirect_vreg.gather [hbm4b:s9+s2], $0x80, v19, vm0, $0xb8;
	[tilespmem:$0x1E400] =	vst v63  }
0x7e0: {  	v54 =	vperm.xlane v17, v9;
	v19 =	vadd.s32 v3, v53;
	s22 =	simm.s32 $0x19E80  }
0x7e1: {  	[tilespmem:s22], [sflag:$0x4] =	stream.indirect_vreg.gather [hbm4b:s9+s2], $0x80, v51, vm0, $0xb8;
	[tilespmem:$0x1E400] =	vst v63  }
0x7e2: {  	v56 =	vperm.xlane v17, v10;
	v55 =	vadd.s32 v3, v54;
	s22 =	simm.s32 $0x19F00  }
0x7e3: {  	[tilespmem:s22], [sflag:$0x4] =	stream.indirect_vreg.gather [hbm4b:s9+s2], $0x80, v18, vm0, $0xb8;
	[tilespmem:$0x1E400] =	vst v63  }
0x7e4: {  	v57 =	vperm.xlane v17, v11;
	v18 =	vadd.s32 v3, v56;
	s22 =	simm.s32 $0x19F80  }
0x7e5: {  	[tilespmem:s22], [sflag:$0x4] =	stream.indirect_vreg.gather [hbm4b:s9+s2], $0x80, v19, vm0, $0xb8;
	[tilespmem:$0x1E400] =	vst v63  }
0x7e6: {  	v58 =	vperm.xlane v17, v12;
	v19 =	vadd.s32 v3, v57;
	s22 =	simm.s32 $0x1A000  }
0x7e7: {  	[tilespmem:s22], [sflag:$0x4] =	stream.indirect_vreg.gather [hbm4b:s9+s2], $0x80, v55, vm0, $0xb8;
	[tilespmem:$0x1E400] =	vst v63  }
0x7e8: {  	v60 =	vperm.xlane v17, v13;
	v59 =	vadd.s32 v3, v58;
	s22 =	simm.s32 $0x1A080  }
0x7e9: {  	[tilespmem:s22], [sflag:$0x4] =	stream.indirect_vreg.gather [hbm4b:s9+s2], $0x80, v18, vm0, $0xb8;
	[tilespmem:$0x1E400] =	vst v63  }
0x7ea: {  	v61 =	vperm.xlane v17, v14;
	v18 =	vadd.s32 v3, v60;
	s22 =	simm.s32 $0x1A100  }
0x7eb: {  	[tilespmem:s22], [sflag:$0x4] =	stream.indirect_vreg.gather [hbm4b:s9+s2], $0x80, v19, vm0, $0xb8;
	[tilespmem:$0x1E400] =	vst v63  }
0x7ec: {  	v19 =	vadd.s32 v3, v61;
	s22 =	simm.s32 $0x1A180  }
0x7ed: {  	v62 =	vperm.xlane v17, v15;
	[tilespmem:s22], [sflag:$0x4] =	stream.indirect_vreg.gather [hbm4b:s9+s2], $0x80, v59, vm0, $0xb8;
	[tilespmem:$0x1E400] =	vst v63  }
0x7ee: {  	s22 =	simm.s32 $0x1A200  }
0x7ef: {  	v17 =	vperm.xlane v17, v16;
	v63 =	vadd.s32 v3, v62;
	[tilespmem:s22], [sflag:$0x4] =	stream.indirect_vreg.gather [hbm4b:s9+s2], $0x80, v18, vm0, $0xb8;
	[tilespmem:$0x1E400] =	vst v63  }
0x7f0: {  	s22 =	simm.s32 $0x1A280  }
0x7f1: {  	v17 =	vadd.s32 v3, v17;
	[tilespmem:s22], [sflag:$0x4] =	stream.indirect_vreg.gather [hbm4b:s9+s2], $0x80, v19, vm0, $0xb8;
	[tilespmem:$0x1E400] =	vst v63  }
.Ltmp9:
0x7f2: {  	_ = 	snop;
	(pc) =	sbr.rel .LBB2_8-.Ltmp9, $4  }
0x7f3: {  	s22 =	simm.s32 $0x1A300  }
0x7f4: {  	[tilespmem:s22], [sflag:$0x4] =	stream.indirect_vreg.gather [hbm4b:s9+s2], $0x80, v63, vm0, $0xb8;
	[tilespmem:$0x1E400] =	vst v63  }
0x7f5: {  	s22 =	simm.s32 $0x1A380  }
0x7f6: {  	[tilespmem:s22], [sflag:$0x4] =	stream.indirect_vreg.gather [hbm4b:s9+s2], $0x80, v17, vm0, $0xb8;
	[tilespmem:$0x1E400] =	vst v63  }
.LBB2_10:
0x7f7: {  	_ =	sfence.sel $0x180000  }
0x7f8: {  	[bflag:$0x0] =	sbarrier.arrive $0xFFFF  }
0x7f9: {  	_ =	strace $0x90000047  }
0x7fa: {  	s0 =	stileid.u32;
	[bflag:$0x2] =	sbarrier.arrive $0xFFFF  }
0x7fb: {  	p0 =	sne.s32 s0, $0x0;
	s0 =	rddreg [dreg:$0x4]  }
0x7fc: {  	s0 =	sadd.s32 @!p0 $0x100000, s0  }
0x7fd: {  	[sflag:s0] =	ssyncadd.tile.s32 @!p0 $0x1;
	_ =	shalt  }
.Lfunc_end2:
_tile_overlayer_lowered:
.L_overlay_start_2:
0x7fe: {  	(tag) =	ssettag $0x2  }
0x7ff: {  	s0 =	rddreg [dreg:$0x0];
	s2 =	stileid.u32  }
0x800: {  	s1 =	rddreg [dreg:$0x1];
	p0 =	sne.s32 s2, $0x0  }
0x801: {  	s3 =	rddreg [dreg:$0x2];
	[bflag:$0x3] =	sbarrier.arrive $0xFFFF;
	s2 =	simm.s32 @!p0 $0x1C0B  }
0x802: {  	[timem:s3], [sflag:s2] =	dma.local @!p0 [hbm:s0], s1  }
0x803: {  	s0 =	simm.s32 @!p0 $0xB  }
0x804: {  	_ =	swait.ge @!p0 [sflag:s0], s1  }
0x805: {  	s1 =	ssub.s32 @!p0 $0x0, s1;
	[sflag:s0] =	ssyncset.done @!p0 $0x0  }
0x806: {  	[sflag:s0] =	ssyncadd.s32 @!p0 s1  }
0x807: {  	[bflag:$0x3] =	sbarrier.arrive $0xFFFF  }
0x808: {  	_ =	shalt  }

// kernel: kernel.9.cloned.1.call-start
scs
__scs_entry_jumppad:
0x0: {  	(pc) =	sbr.rel $0x88, $3  }
0x1: {  	(tag) =	ssettag $0x0;
	lr =	simm.s32 $0x1  }
0x2: {  	[smem:$0x3F9B] =	sst lr;
	_ =	strace $0xD0000000  }
0x3: {  	_ = 	snop  }
0x4: {  	_ = 	snop  }
0x5: {  	_ = 	snop  }
0x6: {  	_ = 	snop  }
0x7: {  	_ = 	snop  }
__scs_overlays_trampoline_lowered:
0x8: {  	[smem:$0x3FAA] =	sst s0  }
0x9: {  	[smem:$0x3FAB] =	sst s1  }
0xa: {  	[smem:$0x3FAC] =	sst s2  }
0xb: {  	[smem:$0x3FAD] =	sst s3  }
0xc: {  	[smem:$0x3FAE] =	sst s4  }
0xd: {  	[smem:$0x3FAF] =	sst s5  }
0xe: {  	[smem:$0x3FB0] =	sst s6  }
0xf: {  	[smem:$0x3FB1] =	sst s7  }
0x10: {  	[smem:$0x3FB2] =	sst s8  }
0x11: {  	[smem:$0x3FB3] =	sst s9;
	s0 =	simm.s32 @!p0 $0x0  }
0x12: {  	s1 =	sld [smem:$0x3F99];
	s0 =	simm.s32 @p0 $0x1  }
0x13: {  	[smem:$0x3FB4] =	sst s0;
	s0 =	simm.s32 @!p1 $0x0  }
0x14: {  	s2 =	sld [smem:$0x3F98];
	s0 =	simm.s32 @p1 $0x1  }
0x15: {  	[smem:$0x3FB5] =	sst s0;
	s0 =	simm.s32 @!p2 $0x0  }
0x16: {  	s3 =	sld [smem:$0x3FDB];
	s0 =	simm.s32 @p2 $0x1  }
0x17: {  	s4 =	simm.s32 $0x1BF5;
	[smem:$0x3FB7] =	sst s0  }
0x18: {  	s0 =	sld [smem:$0x3F9A];
	_ =	swait.ge [sflag:s4], $0x0  }
0x19: {  	s7 =	sld [smem:$0x3F9B]  }
0x1a: {  	s8 =	sadd.s32 $0xFFFFE003, lr  }
0x1b: {  	s9 =	sadd.s32 $0xFFFFFEF7, lr;
	s5 =	simm.s32 $0xFFFFFFFF;
	p2 =	slt.u32 s8, $0xFFFFF086  }
0x1c: {  	p1 =	slt.u32 s9, $0xF7A;
	s5 =	simm.s32 @!p2 $0x0  }
0x1d: {  	s5 =	simm.s32 @p1 $0x1;
	p0 =	seq.s32 s7, s2  }
0x1e: {  	s7 =	smul.u32 @!p0 $0xF7A, s2;
	p2 =	seq.s32 @!p0 s5, $0x0  }
0x1f: {  	s9 =	smul.u32 $0xF7A, s1;
	s8 =	simm.s32 @!p0 $0x1BF5;
	p2 =	por !p2, p0  }
0x20: {  	[sflag:s8] =	ssyncset.s32 @!p0 $0xFFFFF086;
	s6 =	sadd.s32 @!p0 s3, s7;
	s7 =	simm.s32 @!p0 $0x108  }
0x21: {  	s3 =	sadd.s32 s3, s9;
	s6 =	sadd.s32 @!p0 $0x88, s6;
	s7 =	simm.s32 @p2 $0x1082  }
0x22: {  	[simem:s7], [sflag:s8] =	dma.local @!p0 [hbm:s6], $0xF7A  }
0x23: {  	s9 =	sor.u32 $0xD0000000, s2;
	s6 =	simm.s32 $0x108;
	_ =	swait.ge @!p0 [sflag:s8], $0x0  }
0x24: {  	s3 =	sadd.s32 $0x88, s3;
	s6 =	simm.s32 @!p1 $0x1082;
	[sflag:s4] =	ssyncset.s32 $0xFFFFF086  }
0x25: {  	[simem:s6], [sflag:s4] =	dma.local [hbm:s3], $0xF7A  }
0x26: {  	[smem:$0x3F9B] =	sst s1;
	(tag) =	ssettag s2;
	_ =	strace s9  }
0x27: {  	s1 =	sld [smem:$0x3FAB]  }
0x28: {  	s2 =	sld [smem:$0x3FAC]  }
0x29: {  	s4 =	sld [smem:$0x3FAE]  }
0x2a: {  	p0 =	seq.s32 s5, $0x0;
	s5 =	sld [smem:$0x3FAF]  }
0x2b: {  	s6 =	sld [smem:$0x3FB0]  }
0x2c: {  	s7 =	sld [smem:$0x3FB1]  }
0x2d: {  	s3 =	simm.s32 $0x108;
	s8 =	sld [smem:$0x3FB2]  }
0x2e: {  	s3 =	simm.s32 @!p0 $0x1082;
	s9 =	sld [smem:$0x3FB3]  }
0x2f: {  	lr =	sadd.s32 s0, s3;
	s0 =	sld [smem:$0x3FAA]  }
0x30: {  	s3 =	sld [smem:$0x3FAD]  }
0x31: {  	[smem:$0x3FB6] =	sst s10  }
0x32: {  	s10 =	sld [smem:$0x3FB4];
	_ =	sdelay $0x3  }
0x33: {  	p0 =	seq.s32 s10, $0x1;
	s10 =	sld [smem:$0x3FB6];
	_ =	sdelay $0x3  }
0x34: {  	[smem:$0x3FB6] =	sst s10  }
0x35: {  	s10 =	sld [smem:$0x3FB5];
	_ =	sdelay $0x3  }
0x36: {  	p1 =	seq.s32 s10, $0x1;
	s10 =	sld [smem:$0x3FB6];
	_ =	sdelay $0x3  }
0x37: {  	[smem:$0x3FB6] =	sst s10  }
0x38: {  	s10 =	sld [smem:$0x3FB7]  }
0x39: {  	_ = 	snop;
	(pc) =	sbr.ind lr, $3  }
0x3a: {  	_ = 	snop  }
0x3b: {  	_ = 	snop  }
0x3c: {  	p2 =	seq.s32 s10, $0x1;
	s10 =	sld [smem:$0x3FB6]  }
0x3d: {  	_ =	shalt  }
0x3e: {  	_ =	shalt  }
0x3f: {  	_ =	shalt  }
0x40: {  	_ =	shalt  }
0x41: {  	_ =	shalt  }
0x42: {  	_ =	shalt  }
0x43: {  	_ =	shalt  }
0x44: {  	_ =	shalt  }
0x45: {  	_ =	shalt  }
0x46: {  	_ =	shalt  }
0x47: {  	_ =	shalt  }
0x48: {  	_ =	shalt  }
0x49: {  	_ =	shalt  }
0x4a: {  	_ =	shalt  }
0x4b: {  	_ =	shalt  }
0x4c: {  	_ =	shalt  }
0x4d: {  	_ =	shalt  }
0x4e: {  	_ =	shalt  }
0x4f: {  	_ =	shalt  }
0x50: {  	_ =	shalt  }
0x51: {  	_ =	shalt  }
0x52: {  	_ =	shalt  }
0x53: {  	_ =	shalt  }
0x54: {  	_ =	shalt  }
0x55: {  	_ =	shalt  }
0x56: {  	_ =	shalt  }
0x57: {  	_ =	shalt  }
0x58: {  	_ =	shalt  }
0x59: {  	_ =	shalt  }
0x5a: {  	_ =	shalt  }
0x5b: {  	_ =	shalt  }
0x5c: {  	_ =	shalt  }
0x5d: {  	_ =	shalt  }
0x5e: {  	_ =	shalt  }
0x5f: {  	_ =	shalt  }
0x60: {  	_ =	shalt  }
0x61: {  	_ =	shalt  }
0x62: {  	_ =	shalt  }
0x63: {  	_ =	shalt  }
0x64: {  	_ =	shalt  }
0x65: {  	_ =	shalt  }
0x66: {  	_ =	shalt  }
0x67: {  	_ =	shalt  }
0x68: {  	_ =	shalt  }
0x69: {  	_ =	shalt  }
0x6a: {  	_ =	shalt  }
0x6b: {  	_ =	shalt  }
0x6c: {  	_ =	shalt  }
0x6d: {  	_ =	shalt  }
0x6e: {  	_ =	shalt  }
0x6f: {  	_ =	shalt  }
0x70: {  	_ =	shalt  }
0x71: {  	_ =	shalt  }
0x72: {  	_ =	shalt  }
0x73: {  	_ =	shalt  }
0x74: {  	_ =	shalt  }
0x75: {  	_ =	shalt  }
0x76: {  	_ =	shalt  }
0x77: {  	_ =	shalt  }
0x78: {  	_ =	shalt  }
0x79: {  	_ =	shalt  }
0x7a: {  	_ =	shalt  }
0x7b: {  	_ =	shalt  }
0x7c: {  	_ =	shalt  }
0x7d: {  	_ =	shalt  }
0x7e: {  	_ =	shalt  }
0x7f: {  	_ =	shalt  }
0x80: {  	_ =	shalt  }
0x81: {  	_ =	shalt  }
0x82: {  	_ =	shalt  }
0x83: {  	_ =	shalt  }
0x84: {  	_ =	shalt  }
0x85: {  	_ =	shalt  }
0x86: {  	_ =	shalt  }
0x87: {  	_ =	shalt  }
.Lfunc_end0:
.L_simem_size_0:
called_computation.1_lowered:
.L_overlay_start_0:
0x88: {  	s2 =	sld [smem:$0x3FD9]  }
0x89: {  	s3 =	sld [smem:$0x3FFE];
	_ =	sdelay $0x1  }
0x8a: {  	s1 =	srdreg.scid  }
0x8b: {  	s0 =	sand.u32 $0x1, s1  }
0x8c: {  	s16 =	sshll.u32 s0, $0xA;
	s2 =	sadd.s32 s3, s2  }
0x8d: {  	s2 =	sadd.s32 s2, s16  }
0x8e: {  	[smem:$0x3FC2] =	sst s2  }
0x8f: {  	_ = 	snop  }
0x90: {  	(tm) =	ssettm $0x1  }
0x91: {  	s17 =	sld [smem:$0x3FFB];
	_ =	sdelay $0x3  }
0x92: {  	_ =	strace s17  }
0x93: {  	s2 =	sld [smem:$0x3FFC];
	_ =	sdelay $0x3  }
0x94: {  	_ =	strace s2  }
0x95: {  	s2 =	sld [smem:$0x3FFD];
	_ =	sdelay $0x3  }
0x96: {  	_ =	strace s2  }
0x97: {  	_ =	strace $0x8FFFFFFF  }
0x98: {  	s18 =	sld [smem:$0x3FDB];
	_ =	sdelay $0x1  }
0x99: {  	s19 =	simm.s32 $_scs_section_size  }
0x9a: {  	s4 =	simm.s32 $_size__tile_overlayer_lowered;
	s5 =	simm.s32 $_tile_overlayer_lowered  }
0x9b: {  	s22 =	simm.s32 $0x1BFF;
	s21 =	sshll.u32 s5, $0x1;
	s2 =	sadd.s32 s19, s18  }
0x9c: {  	s6 =	simm.s32 $0x0;
	s20 =	sshll.u32 s4, $0x1;
	s4 =	sadd.s32 s21, s2  }
0x9d: {  	[timem:s6], [sflag:s22] =	dma.local [hbm:s4], s20  }
0x9e: {  	_ =	swait.ge [sflag:s22], s20  }
0x9f: {  	s3 =	ssub.s32 $0x0, s20;
	[sflag:s22] =	ssyncset.done $0x0  }
0xa0: {  	[sflag:s22] =	ssyncadd.s32 s3;
	_ =	sdelay $0x1  }
0xa1: {  	s23 =	simm.s32 $0x1B8B  }
0xa2: {  	_ =	swait.ge [sflag:s23], $0x1  }
0xa3: {  	[sflag:s23] =	ssyncset.done $0x0  }
0xa4: {  	s25 =	simm.s32 $0x1B8E;
	s24 =	sld [smem:$0x3FFE];
	[sflag:s23] =	ssyncadd.s32 $0xFFFFFFFF  }
0xa5: {  	s26 =	simm.s32 $execute0_lowered;
	[smem:$0x3FD2] =	sst s25  }
0xa6: {  	s4 =	sshll.u32 s26, $0x1;
	_ =	strace $0x80000049;
	[dreg:$0x1] =	wrdreg $0xFFFFFFFF  }
0xa7: {  	s28 =	simm.s32 $_size_execute0_lowered;
	s2 =	sadd.s32 s2, s4;
	[dreg:$0x0] =	wrdreg $0x0  }
0xa8: {  	s4 =	sshll.u32 s28, $0x1;
	[dreg:$0x2] =	wrdreg s2  }
0xa9: {  	[dreg:$0x3] =	wrdreg s4  }
0xaa: {  	[dreg:$0x4] =	wrdreg $0xC0  }
0xab: {  	_ =	task [dreg:s6], $0x5FFFF  }
0xac: {  	[dreg:$0x1] =	wrdreg $0xFFFFFFFF  }
0xad: {  	[dreg:$0x0] =	wrdreg $0x60  }
0xae: {  	[dreg:$0x2] =	wrdreg s24  }
0xaf: {  	[dreg:$0x3] =	wrdreg $0x0  }
0xb0: {  	[dreg:$0x4] =	wrdreg $0x9  }
0xb1: {  	_ =	task.clear_ibuf [dreg:s6], $0x5FFFF;
	_ =	strace $0x90000049  }
0xb2: {  	s29 =	simm.s32 $0x9;
	_ =	strace $0x8000004B  }
0xb3: {  	_ =	swait.ge [sflag:s29], $0x1  }
0xb4: {  	[sflag:s29] =	ssyncadd.s32 $0xFFFFFFFF  }
0xb5: {  	_ =	strace $0x9000004B  }
0xb6: {  	_ =	sfence  }
0xb7: {  	s30 =	sld [smem:$0x0];
	_ =	sdelay $0x2  }
0xb8: {  	s31 =	sshll.u32 s1, $0xD;
	s1 =	sshrl.u32 s1, $0x2  }
0xb9: {  	s3 =	sand.u32 $0x4000, s31;
	s1 =	sadd.s32 s1, s30  }
0xba: {  	s0 =	sor.u32 s3, s0;
	s1 =	sshll.u32 s1, $0x11  }
0xbb: {  	s0 =	sor.u32 s1, s0  }
0xbc: {  	s0 =	sadd.s32 $0x8F2B, s0  }
0xbd: {  	[sflag:s0] =	ssyncadd.remote.s32 $0x1  }
0xbe: {  	_ =	sfence.sel $0xFFFF  }
0xbf: {  	[dreg:$0x0] =	wrdreg $0xFFFFFFFF;
	(pc) =	sbr.abs _section_cstart, $3  }
0xc0: {  	[dreg:$0x1] =	wrdreg $0xFFFFFFFF  }
0xc1: {  	_ =	task.clear_ibuf [dreg:s6], $0x2FFFF;
	_ =	strace $0x9FFFFFFF  }
0xc2: {  	(tm) =	ssettm $0x7FFFFFFF  }
0xc3: {  	_ =	shalt  }
tec
execute0_lowered:
.L_overlay_start_1:
0x0: {  	(tag) =	ssettag $0x1  }
0x1: {  	s0 =	srdreg.scid  }
0x2: {  	s1 =	rddreg [dreg:$0x0];
	s15 =	stileid.u32  }
0x3: {  	s2 =	rddreg [dreg:$0x1];
	s5 =	simm.s32 $0x0;
	s16 =	simm.s32 $0x20  }
0x4: {  	s18 =	simm.s32 $0x16400;
	s29 =	simm.s32 $0x1A400;
	s4 =	smul.u32 $0x28, s15  }
0x5: {  	s31 =	simm.s32 $0x1B400;
	s17 =	simm.s32 $0x1D400;
	s20 =	smul.u32 $0x4F000, s15  }
0x6: {  	s28 =	simm.s32 $0x4;
	s30 =	simm.s32 $0x80;
	s10 =	smul.u32 $0x4E000, s15  }
0x7: {  	s0 =	sand.u32 $0x1, s0;
	[smem:$0x7FF] =	sst s5;
	s14 =	smul.u32 $0x2700, s15  }
0x8: {  	s7 =	sadd.s32 $0xB600, s1;
	s8 =	sadd.s32 $0xBA00, s1;
	s3 =	smul.u32 $0x280, s0  }
0x9: {  	s21 =	sshll.u32 s15, $0x6;
	p1 =	sne.s32 s15, $0xF;
	s6 =	smul.u32 $0x2780, s0  }
0xa: {  	_ =	strace $0x8000004A;
	s9 =	ssub.s32 $0x2, s0;
	s12 =	smul.u32 $0x27100, s0  }
0xb: {  	[dreg:$0x3] =	wrdreg s7;
	s0 =	smul.u32 $0x138800, s0;
	s11 =	sshrl.u32 s9, $0x1  }
0xc: {  	s7 =	sshrl.u32 s20, $0x2;
	s23 =	sshrl.u32 s10, $0x2;
	s20 =	simm.s32 $0x17400  }
0xd: {  	s10 =	simm.s32 $0xA;
	s3 =	sadd.s32 s4, s3;
	s4 =	sadd.s32 $0xBE00, s1  }
0xe: {  	s6 =	sadd.s32 s6, s1;
	s11 =	ssub.s32 s9, s11;
	s13 =	sadd.s32 s7, s2  }
0xf: {  	s7 =	sor.u32 $0x1C0B, s21;
	s24 =	sadd.s32 s14, s12;
	s0 =	sshrl.u32 s0, $0x3  }
0x10: {  	s14 =	simm.s32 $0xB;
	s21 =	simm.s32 $0x2;
	s19 =	sshll.u32 s3, $0x4  }
0x11: {  	s6 =	sadd.s32 $0x5A000, s6;
	s25 =	smax.u32 s11, $0x1;
	p0 =	sgt.u32 s3, $0x4BA  }
0x12: {  	s26 =	sshrl.u32 s13, $0x3;
	s3 =	simm.s32 $0x5;
	[dreg:$0x4] =	wrdreg s6  }
0x13: {  	s11 =	simm.s32 $0x0;
	s5 =	sadd.s32 s19, s1;
	[dreg:$0x8] =	wrdreg s25  }
0x14: {  	s1 =	sadd.s32 $0x5F000, s1;
	[dreg:$0x9] =	wrdreg s26;
	s26 =	simm.s32 $0x19400  }
0x15: {  	s19 =	simm.s32 $0x1;
	s22 =	sadd.s32 $0x6600, s5;
	s9 =	sadd.s32 $0x1600, s5  }
0x16: {  	s5 =	sadd.s32 s23, s2;
	s6 =	sadd.s32 s1, s24;
	s0 =	sadd.s32 s1, s0  }
0x17: {  	s1 =	sadd.s32 $0x138000, s2;
	s23 =	simm.s32 $0x3;
	[dreg:$0x5] =	wrdreg s22  }
0x18: {  	[dreg:$0x6] =	wrdreg s6;
	s0 =	sadd.s32 $0x27000, s0;
	s9 =	smov.u32 @p0 s8  }
0x19: {  	s22 =	simm.s32 $0x18400;
	s24 =	sshrl.u32 s5, $0x3;
	s25 =	sshrl.u32 @!p1 s1, $0x3  }
0x1a: {  	s1 =	simm.s32 $0x9;
	s5 =	simm.s32 $0x6;
	s6 =	simm.s32 $0x7  }
0x1b: {  	s8 =	simm.s32 $0x8;
	[dreg:$0x7] =	wrdreg s0;
	s0 =	simm.s32 $0x1C400  }
.LBB2_1:
0x1c: {  	s12 =	rddreg [dreg:$0x4]  }
0x1d: {  	s13 =	rddreg [dreg:$0x9]  }
0x1e: {  	[spmem:s13], [sflag:s7] =	dma.local [hbm:s12], $0x2780  }
0x1f: {  	_ =	swait.ge [sflag:s14], $0x2780  }
0x20: {  	[sflag:s14] =	ssyncset.done $0x0  }
0x21: {  	[sflag:s14] =	ssyncadd.s32 $0xFFFFD880  }
0x22: {  	[bflag:$0x0] =	sbarrier.arrive $0xFFFF  }
0x23: {  	s15 =	simm.s32 @p0 $0x13C00;
	s12 =	simm.s32 @p0 $0x0;
	s13 =	rddreg [dreg:$0x3]  }
0x24: {  	[tilespmem:s15], [sflag:$0xB] =	stream.linear.gather @p0 [hbm4b:s13+s12], $0x1400, $0x38;
	[tilespmem:$0x1E400] =	vst v63  }
0x25: {  	s12 =	simm.s32 @p0 $0xB  }
0x26: {  	_ =	swait.ge @p0 [sflag:s12], $0x1400  }
0x27: {  	s15 =	simm.s32 @!p0 $0x13C00;
	[sflag:s12] =	ssyncset.done @p0 $0x0  }
0x28: {  	s13 =	rddreg [dreg:$0x5];
	[sflag:s12] =	ssyncadd.s32 @p0 $0xFFFFEC00;
	s12 =	simm.s32 @!p0 $0x0  }
0x29: {  	[tilespmem:s15], [sflag:$0xB] =	stream.linear.gather @!p0 [hbm4b:s13+s12], $0x1400, $0x38;
	[tilespmem:$0x1E400] =	vst v63  }
0x2a: {  	s12 =	simm.s32 @!p0 $0xB  }
0x2b: {  	_ =	swait.ge @!p0 [sflag:s12], $0x1400  }
0x2c: {  	[sflag:s12] =	ssyncset.done @!p0 $0x0  }
0x2d: {  	s15 =	simm.s32 $0x0;
	s13 =	simm.s32 $0x15000;
	[sflag:s12] =	ssyncadd.s32 @!p0 $0xFFFFEC00  }
0x2e: {  	[tilespmem:s13], [sflag:$0xB] =	stream.linear.gather [hbm4b:s9+s15], $0x1400, $0x38;
	[tilespmem:$0x1E400] =	vst v63  }
0x2f: {  	_ =	swait.ge [sflag:s14], $0x1400  }
0x30: {  	[sflag:s14] =	ssyncset.done $0x0  }
0x31: {  	s15 =	simm.s32 $0x13C00;
	[sflag:s14] =	ssyncadd.s32 $0xFFFFEC00  }
0x32: {  	[tilespmem:s18], [sflag:$0x1] =	stream.indirect.gather [hbm4b:s4+s16], $0x80, s15, s16, $0xb8;
	[tilespmem:$0x1E400] =	vst v63  }
0x33: {  	s15 =	simm.s32 $0x13C20  }
0x34: {  	[tilespmem:s20], [sflag:$0x2] =	stream.indirect.gather [hbm4b:s4+s16], $0x80, s15, s16, $0xb8;
	[tilespmem:$0x1E400] =	vst v63  }
0x35: {  	s15 =	simm.s32 $0x13C40  }
0x36: {  	[tilespmem:s22], [sflag:$0x3] =	stream.indirect.gather [hbm4b:s4+s16], $0x80, s15, s16, $0xb8;
	[tilespmem:$0x1E400] =	vst v63  }
0x37: {  	s15 =	simm.s32 $0x13C60  }
0x38: {  	[tilespmem:s26], [sflag:$0x4] =	stream.indirect.gather [hbm4b:s4+s16], $0x80, s15, s16, $0xb8;
	[tilespmem:$0x1E400] =	vst v63  }
0x39: {  	s15 =	simm.s32 $0x13C80  }
0x3a: {  	[tilespmem:s29], [sflag:$0x5] =	stream.indirect.gather [hbm4b:s4+s16], $0x80, s15, s16, $0xb8;
	[tilespmem:$0x1E400] =	vst v63  }
0x3b: {  	s15 =	simm.s32 $0x13CA0  }
0x3c: {  	[tilespmem:s31], [sflag:$0x6] =	stream.indirect.gather [hbm4b:s4+s16], $0x80, s15, s16, $0xb8;
	[tilespmem:$0x1E400] =	vst v63  }
0x3d: {  	s15 =	simm.s32 $0x13CC0  }
0x3e: {  	[tilespmem:s0], [sflag:$0x7] =	stream.indirect.gather [hbm4b:s4+s16], $0x80, s15, s16, $0xb8;
	[tilespmem:$0x1E400] =	vst v63  }
0x3f: {  	s15 =	simm.s32 $0x13CE0  }
0x40: {  	[tilespmem:s17], [sflag:$0x8] =	stream.indirect.gather [hbm4b:s4+s16], $0x80, s15, s16, $0xb8;
	[tilespmem:$0x1E400] =	vst v63  }
0x41: {  	_ =	swait.ge [sflag:s19], $0x1000  }
0x42: {  	[sflag:s19] =	ssyncset.done $0x0  }
0x43: {  	[sflag:s19] =	ssyncadd.s32 $0xFFFFF000  }
0x44: {  	_ =	swait.ge [sflag:s21], $0x1000  }
0x45: {  	[sflag:s21] =	ssyncset.done $0x0  }
0x46: {  	[sflag:s21] =	ssyncadd.s32 $0xFFFFF000  }
0x47: {  	_ =	swait.ge [sflag:s23], $0x1000  }
0x48: {  	[sflag:s23] =	ssyncset.done $0x0  }
0x49: {  	[sflag:s23] =	ssyncadd.s32 $0xFFFFF000  }
0x4a: {  	_ =	swait.ge [sflag:s28], $0x1000  }
0x4b: {  	[sflag:s28] =	ssyncset.done $0x0  }
0x4c: {  	[sflag:s28] =	ssyncadd.s32 $0xFFFFF000  }
0x4d: {  	[spmem:s2] =	stream.indirect.scatter.add.f32 [tilespmem:s18], [sflag:$0x9], $0x80, s13, s30, $0xb8;
	[tilespmem:$0x1E400] =	vst v63  }
0x4e: {  	_ =	swait.ge [sflag:s1], $0x4000  }
0x4f: {  	[sflag:s1] =	ssyncset.done $0x0  }
0x50: {  	s13 =	simm.s32 $0x13D00;
	[sflag:s1] =	ssyncadd.s32 $0xFFFFC000  }
0x51: {  	[tilespmem:s18], [sflag:$0x1] =	stream.indirect.gather [hbm4b:s4+s16], $0x80, s13, s16, $0xb8;
	[tilespmem:$0x1E400] =	vst v63  }
0x52: {  	s15 =	simm.s32 $0x13D20  }
0x53: {  	[tilespmem:s20], [sflag:$0x2] =	stream.indirect.gather [hbm4b:s4+s16], $0x80, s15, s16, $0xb8;
	[tilespmem:$0x1E400] =	vst v63  }
0x54: {  	s13 =	simm.s32 $0x13D40  }
0x55: {  	[tilespmem:s22], [sflag:$0x3] =	stream.indirect.gather [hbm4b:s4+s16], $0x80, s13, s16, $0xb8;
	[tilespmem:$0x1E400] =	vst v63  }
0x56: {  	s15 =	simm.s32 $0x13D60  }
0x57: {  	[tilespmem:s26], [sflag:$0x4] =	stream.indirect.gather [hbm4b:s4+s16], $0x80, s15, s16, $0xb8;
	[tilespmem:$0x1E400] =	vst v63  }
0x58: {  	_ =	swait.ge [sflag:s3], $0x1000  }
0x59: {  	[sflag:s3] =	ssyncset.done $0x0  }
0x5a: {  	[sflag:s3] =	ssyncadd.s32 $0xFFFFF000  }
0x5b: {  	_ =	swait.ge [sflag:s5], $0x1000  }
0x5c: {  	[sflag:s5] =	ssyncset.done $0x0  }
0x5d: {  	[sflag:s5] =	ssyncadd.s32 $0xFFFFF000  }
0x5e: {  	_ =	swait.ge [sflag:s6], $0x1000  }
0x5f: {  	[sflag:s6] =	ssyncset.done $0x0  }
0x60: {  	[sflag:s6] =	ssyncadd.s32 $0xFFFFF000  }
0x61: {  	_ =	swait.ge [sflag:s8], $0x1000  }
0x62: {  	[sflag:s8] =	ssyncset.done $0x0  }
0x63: {  	s13 =	simm.s32 $0x15080;
	[sflag:s8] =	ssyncadd.s32 $0xFFFFF000  }
0x64: {  	[spmem:s2] =	stream.indirect.scatter.add.f32 [tilespmem:s29], [sflag:$0xA], $0x80, s13, s30, $0xb8;
	[tilespmem:$0x1E400] =	vst v63  }
0x65: {  	_ =	swait.ge [sflag:s10], $0x4000  }
0x66: {  	[sflag:s10] =	ssyncset.done $0x0  }
0x67: {  	s15 =	simm.s32 $0x13D80;
	[sflag:s10] =	ssyncadd.s32 $0xFFFFC000  }
0x68: {  	[tilespmem:s29], [sflag:$0x5] =	stream.indirect.gather [hbm4b:s4+s16], $0x80, s15, s16, $0xb8;
	[tilespmem:$0x1E400] =	vst v63  }
0x69: {  	s13 =	simm.s32 $0x13DA0  }
0x6a: {  	[tilespmem:s31], [sflag:$0x6] =	stream.indirect.gather [hbm4b:s4+s16], $0x80, s13, s16, $0xb8;
	[tilespmem:$0x1E400] =	vst v63  }
0x6b: {  	s15 =	simm.s32 $0x13DC0  }
0x6c: {  	[tilespmem:s0], [sflag:$0x7] =	stream.indirect.gather [hbm4b:s4+s16], $0x80, s15, s16, $0xb8;
	[tilespmem:$0x1E400] =	vst v63  }
0x6d: {  	s13 =	simm.s32 $0x13DE0  }
0x6e: {  	[tilespmem:s17], [sflag:$0x8] =	stream.indirect.gather [hbm4b:s4+s16], $0x80, s13, s16, $0xb8;
	[tilespmem:$0x1E400] =	vst v63  }
0x6f: {  	_ =	swait.ge [sflag:s19], $0x1000  }
0x70: {  	[sflag:s19] =	ssyncset.done $0x0  }
0x71: {  	[sflag:s19] =	ssyncadd.s32 $0xFFFFF000  }
0x72: {  	_ =	swait.ge [sflag:s21], $0x1000  }
0x73: {  	[sflag:s21] =	ssyncset.done $0x0  }
0x74: {  	[sflag:s21] =	ssyncadd.s32 $0xFFFFF000  }
0x75: {  	_ =	swait.ge [sflag:s23], $0x1000  }
0x76: {  	[sflag:s23] =	ssyncset.done $0x0  }
0x77: {  	[sflag:s23] =	ssyncadd.s32 $0xFFFFF000  }
0x78: {  	_ =	swait.ge [sflag:s28], $0x1000  }
0x79: {  	[sflag:s28] =	ssyncset.done $0x0  }
0x7a: {  	s15 =	simm.s32 $0x15100;
	[sflag:s28] =	ssyncadd.s32 $0xFFFFF000  }
0x7b: {  	[spmem:s2] =	stream.indirect.scatter.add.f32 [tilespmem:s18], [sflag:$0x9], $0x80, s15, s30, $0xb8;
	[tilespmem:$0x1E400] =	vst v63  }
0x7c: {  	_ =	swait.ge [sflag:s1], $0x4000  }
0x7d: {  	[sflag:s1] =	ssyncset.done $0x0  }
0x7e: {  	s13 =	simm.s32 $0x13E00;
	[sflag:s1] =	ssyncadd.s32 $0xFFFFC000  }
0x7f: {  	[tilespmem:s18], [sflag:$0x1] =	stream.indirect.gather [hbm4b:s4+s16], $0x80, s13, s16, $0xb8;
	[tilespmem:$0x1E400] =	vst v63  }
0x80: {  	s15 =	simm.s32 $0x13E20  }
0x81: {  	[tilespmem:s20], [sflag:$0x2] =	stream.indirect.gather [hbm4b:s4+s16], $0x80, s15, s16, $0xb8;
	[tilespmem:$0x1E400] =	vst v63  }
0x82: {  	s13 =	simm.s32 $0x13E40  }
0x83: {  	[tilespmem:s22], [sflag:$0x3] =	stream.indirect.gather [hbm4b:s4+s16], $0x80, s13, s16, $0xb8;
	[tilespmem:$0x1E400] =	vst v63  }
0x84: {  	s15 =	simm.s32 $0x13E60  }
0x85: {  	[tilespmem:s26], [sflag:$0x4] =	stream.indirect.gather [hbm4b:s4+s16], $0x80, s15, s16, $0xb8;
	[tilespmem:$0x1E400] =	vst v63  }
0x86: {  	_ =	swait.ge [sflag:s3], $0x1000  }
0x87: {  	[sflag:s3] =	ssyncset.done $0x0  }
0x88: {  	[sflag:s3] =	ssyncadd.s32 $0xFFFFF000  }
0x89: {  	_ =	swait.ge [sflag:s5], $0x1000  }
0x8a: {  	[sflag:s5] =	ssyncset.done $0x0  }
0x8b: {  	[sflag:s5] =	ssyncadd.s32 $0xFFFFF000  }
0x8c: {  	_ =	swait.ge [sflag:s6], $0x1000  }
0x8d: {  	[sflag:s6] =	ssyncset.done $0x0  }
0x8e: {  	[sflag:s6] =	ssyncadd.s32 $0xFFFFF000  }
0x8f: {  	_ =	swait.ge [sflag:s8], $0x1000  }
0x90: {  	[sflag:s8] =	ssyncset.done $0x0  }
0x91: {  	s12 =	simm.s32 $0x15180;
	s15 =	simm.s32 $0x400;
	[sflag:s8] =	ssyncadd.s32 $0xFFFFF000  }
.LBB2_2:
0x92: {  	[spmem:s2] =	stream.indirect.scatter.add.f32 [tilespmem:s29], [sflag:$0xA], $0x80, s12, s30, $0xb8;
	[tilespmem:$0x1E400] =	vst v63  }
0x93: {  	s12 =	smov.u32 s15  }
0x94: {  	p2 =	sne.s32 s15, $0x4400;
	s15 =	sadd.s32 $0x400, s15;
	_ =	swait.ge [sflag:s10], $0x4000  }
0x95: {  	s12 =	sshra.s32 s12, $0x2;
	[sflag:s10] =	ssyncset.done $0x0  }
0x96: {  	s13 =	sadd.s32 $0x13D80, s12;
	[sflag:s10] =	ssyncadd.s32 $0xFFFFC000  }
0x97: {  	[tilespmem:s29], [sflag:$0x5] =	stream.indirect.gather [hbm4b:s4+s16], $0x80, s13, s16, $0xb8;
	[tilespmem:$0x1E400] =	vst v63  }
0x98: {  	s13 =	sadd.s32 $0x13DA0, s12  }
0x99: {  	[tilespmem:s31], [sflag:$0x6] =	stream.indirect.gather [hbm4b:s4+s16], $0x80, s13, s16, $0xb8;
	[tilespmem:$0x1E400] =	vst v63  }
0x9a: {  	s13 =	sadd.s32 $0x13DC0, s12  }
0x9b: {  	[tilespmem:s0], [sflag:$0x7] =	stream.indirect.gather [hbm4b:s4+s16], $0x80, s13, s16, $0xb8;
	[tilespmem:$0x1E400] =	vst v63  }
0x9c: {  	s13 =	sadd.s32 $0x13DE0, s12  }
0x9d: {  	[tilespmem:s17], [sflag:$0x8] =	stream.indirect.gather [hbm4b:s4+s16], $0x80, s13, s16, $0xb8;
	[tilespmem:$0x1E400] =	vst v63  }
0x9e: {  	_ =	swait.ge [sflag:s19], $0x1000  }
0x9f: {  	[sflag:s19] =	ssyncset.done $0x0  }
0xa0: {  	[sflag:s19] =	ssyncadd.s32 $0xFFFFF000  }
0xa1: {  	_ =	swait.ge [sflag:s21], $0x1000  }
0xa2: {  	[sflag:s21] =	ssyncset.done $0x0  }
0xa3: {  	[sflag:s21] =	ssyncadd.s32 $0xFFFFF000  }
0xa4: {  	_ =	swait.ge [sflag:s23], $0x1000  }
0xa5: {  	[sflag:s23] =	ssyncset.done $0x0  }
0xa6: {  	[sflag:s23] =	ssyncadd.s32 $0xFFFFF000  }
0xa7: {  	_ =	swait.ge [sflag:s28], $0x1000  }
0xa8: {  	[sflag:s28] =	ssyncset.done $0x0  }
0xa9: {  	s13 =	sadd.s32 $0x15100, s12;
	[sflag:s28] =	ssyncadd.s32 $0xFFFFF000  }
0xaa: {  	[spmem:s2] =	stream.indirect.scatter.add.f32 [tilespmem:s18], [sflag:$0x9], $0x80, s13, s30, $0xb8;
	[tilespmem:$0x1E400] =	vst v63  }
0xab: {  	_ =	swait.ge [sflag:s1], $0x4000  }
0xac: {  	[sflag:s1] =	ssyncset.done $0x0  }
0xad: {  	s13 =	sadd.s32 $0x13E00, s12;
	[sflag:s1] =	ssyncadd.s32 $0xFFFFC000  }
0xae: {  	[tilespmem:s18], [sflag:$0x1] =	stream.indirect.gather [hbm4b:s4+s16], $0x80, s13, s16, $0xb8;
	[tilespmem:$0x1E400] =	vst v63  }
0xaf: {  	s13 =	sadd.s32 $0x13E20, s12  }
0xb0: {  	[tilespmem:s20], [sflag:$0x2] =	stream.indirect.gather [hbm4b:s4+s16], $0x80, s13, s16, $0xb8;
	[tilespmem:$0x1E400] =	vst v63  }
0xb1: {  	s13 =	sadd.s32 $0x13E40, s12  }
0xb2: {  	[tilespmem:s22], [sflag:$0x3] =	stream.indirect.gather [hbm4b:s4+s16], $0x80, s13, s16, $0xb8;
	[tilespmem:$0x1E400] =	vst v63  }
0xb3: {  	s13 =	sadd.s32 $0x13E60, s12  }
0xb4: {  	[tilespmem:s26], [sflag:$0x4] =	stream.indirect.gather [hbm4b:s4+s16], $0x80, s13, s16, $0xb8;
	[tilespmem:$0x1E400] =	vst v63  }
0xb5: {  	_ =	swait.ge [sflag:s3], $0x1000  }
0xb6: {  	[sflag:s3] =	ssyncset.done $0x0  }
0xb7: {  	[sflag:s3] =	ssyncadd.s32 $0xFFFFF000  }
0xb8: {  	_ =	swait.ge [sflag:s5], $0x1000  }
0xb9: {  	[sflag:s5] =	ssyncset.done $0x0  }
0xba: {  	[sflag:s5] =	ssyncadd.s32 $0xFFFFF000  }
0xbb: {  	_ =	swait.ge [sflag:s6], $0x1000  }
.Ltmp0:
0xbc: {  	[sflag:s6] =	ssyncset.done $0x0;
	(pc) =	sbr.rel @p2 .LBB2_2-.Ltmp0, $4  }
0xbd: {  	[sflag:s6] =	ssyncadd.s32 $0xFFFFF000  }
0xbe: {  	_ =	swait.ge [sflag:s8], $0x1000  }
0xbf: {  	[sflag:s8] =	ssyncset.done $0x0  }
0xc0: {  	s12 =	sadd.s32 $0x15180, s12;
	[sflag:s8] =	ssyncadd.s32 $0xFFFFF000  }
0xc1: {  	[spmem:s2] =	stream.indirect.scatter.add.f32 [tilespmem:s29], [sflag:$0xA], $0x80, s12, s30, $0xb8;
	[tilespmem:$0x1E400] =	vst v63  }
0xc2: {  	_ =	swait.ge [sflag:s10], $0x4000  }
0xc3: {  	[sflag:s10] =	ssyncset.done $0x0  }
0xc4: {  	s15 =	simm.s32 $0x14F80;
	[sflag:s10] =	ssyncadd.s32 $0xFFFFC000  }
0xc5: {  	[tilespmem:s29], [sflag:$0x5] =	stream.indirect.gather [hbm4b:s4+s16], $0x80, s15, s16, $0xb8;
	[tilespmem:$0x1E400] =	vst v63  }
0xc6: {  	s13 =	simm.s32 $0x14FA0  }
0xc7: {  	[tilespmem:s31], [sflag:$0x6] =	stream.indirect.gather [hbm4b:s4+s16], $0x80, s13, s16, $0xb8;
	[tilespmem:$0x1E400] =	vst v63  }
0xc8: {  	s15 =	simm.s32 $0x14FC0  }
0xc9: {  	[tilespmem:s0], [sflag:$0x7] =	stream.indirect.gather [hbm4b:s4+s16], $0x80, s15, s16, $0xb8;
	[tilespmem:$0x1E400] =	vst v63  }
0xca: {  	s13 =	simm.s32 $0x14FE0  }
0xcb: {  	[tilespmem:s17], [sflag:$0x8] =	stream.indirect.gather [hbm4b:s4+s16], $0x80, s13, s16, $0xb8;
	[tilespmem:$0x1E400] =	vst v63  }
0xcc: {  	_ =	swait.ge [sflag:s19], $0x1000  }
0xcd: {  	[sflag:s19] =	ssyncset.done $0x0  }
0xce: {  	[sflag:s19] =	ssyncadd.s32 $0xFFFFF000  }
0xcf: {  	_ =	swait.ge [sflag:s21], $0x1000  }
0xd0: {  	[sflag:s21] =	ssyncset.done $0x0  }
0xd1: {  	[sflag:s21] =	ssyncadd.s32 $0xFFFFF000  }
0xd2: {  	_ =	swait.ge [sflag:s23], $0x1000  }
0xd3: {  	[sflag:s23] =	ssyncset.done $0x0  }
0xd4: {  	[sflag:s23] =	ssyncadd.s32 $0xFFFFF000  }
0xd5: {  	_ =	swait.ge [sflag:s28], $0x1000  }
0xd6: {  	[sflag:s28] =	ssyncset.done $0x0  }
0xd7: {  	s15 =	simm.s32 $0x16300;
	[sflag:s28] =	ssyncadd.s32 $0xFFFFF000  }
0xd8: {  	[spmem:s2] =	stream.indirect.scatter.add.f32 [tilespmem:s18], [sflag:$0x9], $0x80, s15, s30, $0xb8;
	[tilespmem:$0x1E400] =	vst v63  }
0xd9: {  	_ =	swait.ge [sflag:s3], $0x1000  }
0xda: {  	[sflag:s3] =	ssyncset.done $0x0  }
0xdb: {  	[sflag:s3] =	ssyncadd.s32 $0xFFFFF000  }
0xdc: {  	_ =	swait.ge [sflag:s5], $0x1000  }
0xdd: {  	[sflag:s5] =	ssyncset.done $0x0  }
0xde: {  	[sflag:s5] =	ssyncadd.s32 $0xFFFFF000  }
0xdf: {  	_ =	swait.ge [sflag:s6], $0x1000  }
0xe0: {  	[sflag:s6] =	ssyncset.done $0x0  }
0xe1: {  	[sflag:s6] =	ssyncadd.s32 $0xFFFFF000  }
0xe2: {  	_ =	swait.ge [sflag:s8], $0x1000  }
0xe3: {  	[sflag:s8] =	ssyncset.done $0x0  }
0xe4: {  	s13 =	simm.s32 $0x16380;
	[sflag:s8] =	ssyncadd.s32 $0xFFFFF000  }
0xe5: {  	[spmem:s2] =	stream.indirect.scatter.add.f32 [tilespmem:s29], [sflag:$0xA], $0x80, s13, s30, $0xb8;
	[tilespmem:$0x1E400] =	vst v63  }
0xe6: {  	_ =	swait.ge [sflag:s1], $0x4000  }
0xe7: {  	[sflag:s1] =	ssyncset.done $0x0  }
0xe8: {  	[sflag:s1] =	ssyncadd.s32 $0xFFFFC000  }
0xe9: {  	_ =	swait.ge [sflag:s10], $0x4000  }
0xea: {  	[sflag:s10] =	ssyncset.done $0x0  }
0xeb: {  	[sflag:s10] =	ssyncadd.s32 $0xFFFFC000  }
0xec: {  	[bflag:$0x0] =	sbarrier.arrive $0xFFFF  }
0xed: {  	s15 =	rddreg [dreg:$0x6]  }
0xee: {  	[hbm:s15], [sflag:s7] =	dma.local [spmem:s24], $0x2700  }
0xef: {  	_ =	swait.ge [sflag:s14], $0x2700  }
0xf0: {  	[sflag:s14] =	ssyncset.done $0x0  }
0xf1: {  	s12 =	rddreg [dreg:$0x7];
	[sflag:s14] =	ssyncadd.s32 $0xFFFFD900  }
0xf2: {  	[hbm:s12], [sflag:s7] =	dma.local @!p1 [spmem:s25], $0x100  }
0xf3: {  	s12 =	simm.s32 @!p1 $0xB  }
0xf4: {  	_ =	swait.ge @!p1 [sflag:s12], $0x100  }
0xf5: {  	s11 =	sadd.s32 $0x1, s11;
	s13 =	rddreg [dreg:$0x8]  }
0xf6: {  	p2 =	sne.s32 s11, s13  }
.Ltmp1:
0xf7: {  	_ = 	snop;
	(pc) =	sbr.rel @p2 .LBB2_1-.Ltmp1, $3  }
0xf8: {  	_ =	sdelay $0x1  }
0xf9: {  	[sflag:s12] =	ssyncset.done @!p1 $0x0  }
0xfa: {  	[sflag:s12] =	ssyncadd.s32 @!p1 $0xFFFFFF00  }
0xfb: {  	_ =	sfence.sel $0x180000  }
0xfc: {  	[bflag:$0x0] =	sbarrier.arrive $0xFFFF  }
0xfd: {  	_ =	strace $0x9000004A  }
0xfe: {  	s0 =	stileid.u32;
	[bflag:$0x2] =	sbarrier.arrive $0xFFFF  }
0xff: {  	p0 =	sne.s32 s0, $0x0;
	s0 =	rddreg [dreg:$0x2]  }
0x100: {  	s0 =	sadd.s32 @!p0 $0x100000, s0  }
0x101: {  	[sflag:s0] =	ssyncadd.tile.s32 @!p0 $0x1;
	_ =	shalt  }
.Lfunc_end2:
_tile_overlayer_lowered:
.L_overlay_start_2:
0x102: {  	(tag) =	ssettag $0x2  }
0x103: {  	s0 =	rddreg [dreg:$0x0];
	s2 =	stileid.u32  }
0x104: {  	s1 =	rddreg [dreg:$0x1];
	p0 =	sne.s32 s2, $0x0  }
0x105: {  	s3 =	rddreg [dreg:$0x2];
	[bflag:$0x3] =	sbarrier.arrive $0xFFFF;
	s2 =	simm.s32 @!p0 $0x1C0B  }
0x106: {  	[timem:s3], [sflag:s2] =	dma.local @!p0 [hbm:s0], s1  }
0x107: {  	s0 =	simm.s32 @!p0 $0xB  }
0x108: {  	_ =	swait.ge @!p0 [sflag:s0], s1  }
0x109: {  	s1 =	ssub.s32 @!p0 $0x0, s1;
	[sflag:s0] =	ssyncset.done @!p0 $0x0  }
0x10a: {  	[sflag:s0] =	ssyncadd.s32 @!p0 s1  }
0x10b: {  	[bflag:$0x3] =	sbarrier.arrive $0xFFFF  }
0x10c: {  	_ =	shalt  }

</sc_bundles>
